<compile_context>
chip_gen: v7x
topology: tpu7x:2x2x1
jax: 0.10.2.dev20260603
libtpu: 0.0.44.dev20260713+nightly
codegen_flags: <defaults>
</compile_context>

<pallas_src>
import functools

import jax
import jax.numpy as jnp
from jax import lax
from jax.experimental import pallas as pl
from jax.experimental.pallas import tpu as pltpu
from jax.experimental.pallas import tpu_sc as plsc

N = 10000
E = 320000
G = 64
NC = 2
NS = 16
L = 16
NW = NC * NS
EPT = E // NW
CH = 128
PAD = 240
EPTP = EPT + PAD
NCHUNK = EPTP // CH
NP = 10240
RPT = NP // NS

_f32 = jnp.float32


def _make_segsum(w, nbuf):
  mesh = plsc.VectorSubcoreMesh(
      core_axis_name="c", subcore_axis_name="s", num_cores=NC, num_subcores=NS)

  @functools.partial(
      pl.kernel,
      out_type=jax.ShapeDtypeStruct((NC, NP, w), _f32),
      mesh=mesh,
      compiler_params=pltpu.CompilerParams(use_tc_tiling_on_sc=False),
      scratch_types=[
          pltpu.VMEM((NCHUNK, CH), jnp.int32),
          pltpu.VMEM((NCHUNK, CH), jnp.int32),
          [pltpu.VMEM((CH, w), _f32)] * nbuf,
          pltpu.VMEM_SHARED((NP, w), _f32),
          [pltpu.SemaphoreType.DMA] * nbuf,
      ],
  )
  def segsum(table_hbm, src_hbm, dst_hbm, out_hbm,
             src_v, dst_v, rows_v, acc_sh, gsem):
    cid = lax.axis_index("c")
    sid = lax.axis_index("s")
    wid = cid * NS + sid

    pltpu.sync_copy(src_hbm.at[wid], src_v)
    pltpu.sync_copy(dst_hbm.at[wid], dst_v)

    def zbody(r4, carry):
      for r in range(4):
        for c in range(w // L):
          rows_v[0][r4 * 4 + r, pl.ds(c * L, L)] = jnp.zeros((L,), _f32)
      return carry
    lax.fori_loop(0, CH // 4, zbody, 0)
    zoff = pl.multiple_of(sid * RPT, 8)
    for k in range(RPT // CH):
      pltpu.sync_copy(rows_v[0], acc_sh.at[pl.ds(zoff + k * CH, CH)])
    plsc.subcore_barrier()

    nch = NCHUNK

    for b in range(nbuf):
      pltpu.async_copy(table_hbm.at[src_v.at[b]], rows_v[b], gsem[b])

    def body(t, carry):
      for b in range(nbuf):
        j = t * nbuf + b
        pltpu.make_async_copy(
            table_hbm.at[src_v.at[j]], rows_v[b], gsem[b]).wait()
        pltpu.sync_copy(rows_v[b], acc_sh.at[dst_v.at[j]], add=True)

        @pl.when(j + nbuf < nch)
        def _prefetch():
          pltpu.async_copy(
              table_hbm.at[src_v.at[j + nbuf]], rows_v[b], gsem[b])
      return carry
    lax.fori_loop(0, nch // nbuf, body, 0)
    plsc.subcore_barrier()

    pltpu.sync_copy(acc_sh.at[pl.ds(zoff, RPT)],
                    out_hbm.at[cid, pl.ds(zoff, RPT)])

  return segsum


_segsum_k = {16: _make_segsum(16, 8), 32: _make_segsum(32, 8),
             64: _make_segsum(64, 8)}


def _seg(w, table, src, dst):
  return _segsum_k[w](table, src, dst)


def _relu(x):
  return jnp.maximum(x, 0.0)



def _mm_body(x_ref, w_ref, o_ref):
  o_ref[...] = jnp.dot(x_ref[...], w_ref[...], preferred_element_type=_f32)


def _mm_bias_body(x_ref, w_ref, b_ref, o_ref):
  o_ref[...] = (jnp.dot(x_ref[...], w_ref[...], preferred_element_type=_f32)
                + b_ref[...])


def _combine1_body(p_ref, hroot_ref, o_ref):
  p = p_ref[...]
  o_ref[...] = _relu(p[0, :N] + p[1, :N] + hroot_ref[...])


def _combine_body(p_ref, wr_ref, hroot_ref, o_ref):
  p = p_ref[...]
  o_ref[...] = _relu(
      jnp.dot(p[0, :N] + p[1, :N], wr_ref[...], preferred_element_type=_f32)
      + hroot_ref[...])


def _combine_split_body(p_ref, wr_ref, hroot_ref, oa_ref, ob_ref):
  p = p_ref[...]
  h = _relu(
      jnp.dot(p[0, :N] + p[1, :N], wr_ref[...], preferred_element_type=_f32)
      + hroot_ref[...])
  half = h.shape[1] // 2
  oa_ref[...] = h[:, :half]
  ob_ref[...] = h[:, half:]


def _root2_body(xa_ref, xb_ref, w_ref, b_ref, o_ref):
  w = w_ref[...]
  half = w.shape[0] // 2
  o_ref[...] = (
      jnp.dot(xa_ref[...], w[:half], preferred_element_type=_f32)
      + jnp.dot(xb_ref[...], w[half:], preferred_element_type=_f32)
      + b_ref[...])


def _sds(shape):
  return jax.ShapeDtypeStruct(shape, _f32)


def _tc_rel(x, w):
  return pl.pallas_call(_mm_body, out_shape=_sds((N, w.shape[1])))(x, w)


def _tc_root(x, w, b):
  return pl.pallas_call(_mm_bias_body, out_shape=_sds((N, w.shape[1])))(
      x, w, b.reshape(1, -1))


def _tc_combine1(p, hroot):
  return pl.pallas_call(_combine1_body, out_shape=_sds((N, hroot.shape[1])))(
      p, hroot)


def _tc_combine(p, wr, hroot):
  return pl.pallas_call(_combine_body, out_shape=_sds((N, wr.shape[1])))(
      p, wr, hroot)


def _tc_combine_split(p, wr, hroot):
  half = wr.shape[1] // 2
  return pl.pallas_call(
      _combine_split_body,
      out_shape=(_sds((N, half)), _sds((N, half))))(p, wr, hroot)


def _tc_root2(xa, xb, w, b):
  return pl.pallas_call(_root2_body, out_shape=_sds((N, w.shape[1])))(
      xa, xb, w, b.reshape(1, -1))


def _tc_final_body(p_ref, wr_ref, hroot_ref, l1w_ref, l1b_ref,
                   batch_ref, l2w_ref, l2b_ref, out_ref):
  p = p_ref[...]
  h4 = _relu(
      jnp.dot(p[0, :N] + p[1, :N], wr_ref[...], preferred_element_type=_f32)
      + hroot_ref[...])
  hl = jnp.dot(h4, l1w_ref[...], preferred_element_type=_f32) + l1b_ref[...]
  gid = lax.broadcasted_iota(jnp.int32, (G, N), 0)
  mask = (gid == batch_ref[...]).astype(_f32)
  sums = jnp.dot(mask, hl, preferred_element_type=_f32)
  counts = jnp.sum(mask, axis=1, keepdims=True)
  pooled = sums / jnp.maximum(counts, 1.0)
  out_ref[...] = (jnp.dot(pooled, l2w_ref[...], preferred_element_type=_f32)
                  + l2b_ref[...])


_tc_final = pl.pallas_call(_tc_final_body, out_shape=_sds((G, 1)))


def kernel(x, edge_index, batch, W1_rel, W1_root, b1, W2_rel, W2_root, b2,
           W3_rel, W3_root, b3, W4_rel, W4_root, b4, lin1_W, lin1_b,
           lin2_W, lin2_b):
  pad_src = jnp.broadcast_to((jnp.arange(PAD, dtype=jnp.int32) * 37) % N,
                             (NW, PAD))
  pad_dst = jnp.broadcast_to(N + jnp.arange(PAD, dtype=jnp.int32), (NW, PAD))
  src = jnp.concatenate(
      [edge_index[0].reshape(NW, EPT), pad_src], axis=1).reshape(NW, NCHUNK, CH)
  dst = jnp.concatenate(
      [edge_index[1].reshape(NW, EPT), pad_dst], axis=1).reshape(NW, NCHUNK, CH)

  hrel1 = _tc_rel(x, W1_rel)
  hroot1 = _tc_root(x, W1_root, b1)
  p = _seg(16, hrel1, src, dst)
  h1 = _tc_combine1(p, hroot1)

  hroot2 = _tc_root(h1, W2_root, b2)
  p = _seg(16, h1, src, dst)
  h2 = _tc_combine(p, W2_rel, hroot2)

  hroot3 = _tc_root(h2, W3_root, b3)
  p = _seg(32, h2, src, dst)
  h3 = _tc_combine(p, W3_rel, hroot3)

  hroot4 = _tc_root(h3, W4_root, b4)
  p = _seg(64, h3, src, dst)
  out = _tc_final(p, W4_rel, hroot4, lin1_W, lin1_b.reshape(1, -1),
                  batch.reshape(1, -1), lin2_W, lin2_b.reshape(1, -1))
  return out.reshape(-1)

# --- scband reference (transcript-rebuilt; emitter-appended) ---
"""Pipeline reference for scband-gnn-6184752906609 (READ-ONLY COPY).

The authoritative reference and input builder live on the scoring server;
editing this copy changes nothing except your own understanding.
"""

import jax, jax.numpy as jnp
import numpy as np

N_NODES = 10000
N_EDGES = 320000
D_FEAT = 128
N_GRAPHS = 64


def setup_inputs(seed: int = 0) -> dict:
    key = jax.random.key(seed)
    ks = jax.random.split(key, 24)
    inp = {}
    inp["x"] = jax.random.normal(ks[0], (N_NODES, D_FEAT), dtype=jnp.float32)
    inp["edge_index"] = jax.random.randint(ks[1], (2, N_EDGES), 0, N_NODES, dtype=jnp.int32)
    inp["batch"] = jnp.sort(jax.random.randint(ks[2], (N_NODES,), 0, N_GRAPHS, dtype=jnp.int32))
    dims = [(D_FEAT, 16), (16, 32), (32, 64), (64, 128)]
    for i, (din, dout) in enumerate(dims, start=1):
        s = 1.0 / np.sqrt(din)
        inp[f"W{i}_rel"] = jax.random.normal(ks[3 * i], (din, dout), dtype=jnp.float32) * s
        inp[f"W{i}_root"] = jax.random.normal(ks[3 * i + 1], (din, dout), dtype=jnp.float32) * s
        inp[f"b{i}"] = jax.random.normal(ks[3 * i + 2], (dout,), dtype=jnp.float32) * 0.01
    inp["lin1_W"] = jax.random.normal(ks[16], (128, 64), dtype=jnp.float32) * (1.0 / np.sqrt(128))
    inp["lin1_b"] = jax.random.normal(ks[17], (64,), dtype=jnp.float32) * 0.01
    inp["lin2_W"] = jax.random.normal(ks[18], (64, 1), dtype=jnp.float32) * (1.0 / np.sqrt(64))
    inp["lin2_b"] = jax.random.normal(ks[19], (1,), dtype=jnp.float32) * 0.01
    return inp


def reference(x, edge_index, batch, W1_rel, W1_root, b1, W2_rel, W2_root, b2,
              W3_rel, W3_root, b3, W4_rel, W4_root, b4, lin1_W, lin1_b, lin2_W, lin2_b):
    src = edge_index[0]
    dst = edge_index[1]
    n = x.shape[0]

    def graph_conv(h, W_rel, W_root, b):
        # PyG GraphConv: out_i = W_root h_i + W_rel * sum_{j in N(i)} h_j + b
        msgs = jnp.take(h, src, axis=0)                       # gather (SparseCore)
        agg = jax.ops.segment_sum(msgs, dst, num_segments=n)  # scatter-add
        return agg @ W_rel + h @ W_root + b

    h = jax.nn.relu(graph_conv(x, W1_rel, W1_root, b1))
    h = jax.nn.relu(graph_conv(h, W2_rel, W2_root, b2))
    h = jax.nn.relu(graph_conv(h, W3_rel, W3_root, b3))
    h = jax.nn.relu(graph_conv(h, W4_rel, W4_root, b4))
    h = h @ lin1_W + lin1_b
    # global_mean_pool over graph ids in `batch`
    sums = jax.ops.segment_sum(h, batch, num_segments=N_GRAPHS)
    counts = jax.ops.segment_sum(jnp.ones((n, 1), dtype=h.dtype), batch, num_segments=N_GRAPHS)
    pooled = sums / jnp.clip(counts, 1.0)
    out = pooled @ lin2_W + lin2_b
    return out.reshape(-1)

if __name__ == "__main__":
    import jax
    _d = setup_inputs()
    print(jax.jit(kernel)(*tuple(_d.values())))

</pallas_src>

<mosaic_0001>
#map = affine_map<(d0, d1) -> (0, 0)>
#map1 = affine_map<(d0, d1) -> (0, 0, 0)>
module attributes {stable_mosaic.version = 14 : i64} {
  func.func @segsum(%arg0: i32, %arg1: i32, %arg2: memref<10000x64xf32, #tpu.memory_space<hbm>>, %arg3: memref<32x80x128xi32, #tpu.memory_space<hbm>>, %arg4: memref<32x80x128xi32, #tpu.memory_space<hbm>>, %arg5: memref<2x10240x64xf32, #tpu.memory_space<hbm>>, %arg6: memref<80x128xi32, #tpu.memory_space<vmem>>, %arg7: memref<80x128xi32, #tpu.memory_space<vmem>>, %arg8: memref<128x64xf32, #tpu.memory_space<vmem>>, %arg9: memref<128x64xf32, #tpu.memory_space<vmem>>, %arg10: memref<128x64xf32, #tpu.memory_space<vmem>>, %arg11: memref<128x64xf32, #tpu.memory_space<vmem>>, %arg12: memref<128x64xf32, #tpu.memory_space<vmem>>, %arg13: memref<128x64xf32, #tpu.memory_space<vmem>>, %arg14: memref<128x64xf32, #tpu.memory_space<vmem>>, %arg15: memref<128x64xf32, #tpu.memory_space<vmem>>, %arg16: memref<10240x64xf32, #tpu.memory_space<vmem_shared>>, %arg17: memref<!tpu.dma_semaphore, #tpu.memory_space<semaphore_mem>>, %arg18: memref<!tpu.dma_semaphore, #tpu.memory_space<semaphore_mem>>, %arg19: memref<!tpu.dma_semaphore, #tpu.memory_space<semaphore_mem>>, %arg20: memref<!tpu.dma_semaphore, #tpu.memory_space<semaphore_mem>>, %arg21: memref<!tpu.dma_semaphore, #tpu.memory_space<semaphore_mem>>, %arg22: memref<!tpu.dma_semaphore, #tpu.memory_space<semaphore_mem>>, %arg23: memref<!tpu.dma_semaphore, #tpu.memory_space<semaphore_mem>>, %arg24: memref<!tpu.dma_semaphore, #tpu.memory_space<semaphore_mem>>) attributes {dimension_semantics = [#tpu.dimension_semantics<core_parallel>, #tpu.dimension_semantics<subcore_parallel>], iteration_bounds = array<i64: 2, 16>, scalar_prefetch = 0 : i64, scratch_operands = 19 : i64, tpu.core_type = #tpu.core_type<sc_vector_subcore>, window_params = [{transform_indices = #map}, {transform_indices = #map1}, {transform_indices = #map1}, {transform_indices = #map1}]} {
    %mul3A = arith.constant 16 : i32
    %mul3A_0 = arith.muli %arg0, %mul3A : i32
    %add3A = arith.addi %mul3A_0, %arg1 : i32
    "tpu.region"() ({
      %run_scoped3A = tpu.sem_alloc : memref<!tpu.dma_semaphore, #tpu.memory_space<semaphore_mem>>
      %dma_start3A_80 = arith.constant 0 : i32
      %dma_start3A_81 = arith.constant 0 : i32
      %dma_start3A_82 = tpu.memref_slice %arg3[%add3A, %dma_start3A_80, %dma_start3A_81] : memref<32x80x128xi32, #tpu.memory_space<hbm>> -> memref<1x80x128xi32, #tpu.memory_space<hbm>>
      %dma_start3A_83 = tpu.memref_squeeze %dma_start3A_82 : memref<1x80x128xi32, #tpu.memory_space<hbm>> -> memref<80x128xi32, #tpu.memory_space<hbm>>
      %dma_start3A_84 = arith.constant 0 : i32
      %dma_start3A_85 = arith.constant 0 : i32
      %dma_start3A_86 = tpu.memref_slice %arg3[%add3A, %dma_start3A_84, %dma_start3A_85] : memref<32x80x128xi32, #tpu.memory_space<hbm>> -> memref<1x80x128xi32, #tpu.memory_space<hbm>>
      %dma_start3A_87 = tpu.memref_squeeze %dma_start3A_86 : memref<1x80x128xi32, #tpu.memory_space<hbm>> -> memref<80x128xi32, #tpu.memory_space<hbm>>
      tpu.enqueue_dma source(%dma_start3A_87 : memref<80x128xi32, #tpu.memory_space<hbm>>) target(%arg6 : memref<80x128xi32, #tpu.memory_space<vmem>>) target_semaphore(%run_scoped3A : memref<!tpu.dma_semaphore, #tpu.memory_space<semaphore_mem>>)
      %dma_wait3A = arith.constant 0 : i32
      %dma_wait3A_88 = arith.constant 0 : i32
      %dma_wait3A_89 = tpu.memref_slice %arg3[%add3A, %dma_wait3A, %dma_wait3A_88] : memref<32x80x128xi32, #tpu.memory_space<hbm>> -> memref<1x80x128xi32, #tpu.memory_space<hbm>>
      %dma_wait3A_90 = tpu.memref_squeeze %dma_wait3A_89 : memref<1x80x128xi32, #tpu.memory_space<hbm>> -> memref<80x128xi32, #tpu.memory_space<hbm>>
      %dma_wait3A_91 = arith.constant 0 : i32
      %dma_wait3A_92 = arith.constant 0 : i32
      %dma_wait3A_93 = tpu.memref_slice %arg3[%add3A, %dma_wait3A_91, %dma_wait3A_92] : memref<32x80x128xi32, #tpu.memory_space<hbm>> -> memref<1x80x128xi32, #tpu.memory_space<hbm>>
      %dma_wait3A_94 = tpu.memref_squeeze %dma_wait3A_93 : memref<1x80x128xi32, #tpu.memory_space<hbm>> -> memref<80x128xi32, #tpu.memory_space<hbm>>
      tpu.wait_dma2 semaphore(%run_scoped3A : memref<!tpu.dma_semaphore, #tpu.memory_space<semaphore_mem>>) src(%dma_wait3A_94 : memref<80x128xi32, #tpu.memory_space<hbm>>) dst(%arg6 : memref<80x128xi32, #tpu.memory_space<vmem>>)
      tpu.yield
    }) : () -> ()
    "tpu.region"() ({
      %run_scoped3A = tpu.sem_alloc : memref<!tpu.dma_semaphore, #tpu.memory_space<semaphore_mem>>
      %dma_start3A_80 = arith.constant 0 : i32
      %dma_start3A_81 = arith.constant 0 : i32
      %dma_start3A_82 = tpu.memref_slice %arg4[%add3A, %dma_start3A_80, %dma_start3A_81] : memref<32x80x128xi32, #tpu.memory_space<hbm>> -> memref<1x80x128xi32, #tpu.memory_space<hbm>>
      %dma_start3A_83 = tpu.memref_squeeze %dma_start3A_82 : memref<1x80x128xi32, #tpu.memory_space<hbm>> -> memref<80x128xi32, #tpu.memory_space<hbm>>
      %dma_start3A_84 = arith.constant 0 : i32
      %dma_start3A_85 = arith.constant 0 : i32
      %dma_start3A_86 = tpu.memref_slice %arg4[%add3A, %dma_start3A_84, %dma_start3A_85] : memref<32x80x128xi32, #tpu.memory_space<hbm>> -> memref<1x80x128xi32, #tpu.memory_space<hbm>>
      %dma_start3A_87 = tpu.memref_squeeze %dma_start3A_86 : memref<1x80x128xi32, #tpu.memory_space<hbm>> -> memref<80x128xi32, #tpu.memory_space<hbm>>
      tpu.enqueue_dma source(%dma_start3A_87 : memref<80x128xi32, #tpu.memory_space<hbm>>) target(%arg7 : memref<80x128xi32, #tpu.memory_space<vmem>>) target_semaphore(%run_scoped3A : memref<!tpu.dma_semaphore, #tpu.memory_space<semaphore_mem>>)
      %dma_wait3A = arith.constant 0 : i32
      %dma_wait3A_88 = arith.constant 0 : i32
      %dma_wait3A_89 = tpu.memref_slice %arg4[%add3A, %dma_wait3A, %dma_wait3A_88] : memref<32x80x128xi32, #tpu.memory_space<hbm>> -> memref<1x80x128xi32, #tpu.memory_space<hbm>>
      %dma_wait3A_90 = tpu.memref_squeeze %dma_wait3A_89 : memref<1x80x128xi32, #tpu.memory_space<hbm>> -> memref<80x128xi32, #tpu.memory_space<hbm>>
      %dma_wait3A_91 = arith.constant 0 : i32
      %dma_wait3A_92 = arith.constant 0 : i32
      %dma_wait3A_93 = tpu.memref_slice %arg4[%add3A, %dma_wait3A_91, %dma_wait3A_92] : memref<32x80x128xi32, #tpu.memory_space<hbm>> -> memref<1x80x128xi32, #tpu.memory_space<hbm>>
      %dma_wait3A_94 = tpu.memref_squeeze %dma_wait3A_93 : memref<1x80x128xi32, #tpu.memory_space<hbm>> -> memref<80x128xi32, #tpu.memory_space<hbm>>
      tpu.wait_dma2 semaphore(%run_scoped3A : memref<!tpu.dma_semaphore, #tpu.memory_space<semaphore_mem>>) src(%dma_wait3A_94 : memref<80x128xi32, #tpu.memory_space<hbm>>) dst(%arg7 : memref<80x128xi32, #tpu.memory_space<vmem>>)
      tpu.yield
    }) : () -> ()
    %scan3A = arith.constant 0 : i32
    %scan3A_1 = arith.constant 0 : i32
    %scan3A_2 = arith.constant 32 : i32
    %scan3A_3 = arith.addi %scan3A_1, %scan3A_2 : i32
    %scan3A_4 = arith.constant 1 : i32
    scf.for %scan3A_80 = %scan3A_1 to %scan3A_3 step %scan3A_4  : i32 {
      %broadcast_in_dim3A = arith.constant 0.000000e+00 : f32
      %broadcast_in_dim3A_81 = vector.broadcast %broadcast_in_dim3A : f32 to vector<16xf32>
      %mul3A_82 = arith.constant 4 : i32
      %mul3A_83 = arith.muli %scan3A_80, %mul3A_82 : i32
      %add3A_84 = arith.constant 0 : i32
      %add3A_85 = arith.addi %mul3A_83, %add3A_84 : i32
      %swap3A = arith.index_cast %add3A_85 : i32 to index
      %swap3A_86 = arith.constant 0 : index
      %swap3A_87 = tpu.vector_load %arg8[%swap3A, %swap3A_86] {strides = array<i32>} : memref<128x64xf32, #tpu.memory_space<vmem>>, vector<1x16xf32>,
      %swap3A_88 = vector.shape_cast %swap3A_87 : vector<1x16xf32> to vector<16xf32>
      %swap3A_89 = vector.shape_cast %broadcast_in_dim3A_81 : vector<16xf32> to vector<1x16xf32>
      tpu.vector_store %arg8[%swap3A, %swap3A_86], %swap3A_89 {strides = array<i32>} : memref<128x64xf32, #tpu.memory_space<vmem>>, vector<1x16xf32>,
      %broadcast_in_dim3A_90 = arith.constant 0.000000e+00 : f32
      %broadcast_in_dim3A_91 = vector.broadcast %broadcast_in_dim3A_90 : f32 to vector<16xf32>
      %mul3A_92 = arith.constant 4 : i32
      %mul3A_93 = arith.muli %scan3A_80, %mul3A_92 : i32
      %add3A_94 = arith.constant 0 : i32
      %add3A_95 = arith.addi %mul3A_93, %add3A_94 : i32
      %swap3A_96 = arith.index_cast %add3A_95 : i32 to index
      %swap3A_97 = arith.constant 16 : index
      %swap3A_98 = tpu.vector_load %arg8[%swap3A_96, %swap3A_97] {strides = array<i32>} : memref<128x64xf32, #tpu.memory_space<vmem>>, vector<1x16xf32>,
      %swap3A_99 = vector.shape_cast %swap3A_98 : vector<1x16xf32> to vector<16xf32>
      %swap3A_100 = vector.shape_cast %broadcast_in_dim3A_91 : vector<16xf32> to vector<1x16xf32>
      tpu.vector_store %arg8[%swap3A_96, %swap3A_97], %swap3A_100 {strides = array<i32>} : memref<128x64xf32, #tpu.memory_space<vmem>>, vector<1x16xf32>,
      %broadcast_in_dim3A_101 = arith.constant 0.000000e+00 : f32
      %broadcast_in_dim3A_102 = vector.broadcast %broadcast_in_dim3A_101 : f32 to vector<16xf32>
      %mul3A_103 = arith.constant 4 : i32
      %mul3A_104 = arith.muli %scan3A_80, %mul3A_103 : i32
      %add3A_105 = arith.constant 0 : i32
      %add3A_106 = arith.addi %mul3A_104, %add3A_105 : i32
      %swap3A_107 = arith.index_cast %add3A_106 : i32 to index
      %swap3A_108 = arith.constant 32 : index
      %swap3A_109 = tpu.vector_load %arg8[%swap3A_107, %swap3A_108] {strides = array<i32>} : memref<128x64xf32, #tpu.memory_space<vmem>>, vector<1x16xf32>,
      %swap3A_110 = vector.shape_cast %swap3A_109 : vector<1x16xf32> to vector<16xf32>
      %swap3A_111 = vector.shape_cast %broadcast_in_dim3A_102 : vector<16xf32> to vector<1x16xf32>
      tpu.vector_store %arg8[%swap3A_107, %swap3A_108], %swap3A_111 {strides = array<i32>} : memref<128x64xf32, #tpu.memory_space<vmem>>, vector<1x16xf32>,
      %broadcast_in_dim3A_112 = arith.constant 0.000000e+00 : f32
      %broadcast_in_dim3A_113 = vector.broadcast %broadcast_in_dim3A_112 : f32 to vector<16xf32>
      %mul3A_114 = arith.constant 4 : i32
      %mul3A_115 = arith.muli %scan3A_80, %mul3A_114 : i32
      %add3A_116 = arith.constant 0 : i32
      %add3A_117 = arith.addi %mul3A_115, %add3A_116 : i32
      %swap3A_118 = arith.index_cast %add3A_117 : i32 to index
      %swap3A_119 = arith.constant 48 : index
      %swap3A_120 = tpu.vector_load %arg8[%swap3A_118, %swap3A_119] {strides = array<i32>} : memref<128x64xf32, #tpu.memory_space<vmem>>, vector<1x16xf32>,
      %swap3A_121 = vector.shape_cast %swap3A_120 : vector<1x16xf32> to vector<16xf32>
      %swap3A_122 = vector.shape_cast %broadcast_in_dim3A_113 : vector<16xf32> to vector<1x16xf32>
      tpu.vector_store %arg8[%swap3A_118, %swap3A_119], %swap3A_122 {strides = array<i32>} : memref<128x64xf32, #tpu.memory_space<vmem>>, vector<1x16xf32>,
      %broadcast_in_dim3A_123 = arith.constant 0.000000e+00 : f32
      %broadcast_in_dim3A_124 = vector.broadcast %broadcast_in_dim3A_123 : f32 to vector<16xf32>
      %mul3A_125 = arith.constant 4 : i32
      %mul3A_126 = arith.muli %scan3A_80, %mul3A_125 : i32
      %add3A_127 = arith.constant 1 : i32
      %add3A_128 = arith.addi %mul3A_126, %add3A_127 : i32
      %swap3A_129 = arith.index_cast %add3A_128 : i32 to index
      %swap3A_130 = arith.constant 0 : index
      %swap3A_131 = tpu.vector_load %arg8[%swap3A_129, %swap3A_130] {strides = array<i32>} : memref<128x64xf32, #tpu.memory_space<vmem>>, vector<1x16xf32>,
      %swap3A_132 = vector.shape_cast %swap3A_131 : vector<1x16xf32> to vector<16xf32>
      %swap3A_133 = vector.shape_cast %broadcast_in_dim3A_124 : vector<16xf32> to vector<1x16xf32>
      tpu.vector_store %arg8[%swap3A_129, %swap3A_130], %swap3A_133 {strides = array<i32>} : memref<128x64xf32, #tpu.memory_space<vmem>>, vector<1x16xf32>,
      %broadcast_in_dim3A_134 = arith.constant 0.000000e+00 : f32
      %broadcast_in_dim3A_135 = vector.broadcast %broadcast_in_dim3A_134 : f32 to vector<16xf32>
      %mul3A_136 = arith.constant 4 : i32
      %mul3A_137 = arith.muli %scan3A_80, %mul3A_136 : i32
      %add3A_138 = arith.constant 1 : i32
      %add3A_139 = arith.addi %mul3A_137, %add3A_138 : i32
      %swap3A_140 = arith.index_cast %add3A_139 : i32 to index
      %swap3A_141 = arith.constant 16 : index
      %swap3A_142 = tpu.vector_load %arg8[%swap3A_140, %swap3A_141] {strides = array<i32>} : memref<128x64xf32, #tpu.memory_space<vmem>>, vector<1x16xf32>,
      %swap3A_143 = vector.shape_cast %swap3A_142 : vector<1x16xf32> to vector<16xf32>
      %swap3A_144 = vector.shape_cast %broadcast_in_dim3A_135 : vector<16xf32> to vector<1x16xf32>
      tpu.vector_store %arg8[%swap3A_140, %swap3A_141], %swap3A_144 {strides = array<i32>} : memref<128x64xf32, #tpu.memory_space<vmem>>, vector<1x16xf32>,
      %broadcast_in_dim3A_145 = arith.constant 0.000000e+00 : f32
      %broadcast_in_dim3A_146 = vector.broadcast %broadcast_in_dim3A_145 : f32 to vector<16xf32>
      %mul3A_147 = arith.constant 4 : i32
      %mul3A_148 = arith.muli %scan3A_80, %mul3A_147 : i32
      %add3A_149 = arith.constant 1 : i32
      %add3A_150 = arith.addi %mul3A_148, %add3A_149 : i32
      %swap3A_151 = arith.index_cast %add3A_150 : i32 to index
      %swap3A_152 = arith.constant 32 : index
      %swap3A_153 = tpu.vector_load %arg8[%swap3A_151, %swap3A_152] {strides = array<i32>} : memref<128x64xf32, #tpu.memory_space<vmem>>, vector<1x16xf32>,
      %swap3A_154 = vector.shape_cast %swap3A_153 : vector<1x16xf32> to vector<16xf32>
      %swap3A_155 = vector.shape_cast %broadcast_in_dim3A_146 : vector<16xf32> to vector<1x16xf32>
      tpu.vector_store %arg8[%swap3A_151, %swap3A_152], %swap3A_155 {strides = array<i32>} : memref<128x64xf32, #tpu.memory_space<vmem>>, vector<1x16xf32>,
      %broadcast_in_dim3A_156 = arith.constant 0.000000e+00 : f32
      %broadcast_in_dim3A_157 = vector.broadcast %broadcast_in_dim3A_156 : f32 to vector<16xf32>
      %mul3A_158 = arith.constant 4 : i32
      %mul3A_159 = arith.muli %scan3A_80, %mul3A_158 : i32
      %add3A_160 = arith.constant 1 : i32
      %add3A_161 = arith.addi %mul3A_159, %add3A_160 : i32
      %swap3A_162 = arith.index_cast %add3A_161 : i32 to index
      %swap3A_163 = arith.constant 48 : index
      %swap3A_164 = tpu.vector_load %arg8[%swap3A_162, %swap3A_163] {strides = array<i32>} : memref<128x64xf32, #tpu.memory_space<vmem>>, vector<1x16xf32>,
      %swap3A_165 = vector.shape_cast %swap3A_164 : vector<1x16xf32> to vector<16xf32>
      %swap3A_166 = vector.shape_cast %broadcast_in_dim3A_157 : vector<16xf32> to vector<1x16xf32>
      tpu.vector_store %arg8[%swap3A_162, %swap3A_163], %swap3A_166 {strides = array<i32>} : memref<128x64xf32, #tpu.memory_space<vmem>>, vector<1x16xf32>,
      %broadcast_in_dim3A_167 = arith.constant 0.000000e+00 : f32
      %broadcast_in_dim3A_168 = vector.broadcast %broadcast_in_dim3A_167 : f32 to vector<16xf32>
      %mul3A_169 = arith.constant 4 : i32
      %mul3A_170 = arith.muli %scan3A_80, %mul3A_169 : i32
      %add3A_171 = arith.constant 2 : i32
      %add3A_172 = arith.addi %mul3A_170, %add3A_171 : i32
      %swap3A_173 = arith.index_cast %add3A_172 : i32 to index
      %swap3A_174 = arith.constant 0 : index
      %swap3A_175 = tpu.vector_load %arg8[%swap3A_173, %swap3A_174] {strides = array<i32>} : memref<128x64xf32, #tpu.memory_space<vmem>>, vector<1x16xf32>,
      %swap3A_176 = vector.shape_cast %swap3A_175 : vector<1x16xf32> to vector<16xf32>
      %swap3A_177 = vector.shape_cast %broadcast_in_dim3A_168 : vector<16xf32> to vector<1x16xf32>
      tpu.vector_store %arg8[%swap3A_173, %swap3A_174], %swap3A_177 {strides = array<i32>} : memref<128x64xf32, #tpu.memory_space<vmem>>, vector<1x16xf32>,
      %broadcast_in_dim3A_178 = arith.constant 0.000000e+00 : f32
      %broadcast_in_dim3A_179 = vector.broadcast %broadcast_in_dim3A_178 : f32 to vector<16xf32>
      %mul3A_180 = arith.constant 4 : i32
      %mul3A_181 = arith.muli %scan3A_80, %mul3A_180 : i32
      %add3A_182 = arith.constant 2 : i32
      %add3A_183 = arith.addi %mul3A_181, %add3A_182 : i32
      %swap3A_184 = arith.index_cast %add3A_183 : i32 to index
      %swap3A_185 = arith.constant 16 : index
      %swap3A_186 = tpu.vector_load %arg8[%swap3A_184, %swap3A_185] {strides = array<i32>} : memref<128x64xf32, #tpu.memory_space<vmem>>, vector<1x16xf32>,
      %swap3A_187 = vector.shape_cast %swap3A_186 : vector<1x16xf32> to vector<16xf32>
      %swap3A_188 = vector.shape_cast %broadcast_in_dim3A_179 : vector<16xf32> to vector<1x16xf32>
      tpu.vector_store %arg8[%swap3A_184, %swap3A_185], %swap3A_188 {strides = array<i32>} : memref<128x64xf32, #tpu.memory_space<vmem>>, vector<1x16xf32>,
      %broadcast_in_dim3A_189 = arith.constant 0.000000e+00 : f32
      %broadcast_in_dim3A_190 = vector.broadcast %broadcast_in_dim3A_189 : f32 to vector<16xf32>
      %mul3A_191 = arith.constant 4 : i32
      %mul3A_192 = arith.muli %scan3A_80, %mul3A_191 : i32
      %add3A_193 = arith.constant 2 : i32
      %add3A_194 = arith.addi %mul3A_192, %add3A_193 : i32
      %swap3A_195 = arith.index_cast %add3A_194 : i32 to index
      %swap3A_196 = arith.constant 32 : index
      %swap3A_197 = tpu.vector_load %arg8[%swap3A_195, %swap3A_196] {strides = array<i32>} : memref<128x64xf32, #tpu.memory_space<vmem>>, vector<1x16xf32>,
      %swap3A_198 = vector.shape_cast %swap3A_197 : vector<1x16xf32> to vector<16xf32>
      %swap3A_199 = vector.shape_cast %broadcast_in_dim3A_190 : vector<16xf32> to vector<1x16xf32>
      tpu.vector_store %arg8[%swap3A_195, %swap3A_196], %swap3A_199 {strides = array<i32>} : memref<128x64xf32, #tpu.memory_space<vmem>>, vector<1x16xf32>,
      %broadcast_in_dim3A_200 = arith.constant 0.000000e+00 : f32
      %broadcast_in_dim3A_201 = vector.broadcast %broadcast_in_dim3A_200 : f32 to vector<16xf32>
      %mul3A_202 = arith.constant 4 : i32
      %mul3A_203 = arith.muli %scan3A_80, %mul3A_202 : i32
      %add3A_204 = arith.constant 2 : i32
      %add3A_205 = arith.addi %mul3A_203, %add3A_204 : i32
      %swap3A_206 = arith.index_cast %add3A_205 : i32 to index
      %swap3A_207 = arith.constant 48 : index
      %swap3A_208 = tpu.vector_load %arg8[%swap3A_206, %swap3A_207] {strides = array<i32>} : memref<128x64xf32, #tpu.memory_space<vmem>>, vector<1x16xf32>,
      %swap3A_209 = vector.shape_cast %swap3A_208 : vector<1x16xf32> to vector<16xf32>
      %swap3A_210 = vector.shape_cast %broadcast_in_dim3A_201 : vector<16xf32> to vector<1x16xf32>
      tpu.vector_store %arg8[%swap3A_206, %swap3A_207], %swap3A_210 {strides = array<i32>} : memref<128x64xf32, #tpu.memory_space<vmem>>, vector<1x16xf32>,
      %broadcast_in_dim3A_211 = arith.constant 0.000000e+00 : f32
      %broadcast_in_dim3A_212 = vector.broadcast %broadcast_in_dim3A_211 : f32 to vector<16xf32>
      %mul3A_213 = arith.constant 4 : i32
      %mul3A_214 = arith.muli %scan3A_80, %mul3A_213 : i32
      %add3A_215 = arith.constant 3 : i32
      %add3A_216 = arith.addi %mul3A_214, %add3A_215 : i32
      %swap3A_217 = arith.index_cast %add3A_216 : i32 to index
      %swap3A_218 = arith.constant 0 : index
      %swap3A_219 = tpu.vector_load %arg8[%swap3A_217, %swap3A_218] {strides = array<i32>} : memref<128x64xf32, #tpu.memory_space<vmem>>, vector<1x16xf32>,
      %swap3A_220 = vector.shape_cast %swap3A_219 : vector<1x16xf32> to vector<16xf32>
      %swap3A_221 = vector.shape_cast %broadcast_in_dim3A_212 : vector<16xf32> to vector<1x16xf32>
      tpu.vector_store %arg8[%swap3A_217, %swap3A_218], %swap3A_221 {strides = array<i32>} : memref<128x64xf32, #tpu.memory_space<vmem>>, vector<1x16xf32>,
      %broadcast_in_dim3A_222 = arith.constant 0.000000e+00 : f32
      %broadcast_in_dim3A_223 = vector.broadcast %broadcast_in_dim3A_222 : f32 to vector<16xf32>
      %mul3A_224 = arith.constant 4 : i32
      %mul3A_225 = arith.muli %scan3A_80, %mul3A_224 : i32
      %add3A_226 = arith.constant 3 : i32
      %add3A_227 = arith.addi %mul3A_225, %add3A_226 : i32
      %swap3A_228 = arith.index_cast %add3A_227 : i32 to index
      %swap3A_229 = arith.constant 16 : index
      %swap3A_230 = tpu.vector_load %arg8[%swap3A_228, %swap3A_229] {strides = array<i32>} : memref<128x64xf32, #tpu.memory_space<vmem>>, vector<1x16xf32>,
      %swap3A_231 = vector.shape_cast %swap3A_230 : vector<1x16xf32> to vector<16xf32>
      %swap3A_232 = vector.shape_cast %broadcast_in_dim3A_223 : vector<16xf32> to vector<1x16xf32>
      tpu.vector_store %arg8[%swap3A_228, %swap3A_229], %swap3A_232 {strides = array<i32>} : memref<128x64xf32, #tpu.memory_space<vmem>>, vector<1x16xf32>,
      %broadcast_in_dim3A_233 = arith.constant 0.000000e+00 : f32
      %broadcast_in_dim3A_234 = vector.broadcast %broadcast_in_dim3A_233 : f32 to vector<16xf32>
      %mul3A_235 = arith.constant 4 : i32
      %mul3A_236 = arith.muli %scan3A_80, %mul3A_235 : i32
      %add3A_237 = arith.constant 3 : i32
      %add3A_238 = arith.addi %mul3A_236, %add3A_237 : i32
      %swap3A_239 = arith.index_cast %add3A_238 : i32 to index
      %swap3A_240 = arith.constant 32 : index
      %swap3A_241 = tpu.vector_load %arg8[%swap3A_239, %swap3A_240] {strides = array<i32>} : memref<128x64xf32, #tpu.memory_space<vmem>>, vector<1x16xf32>,
      %swap3A_242 = vector.shape_cast %swap3A_241 : vector<1x16xf32> to vector<16xf32>
      %swap3A_243 = vector.shape_cast %broadcast_in_dim3A_234 : vector<16xf32> to vector<1x16xf32>
      tpu.vector_store %arg8[%swap3A_239, %swap3A_240], %swap3A_243 {strides = array<i32>} : memref<128x64xf32, #tpu.memory_space<vmem>>, vector<1x16xf32>,
      %broadcast_in_dim3A_244 = arith.constant 0.000000e+00 : f32
      %broadcast_in_dim3A_245 = vector.broadcast %broadcast_in_dim3A_244 : f32 to vector<16xf32>
      %mul3A_246 = arith.constant 4 : i32
      %mul3A_247 = arith.muli %scan3A_80, %mul3A_246 : i32
      %add3A_248 = arith.constant 3 : i32
      %add3A_249 = arith.addi %mul3A_247, %add3A_248 : i32
      %swap3A_250 = arith.index_cast %add3A_249 : i32 to index
      %swap3A_251 = arith.constant 48 : index
      %swap3A_252 = tpu.vector_load %arg8[%swap3A_250, %swap3A_251] {strides = array<i32>} : memref<128x64xf32, #tpu.memory_space<vmem>>, vector<1x16xf32>,
      %swap3A_253 = vector.shape_cast %swap3A_252 : vector<1x16xf32> to vector<16xf32>
      %swap3A_254 = vector.shape_cast %broadcast_in_dim3A_245 : vector<16xf32> to vector<1x16xf32>
      tpu.vector_store %arg8[%swap3A_250, %swap3A_251], %swap3A_254 {strides = array<i32>} : memref<128x64xf32, #tpu.memory_space<vmem>>, vector<1x16xf32>,
    }
    %scan3A_5 = arith.constant 32 : i32
    %mul3A_6 = arith.constant 640 : i32
    %mul3A_7 = arith.muli %arg1, %mul3A_6 : i32
    %multiple_of3A = tpu.assume_multiple %mul3A_7, 8 : i32
    %add3A_8 = arith.constant 0 : i32
    %add3A_9 = arith.addi %multiple_of3A, %add3A_8 : i32
    "tpu.region"() ({
      %run_scoped3A = tpu.sem_alloc : memref<!tpu.dma_semaphore, #tpu.memory_space<semaphore_mem>>
      %dma_start3A_80 = arith.constant 0 : i32
      %dma_start3A_81 = tpu.memref_slice %arg16[%add3A_9, %dma_start3A_80] : memref<10240x64xf32, #tpu.memory_space<vmem_shared>> -> memref<128x64xf32, #tpu.memory_space<vmem_shared>>
      %dma_start3A_82 = arith.constant 0 : i32
      %dma_start3A_83 = tpu.memref_slice %arg16[%add3A_9, %dma_start3A_82] : memref<10240x64xf32, #tpu.memory_space<vmem_shared>> -> memref<128x64xf32, #tpu.memory_space<vmem_shared>>
      tpu.enqueue_dma source(%arg8 : memref<128x64xf32, #tpu.memory_space<vmem>>) target(%dma_start3A_83 : memref<128x64xf32, #tpu.memory_space<vmem_shared>>) target_semaphore(%run_scoped3A : memref<!tpu.dma_semaphore, #tpu.memory_space<semaphore_mem>>)
      %dma_wait3A = arith.constant 0 : i32
      %dma_wait3A_84 = tpu.memref_slice %arg16[%add3A_9, %dma_wait3A] : memref<10240x64xf32, #tpu.memory_space<vmem_shared>> -> memref<128x64xf32, #tpu.memory_space<vmem_shared>>
      %dma_wait3A_85 = arith.constant 0 : i32
      %dma_wait3A_86 = tpu.memref_slice %arg16[%add3A_9, %dma_wait3A_85] : memref<10240x64xf32, #tpu.memory_space<vmem_shared>> -> memref<128x64xf32, #tpu.memory_space<vmem_shared>>
      tpu.wait_dma2 semaphore(%run_scoped3A : memref<!tpu.dma_semaphore, #tpu.memory_space<semaphore_mem>>) src(%arg8 : memref<128x64xf32, #tpu.memory_space<vmem>>) dst(%dma_wait3A_86 : memref<128x64xf32, #tpu.memory_space<vmem_shared>>)
      tpu.yield
    }) : () -> ()
    %add3A_10 = arith.constant 128 : i32
    %add3A_11 = arith.addi %multiple_of3A, %add3A_10 : i32
    "tpu.region"() ({
      %run_scoped3A = tpu.sem_alloc : memref<!tpu.dma_semaphore, #tpu.memory_space<semaphore_mem>>
      %dma_start3A_80 = arith.constant 0 : i32
      %dma_start3A_81 = tpu.memref_slice %arg16[%add3A_11, %dma_start3A_80] : memref<10240x64xf32, #tpu.memory_space<vmem_shared>> -> memref<128x64xf32, #tpu.memory_space<vmem_shared>>
      %dma_start3A_82 = arith.constant 0 : i32
      %dma_start3A_83 = tpu.memref_slice %arg16[%add3A_11, %dma_start3A_82] : memref<10240x64xf32, #tpu.memory_space<vmem_shared>> -> memref<128x64xf32, #tpu.memory_space<vmem_shared>>
      tpu.enqueue_dma source(%arg8 : memref<128x64xf32, #tpu.memory_space<vmem>>) target(%dma_start3A_83 : memref<128x64xf32, #tpu.memory_space<vmem_shared>>) target_semaphore(%run_scoped3A : memref<!tpu.dma_semaphore, #tpu.memory_space<semaphore_mem>>)
      %dma_wait3A = arith.constant 0 : i32
      %dma_wait3A_84 = tpu.memref_slice %arg16[%add3A_11, %dma_wait3A] : memref<10240x64xf32, #tpu.memory_space<vmem_shared>> -> memref<128x64xf32, #tpu.memory_space<vmem_shared>>
      %dma_wait3A_85 = arith.constant 0 : i32
      %dma_wait3A_86 = tpu.memref_slice %arg16[%add3A_11, %dma_wait3A_85] : memref<10240x64xf32, #tpu.memory_space<vmem_shared>> -> memref<128x64xf32, #tpu.memory_space<vmem_shared>>
      tpu.wait_dma2 semaphore(%run_scoped3A : memref<!tpu.dma_semaphore, #tpu.memory_space<semaphore_mem>>) src(%arg8 : memref<128x64xf32, #tpu.memory_space<vmem>>) dst(%dma_wait3A_86 : memref<128x64xf32, #tpu.memory_space<vmem_shared>>)
      tpu.yield
    }) : () -> ()
    %add3A_12 = arith.constant 256 : i32
    %add3A_13 = arith.addi %multiple_of3A, %add3A_12 : i32
    "tpu.region"() ({
      %run_scoped3A = tpu.sem_alloc : memref<!tpu.dma_semaphore, #tpu.memory_space<semaphore_mem>>
      %dma_start3A_80 = arith.constant 0 : i32
      %dma_start3A_81 = tpu.memref_slice %arg16[%add3A_13, %dma_start3A_80] : memref<10240x64xf32, #tpu.memory_space<vmem_shared>> -> memref<128x64xf32, #tpu.memory_space<vmem_shared>>
      %dma_start3A_82 = arith.constant 0 : i32
      %dma_start3A_83 = tpu.memref_slice %arg16[%add3A_13, %dma_start3A_82] : memref<10240x64xf32, #tpu.memory_space<vmem_shared>> -> memref<128x64xf32, #tpu.memory_space<vmem_shared>>
      tpu.enqueue_dma source(%arg8 : memref<128x64xf32, #tpu.memory_space<vmem>>) target(%dma_start3A_83 : memref<128x64xf32, #tpu.memory_space<vmem_shared>>) target_semaphore(%run_scoped3A : memref<!tpu.dma_semaphore, #tpu.memory_space<semaphore_mem>>)
      %dma_wait3A = arith.constant 0 : i32
      %dma_wait3A_84 = tpu.memref_slice %arg16[%add3A_13, %dma_wait3A] : memref<10240x64xf32, #tpu.memory_space<vmem_shared>> -> memref<128x64xf32, #tpu.memory_space<vmem_shared>>
      %dma_wait3A_85 = arith.constant 0 : i32
      %dma_wait3A_86 = tpu.memref_slice %arg16[%add3A_13, %dma_wait3A_85] : memref<10240x64xf32, #tpu.memory_space<vmem_shared>> -> memref<128x64xf32, #tpu.memory_space<vmem_shared>>
      tpu.wait_dma2 semaphore(%run_scoped3A : memref<!tpu.dma_semaphore, #tpu.memory_space<semaphore_mem>>) src(%arg8 : memref<128x64xf32, #tpu.memory_space<vmem>>) dst(%dma_wait3A_86 : memref<128x64xf32, #tpu.memory_space<vmem_shared>>)
      tpu.yield
    }) : () -> ()
    %add3A_14 = arith.constant 384 : i32
    %add3A_15 = arith.addi %multiple_of3A, %add3A_14 : i32
    "tpu.region"() ({
      %run_scoped3A = tpu.sem_alloc : memref<!tpu.dma_semaphore, #tpu.memory_space<semaphore_mem>>
      %dma_start3A_80 = arith.constant 0 : i32
      %dma_start3A_81 = tpu.memref_slice %arg16[%add3A_15, %dma_start3A_80] : memref<10240x64xf32, #tpu.memory_space<vmem_shared>> -> memref<128x64xf32, #tpu.memory_space<vmem_shared>>
      %dma_start3A_82 = arith.constant 0 : i32
      %dma_start3A_83 = tpu.memref_slice %arg16[%add3A_15, %dma_start3A_82] : memref<10240x64xf32, #tpu.memory_space<vmem_shared>> -> memref<128x64xf32, #tpu.memory_space<vmem_shared>>
      tpu.enqueue_dma source(%arg8 : memref<128x64xf32, #tpu.memory_space<vmem>>) target(%dma_start3A_83 : memref<128x64xf32, #tpu.memory_space<vmem_shared>>) target_semaphore(%run_scoped3A : memref<!tpu.dma_semaphore, #tpu.memory_space<semaphore_mem>>)
      %dma_wait3A = arith.constant 0 : i32
      %dma_wait3A_84 = tpu.memref_slice %arg16[%add3A_15, %dma_wait3A] : memref<10240x64xf32, #tpu.memory_space<vmem_shared>> -> memref<128x64xf32, #tpu.memory_space<vmem_shared>>
      %dma_wait3A_85 = arith.constant 0 : i32
      %dma_wait3A_86 = tpu.memref_slice %arg16[%add3A_15, %dma_wait3A_85] : memref<10240x64xf32, #tpu.memory_space<vmem_shared>> -> memref<128x64xf32, #tpu.memory_space<vmem_shared>>
      tpu.wait_dma2 semaphore(%run_scoped3A : memref<!tpu.dma_semaphore, #tpu.memory_space<semaphore_mem>>) src(%arg8 : memref<128x64xf32, #tpu.memory_space<vmem>>) dst(%dma_wait3A_86 : memref<128x64xf32, #tpu.memory_space<vmem_shared>>)
      tpu.yield
    }) : () -> ()
    %add3A_16 = arith.constant 512 : i32
    %add3A_17 = arith.addi %multiple_of3A, %add3A_16 : i32
    "tpu.region"() ({
      %run_scoped3A = tpu.sem_alloc : memref<!tpu.dma_semaphore, #tpu.memory_space<semaphore_mem>>
      %dma_start3A_80 = arith.constant 0 : i32
      %dma_start3A_81 = tpu.memref_slice %arg16[%add3A_17, %dma_start3A_80] : memref<10240x64xf32, #tpu.memory_space<vmem_shared>> -> memref<128x64xf32, #tpu.memory_space<vmem_shared>>
      %dma_start3A_82 = arith.constant 0 : i32
      %dma_start3A_83 = tpu.memref_slice %arg16[%add3A_17, %dma_start3A_82] : memref<10240x64xf32, #tpu.memory_space<vmem_shared>> -> memref<128x64xf32, #tpu.memory_space<vmem_shared>>
      tpu.enqueue_dma source(%arg8 : memref<128x64xf32, #tpu.memory_space<vmem>>) target(%dma_start3A_83 : memref<128x64xf32, #tpu.memory_space<vmem_shared>>) target_semaphore(%run_scoped3A : memref<!tpu.dma_semaphore, #tpu.memory_space<semaphore_mem>>)
      %dma_wait3A = arith.constant 0 : i32
      %dma_wait3A_84 = tpu.memref_slice %arg16[%add3A_17, %dma_wait3A] : memref<10240x64xf32, #tpu.memory_space<vmem_shared>> -> memref<128x64xf32, #tpu.memory_space<vmem_shared>>
      %dma_wait3A_85 = arith.constant 0 : i32
      %dma_wait3A_86 = tpu.memref_slice %arg16[%add3A_17, %dma_wait3A_85] : memref<10240x64xf32, #tpu.memory_space<vmem_shared>> -> memref<128x64xf32, #tpu.memory_space<vmem_shared>>
      tpu.wait_dma2 semaphore(%run_scoped3A : memref<!tpu.dma_semaphore, #tpu.memory_space<semaphore_mem>>) src(%arg8 : memref<128x64xf32, #tpu.memory_space<vmem>>) dst(%dma_wait3A_86 : memref<128x64xf32, #tpu.memory_space<vmem_shared>>)
      tpu.yield
    }) : () -> ()
    %barrier3A = arith.constant 0 : index
    tpu.barrier barrier_id(%barrier3A)
    %dma_start3A = arith.constant 0 : i32
    %dma_start3A_18 = arith.constant 0 : i32
    %dma_start3A_19 = tpu.memref_slice %arg6[%dma_start3A, %dma_start3A_18] : memref<80x128xi32, #tpu.memory_space<vmem>> -> memref<1x128xi32, #tpu.memory_space<vmem>>
    %dma_start3A_20 = tpu.memref_squeeze %dma_start3A_19 : memref<1x128xi32, #tpu.memory_space<vmem>> -> memref<128xi32, #tpu.memory_space<vmem>>
    %dma_start3A_21 = arith.constant 0 : i32
    %dma_start3A_22 = arith.constant 0 : i32
    %dma_start3A_23 = tpu.memref_slice %arg2[%dma_start3A_21, %dma_start3A_22] : memref<10000x64xf32, #tpu.memory_space<hbm>> -> memref<10000x64xf32, #tpu.memory_space<hbm>>
    tpu.enqueue_indirect_dma source(%dma_start3A_23 : memref<10000x64xf32, #tpu.memory_space<hbm>>) target(%arg8 : memref<128x64xf32, #tpu.memory_space<vmem>>) offsets(%dma_start3A_20 : memref<128xi32, #tpu.memory_space<vmem>>) semaphore(%arg17 : memref<!tpu.dma_semaphore, #tpu.memory_space<semaphore_mem>>)
    %dma_start3A_24 = arith.constant 1 : i32
    %dma_start3A_25 = arith.constant 0 : i32
    %dma_start3A_26 = tpu.memref_slice %arg6[%dma_start3A_24, %dma_start3A_25] : memref<80x128xi32, #tpu.memory_space<vmem>> -> memref<1x128xi32, #tpu.memory_space<vmem>>
    %dma_start3A_27 = tpu.memref_squeeze %dma_start3A_26 : memref<1x128xi32, #tpu.memory_space<vmem>> -> memref<128xi32, #tpu.memory_space<vmem>>
    %dma_start3A_28 = arith.constant 0 : i32
    %dma_start3A_29 = arith.constant 0 : i32
    %dma_start3A_30 = tpu.memref_slice %arg2[%dma_start3A_28, %dma_start3A_29] : memref<10000x64xf32, #tpu.memory_space<hbm>> -> memref<10000x64xf32, #tpu.memory_space<hbm>>
    tpu.enqueue_indirect_dma source(%dma_start3A_30 : memref<10000x64xf32, #tpu.memory_space<hbm>>) target(%arg9 : memref<128x64xf32, #tpu.memory_space<vmem>>) offsets(%dma_start3A_27 : memref<128xi32, #tpu.memory_space<vmem>>) semaphore(%arg18 : memref<!tpu.dma_semaphore, #tpu.memory_space<semaphore_mem>>)
    %dma_start3A_31 = arith.constant 2 : i32
    %dma_start3A_32 = arith.constant 0 : i32
    %dma_start3A_33 = tpu.memref_slice %arg6[%dma_start3A_31, %dma_start3A_32] : memref<80x128xi32, #tpu.memory_space<vmem>> -> memref<1x128xi32, #tpu.memory_space<vmem>>
    %dma_start3A_34 = tpu.memref_squeeze %dma_start3A_33 : memref<1x128xi32, #tpu.memory_space<vmem>> -> memref<128xi32, #tpu.memory_space<vmem>>
    %dma_start3A_35 = arith.constant 0 : i32
    %dma_start3A_36 = arith.constant 0 : i32
    %dma_start3A_37 = tpu.memref_slice %arg2[%dma_start3A_35, %dma_start3A_36] : memref<10000x64xf32, #tpu.memory_space<hbm>> -> memref<10000x64xf32, #tpu.memory_space<hbm>>
    tpu.enqueue_indirect_dma source(%dma_start3A_37 : memref<10000x64xf32, #tpu.memory_space<hbm>>) target(%arg10 : memref<128x64xf32, #tpu.memory_space<vmem>>) offsets(%dma_start3A_34 : memref<128xi32, #tpu.memory_space<vmem>>) semaphore(%arg19 : memref<!tpu.dma_semaphore, #tpu.memory_space<semaphore_mem>>)
    %dma_start3A_38 = arith.constant 3 : i32
    %dma_start3A_39 = arith.constant 0 : i32
    %dma_start3A_40 = tpu.memref_slice %arg6[%dma_start3A_38, %dma_start3A_39] : memref<80x128xi32, #tpu.memory_space<vmem>> -> memref<1x128xi32, #tpu.memory_space<vmem>>
    %dma_start3A_41 = tpu.memref_squeeze %dma_start3A_40 : memref<1x128xi32, #tpu.memory_space<vmem>> -> memref<128xi32, #tpu.memory_space<vmem>>
    %dma_start3A_42 = arith.constant 0 : i32
    %dma_start3A_43 = arith.constant 0 : i32
    %dma_start3A_44 = tpu.memref_slice %arg2[%dma_start3A_42, %dma_start3A_43] : memref<10000x64xf32, #tpu.memory_space<hbm>> -> memref<10000x64xf32, #tpu.memory_space<hbm>>
    tpu.enqueue_indirect_dma source(%dma_start3A_44 : memref<10000x64xf32, #tpu.memory_space<hbm>>) target(%arg11 : memref<128x64xf32, #tpu.memory_space<vmem>>) offsets(%dma_start3A_41 : memref<128xi32, #tpu.memory_space<vmem>>) semaphore(%arg20 : memref<!tpu.dma_semaphore, #tpu.memory_space<semaphore_mem>>)
    %dma_start3A_45 = arith.constant 4 : i32
    %dma_start3A_46 = arith.constant 0 : i32
    %dma_start3A_47 = tpu.memref_slice %arg6[%dma_start3A_45, %dma_start3A_46] : memref<80x128xi32, #tpu.memory_space<vmem>> -> memref<1x128xi32, #tpu.memory_space<vmem>>
    %dma_start3A_48 = tpu.memref_squeeze %dma_start3A_47 : memref<1x128xi32, #tpu.memory_space<vmem>> -> memref<128xi32, #tpu.memory_space<vmem>>
    %dma_start3A_49 = arith.constant 0 : i32
    %dma_start3A_50 = arith.constant 0 : i32
    %dma_start3A_51 = tpu.memref_slice %arg2[%dma_start3A_49, %dma_start3A_50] : memref<10000x64xf32, #tpu.memory_space<hbm>> -> memref<10000x64xf32, #tpu.memory_space<hbm>>
    tpu.enqueue_indirect_dma source(%dma_start3A_51 : memref<10000x64xf32, #tpu.memory_space<hbm>>) target(%arg12 : memref<128x64xf32, #tpu.memory_space<vmem>>) offsets(%dma_start3A_48 : memref<128xi32, #tpu.memory_space<vmem>>) semaphore(%arg21 : memref<!tpu.dma_semaphore, #tpu.memory_space<semaphore_mem>>)
    %dma_start3A_52 = arith.constant 5 : i32
    %dma_start3A_53 = arith.constant 0 : i32
    %dma_start3A_54 = tpu.memref_slice %arg6[%dma_start3A_52, %dma_start3A_53] : memref<80x128xi32, #tpu.memory_space<vmem>> -> memref<1x128xi32, #tpu.memory_space<vmem>>
    %dma_start3A_55 = tpu.memref_squeeze %dma_start3A_54 : memref<1x128xi32, #tpu.memory_space<vmem>> -> memref<128xi32, #tpu.memory_space<vmem>>
    %dma_start3A_56 = arith.constant 0 : i32
    %dma_start3A_57 = arith.constant 0 : i32
    %dma_start3A_58 = tpu.memref_slice %arg2[%dma_start3A_56, %dma_start3A_57] : memref<10000x64xf32, #tpu.memory_space<hbm>> -> memref<10000x64xf32, #tpu.memory_space<hbm>>
    tpu.enqueue_indirect_dma source(%dma_start3A_58 : memref<10000x64xf32, #tpu.memory_space<hbm>>) target(%arg13 : memref<128x64xf32, #tpu.memory_space<vmem>>) offsets(%dma_start3A_55 : memref<128xi32, #tpu.memory_space<vmem>>) semaphore(%arg22 : memref<!tpu.dma_semaphore, #tpu.memory_space<semaphore_mem>>)
    %dma_start3A_59 = arith.constant 6 : i32
    %dma_start3A_60 = arith.constant 0 : i32
    %dma_start3A_61 = tpu.memref_slice %arg6[%dma_start3A_59, %dma_start3A_60] : memref<80x128xi32, #tpu.memory_space<vmem>> -> memref<1x128xi32, #tpu.memory_space<vmem>>
    %dma_start3A_62 = tpu.memref_squeeze %dma_start3A_61 : memref<1x128xi32, #tpu.memory_space<vmem>> -> memref<128xi32, #tpu.memory_space<vmem>>
    %dma_start3A_63 = arith.constant 0 : i32
    %dma_start3A_64 = arith.constant 0 : i32
    %dma_start3A_65 = tpu.memref_slice %arg2[%dma_start3A_63, %dma_start3A_64] : memref<10000x64xf32, #tpu.memory_space<hbm>> -> memref<10000x64xf32, #tpu.memory_space<hbm>>
    tpu.enqueue_indirect_dma source(%dma_start3A_65 : memref<10000x64xf32, #tpu.memory_space<hbm>>) target(%arg14 : memref<128x64xf32, #tpu.memory_space<vmem>>) offsets(%dma_start3A_62 : memref<128xi32, #tpu.memory_space<vmem>>) semaphore(%arg23 : memref<!tpu.dma_semaphore, #tpu.memory_space<semaphore_mem>>)
    %dma_start3A_66 = arith.constant 7 : i32
    %dma_start3A_67 = arith.constant 0 : i32
    %dma_start3A_68 = tpu.memref_slice %arg6[%dma_start3A_66, %dma_start3A_67] : memref<80x128xi32, #tpu.memory_space<vmem>> -> memref<1x128xi32, #tpu.memory_space<vmem>>
    %dma_start3A_69 = tpu.memref_squeeze %dma_start3A_68 : memref<1x128xi32, #tpu.memory_space<vmem>> -> memref<128xi32, #tpu.memory_space<vmem>>
    %dma_start3A_70 = arith.constant 0 : i32
    %dma_start3A_71 = arith.constant 0 : i32
    %dma_start3A_72 = tpu.memref_slice %arg2[%dma_start3A_70, %dma_start3A_71] : memref<10000x64xf32, #tpu.memory_space<hbm>> -> memref<10000x64xf32, #tpu.memory_space<hbm>>
    tpu.enqueue_indirect_dma source(%dma_start3A_72 : memref<10000x64xf32, #tpu.memory_space<hbm>>) target(%arg15 : memref<128x64xf32, #tpu.memory_space<vmem>>) offsets(%dma_start3A_69 : memref<128xi32, #tpu.memory_space<vmem>>) semaphore(%arg24 : memref<!tpu.dma_semaphore, #tpu.memory_space<semaphore_mem>>)
    %scan3A_73 = arith.constant 0 : i32
    %scan3A_74 = arith.constant 0 : i32
    %scan3A_75 = arith.constant 10 : i32
    %scan3A_76 = arith.addi %scan3A_74, %scan3A_75 : i32
    %scan3A_77 = arith.constant 1 : i32
    scf.for %scan3A_80 = %scan3A_74 to %scan3A_76 step %scan3A_77  : i32 {
      %mul3A_81 = arith.constant 8 : i32
      %mul3A_82 = arith.muli %scan3A_80, %mul3A_81 : i32
      %add3A_83 = arith.constant 0 : i32
      %add3A_84 = arith.addi %mul3A_82, %add3A_83 : i32
      %dma_wait3A = arith.constant 0 : i32
      %dma_wait3A_85 = tpu.memref_slice %arg6[%add3A_84, %dma_wait3A] : memref<80x128xi32, #tpu.memory_space<vmem>> -> memref<1x128xi32, #tpu.memory_space<vmem>>
      %dma_wait3A_86 = tpu.memref_squeeze %dma_wait3A_85 : memref<1x128xi32, #tpu.memory_space<vmem>> -> memref<128xi32, #tpu.memory_space<vmem>>
      %dma_wait3A_87 = arith.constant 0 : i32
      %dma_wait3A_88 = arith.constant 0 : i32
      %dma_wait3A_89 = tpu.memref_slice %arg2[%dma_wait3A_87, %dma_wait3A_88] : memref<10000x64xf32, #tpu.memory_space<hbm>> -> memref<10000x64xf32, #tpu.memory_space<hbm>>
      tpu.wait_indirect_dma semaphore(%arg17 : memref<!tpu.dma_semaphore, #tpu.memory_space<semaphore_mem>>) src(%dma_wait3A_89 : memref<10000x64xf32, #tpu.memory_space<hbm>>) dst(%arg8 : memref<128x64xf32, #tpu.memory_space<vmem>>)
      "tpu.region"() ({
        %run_scoped3A = tpu.sem_alloc : memref<!tpu.dma_semaphore, #tpu.memory_space<semaphore_mem>>
        %dma_start3A_213 = arith.constant 0 : i32
        %dma_start3A_214 = tpu.memref_slice %arg7[%add3A_84, %dma_start3A_213] : memref<80x128xi32, #tpu.memory_space<vmem>> -> memref<1x128xi32, #tpu.memory_space<vmem>>
        %dma_start3A_215 = tpu.memref_squeeze %dma_start3A_214 : memref<1x128xi32, #tpu.memory_space<vmem>> -> memref<128xi32, #tpu.memory_space<vmem>>
        %dma_start3A_216 = arith.constant 0 : i32
        %dma_start3A_217 = arith.constant 0 : i32
        %dma_start3A_218 = tpu.memref_slice %arg16[%dma_start3A_216, %dma_start3A_217] : memref<10240x64xf32, #tpu.memory_space<vmem_shared>> -> memref<10240x64xf32, #tpu.memory_space<vmem_shared>>
        tpu.enqueue_indirect_dma source(%arg8 : memref<128x64xf32, #tpu.memory_space<vmem>>) target(%dma_start3A_218 : memref<10240x64xf32, #tpu.memory_space<vmem_shared>>) offsets(%dma_start3A_215 : memref<128xi32, #tpu.memory_space<vmem>>) semaphore(%run_scoped3A : memref<!tpu.dma_semaphore, #tpu.memory_space<semaphore_mem>>) {add = true}
        %dma_wait3A_219 = arith.constant 0 : i32
        %dma_wait3A_220 = tpu.memref_slice %arg7[%add3A_84, %dma_wait3A_219] : memref<80x128xi32, #tpu.memory_space<vmem>> -> memref<1x128xi32, #tpu.memory_space<vmem>>
        %dma_wait3A_221 = tpu.memref_squeeze %dma_wait3A_220 : memref<1x128xi32, #tpu.memory_space<vmem>> -> memref<128xi32, #tpu.memory_space<vmem>>
        %dma_wait3A_222 = arith.constant 0 : i32
        %dma_wait3A_223 = arith.constant 0 : i32
        %dma_wait3A_224 = tpu.memref_slice %arg16[%dma_wait3A_222, %dma_wait3A_223] : memref<10240x64xf32, #tpu.memory_space<vmem_shared>> -> memref<10240x64xf32, #tpu.memory_space<vmem_shared>>
        tpu.wait_indirect_dma semaphore(%run_scoped3A : memref<!tpu.dma_semaphore, #tpu.memory_space<semaphore_mem>>) src(%arg8 : memref<128x64xf32, #tpu.memory_space<vmem>>) dst(%dma_wait3A_224 : memref<10240x64xf32, #tpu.memory_space<vmem_shared>>)
        tpu.yield
      }) : () -> ()
      %add3A_90 = arith.constant 8 : i32
      %add3A_91 = arith.addi %add3A_84, %add3A_90 : i32
      %lt3A = arith.constant 80 : i32
      %lt3A_92 = arith.cmpi slt, %add3A_91, %lt3A : i32
      %convert_element_type3A = arith.extui %lt3A_92 : i1 to i32
      %cond3A = arith.constant 0 : i32
      %cond3A_93 = arith.cmpi ne, %convert_element_type3A, %cond3A : i32
      scf.if %cond3A_93 {
        %add3A_213 = arith.constant 8 : i32
        %add3A_214 = arith.addi %add3A_84, %add3A_213 : i32
        %dma_start3A_215 = arith.constant 0 : i32
        %dma_start3A_216 = tpu.memref_slice %arg6[%add3A_214, %dma_start3A_215] : memref<80x128xi32, #tpu.memory_space<vmem>> -> memref<1x128xi32, #tpu.memory_space<vmem>>
        %dma_start3A_217 = tpu.memref_squeeze %dma_start3A_216 : memref<1x128xi32, #tpu.memory_space<vmem>> -> memref<128xi32, #tpu.memory_space<vmem>>
        %dma_start3A_218 = arith.constant 0 : i32
        %dma_start3A_219 = arith.constant 0 : i32
        %dma_start3A_220 = tpu.memref_slice %arg2[%dma_start3A_218, %dma_start3A_219] : memref<10000x64xf32, #tpu.memory_space<hbm>> -> memref<10000x64xf32, #tpu.memory_space<hbm>>
        tpu.enqueue_indirect_dma source(%dma_start3A_220 : memref<10000x64xf32, #tpu.memory_space<hbm>>) target(%arg8 : memref<128x64xf32, #tpu.memory_space<vmem>>) offsets(%dma_start3A_217 : memref<128xi32, #tpu.memory_space<vmem>>) semaphore(%arg17 : memref<!tpu.dma_semaphore, #tpu.memory_space<semaphore_mem>>)
      } else {
      }
      %mul3A_94 = arith.constant 8 : i32
      %mul3A_95 = arith.muli %scan3A_80, %mul3A_94 : i32
      %add3A_96 = arith.constant 1 : i32
      %add3A_97 = arith.addi %mul3A_95, %add3A_96 : i32
      %dma_wait3A_98 = arith.constant 0 : i32
      %dma_wait3A_99 = tpu.memref_slice %arg6[%add3A_97, %dma_wait3A_98] : memref<80x128xi32, #tpu.memory_space<vmem>> -> memref<1x128xi32, #tpu.memory_space<vmem>>
      %dma_wait3A_100 = tpu.memref_squeeze %dma_wait3A_99 : memref<1x128xi32, #tpu.memory_space<vmem>> -> memref<128xi32, #tpu.memory_space<vmem>>
      %dma_wait3A_101 = arith.constant 0 : i32
      %dma_wait3A_102 = arith.constant 0 : i32
      %dma_wait3A_103 = tpu.memref_slice %arg2[%dma_wait3A_101, %dma_wait3A_102] : memref<10000x64xf32, #tpu.memory_space<hbm>> -> memref<10000x64xf32, #tpu.memory_space<hbm>>
      tpu.wait_indirect_dma semaphore(%arg18 : memref<!tpu.dma_semaphore, #tpu.memory_space<semaphore_mem>>) src(%dma_wait3A_103 : memref<10000x64xf32, #tpu.memory_space<hbm>>) dst(%arg9 : memref<128x64xf32, #tpu.memory_space<vmem>>)
      "tpu.region"() ({
        %run_scoped3A = tpu.sem_alloc : memref<!tpu.dma_semaphore, #tpu.memory_space<semaphore_mem>>
        %dma_start3A_213 = arith.constant 0 : i32
        %dma_start3A_214 = tpu.memref_slice %arg7[%add3A_97, %dma_start3A_213] : memref<80x128xi32, #tpu.memory_space<vmem>> -> memref<1x128xi32, #tpu.memory_space<vmem>>
        %dma_start3A_215 = tpu.memref_squeeze %dma_start3A_214 : memref<1x128xi32, #tpu.memory_space<vmem>> -> memref<128xi32, #tpu.memory_space<vmem>>
        %dma_start3A_216 = arith.constant 0 : i32
        %dma_start3A_217 = arith.constant 0 : i32
        %dma_start3A_218 = tpu.memref_slice %arg16[%dma_start3A_216, %dma_start3A_217] : memref<10240x64xf32, #tpu.memory_space<vmem_shared>> -> memref<10240x64xf32, #tpu.memory_space<vmem_shared>>
        tpu.enqueue_indirect_dma source(%arg9 : memref<128x64xf32, #tpu.memory_space<vmem>>) target(%dma_start3A_218 : memref<10240x64xf32, #tpu.memory_space<vmem_shared>>) offsets(%dma_start3A_215 : memref<128xi32, #tpu.memory_space<vmem>>) semaphore(%run_scoped3A : memref<!tpu.dma_semaphore, #tpu.memory_space<semaphore_mem>>) {add = true}
        %dma_wait3A_219 = arith.constant 0 : i32
        %dma_wait3A_220 = tpu.memref_slice %arg7[%add3A_97, %dma_wait3A_219] : memref<80x128xi32, #tpu.memory_space<vmem>> -> memref<1x128xi32, #tpu.memory_space<vmem>>
        %dma_wait3A_221 = tpu.memref_squeeze %dma_wait3A_220 : memref<1x128xi32, #tpu.memory_space<vmem>> -> memref<128xi32, #tpu.memory_space<vmem>>
        %dma_wait3A_222 = arith.constant 0 : i32
        %dma_wait3A_223 = arith.constant 0 : i32
        %dma_wait3A_224 = tpu.memref_slice %arg16[%dma_wait3A_222, %dma_wait3A_223] : memref<10240x64xf32, #tpu.memory_space<vmem_shared>> -> memref<10240x64xf32, #tpu.memory_space<vmem_shared>>
        tpu.wait_indirect_dma semaphore(%run_scoped3A : memref<!tpu.dma_semaphore, #tpu.memory_space<semaphore_mem>>) src(%arg9 : memref<128x64xf32, #tpu.memory_space<vmem>>) dst(%dma_wait3A_224 : memref<10240x64xf32, #tpu.memory_space<vmem_shared>>)
        tpu.yield
      }) : () -> ()
      %add3A_104 = arith.constant 8 : i32
      %add3A_105 = arith.addi %add3A_97, %add3A_104 : i32
      %lt3A_106 = arith.constant 80 : i32
      %lt3A_107 = arith.cmpi slt, %add3A_105, %lt3A_106 : i32
      %convert_element_type3A_108 = arith.extui %lt3A_107 : i1 to i32
      %cond3A_109 = arith.constant 0 : i32
      %cond3A_110 = arith.cmpi ne, %convert_element_type3A_108, %cond3A_109 : i32
      scf.if %cond3A_110 {
        %add3A_213 = arith.constant 8 : i32
        %add3A_214 = arith.addi %add3A_97, %add3A_213 : i32
        %dma_start3A_215 = arith.constant 0 : i32
        %dma_start3A_216 = tpu.memref_slice %arg6[%add3A_214, %dma_start3A_215] : memref<80x128xi32, #tpu.memory_space<vmem>> -> memref<1x128xi32, #tpu.memory_space<vmem>>
        %dma_start3A_217 = tpu.memref_squeeze %dma_start3A_216 : memref<1x128xi32, #tpu.memory_space<vmem>> -> memref<128xi32, #tpu.memory_space<vmem>>
        %dma_start3A_218 = arith.constant 0 : i32
        %dma_start3A_219 = arith.constant 0 : i32
        %dma_start3A_220 = tpu.memref_slice %arg2[%dma_start3A_218, %dma_start3A_219] : memref<10000x64xf32, #tpu.memory_space<hbm>> -> memref<10000x64xf32, #tpu.memory_space<hbm>>
        tpu.enqueue_indirect_dma source(%dma_start3A_220 : memref<10000x64xf32, #tpu.memory_space<hbm>>) target(%arg9 : memref<128x64xf32, #tpu.memory_space<vmem>>) offsets(%dma_start3A_217 : memref<128xi32, #tpu.memory_space<vmem>>) semaphore(%arg18 : memref<!tpu.dma_semaphore, #tpu.memory_space<semaphore_mem>>)
      } else {
      }
      %mul3A_111 = arith.constant 8 : i32
      %mul3A_112 = arith.muli %scan3A_80, %mul3A_111 : i32
      %add3A_113 = arith.constant 2 : i32
      %add3A_114 = arith.addi %mul3A_112, %add3A_113 : i32
      %dma_wait3A_115 = arith.constant 0 : i32
      %dma_wait3A_116 = tpu.memref_slice %arg6[%add3A_114, %dma_wait3A_115] : memref<80x128xi32, #tpu.memory_space<vmem>> -> memref<1x128xi32, #tpu.memory_space<vmem>>
      %dma_wait3A_117 = tpu.memref_squeeze %dma_wait3A_116 : memref<1x128xi32, #tpu.memory_space<vmem>> -> memref<128xi32, #tpu.memory_space<vmem>>
      %dma_wait3A_118 = arith.constant 0 : i32
      %dma_wait3A_119 = arith.constant 0 : i32
      %dma_wait3A_120 = tpu.memref_slice %arg2[%dma_wait3A_118, %dma_wait3A_119] : memref<10000x64xf32, #tpu.memory_space<hbm>> -> memref<10000x64xf32, #tpu.memory_space<hbm>>
      tpu.wait_indirect_dma semaphore(%arg19 : memref<!tpu.dma_semaphore, #tpu.memory_space<semaphore_mem>>) src(%dma_wait3A_120 : memref<10000x64xf32, #tpu.memory_space<hbm>>) dst(%arg10 : memref<128x64xf32, #tpu.memory_space<vmem>>)
      "tpu.region"() ({
        %run_scoped3A = tpu.sem_alloc : memref<!tpu.dma_semaphore, #tpu.memory_space<semaphore_mem>>
        %dma_start3A_213 = arith.constant 0 : i32
        %dma_start3A_214 = tpu.memref_slice %arg7[%add3A_114, %dma_start3A_213] : memref<80x128xi32, #tpu.memory_space<vmem>> -> memref<1x128xi32, #tpu.memory_space<vmem>>
        %dma_start3A_215 = tpu.memref_squeeze %dma_start3A_214 : memref<1x128xi32, #tpu.memory_space<vmem>> -> memref<128xi32, #tpu.memory_space<vmem>>
        %dma_start3A_216 = arith.constant 0 : i32
        %dma_start3A_217 = arith.constant 0 : i32
        %dma_start3A_218 = tpu.memref_slice %arg16[%dma_start3A_216, %dma_start3A_217] : memref<10240x64xf32, #tpu.memory_space<vmem_shared>> -> memref<10240x64xf32, #tpu.memory_space<vmem_shared>>
        tpu.enqueue_indirect_dma source(%arg10 : memref<128x64xf32, #tpu.memory_space<vmem>>) target(%dma_start3A_218 : memref<10240x64xf32, #tpu.memory_space<vmem_shared>>) offsets(%dma_start3A_215 : memref<128xi32, #tpu.memory_space<vmem>>) semaphore(%run_scoped3A : memref<!tpu.dma_semaphore, #tpu.memory_space<semaphore_mem>>) {add = true}
        %dma_wait3A_219 = arith.constant 0 : i32
        %dma_wait3A_220 = tpu.memref_slice %arg7[%add3A_114, %dma_wait3A_219] : memref<80x128xi32, #tpu.memory_space<vmem>> -> memref<1x128xi32, #tpu.memory_space<vmem>>
        %dma_wait3A_221 = tpu.memref_squeeze %dma_wait3A_220 : memref<1x128xi32, #tpu.memory_space<vmem>> -> memref<128xi32, #tpu.memory_space<vmem>>
        %dma_wait3A_222 = arith.constant 0 : i32
        %dma_wait3A_223 = arith.constant 0 : i32
        %dma_wait3A_224 = tpu.memref_slice %arg16[%dma_wait3A_222, %dma_wait3A_223] : memref<10240x64xf32, #tpu.memory_space<vmem_shared>> -> memref<10240x64xf32, #tpu.memory_space<vmem_shared>>
        tpu.wait_indirect_dma semaphore(%run_scoped3A : memref<!tpu.dma_semaphore, #tpu.memory_space<semaphore_mem>>) src(%arg10 : memref<128x64xf32, #tpu.memory_space<vmem>>) dst(%dma_wait3A_224 : memref<10240x64xf32, #tpu.memory_space<vmem_shared>>)
        tpu.yield
      }) : () -> ()
      %add3A_121 = arith.constant 8 : i32
      %add3A_122 = arith.addi %add3A_114, %add3A_121 : i32
      %lt3A_123 = arith.constant 80 : i32
      %lt3A_124 = arith.cmpi slt, %add3A_122, %lt3A_123 : i32
      %convert_element_type3A_125 = arith.extui %lt3A_124 : i1 to i32
      %cond3A_126 = arith.constant 0 : i32
      %cond3A_127 = arith.cmpi ne, %convert_element_type3A_125, %cond3A_126 : i32
      scf.if %cond3A_127 {
        %add3A_213 = arith.constant 8 : i32
        %add3A_214 = arith.addi %add3A_114, %add3A_213 : i32
        %dma_start3A_215 = arith.constant 0 : i32
        %dma_start3A_216 = tpu.memref_slice %arg6[%add3A_214, %dma_start3A_215] : memref<80x128xi32, #tpu.memory_space<vmem>> -> memref<1x128xi32, #tpu.memory_space<vmem>>
        %dma_start3A_217 = tpu.memref_squeeze %dma_start3A_216 : memref<1x128xi32, #tpu.memory_space<vmem>> -> memref<128xi32, #tpu.memory_space<vmem>>
        %dma_start3A_218 = arith.constant 0 : i32
        %dma_start3A_219 = arith.constant 0 : i32
        %dma_start3A_220 = tpu.memref_slice %arg2[%dma_start3A_218, %dma_start3A_219] : memref<10000x64xf32, #tpu.memory_space<hbm>> -> memref<10000x64xf32, #tpu.memory_space<hbm>>
        tpu.enqueue_indirect_dma source(%dma_start3A_220 : memref<10000x64xf32, #tpu.memory_space<hbm>>) target(%arg10 : memref<128x64xf32, #tpu.memory_space<vmem>>) offsets(%dma_start3A_217 : memref<128xi32, #tpu.memory_space<vmem>>) semaphore(%arg19 : memref<!tpu.dma_semaphore, #tpu.memory_space<semaphore_mem>>)
      } else {
      }
      %mul3A_128 = arith.constant 8 : i32
      %mul3A_129 = arith.muli %scan3A_80, %mul3A_128 : i32
      %add3A_130 = arith.constant 3 : i32
      %add3A_131 = arith.addi %mul3A_129, %add3A_130 : i32
      %dma_wait3A_132 = arith.constant 0 : i32
      %dma_wait3A_133 = tpu.memref_slice %arg6[%add3A_131, %dma_wait3A_132] : memref<80x128xi32, #tpu.memory_space<vmem>> -> memref<1x128xi32, #tpu.memory_space<vmem>>
      %dma_wait3A_134 = tpu.memref_squeeze %dma_wait3A_133 : memref<1x128xi32, #tpu.memory_space<vmem>> -> memref<128xi32, #tpu.memory_space<vmem>>
      %dma_wait3A_135 = arith.constant 0 : i32
      %dma_wait3A_136 = arith.constant 0 : i32
      %dma_wait3A_137 = tpu.memref_slice %arg2[%dma_wait3A_135, %dma_wait3A_136] : memref<10000x64xf32, #tpu.memory_space<hbm>> -> memref<10000x64xf32, #tpu.memory_space<hbm>>
      tpu.wait_indirect_dma semaphore(%arg20 : memref<!tpu.dma_semaphore, #tpu.memory_space<semaphore_mem>>) src(%dma_wait3A_137 : memref<10000x64xf32, #tpu.memory_space<hbm>>) dst(%arg11 : memref<128x64xf32, #tpu.memory_space<vmem>>)
      "tpu.region"() ({
        %run_scoped3A = tpu.sem_alloc : memref<!tpu.dma_semaphore, #tpu.memory_space<semaphore_mem>>
        %dma_start3A_213 = arith.constant 0 : i32
        %dma_start3A_214 = tpu.memref_slice %arg7[%add3A_131, %dma_start3A_213] : memref<80x128xi32, #tpu.memory_space<vmem>> -> memref<1x128xi32, #tpu.memory_space<vmem>>
        %dma_start3A_215 = tpu.memref_squeeze %dma_start3A_214 : memref<1x128xi32, #tpu.memory_space<vmem>> -> memref<128xi32, #tpu.memory_space<vmem>>
        %dma_start3A_216 = arith.constant 0 : i32
        %dma_start3A_217 = arith.constant 0 : i32
        %dma_start3A_218 = tpu.memref_slice %arg16[%dma_start3A_216, %dma_start3A_217] : memref<10240x64xf32, #tpu.memory_space<vmem_shared>> -> memref<10240x64xf32, #tpu.memory_space<vmem_shared>>
        tpu.enqueue_indirect_dma source(%arg11 : memref<128x64xf32, #tpu.memory_space<vmem>>) target(%dma_start3A_218 : memref<10240x64xf32, #tpu.memory_space<vmem_shared>>) offsets(%dma_start3A_215 : memref<128xi32, #tpu.memory_space<vmem>>) semaphore(%run_scoped3A : memref<!tpu.dma_semaphore, #tpu.memory_space<semaphore_mem>>) {add = true}
        %dma_wait3A_219 = arith.constant 0 : i32
        %dma_wait3A_220 = tpu.memref_slice %arg7[%add3A_131, %dma_wait3A_219] : memref<80x128xi32, #tpu.memory_space<vmem>> -> memref<1x128xi32, #tpu.memory_space<vmem>>
        %dma_wait3A_221 = tpu.memref_squeeze %dma_wait3A_220 : memref<1x128xi32, #tpu.memory_space<vmem>> -> memref<128xi32, #tpu.memory_space<vmem>>
        %dma_wait3A_222 = arith.constant 0 : i32
        %dma_wait3A_223 = arith.constant 0 : i32
        %dma_wait3A_224 = tpu.memref_slice %arg16[%dma_wait3A_222, %dma_wait3A_223] : memref<10240x64xf32, #tpu.memory_space<vmem_shared>> -> memref<10240x64xf32, #tpu.memory_space<vmem_shared>>
        tpu.wait_indirect_dma semaphore(%run_scoped3A : memref<!tpu.dma_semaphore, #tpu.memory_space<semaphore_mem>>) src(%arg11 : memref<128x64xf32, #tpu.memory_space<vmem>>) dst(%dma_wait3A_224 : memref<10240x64xf32, #tpu.memory_space<vmem_shared>>)
        tpu.yield
      }) : () -> ()
      %add3A_138 = arith.constant 8 : i32
      %add3A_139 = arith.addi %add3A_131, %add3A_138 : i32
      %lt3A_140 = arith.constant 80 : i32
      %lt3A_141 = arith.cmpi slt, %add3A_139, %lt3A_140 : i32
      %convert_element_type3A_142 = arith.extui %lt3A_141 : i1 to i32
      %cond3A_143 = arith.constant 0 : i32
      %cond3A_144 = arith.cmpi ne, %convert_element_type3A_142, %cond3A_143 : i32
      scf.if %cond3A_144 {
        %add3A_213 = arith.constant 8 : i32
        %add3A_214 = arith.addi %add3A_131, %add3A_213 : i32
        %dma_start3A_215 = arith.constant 0 : i32
        %dma_start3A_216 = tpu.memref_slice %arg6[%add3A_214, %dma_start3A_215] : memref<80x128xi32, #tpu.memory_space<vmem>> -> memref<1x128xi32, #tpu.memory_space<vmem>>
        %dma_start3A_217 = tpu.memref_squeeze %dma_start3A_216 : memref<1x128xi32, #tpu.memory_space<vmem>> -> memref<128xi32, #tpu.memory_space<vmem>>
        %dma_start3A_218 = arith.constant 0 : i32
        %dma_start3A_219 = arith.constant 0 : i32
        %dma_start3A_220 = tpu.memref_slice %arg2[%dma_start3A_218, %dma_start3A_219] : memref<10000x64xf32, #tpu.memory_space<hbm>> -> memref<10000x64xf32, #tpu.memory_space<hbm>>
        tpu.enqueue_indirect_dma source(%dma_start3A_220 : memref<10000x64xf32, #tpu.memory_space<hbm>>) target(%arg11 : memref<128x64xf32, #tpu.memory_space<vmem>>) offsets(%dma_start3A_217 : memref<128xi32, #tpu.memory_space<vmem>>) semaphore(%arg20 : memref<!tpu.dma_semaphore, #tpu.memory_space<semaphore_mem>>)
      } else {
      }
      %mul3A_145 = arith.constant 8 : i32
      %mul3A_146 = arith.muli %scan3A_80, %mul3A_145 : i32
      %add3A_147 = arith.constant 4 : i32
      %add3A_148 = arith.addi %mul3A_146, %add3A_147 : i32
      %dma_wait3A_149 = arith.constant 0 : i32
      %dma_wait3A_150 = tpu.memref_slice %arg6[%add3A_148, %dma_wait3A_149] : memref<80x128xi32, #tpu.memory_space<vmem>> -> memref<1x128xi32, #tpu.memory_space<vmem>>
      %dma_wait3A_151 = tpu.memref_squeeze %dma_wait3A_150 : memref<1x128xi32, #tpu.memory_space<vmem>> -> memref<128xi32, #tpu.memory_space<vmem>>
      %dma_wait3A_152 = arith.constant 0 : i32
      %dma_wait3A_153 = arith.constant 0 : i32
      %dma_wait3A_154 = tpu.memref_slice %arg2[%dma_wait3A_152, %dma_wait3A_153] : memref<10000x64xf32, #tpu.memory_space<hbm>> -> memref<10000x64xf32, #tpu.memory_space<hbm>>
      tpu.wait_indirect_dma semaphore(%arg21 : memref<!tpu.dma_semaphore, #tpu.memory_space<semaphore_mem>>) src(%dma_wait3A_154 : memref<10000x64xf32, #tpu.memory_space<hbm>>) dst(%arg12 : memref<128x64xf32, #tpu.memory_space<vmem>>)
      "tpu.region"() ({
        %run_scoped3A = tpu.sem_alloc : memref<!tpu.dma_semaphore, #tpu.memory_space<semaphore_mem>>
        %dma_start3A_213 = arith.constant 0 : i32
        %dma_start3A_214 = tpu.memref_slice %arg7[%add3A_148, %dma_start3A_213] : memref<80x128xi32, #tpu.memory_space<vmem>> -> memref<1x128xi32, #tpu.memory_space<vmem>>
        %dma_start3A_215 = tpu.memref_squeeze %dma_start3A_214 : memref<1x128xi32, #tpu.memory_space<vmem>> -> memref<128xi32, #tpu.memory_space<vmem>>
        %dma_start3A_216 = arith.constant 0 : i32
        %dma_start3A_217 = arith.constant 0 : i32
        %dma_start3A_218 = tpu.memref_slice %arg16[%dma_start3A_216, %dma_start3A_217] : memref<10240x64xf32, #tpu.memory_space<vmem_shared>> -> memref<10240x64xf32, #tpu.memory_space<vmem_shared>>
        tpu.enqueue_indirect_dma source(%arg12 : memref<128x64xf32, #tpu.memory_space<vmem>>) target(%dma_start3A_218 : memref<10240x64xf32, #tpu.memory_space<vmem_shared>>) offsets(%dma_start3A_215 : memref<128xi32, #tpu.memory_space<vmem>>) semaphore(%run_scoped3A : memref<!tpu.dma_semaphore, #tpu.memory_space<semaphore_mem>>) {add = true}
        %dma_wait3A_219 = arith.constant 0 : i32
        %dma_wait3A_220 = tpu.memref_slice %arg7[%add3A_148, %dma_wait3A_219] : memref<80x128xi32, #tpu.memory_space<vmem>> -> memref<1x128xi32, #tpu.memory_space<vmem>>
        %dma_wait3A_221 = tpu.memref_squeeze %dma_wait3A_220 : memref<1x128xi32, #tpu.memory_space<vmem>> -> memref<128xi32, #tpu.memory_space<vmem>>
        %dma_wait3A_222 = arith.constant 0 : i32
        %dma_wait3A_223 = arith.constant 0 : i32
        %dma_wait3A_224 = tpu.memref_slice %arg16[%dma_wait3A_222, %dma_wait3A_223] : memref<10240x64xf32, #tpu.memory_space<vmem_shared>> -> memref<10240x64xf32, #tpu.memory_space<vmem_shared>>
        tpu.wait_indirect_dma semaphore(%run_scoped3A : memref<!tpu.dma_semaphore, #tpu.memory_space<semaphore_mem>>) src(%arg12 : memref<128x64xf32, #tpu.memory_space<vmem>>) dst(%dma_wait3A_224 : memref<10240x64xf32, #tpu.memory_space<vmem_shared>>)
        tpu.yield
      }) : () -> ()
      %add3A_155 = arith.constant 8 : i32
      %add3A_156 = arith.addi %add3A_148, %add3A_155 : i32
      %lt3A_157 = arith.constant 80 : i32
      %lt3A_158 = arith.cmpi slt, %add3A_156, %lt3A_157 : i32
      %convert_element_type3A_159 = arith.extui %lt3A_158 : i1 to i32
      %cond3A_160 = arith.constant 0 : i32
      %cond3A_161 = arith.cmpi ne, %convert_element_type3A_159, %cond3A_160 : i32
      scf.if %cond3A_161 {
        %add3A_213 = arith.constant 8 : i32
        %add3A_214 = arith.addi %add3A_148, %add3A_213 : i32
        %dma_start3A_215 = arith.constant 0 : i32
        %dma_start3A_216 = tpu.memref_slice %arg6[%add3A_214, %dma_start3A_215] : memref<80x128xi32, #tpu.memory_space<vmem>> -> memref<1x128xi32, #tpu.memory_space<vmem>>
        %dma_start3A_217 = tpu.memref_squeeze %dma_start3A_216 : memref<1x128xi32, #tpu.memory_space<vmem>> -> memref<128xi32, #tpu.memory_space<vmem>>
        %dma_start3A_218 = arith.constant 0 : i32
        %dma_start3A_219 = arith.constant 0 : i32
        %dma_start3A_220 = tpu.memref_slice %arg2[%dma_start3A_218, %dma_start3A_219] : memref<10000x64xf32, #tpu.memory_space<hbm>> -> memref<10000x64xf32, #tpu.memory_space<hbm>>
        tpu.enqueue_indirect_dma source(%dma_start3A_220 : memref<10000x64xf32, #tpu.memory_space<hbm>>) target(%arg12 : memref<128x64xf32, #tpu.memory_space<vmem>>) offsets(%dma_start3A_217 : memref<128xi32, #tpu.memory_space<vmem>>) semaphore(%arg21 : memref<!tpu.dma_semaphore, #tpu.memory_space<semaphore_mem>>)
      } else {
      }
      %mul3A_162 = arith.constant 8 : i32
      %mul3A_163 = arith.muli %scan3A_80, %mul3A_162 : i32
      %add3A_164 = arith.constant 5 : i32
      %add3A_165 = arith.addi %mul3A_163, %add3A_164 : i32
      %dma_wait3A_166 = arith.constant 0 : i32
      %dma_wait3A_167 = tpu.memref_slice %arg6[%add3A_165, %dma_wait3A_166] : memref<80x128xi32, #tpu.memory_space<vmem>> -> memref<1x128xi32, #tpu.memory_space<vmem>>
      %dma_wait3A_168 = tpu.memref_squeeze %dma_wait3A_167 : memref<1x128xi32, #tpu.memory_space<vmem>> -> memref<128xi32, #tpu.memory_space<vmem>>
      %dma_wait3A_169 = arith.constant 0 : i32
      %dma_wait3A_170 = arith.constant 0 : i32
      %dma_wait3A_171 = tpu.memref_slice %arg2[%dma_wait3A_169, %dma_wait3A_170] : memref<10000x64xf32, #tpu.memory_space<hbm>> -> memref<10000x64xf32, #tpu.memory_space<hbm>>
      tpu.wait_indirect_dma semaphore(%arg22 : memref<!tpu.dma_semaphore, #tpu.memory_space<semaphore_mem>>) src(%dma_wait3A_171 : memref<10000x64xf32, #tpu.memory_space<hbm>>) dst(%arg13 : memref<128x64xf32, #tpu.memory_space<vmem>>)
      "tpu.region"() ({
        %run_scoped3A = tpu.sem_alloc : memref<!tpu.dma_semaphore, #tpu.memory_space<semaphore_mem>>
        %dma_start3A_213 = arith.constant 0 : i32
        %dma_start3A_214 = tpu.memref_slice %arg7[%add3A_165, %dma_start3A_213] : memref<80x128xi32, #tpu.memory_space<vmem>> -> memref<1x128xi32, #tpu.memory_space<vmem>>
        %dma_start3A_215 = tpu.memref_squeeze %dma_start3A_214 : memref<1x128xi32, #tpu.memory_space<vmem>> -> memref<128xi32, #tpu.memory_space<vmem>>
        %dma_start3A_216 = arith.constant 0 : i32
        %dma_start3A_217 = arith.constant 0 : i32
        %dma_start3A_218 = tpu.memref_slice %arg16[%dma_start3A_216, %dma_start3A_217] : memref<10240x64xf32, #tpu.memory_space<vmem_shared>> -> memref<10240x64xf32, #tpu.memory_space<vmem_shared>>
        tpu.enqueue_indirect_dma source(%arg13 : memref<128x64xf32, #tpu.memory_space<vmem>>) target(%dma_start3A_218 : memref<10240x64xf32, #tpu.memory_space<vmem_shared>>) offsets(%dma_start3A_215 : memref<128xi32, #tpu.memory_space<vmem>>) semaphore(%run_scoped3A : memref<!tpu.dma_semaphore, #tpu.memory_space<semaphore_mem>>) {add = true}
        %dma_wait3A_219 = arith.constant 0 : i32
        %dma_wait3A_220 = tpu.memref_slice %arg7[%add3A_165, %dma_wait3A_219] : memref<80x128xi32, #tpu.memory_space<vmem>> -> memref<1x128xi32, #tpu.memory_space<vmem>>
        %dma_wait3A_221 = tpu.memref_squeeze %dma_wait3A_220 : memref<1x128xi32, #tpu.memory_space<vmem>> -> memref<128xi32, #tpu.memory_space<vmem>>
        %dma_wait3A_222 = arith.constant 0 : i32
        %dma_wait3A_223 = arith.constant 0 : i32
        %dma_wait3A_224 = tpu.memref_slice %arg16[%dma_wait3A_222, %dma_wait3A_223] : memref<10240x64xf32, #tpu.memory_space<vmem_shared>> -> memref<10240x64xf32, #tpu.memory_space<vmem_shared>>
        tpu.wait_indirect_dma semaphore(%run_scoped3A : memref<!tpu.dma_semaphore, #tpu.memory_space<semaphore_mem>>) src(%arg13 : memref<128x64xf32, #tpu.memory_space<vmem>>) dst(%dma_wait3A_224 : memref<10240x64xf32, #tpu.memory_space<vmem_shared>>)
        tpu.yield
      }) : () -> ()
      %add3A_172 = arith.constant 8 : i32
      %add3A_173 = arith.addi %add3A_165, %add3A_172 : i32
      %lt3A_174 = arith.constant 80 : i32
      %lt3A_175 = arith.cmpi slt, %add3A_173, %lt3A_174 : i32
      %convert_element_type3A_176 = arith.extui %lt3A_175 : i1 to i32
      %cond3A_177 = arith.constant 0 : i32
      %cond3A_178 = arith.cmpi ne, %convert_element_type3A_176, %cond3A_177 : i32
      scf.if %cond3A_178 {
        %add3A_213 = arith.constant 8 : i32
        %add3A_214 = arith.addi %add3A_165, %add3A_213 : i32
        %dma_start3A_215 = arith.constant 0 : i32
        %dma_start3A_216 = tpu.memref_slice %arg6[%add3A_214, %dma_start3A_215] : memref<80x128xi32, #tpu.memory_space<vmem>> -> memref<1x128xi32, #tpu.memory_space<vmem>>
        %dma_start3A_217 = tpu.memref_squeeze %dma_start3A_216 : memref<1x128xi32, #tpu.memory_space<vmem>> -> memref<128xi32, #tpu.memory_space<vmem>>
        %dma_start3A_218 = arith.constant 0 : i32
        %dma_start3A_219 = arith.constant 0 : i32
        %dma_start3A_220 = tpu.memref_slice %arg2[%dma_start3A_218, %dma_start3A_219] : memref<10000x64xf32, #tpu.memory_space<hbm>> -> memref<10000x64xf32, #tpu.memory_space<hbm>>
        tpu.enqueue_indirect_dma source(%dma_start3A_220 : memref<10000x64xf32, #tpu.memory_space<hbm>>) target(%arg13 : memref<128x64xf32, #tpu.memory_space<vmem>>) offsets(%dma_start3A_217 : memref<128xi32, #tpu.memory_space<vmem>>) semaphore(%arg22 : memref<!tpu.dma_semaphore, #tpu.memory_space<semaphore_mem>>)
      } else {
      }
      %mul3A_179 = arith.constant 8 : i32
      %mul3A_180 = arith.muli %scan3A_80, %mul3A_179 : i32
      %add3A_181 = arith.constant 6 : i32
      %add3A_182 = arith.addi %mul3A_180, %add3A_181 : i32
      %dma_wait3A_183 = arith.constant 0 : i32
      %dma_wait3A_184 = tpu.memref_slice %arg6[%add3A_182, %dma_wait3A_183] : memref<80x128xi32, #tpu.memory_space<vmem>> -> memref<1x128xi32, #tpu.memory_space<vmem>>
      %dma_wait3A_185 = tpu.memref_squeeze %dma_wait3A_184 : memref<1x128xi32, #tpu.memory_space<vmem>> -> memref<128xi32, #tpu.memory_space<vmem>>
      %dma_wait3A_186 = arith.constant 0 : i32
      %dma_wait3A_187 = arith.constant 0 : i32
      %dma_wait3A_188 = tpu.memref_slice %arg2[%dma_wait3A_186, %dma_wait3A_187] : memref<10000x64xf32, #tpu.memory_space<hbm>> -> memref<10000x64xf32, #tpu.memory_space<hbm>>
      tpu.wait_indirect_dma semaphore(%arg23 : memref<!tpu.dma_semaphore, #tpu.memory_space<semaphore_mem>>) src(%dma_wait3A_188 : memref<10000x64xf32, #tpu.memory_space<hbm>>) dst(%arg14 : memref<128x64xf32, #tpu.memory_space<vmem>>)
      "tpu.region"() ({
        %run_scoped3A = tpu.sem_alloc : memref<!tpu.dma_semaphore, #tpu.memory_space<semaphore_mem>>
        %dma_start3A_213 = arith.constant 0 : i32
        %dma_start3A_214 = tpu.memref_slice %arg7[%add3A_182, %dma_start3A_213] : memref<80x128xi32, #tpu.memory_space<vmem>> -> memref<1x128xi32, #tpu.memory_space<vmem>>
        %dma_start3A_215 = tpu.memref_squeeze %dma_start3A_214 : memref<1x128xi32, #tpu.memory_space<vmem>> -> memref<128xi32, #tpu.memory_space<vmem>>
        %dma_start3A_216 = arith.constant 0 : i32
        %dma_start3A_217 = arith.constant 0 : i32
        %dma_start3A_218 = tpu.memref_slice %arg16[%dma_start3A_216, %dma_start3A_217] : memref<10240x64xf32, #tpu.memory_space<vmem_shared>> -> memref<10240x64xf32, #tpu.memory_space<vmem_shared>>
        tpu.enqueue_indirect_dma source(%arg14 : memref<128x64xf32, #tpu.memory_space<vmem>>) target(%dma_start3A_218 : memref<10240x64xf32, #tpu.memory_space<vmem_shared>>) offsets(%dma_start3A_215 : memref<128xi32, #tpu.memory_space<vmem>>) semaphore(%run_scoped3A : memref<!tpu.dma_semaphore, #tpu.memory_space<semaphore_mem>>) {add = true}
        %dma_wait3A_219 = arith.constant 0 : i32
        %dma_wait3A_220 = tpu.memref_slice %arg7[%add3A_182, %dma_wait3A_219] : memref<80x128xi32, #tpu.memory_space<vmem>> -> memref<1x128xi32, #tpu.memory_space<vmem>>
        %dma_wait3A_221 = tpu.memref_squeeze %dma_wait3A_220 : memref<1x128xi32, #tpu.memory_space<vmem>> -> memref<128xi32, #tpu.memory_space<vmem>>
        %dma_wait3A_222 = arith.constant 0 : i32
        %dma_wait3A_223 = arith.constant 0 : i32
        %dma_wait3A_224 = tpu.memref_slice %arg16[%dma_wait3A_222, %dma_wait3A_223] : memref<10240x64xf32, #tpu.memory_space<vmem_shared>> -> memref<10240x64xf32, #tpu.memory_space<vmem_shared>>
        tpu.wait_indirect_dma semaphore(%run_scoped3A : memref<!tpu.dma_semaphore, #tpu.memory_space<semaphore_mem>>) src(%arg14 : memref<128x64xf32, #tpu.memory_space<vmem>>) dst(%dma_wait3A_224 : memref<10240x64xf32, #tpu.memory_space<vmem_shared>>)
        tpu.yield
      }) : () -> ()
      %add3A_189 = arith.constant 8 : i32
      %add3A_190 = arith.addi %add3A_182, %add3A_189 : i32
      %lt3A_191 = arith.constant 80 : i32
      %lt3A_192 = arith.cmpi slt, %add3A_190, %lt3A_191 : i32
      %convert_element_type3A_193 = arith.extui %lt3A_192 : i1 to i32
      %cond3A_194 = arith.constant 0 : i32
      %cond3A_195 = arith.cmpi ne, %convert_element_type3A_193, %cond3A_194 : i32
      scf.if %cond3A_195 {
        %add3A_213 = arith.constant 8 : i32
        %add3A_214 = arith.addi %add3A_182, %add3A_213 : i32
        %dma_start3A_215 = arith.constant 0 : i32
        %dma_start3A_216 = tpu.memref_slice %arg6[%add3A_214, %dma_start3A_215] : memref<80x128xi32, #tpu.memory_space<vmem>> -> memref<1x128xi32, #tpu.memory_space<vmem>>
        %dma_start3A_217 = tpu.memref_squeeze %dma_start3A_216 : memref<1x128xi32, #tpu.memory_space<vmem>> -> memref<128xi32, #tpu.memory_space<vmem>>
        %dma_start3A_218 = arith.constant 0 : i32
        %dma_start3A_219 = arith.constant 0 : i32
        %dma_start3A_220 = tpu.memref_slice %arg2[%dma_start3A_218, %dma_start3A_219] : memref<10000x64xf32, #tpu.memory_space<hbm>> -> memref<10000x64xf32, #tpu.memory_space<hbm>>
        tpu.enqueue_indirect_dma source(%dma_start3A_220 : memref<10000x64xf32, #tpu.memory_space<hbm>>) target(%arg14 : memref<128x64xf32, #tpu.memory_space<vmem>>) offsets(%dma_start3A_217 : memref<128xi32, #tpu.memory_space<vmem>>) semaphore(%arg23 : memref<!tpu.dma_semaphore, #tpu.memory_space<semaphore_mem>>)
      } else {
      }
      %mul3A_196 = arith.constant 8 : i32
      %mul3A_197 = arith.muli %scan3A_80, %mul3A_196 : i32
      %add3A_198 = arith.constant 7 : i32
      %add3A_199 = arith.addi %mul3A_197, %add3A_198 : i32
      %dma_wait3A_200 = arith.constant 0 : i32
      %dma_wait3A_201 = tpu.memref_slice %arg6[%add3A_199, %dma_wait3A_200] : memref<80x128xi32, #tpu.memory_space<vmem>> -> memref<1x128xi32, #tpu.memory_space<vmem>>
      %dma_wait3A_202 = tpu.memref_squeeze %dma_wait3A_201 : memref<1x128xi32, #tpu.memory_space<vmem>> -> memref<128xi32, #tpu.memory_space<vmem>>
      %dma_wait3A_203 = arith.constant 0 : i32
      %dma_wait3A_204 = arith.constant 0 : i32
      %dma_wait3A_205 = tpu.memref_slice %arg2[%dma_wait3A_203, %dma_wait3A_204] : memref<10000x64xf32, #tpu.memory_space<hbm>> -> memref<10000x64xf32, #tpu.memory_space<hbm>>
      tpu.wait_indirect_dma semaphore(%arg24 : memref<!tpu.dma_semaphore, #tpu.memory_space<semaphore_mem>>) src(%dma_wait3A_205 : memref<10000x64xf32, #tpu.memory_space<hbm>>) dst(%arg15 : memref<128x64xf32, #tpu.memory_space<vmem>>)
      "tpu.region"() ({
        %run_scoped3A = tpu.sem_alloc : memref<!tpu.dma_semaphore, #tpu.memory_space<semaphore_mem>>
        %dma_start3A_213 = arith.constant 0 : i32
        %dma_start3A_214 = tpu.memref_slice %arg7[%add3A_199, %dma_start3A_213] : memref<80x128xi32, #tpu.memory_space<vmem>> -> memref<1x128xi32, #tpu.memory_space<vmem>>
        %dma_start3A_215 = tpu.memref_squeeze %dma_start3A_214 : memref<1x128xi32, #tpu.memory_space<vmem>> -> memref<128xi32, #tpu.memory_space<vmem>>
        %dma_start3A_216 = arith.constant 0 : i32
        %dma_start3A_217 = arith.constant 0 : i32
        %dma_start3A_218 = tpu.memref_slice %arg16[%dma_start3A_216, %dma_start3A_217] : memref<10240x64xf32, #tpu.memory_space<vmem_shared>> -> memref<10240x64xf32, #tpu.memory_space<vmem_shared>>
        tpu.enqueue_indirect_dma source(%arg15 : memref<128x64xf32, #tpu.memory_space<vmem>>) target(%dma_start3A_218 : memref<10240x64xf32, #tpu.memory_space<vmem_shared>>) offsets(%dma_start3A_215 : memref<128xi32, #tpu.memory_space<vmem>>) semaphore(%run_scoped3A : memref<!tpu.dma_semaphore, #tpu.memory_space<semaphore_mem>>) {add = true}
        %dma_wait3A_219 = arith.constant 0 : i32
        %dma_wait3A_220 = tpu.memref_slice %arg7[%add3A_199, %dma_wait3A_219] : memref<80x128xi32, #tpu.memory_space<vmem>> -> memref<1x128xi32, #tpu.memory_space<vmem>>
        %dma_wait3A_221 = tpu.memref_squeeze %dma_wait3A_220 : memref<1x128xi32, #tpu.memory_space<vmem>> -> memref<128xi32, #tpu.memory_space<vmem>>
        %dma_wait3A_222 = arith.constant 0 : i32
        %dma_wait3A_223 = arith.constant 0 : i32
        %dma_wait3A_224 = tpu.memref_slice %arg16[%dma_wait3A_222, %dma_wait3A_223] : memref<10240x64xf32, #tpu.memory_space<vmem_shared>> -> memref<10240x64xf32, #tpu.memory_space<vmem_shared>>
        tpu.wait_indirect_dma semaphore(%run_scoped3A : memref<!tpu.dma_semaphore, #tpu.memory_space<semaphore_mem>>) src(%arg15 : memref<128x64xf32, #tpu.memory_space<vmem>>) dst(%dma_wait3A_224 : memref<10240x64xf32, #tpu.memory_space<vmem_shared>>)
        tpu.yield
      }) : () -> ()
      %add3A_206 = arith.constant 8 : i32
      %add3A_207 = arith.addi %add3A_199, %add3A_206 : i32
      %lt3A_208 = arith.constant 80 : i32
      %lt3A_209 = arith.cmpi slt, %add3A_207, %lt3A_208 : i32
      %convert_element_type3A_210 = arith.extui %lt3A_209 : i1 to i32
      %cond3A_211 = arith.constant 0 : i32
      %cond3A_212 = arith.cmpi ne, %convert_element_type3A_210, %cond3A_211 : i32
      scf.if %cond3A_212 {
        %add3A_213 = arith.constant 8 : i32
        %add3A_214 = arith.addi %add3A_199, %add3A_213 : i32
        %dma_start3A_215 = arith.constant 0 : i32
        %dma_start3A_216 = tpu.memref_slice %arg6[%add3A_214, %dma_start3A_215] : memref<80x128xi32, #tpu.memory_space<vmem>> -> memref<1x128xi32, #tpu.memory_space<vmem>>
        %dma_start3A_217 = tpu.memref_squeeze %dma_start3A_216 : memref<1x128xi32, #tpu.memory_space<vmem>> -> memref<128xi32, #tpu.memory_space<vmem>>
        %dma_start3A_218 = arith.constant 0 : i32
        %dma_start3A_219 = arith.constant 0 : i32
        %dma_start3A_220 = tpu.memref_slice %arg2[%dma_start3A_218, %dma_start3A_219] : memref<10000x64xf32, #tpu.memory_space<hbm>> -> memref<10000x64xf32, #tpu.memory_space<hbm>>
        tpu.enqueue_indirect_dma source(%dma_start3A_220 : memref<10000x64xf32, #tpu.memory_space<hbm>>) target(%arg15 : memref<128x64xf32, #tpu.memory_space<vmem>>) offsets(%dma_start3A_217 : memref<128xi32, #tpu.memory_space<vmem>>) semaphore(%arg24 : memref<!tpu.dma_semaphore, #tpu.memory_space<semaphore_mem>>)
      } else {
      }
    }
    %scan3A_78 = arith.constant 10 : i32
    %barrier3A_79 = arith.constant 0 : index
    tpu.barrier barrier_id(%barrier3A_79)
    "tpu.region"() ({
      %run_scoped3A = tpu.sem_alloc : memref<!tpu.dma_semaphore, #tpu.memory_space<semaphore_mem>>
      %dma_start3A_80 = arith.constant 0 : i32
      %dma_start3A_81 = tpu.memref_slice %arg5[%arg0, %multiple_of3A, %dma_start3A_80] : memref<2x10240x64xf32, #tpu.memory_space<hbm>> -> memref<1x640x64xf32, #tpu.memory_space<hbm>>
      %dma_start3A_82 = tpu.memref_squeeze %dma_start3A_81 : memref<1x640x64xf32, #tpu.memory_space<hbm>> -> memref<640x64xf32, #tpu.memory_space<hbm>>
      %dma_start3A_83 = arith.constant 0 : i32
      %dma_start3A_84 = tpu.memref_slice %arg16[%multiple_of3A, %dma_start3A_83] : memref<10240x64xf32, #tpu.memory_space<vmem_shared>> -> memref<640x64xf32, #tpu.memory_space<vmem_shared>>
      tpu.enqueue_dma source(%dma_start3A_84 : memref<640x64xf32, #tpu.memory_space<vmem_shared>>) target(%dma_start3A_82 : memref<640x64xf32, #tpu.memory_space<hbm>>) target_semaphore(%run_scoped3A : memref<!tpu.dma_semaphore, #tpu.memory_space<semaphore_mem>>)
      %dma_wait3A = arith.constant 0 : i32
      %dma_wait3A_85 = tpu.memref_slice %arg5[%arg0, %multiple_of3A, %dma_wait3A] : memref<2x10240x64xf32, #tpu.memory_space<hbm>> -> memref<1x640x64xf32, #tpu.memory_space<hbm>>
      %dma_wait3A_86 = tpu.memref_squeeze %dma_wait3A_85 : memref<1x640x64xf32, #tpu.memory_space<hbm>> -> memref<640x64xf32, #tpu.memory_space<hbm>>
      %dma_wait3A_87 = arith.constant 0 : i32
      %dma_wait3A_88 = tpu.memref_slice %arg16[%multiple_of3A, %dma_wait3A_87] : memref<10240x64xf32, #tpu.memory_space<vmem_shared>> -> memref<640x64xf32, #tpu.memory_space<vmem_shared>>
      tpu.wait_dma2 semaphore(%run_scoped3A : memref<!tpu.dma_semaphore, #tpu.memory_space<semaphore_mem>>) src(%dma_wait3A_88 : memref<640x64xf32, #tpu.memory_space<vmem_shared>>) dst(%dma_wait3A_86 : memref<640x64xf32, #tpu.memory_space<hbm>>)
      tpu.yield
    }) : () -> ()
    return
  }
}

#map = affine_map<(d0, d1) -> (0, 0)>
#map1 = affine_map<(d0, d1) -> (0, 0, 0)>
module attributes {stable_mosaic.version = 14 : i64} {
  func.func @segsum(%arg0: i32, %arg1: i32, %arg2: memref<10000x32xf32, #tpu.memory_space<hbm>>, %arg3: memref<32x80x128xi32, #tpu.memory_space<hbm>>, %arg4: memref<32x80x128xi32, #tpu.memory_space<hbm>>, %arg5: memref<2x10240x32xf32, #tpu.memory_space<hbm>>, %arg6: memref<80x128xi32, #tpu.memory_space<vmem>>, %arg7: memref<80x128xi32, #tpu.memory_space<vmem>>, %arg8: memref<128x32xf32, #tpu.memory_space<vmem>>, %arg9: memref<128x32xf32, #tpu.memory_space<vmem>>, %arg10: memref<128x32xf32, #tpu.memory_space<vmem>>, %arg11: memref<128x32xf32, #tpu.memory_space<vmem>>, %arg12: memref<128x32xf32, #tpu.memory_space<vmem>>, %arg13: memref<128x32xf32, #tpu.memory_space<vmem>>, %arg14: memref<128x32xf32, #tpu.memory_space<vmem>>, %arg15: memref<128x32xf32, #tpu.memory_space<vmem>>, %arg16: memref<10240x32xf32, #tpu.memory_space<vmem_shared>>, %arg17: memref<!tpu.dma_semaphore, #tpu.memory_space<semaphore_mem>>, %arg18: memref<!tpu.dma_semaphore, #tpu.memory_space<semaphore_mem>>, %arg19: memref<!tpu.dma_semaphore, #tpu.memory_space<semaphore_mem>>, %arg20: memref<!tpu.dma_semaphore, #tpu.memory_space<semaphore_mem>>, %arg21: memref<!tpu.dma_semaphore, #tpu.memory_space<semaphore_mem>>, %arg22: memref<!tpu.dma_semaphore, #tpu.memory_space<semaphore_mem>>, %arg23: memref<!tpu.dma_semaphore, #tpu.memory_space<semaphore_mem>>, %arg24: memref<!tpu.dma_semaphore, #tpu.memory_space<semaphore_mem>>) attributes {dimension_semantics = [#tpu.dimension_semantics<core_parallel>, #tpu.dimension_semantics<subcore_parallel>], iteration_bounds = array<i64: 2, 16>, scalar_prefetch = 0 : i64, scratch_operands = 19 : i64, tpu.core_type = #tpu.core_type<sc_vector_subcore>, window_params = [{transform_indices = #map}, {transform_indices = #map1}, {transform_indices = #map1}, {transform_indices = #map1}]} {
    %mul3A = arith.constant 16 : i32
    %mul3A_0 = arith.muli %arg0, %mul3A : i32
    %add3A = arith.addi %mul3A_0, %arg1 : i32
    "tpu.region"() ({
      %run_scoped3A = tpu.sem_alloc : memref<!tpu.dma_semaphore, #tpu.memory_space<semaphore_mem>>
      %dma_start3A_80 = arith.constant 0 : i32
      %dma_start3A_81 = arith.constant 0 : i32
      %dma_start3A_82 = tpu.memref_slice %arg3[%add3A, %dma_start3A_80, %dma_start3A_81] : memref<32x80x128xi32, #tpu.memory_space<hbm>> -> memref<1x80x128xi32, #tpu.memory_space<hbm>>
      %dma_start3A_83 = tpu.memref_squeeze %dma_start3A_82 : memref<1x80x128xi32, #tpu.memory_space<hbm>> -> memref<80x128xi32, #tpu.memory_space<hbm>>
      %dma_start3A_84 = arith.constant 0 : i32
      %dma_start3A_85 = arith.constant 0 : i32
      %dma_start3A_86 = tpu.memref_slice %arg3[%add3A, %dma_start3A_84, %dma_start3A_85] : memref<32x80x128xi32, #tpu.memory_space<hbm>> -> memref<1x80x128xi32, #tpu.memory_space<hbm>>
      %dma_start3A_87 = tpu.memref_squeeze %dma_start3A_86 : memref<1x80x128xi32, #tpu.memory_space<hbm>> -> memref<80x128xi32, #tpu.memory_space<hbm>>
      tpu.enqueue_dma source(%dma_start3A_87 : memref<80x128xi32, #tpu.memory_space<hbm>>) target(%arg6 : memref<80x128xi32, #tpu.memory_space<vmem>>) target_semaphore(%run_scoped3A : memref<!tpu.dma_semaphore, #tpu.memory_space<semaphore_mem>>)
      %dma_wait3A = arith.constant 0 : i32
      %dma_wait3A_88 = arith.constant 0 : i32
      %dma_wait3A_89 = tpu.memref_slice %arg3[%add3A, %dma_wait3A, %dma_wait3A_88] : memref<32x80x128xi32, #tpu.memory_space<hbm>> -> memref<1x80x128xi32, #tpu.memory_space<hbm>>
      %dma_wait3A_90 = tpu.memref_squeeze %dma_wait3A_89 : memref<1x80x128xi32, #tpu.memory_space<hbm>> -> memref<80x128xi32, #tpu.memory_space<hbm>>
      %dma_wait3A_91 = arith.constant 0 : i32
      %dma_wait3A_92 = arith.constant 0 : i32
      %dma_wait3A_93 = tpu.memref_slice %arg3[%add3A, %dma_wait3A_91, %dma_wait3A_92] : memref<32x80x128xi32, #tpu.memory_space<hbm>> -> memref<1x80x128xi32, #tpu.memory_space<hbm>>
      %dma_wait3A_94 = tpu.memref_squeeze %dma_wait3A_93 : memref<1x80x128xi32, #tpu.memory_space<hbm>> -> memref<80x128xi32, #tpu.memory_space<hbm>>
      tpu.wait_dma2 semaphore(%run_scoped3A : memref<!tpu.dma_semaphore, #tpu.memory_space<semaphore_mem>>) src(%dma_wait3A_94 : memref<80x128xi32, #tpu.memory_space<hbm>>) dst(%arg6 : memref<80x128xi32, #tpu.memory_space<vmem>>)
      tpu.yield
    }) : () -> ()
    "tpu.region"() ({
      %run_scoped3A = tpu.sem_alloc : memref<!tpu.dma_semaphore, #tpu.memory_space<semaphore_mem>>
      %dma_start3A_80 = arith.constant 0 : i32
      %dma_start3A_81 = arith.constant 0 : i32
      %dma_start3A_82 = tpu.memref_slice %arg4[%add3A, %dma_start3A_80, %dma_start3A_81] : memref<32x80x128xi32, #tpu.memory_space<hbm>> -> memref<1x80x128xi32, #tpu.memory_space<hbm>>
      %dma_start3A_83 = tpu.memref_squeeze %dma_start3A_82 : memref<1x80x128xi32, #tpu.memory_space<hbm>> -> memref<80x128xi32, #tpu.memory_space<hbm>>
      %dma_start3A_84 = arith.constant 0 : i32
      %dma_start3A_85 = arith.constant 0 : i32
      %dma_start3A_86 = tpu.memref_slice %arg4[%add3A, %dma_start3A_84, %dma_start3A_85] : memref<32x80x128xi32, #tpu.memory_space<hbm>> -> memref<1x80x128xi32, #tpu.memory_space<hbm>>
      %dma_start3A_87 = tpu.memref_squeeze %dma_start3A_86 : memref<1x80x128xi32, #tpu.memory_space<hbm>> -> memref<80x128xi32, #tpu.memory_space<hbm>>
      tpu.enqueue_dma source(%dma_start3A_87 : memref<80x128xi32, #tpu.memory_space<hbm>>) target(%arg7 : memref<80x128xi32, #tpu.memory_space<vmem>>) target_semaphore(%run_scoped3A : memref<!tpu.dma_semaphore, #tpu.memory_space<semaphore_mem>>)
      %dma_wait3A = arith.constant 0 : i32
      %dma_wait3A_88 = arith.constant 0 : i32
      %dma_wait3A_89 = tpu.memref_slice %arg4[%add3A, %dma_wait3A, %dma_wait3A_88] : memref<32x80x128xi32, #tpu.memory_space<hbm>> -> memref<1x80x128xi32, #tpu.memory_space<hbm>>
      %dma_wait3A_90 = tpu.memref_squeeze %dma_wait3A_89 : memref<1x80x128xi32, #tpu.memory_space<hbm>> -> memref<80x128xi32, #tpu.memory_space<hbm>>
      %dma_wait3A_91 = arith.constant 0 : i32
      %dma_wait3A_92 = arith.constant 0 : i32
      %dma_wait3A_93 = tpu.memref_slice %arg4[%add3A, %dma_wait3A_91, %dma_wait3A_92] : memref<32x80x128xi32, #tpu.memory_space<hbm>> -> memref<1x80x128xi32, #tpu.memory_space<hbm>>
      %dma_wait3A_94 = tpu.memref_squeeze %dma_wait3A_93 : memref<1x80x128xi32, #tpu.memory_space<hbm>> -> memref<80x128xi32, #tpu.memory_space<hbm>>
      tpu.wait_dma2 semaphore(%run_scoped3A : memref<!tpu.dma_semaphore, #tpu.memory_space<semaphore_mem>>) src(%dma_wait3A_94 : memref<80x128xi32, #tpu.memory_space<hbm>>) dst(%arg7 : memref<80x128xi32, #tpu.memory_space<vmem>>)
      tpu.yield
    }) : () -> ()
    %scan3A = arith.constant 0 : i32
    %scan3A_1 = arith.constant 0 : i32
    %scan3A_2 = arith.constant 32 : i32
    %scan3A_3 = arith.addi %scan3A_1, %scan3A_2 : i32
    %scan3A_4 = arith.constant 1 : i32
    scf.for %scan3A_80 = %scan3A_1 to %scan3A_3 step %scan3A_4  : i32 {
      %broadcast_in_dim3A = arith.constant 0.000000e+00 : f32
      %broadcast_in_dim3A_81 = vector.broadcast %broadcast_in_dim3A : f32 to vector<16xf32>
      %mul3A_82 = arith.constant 4 : i32
      %mul3A_83 = arith.muli %scan3A_80, %mul3A_82 : i32
      %add3A_84 = arith.constant 0 : i32
      %add3A_85 = arith.addi %mul3A_83, %add3A_84 : i32
      %swap3A = arith.index_cast %add3A_85 : i32 to index
      %swap3A_86 = arith.constant 0 : index
      %swap3A_87 = tpu.vector_load %arg8[%swap3A, %swap3A_86] {strides = array<i32>} : memref<128x32xf32, #tpu.memory_space<vmem>>, vector<1x16xf32>,
      %swap3A_88 = vector.shape_cast %swap3A_87 : vector<1x16xf32> to vector<16xf32>
      %swap3A_89 = vector.shape_cast %broadcast_in_dim3A_81 : vector<16xf32> to vector<1x16xf32>
      tpu.vector_store %arg8[%swap3A, %swap3A_86], %swap3A_89 {strides = array<i32>} : memref<128x32xf32, #tpu.memory_space<vmem>>, vector<1x16xf32>,
      %broadcast_in_dim3A_90 = arith.constant 0.000000e+00 : f32
      %broadcast_in_dim3A_91 = vector.broadcast %broadcast_in_dim3A_90 : f32 to vector<16xf32>
      %mul3A_92 = arith.constant 4 : i32
      %mul3A_93 = arith.muli %scan3A_80, %mul3A_92 : i32
      %add3A_94 = arith.constant 0 : i32
      %add3A_95 = arith.addi %mul3A_93, %add3A_94 : i32
      %swap3A_96 = arith.index_cast %add3A_95 : i32 to index
      %swap3A_97 = arith.constant 16 : index
      %swap3A_98 = tpu.vector_load %arg8[%swap3A_96, %swap3A_97] {strides = array<i32>} : memref<128x32xf32, #tpu.memory_space<vmem>>, vector<1x16xf32>,
      %swap3A_99 = vector.shape_cast %swap3A_98 : vector<1x16xf32> to vector<16xf32>
      %swap3A_100 = vector.shape_cast %broadcast_in_dim3A_91 : vector<16xf32> to vector<1x16xf32>
      tpu.vector_store %arg8[%swap3A_96, %swap3A_97], %swap3A_100 {strides = array<i32>} : memref<128x32xf32, #tpu.memory_space<vmem>>, vector<1x16xf32>,
      %broadcast_in_dim3A_101 = arith.constant 0.000000e+00 : f32
      %broadcast_in_dim3A_102 = vector.broadcast %broadcast_in_dim3A_101 : f32 to vector<16xf32>
      %mul3A_103 = arith.constant 4 : i32
      %mul3A_104 = arith.muli %scan3A_80, %mul3A_103 : i32
      %add3A_105 = arith.constant 1 : i32
      %add3A_106 = arith.addi %mul3A_104, %add3A_105 : i32
      %swap3A_107 = arith.index_cast %add3A_106 : i32 to index
      %swap3A_108 = arith.constant 0 : index
      %swap3A_109 = tpu.vector_load %arg8[%swap3A_107, %swap3A_108] {strides = array<i32>} : memref<128x32xf32, #tpu.memory_space<vmem>>, vector<1x16xf32>,
      %swap3A_110 = vector.shape_cast %swap3A_109 : vector<1x16xf32> to vector<16xf32>
      %swap3A_111 = vector.shape_cast %broadcast_in_dim3A_102 : vector<16xf32> to vector<1x16xf32>
      tpu.vector_store %arg8[%swap3A_107, %swap3A_108], %swap3A_111 {strides = array<i32>} : memref<128x32xf32, #tpu.memory_space<vmem>>, vector<1x16xf32>,
      %broadcast_in_dim3A_112 = arith.constant 0.000000e+00 : f32
      %broadcast_in_dim3A_113 = vector.broadcast %broadcast_in_dim3A_112 : f32 to vector<16xf32>
      %mul3A_114 = arith.constant 4 : i32
      %mul3A_115 = arith.muli %scan3A_80, %mul3A_114 : i32
      %add3A_116 = arith.constant 1 : i32
      %add3A_117 = arith.addi %mul3A_115, %add3A_116 : i32
      %swap3A_118 = arith.index_cast %add3A_117 : i32 to index
      %swap3A_119 = arith.constant 16 : index
      %swap3A_120 = tpu.vector_load %arg8[%swap3A_118, %swap3A_119] {strides = array<i32>} : memref<128x32xf32, #tpu.memory_space<vmem>>, vector<1x16xf32>,
      %swap3A_121 = vector.shape_cast %swap3A_120 : vector<1x16xf32> to vector<16xf32>
      %swap3A_122 = vector.shape_cast %broadcast_in_dim3A_113 : vector<16xf32> to vector<1x16xf32>
      tpu.vector_store %arg8[%swap3A_118, %swap3A_119], %swap3A_122 {strides = array<i32>} : memref<128x32xf32, #tpu.memory_space<vmem>>, vector<1x16xf32>,
      %broadcast_in_dim3A_123 = arith.constant 0.000000e+00 : f32
      %broadcast_in_dim3A_124 = vector.broadcast %broadcast_in_dim3A_123 : f32 to vector<16xf32>
      %mul3A_125 = arith.constant 4 : i32
      %mul3A_126 = arith.muli %scan3A_80, %mul3A_125 : i32
      %add3A_127 = arith.constant 2 : i32
      %add3A_128 = arith.addi %mul3A_126, %add3A_127 : i32
      %swap3A_129 = arith.index_cast %add3A_128 : i32 to index
      %swap3A_130 = arith.constant 0 : index
      %swap3A_131 = tpu.vector_load %arg8[%swap3A_129, %swap3A_130] {strides = array<i32>} : memref<128x32xf32, #tpu.memory_space<vmem>>, vector<1x16xf32>,
      %swap3A_132 = vector.shape_cast %swap3A_131 : vector<1x16xf32> to vector<16xf32>
      %swap3A_133 = vector.shape_cast %broadcast_in_dim3A_124 : vector<16xf32> to vector<1x16xf32>
      tpu.vector_store %arg8[%swap3A_129, %swap3A_130], %swap3A_133 {strides = array<i32>} : memref<128x32xf32, #tpu.memory_space<vmem>>, vector<1x16xf32>,
      %broadcast_in_dim3A_134 = arith.constant 0.000000e+00 : f32
      %broadcast_in_dim3A_135 = vector.broadcast %broadcast_in_dim3A_134 : f32 to vector<16xf32>
      %mul3A_136 = arith.constant 4 : i32
      %mul3A_137 = arith.muli %scan3A_80, %mul3A_136 : i32
      %add3A_138 = arith.constant 2 : i32
      %add3A_139 = arith.addi %mul3A_137, %add3A_138 : i32
      %swap3A_140 = arith.index_cast %add3A_139 : i32 to index
      %swap3A_141 = arith.constant 16 : index
      %swap3A_142 = tpu.vector_load %arg8[%swap3A_140, %swap3A_141] {strides = array<i32>} : memref<128x32xf32, #tpu.memory_space<vmem>>, vector<1x16xf32>,
      %swap3A_143 = vector.shape_cast %swap3A_142 : vector<1x16xf32> to vector<16xf32>
      %swap3A_144 = vector.shape_cast %broadcast_in_dim3A_135 : vector<16xf32> to vector<1x16xf32>
      tpu.vector_store %arg8[%swap3A_140, %swap3A_141], %swap3A_144 {strides = array<i32>} : memref<128x32xf32, #tpu.memory_space<vmem>>, vector<1x16xf32>,
      %broadcast_in_dim3A_145 = arith.constant 0.000000e+00 : f32
      %broadcast_in_dim3A_146 = vector.broadcast %broadcast_in_dim3A_145 : f32 to vector<16xf32>
      %mul3A_147 = arith.constant 4 : i32
      %mul3A_148 = arith.muli %scan3A_80, %mul3A_147 : i32
      %add3A_149 = arith.constant 3 : i32
      %add3A_150 = arith.addi %mul3A_148, %add3A_149 : i32
      %swap3A_151 = arith.index_cast %add3A_150 : i32 to index
      %swap3A_152 = arith.constant 0 : index
      %swap3A_153 = tpu.vector_load %arg8[%swap3A_151, %swap3A_152] {strides = array<i32>} : memref<128x32xf32, #tpu.memory_space<vmem>>, vector<1x16xf32>,
      %swap3A_154 = vector.shape_cast %swap3A_153 : vector<1x16xf32> to vector<16xf32>
      %swap3A_155 = vector.shape_cast %broadcast_in_dim3A_146 : vector<16xf32> to vector<1x16xf32>
      tpu.vector_store %arg8[%swap3A_151, %swap3A_152], %swap3A_155 {strides = array<i32>} : memref<128x32xf32, #tpu.memory_space<vmem>>, vector<1x16xf32>,
      %broadcast_in_dim3A_156 = arith.constant 0.000000e+00 : f32
      %broadcast_in_dim3A_157 = vector.broadcast %broadcast_in_dim3A_156 : f32 to vector<16xf32>
      %mul3A_158 = arith.constant 4 : i32
      %mul3A_159 = arith.muli %scan3A_80, %mul3A_158 : i32
      %add3A_160 = arith.constant 3 : i32
      %add3A_161 = arith.addi %mul3A_159, %add3A_160 : i32
      %swap3A_162 = arith.index_cast %add3A_161 : i32 to index
      %swap3A_163 = arith.constant 16 : index
      %swap3A_164 = tpu.vector_load %arg8[%swap3A_162, %swap3A_163] {strides = array<i32>} : memref<128x32xf32, #tpu.memory_space<vmem>>, vector<1x16xf32>,
      %swap3A_165 = vector.shape_cast %swap3A_164 : vector<1x16xf32> to vector<16xf32>
      %swap3A_166 = vector.shape_cast %broadcast_in_dim3A_157 : vector<16xf32> to vector<1x16xf32>
      tpu.vector_store %arg8[%swap3A_162, %swap3A_163], %swap3A_166 {strides = array<i32>} : memref<128x32xf32, #tpu.memory_space<vmem>>, vector<1x16xf32>,
    }
    %scan3A_5 = arith.constant 32 : i32
    %mul3A_6 = arith.constant 640 : i32
    %mul3A_7 = arith.muli %arg1, %mul3A_6 : i32
    %multiple_of3A = tpu.assume_multiple %mul3A_7, 8 : i32
    %add3A_8 = arith.constant 0 : i32
    %add3A_9 = arith.addi %multiple_of3A, %add3A_8 : i32
    "tpu.region"() ({
      %run_scoped3A = tpu.sem_alloc : memref<!tpu.dma_semaphore, #tpu.memory_space<semaphore_mem>>
      %dma_start3A_80 = arith.constant 0 : i32
      %dma_start3A_81 = tpu.memref_slice %arg16[%add3A_9, %dma_start3A_80] : memref<10240x32xf32, #tpu.memory_space<vmem_shared>> -> memref<128x32xf32, #tpu.memory_space<vmem_shared>>
      %dma_start3A_82 = arith.constant 0 : i32
      %dma_start3A_83 = tpu.memref_slice %arg16[%add3A_9, %dma_start3A_82] : memref<10240x32xf32, #tpu.memory_space<vmem_shared>> -> memref<128x32xf32, #tpu.memory_space<vmem_shared>>
      tpu.enqueue_dma source(%arg8 : memref<128x32xf32, #tpu.memory_space<vmem>>) target(%dma_start3A_83 : memref<128x32xf32, #tpu.memory_space<vmem_shared>>) target_semaphore(%run_scoped3A : memref<!tpu.dma_semaphore, #tpu.memory_space<semaphore_mem>>)
      %dma_wait3A = arith.constant 0 : i32
      %dma_wait3A_84 = tpu.memref_slice %arg16[%add3A_9, %dma_wait3A] : memref<10240x32xf32, #tpu.memory_space<vmem_shared>> -> memref<128x32xf32, #tpu.memory_space<vmem_shared>>
      %dma_wait3A_85 = arith.constant 0 : i32
      %dma_wait3A_86 = tpu.memref_slice %arg16[%add3A_9, %dma_wait3A_85] : memref<10240x32xf32, #tpu.memory_space<vmem_shared>> -> memref<128x32xf32, #tpu.memory_space<vmem_shared>>
      tpu.wait_dma2 semaphore(%run_scoped3A : memref<!tpu.dma_semaphore, #tpu.memory_space<semaphore_mem>>) src(%arg8 : memref<128x32xf32, #tpu.memory_space<vmem>>) dst(%dma_wait3A_86 : memref<128x32xf32, #tpu.memory_space<vmem_shared>>)
      tpu.yield
    }) : () -> ()
    %add3A_10 = arith.constant 128 : i32
    %add3A_11 = arith.addi %multiple_of3A, %add3A_10 : i32
    "tpu.region"() ({
      %run_scoped3A = tpu.sem_alloc : memref<!tpu.dma_semaphore, #tpu.memory_space<semaphore_mem>>
      %dma_start3A_80 = arith.constant 0 : i32
      %dma_start3A_81 = tpu.memref_slice %arg16[%add3A_11, %dma_start3A_80] : memref<10240x32xf32, #tpu.memory_space<vmem_shared>> -> memref<128x32xf32, #tpu.memory_space<vmem_shared>>
      %dma_start3A_82 = arith.constant 0 : i32
      %dma_start3A_83 = tpu.memref_slice %arg16[%add3A_11, %dma_start3A_82] : memref<10240x32xf32, #tpu.memory_space<vmem_shared>> -> memref<128x32xf32, #tpu.memory_space<vmem_shared>>
      tpu.enqueue_dma source(%arg8 : memref<128x32xf32, #tpu.memory_space<vmem>>) target(%dma_start3A_83 : memref<128x32xf32, #tpu.memory_space<vmem_shared>>) target_semaphore(%run_scoped3A : memref<!tpu.dma_semaphore, #tpu.memory_space<semaphore_mem>>)
      %dma_wait3A = arith.constant 0 : i32
      %dma_wait3A_84 = tpu.memref_slice %arg16[%add3A_11, %dma_wait3A] : memref<10240x32xf32, #tpu.memory_space<vmem_shared>> -> memref<128x32xf32, #tpu.memory_space<vmem_shared>>
      %dma_wait3A_85 = arith.constant 0 : i32
      %dma_wait3A_86 = tpu.memref_slice %arg16[%add3A_11, %dma_wait3A_85] : memref<10240x32xf32, #tpu.memory_space<vmem_shared>> -> memref<128x32xf32, #tpu.memory_space<vmem_shared>>
      tpu.wait_dma2 semaphore(%run_scoped3A : memref<!tpu.dma_semaphore, #tpu.memory_space<semaphore_mem>>) src(%arg8 : memref<128x32xf32, #tpu.memory_space<vmem>>) dst(%dma_wait3A_86 : memref<128x32xf32, #tpu.memory_space<vmem_shared>>)
      tpu.yield
    }) : () -> ()
    %add3A_12 = arith.constant 256 : i32
    %add3A_13 = arith.addi %multiple_of3A, %add3A_12 : i32
    "tpu.region"() ({
      %run_scoped3A = tpu.sem_alloc : memref<!tpu.dma_semaphore, #tpu.memory_space<semaphore_mem>>
      %dma_start3A_80 = arith.constant 0 : i32
      %dma_start3A_81 = tpu.memref_slice %arg16[%add3A_13, %dma_start3A_80] : memref<10240x32xf32, #tpu.memory_space<vmem_shared>> -> memref<128x32xf32, #tpu.memory_space<vmem_shared>>
      %dma_start3A_82 = arith.constant 0 : i32
      %dma_start3A_83 = tpu.memref_slice %arg16[%add3A_13, %dma_start3A_82] : memref<10240x32xf32, #tpu.memory_space<vmem_shared>> -> memref<128x32xf32, #tpu.memory_space<vmem_shared>>
      tpu.enqueue_dma source(%arg8 : memref<128x32xf32, #tpu.memory_space<vmem>>) target(%dma_start3A_83 : memref<128x32xf32, #tpu.memory_space<vmem_shared>>) target_semaphore(%run_scoped3A : memref<!tpu.dma_semaphore, #tpu.memory_space<semaphore_mem>>)
      %dma_wait3A = arith.constant 0 : i32
      %dma_wait3A_84 = tpu.memref_slice %arg16[%add3A_13, %dma_wait3A] : memref<10240x32xf32, #tpu.memory_space<vmem_shared>> -> memref<128x32xf32, #tpu.memory_space<vmem_shared>>
      %dma_wait3A_85 = arith.constant 0 : i32
      %dma_wait3A_86 = tpu.memref_slice %arg16[%add3A_13, %dma_wait3A_85] : memref<10240x32xf32, #tpu.memory_space<vmem_shared>> -> memref<128x32xf32, #tpu.memory_space<vmem_shared>>
      tpu.wait_dma2 semaphore(%run_scoped3A : memref<!tpu.dma_semaphore, #tpu.memory_space<semaphore_mem>>) src(%arg8 : memref<128x32xf32, #tpu.memory_space<vmem>>) dst(%dma_wait3A_86 : memref<128x32xf32, #tpu.memory_space<vmem_shared>>)
      tpu.yield
    }) : () -> ()
    %add3A_14 = arith.constant 384 : i32
    %add3A_15 = arith.addi %multiple_of3A, %add3A_14 : i32
    "tpu.region"() ({
      %run_scoped3A = tpu.sem_alloc : memref<!tpu.dma_semaphore, #tpu.memory_space<semaphore_mem>>
      %dma_start3A_80 = arith.constant 0 : i32
      %dma_start3A_81 = tpu.memref_slice %arg16[%add3A_15, %dma_start3A_80] : memref<10240x32xf32, #tpu.memory_space<vmem_shared>> -> memref<128x32xf32, #tpu.memory_space<vmem_shared>>
      %dma_start3A_82 = arith.constant 0 : i32
      %dma_start3A_83 = tpu.memref_slice %arg16[%add3A_15, %dma_start3A_82] : memref<10240x32xf32, #tpu.memory_space<vmem_shared>> -> memref<128x32xf32, #tpu.memory_space<vmem_shared>>
      tpu.enqueue_dma source(%arg8 : memref<128x32xf32, #tpu.memory_space<vmem>>) target(%dma_start3A_83 : memref<128x32xf32, #tpu.memory_space<vmem_shared>>) target_semaphore(%run_scoped3A : memref<!tpu.dma_semaphore, #tpu.memory_space<semaphore_mem>>)
      %dma_wait3A = arith.constant 0 : i32
      %dma_wait3A_84 = tpu.memref_slice %arg16[%add3A_15, %dma_wait3A] : memref<10240x32xf32, #tpu.memory_space<vmem_shared>> -> memref<128x32xf32, #tpu.memory_space<vmem_shared>>
      %dma_wait3A_85 = arith.constant 0 : i32
      %dma_wait3A_86 = tpu.memref_slice %arg16[%add3A_15, %dma_wait3A_85] : memref<10240x32xf32, #tpu.memory_space<vmem_shared>> -> memref<128x32xf32, #tpu.memory_space<vmem_shared>>
      tpu.wait_dma2 semaphore(%run_scoped3A : memref<!tpu.dma_semaphore, #tpu.memory_space<semaphore_mem>>) src(%arg8 : memref<128x32xf32, #tpu.memory_space<vmem>>) dst(%dma_wait3A_86 : memref<128x32xf32, #tpu.memory_space<vmem_shared>>)
      tpu.yield
    }) : () -> ()
    %add3A_16 = arith.constant 512 : i32
    %add3A_17 = arith.addi %multiple_of3A, %add3A_16 : i32
    "tpu.region"() ({
      %run_scoped3A = tpu.sem_alloc : memref<!tpu.dma_semaphore, #tpu.memory_space<semaphore_mem>>
      %dma_start3A_80 = arith.constant 0 : i32
      %dma_start3A_81 = tpu.memref_slice %arg16[%add3A_17, %dma_start3A_80] : memref<10240x32xf32, #tpu.memory_space<vmem_shared>> -> memref<128x32xf32, #tpu.memory_space<vmem_shared>>
      %dma_start3A_82 = arith.constant 0 : i32
      %dma_start3A_83 = tpu.memref_slice %arg16[%add3A_17, %dma_start3A_82] : memref<10240x32xf32, #tpu.memory_space<vmem_shared>> -> memref<128x32xf32, #tpu.memory_space<vmem_shared>>
      tpu.enqueue_dma source(%arg8 : memref<128x32xf32, #tpu.memory_space<vmem>>) target(%dma_start3A_83 : memref<128x32xf32, #tpu.memory_space<vmem_shared>>) target_semaphore(%run_scoped3A : memref<!tpu.dma_semaphore, #tpu.memory_space<semaphore_mem>>)
      %dma_wait3A = arith.constant 0 : i32
      %dma_wait3A_84 = tpu.memref_slice %arg16[%add3A_17, %dma_wait3A] : memref<10240x32xf32, #tpu.memory_space<vmem_shared>> -> memref<128x32xf32, #tpu.memory_space<vmem_shared>>
      %dma_wait3A_85 = arith.constant 0 : i32
      %dma_wait3A_86 = tpu.memref_slice %arg16[%add3A_17, %dma_wait3A_85] : memref<10240x32xf32, #tpu.memory_space<vmem_shared>> -> memref<128x32xf32, #tpu.memory_space<vmem_shared>>
      tpu.wait_dma2 semaphore(%run_scoped3A : memref<!tpu.dma_semaphore, #tpu.memory_space<semaphore_mem>>) src(%arg8 : memref<128x32xf32, #tpu.memory_space<vmem>>) dst(%dma_wait3A_86 : memref<128x32xf32, #tpu.memory_space<vmem_shared>>)
      tpu.yield
    }) : () -> ()
    %barrier3A = arith.constant 0 : index
    tpu.barrier barrier_id(%barrier3A)
    %dma_start3A = arith.constant 0 : i32
    %dma_start3A_18 = arith.constant 0 : i32
    %dma_start3A_19 = tpu.memref_slice %arg6[%dma_start3A, %dma_start3A_18] : memref<80x128xi32, #tpu.memory_space<vmem>> -> memref<1x128xi32, #tpu.memory_space<vmem>>
    %dma_start3A_20 = tpu.memref_squeeze %dma_start3A_19 : memref<1x128xi32, #tpu.memory_space<vmem>> -> memref<128xi32, #tpu.memory_space<vmem>>
    %dma_start3A_21 = arith.constant 0 : i32
    %dma_start3A_22 = arith.constant 0 : i32
    %dma_start3A_23 = tpu.memref_slice %arg2[%dma_start3A_21, %dma_start3A_22] : memref<10000x32xf32, #tpu.memory_space<hbm>> -> memref<10000x32xf32, #tpu.memory_space<hbm>>
    tpu.enqueue_indirect_dma source(%dma_start3A_23 : memref<10000x32xf32, #tpu.memory_space<hbm>>) target(%arg8 : memref<128x32xf32, #tpu.memory_space<vmem>>) offsets(%dma_start3A_20 : memref<128xi32, #tpu.memory_space<vmem>>) semaphore(%arg17 : memref<!tpu.dma_semaphore, #tpu.memory_space<semaphore_mem>>)
    %dma_start3A_24 = arith.constant 1 : i32
    %dma_start3A_25 = arith.constant 0 : i32
    %dma_start3A_26 = tpu.memref_slice %arg6[%dma_start3A_24, %dma_start3A_25] : memref<80x128xi32, #tpu.memory_space<vmem>> -> memref<1x128xi32, #tpu.memory_space<vmem>>
    %dma_start3A_27 = tpu.memref_squeeze %dma_start3A_26 : memref<1x128xi32, #tpu.memory_space<vmem>> -> memref<128xi32, #tpu.memory_space<vmem>>
    %dma_start3A_28 = arith.constant 0 : i32
    %dma_start3A_29 = arith.constant 0 : i32
    %dma_start3A_30 = tpu.memref_slice %arg2[%dma_start3A_28, %dma_start3A_29] : memref<10000x32xf32, #tpu.memory_space<hbm>> -> memref<10000x32xf32, #tpu.memory_space<hbm>>
    tpu.enqueue_indirect_dma source(%dma_start3A_30 : memref<10000x32xf32, #tpu.memory_space<hbm>>) target(%arg9 : memref<128x32xf32, #tpu.memory_space<vmem>>) offsets(%dma_start3A_27 : memref<128xi32, #tpu.memory_space<vmem>>) semaphore(%arg18 : memref<!tpu.dma_semaphore, #tpu.memory_space<semaphore_mem>>)
    %dma_start3A_31 = arith.constant 2 : i32
    %dma_start3A_32 = arith.constant 0 : i32
    %dma_start3A_33 = tpu.memref_slice %arg6[%dma_start3A_31, %dma_start3A_32] : memref<80x128xi32, #tpu.memory_space<vmem>> -> memref<1x128xi32, #tpu.memory_space<vmem>>
    %dma_start3A_34 = tpu.memref_squeeze %dma_start3A_33 : memref<1x128xi32, #tpu.memory_space<vmem>> -> memref<128xi32, #tpu.memory_space<vmem>>
    %dma_start3A_35 = arith.constant 0 : i32
    %dma_start3A_36 = arith.constant 0 : i32
    %dma_start3A_37 = tpu.memref_slice %arg2[%dma_start3A_35, %dma_start3A_36] : memref<10000x32xf32, #tpu.memory_space<hbm>> -> memref<10000x32xf32, #tpu.memory_space<hbm>>
    tpu.enqueue_indirect_dma source(%dma_start3A_37 : memref<10000x32xf32, #tpu.memory_space<hbm>>) target(%arg10 : memref<128x32xf32, #tpu.memory_space<vmem>>) offsets(%dma_start3A_34 : memref<128xi32, #tpu.memory_space<vmem>>) semaphore(%arg19 : memref<!tpu.dma_semaphore, #tpu.memory_space<semaphore_mem>>)
    %dma_start3A_38 = arith.constant 3 : i32
    %dma_start3A_39 = arith.constant 0 : i32
    %dma_start3A_40 = tpu.memref_slice %arg6[%dma_start3A_38, %dma_start3A_39] : memref<80x128xi32, #tpu.memory_space<vmem>> -> memref<1x128xi32, #tpu.memory_space<vmem>>
    %dma_start3A_41 = tpu.memref_squeeze %dma_start3A_40 : memref<1x128xi32, #tpu.memory_space<vmem>> -> memref<128xi32, #tpu.memory_space<vmem>>
    %dma_start3A_42 = arith.constant 0 : i32
    %dma_start3A_43 = arith.constant 0 : i32
    %dma_start3A_44 = tpu.memref_slice %arg2[%dma_start3A_42, %dma_start3A_43] : memref<10000x32xf32, #tpu.memory_space<hbm>> -> memref<10000x32xf32, #tpu.memory_space<hbm>>
    tpu.enqueue_indirect_dma source(%dma_start3A_44 : memref<10000x32xf32, #tpu.memory_space<hbm>>) target(%arg11 : memref<128x32xf32, #tpu.memory_space<vmem>>) offsets(%dma_start3A_41 : memref<128xi32, #tpu.memory_space<vmem>>) semaphore(%arg20 : memref<!tpu.dma_semaphore, #tpu.memory_space<semaphore_mem>>)
    %dma_start3A_45 = arith.constant 4 : i32
    %dma_start3A_46 = arith.constant 0 : i32
    %dma_start3A_47 = tpu.memref_slice %arg6[%dma_start3A_45, %dma_start3A_46] : memref<80x128xi32, #tpu.memory_space<vmem>> -> memref<1x128xi32, #tpu.memory_space<vmem>>
    %dma_start3A_48 = tpu.memref_squeeze %dma_start3A_47 : memref<1x128xi32, #tpu.memory_space<vmem>> -> memref<128xi32, #tpu.memory_space<vmem>>
    %dma_start3A_49 = arith.constant 0 : i32
    %dma_start3A_50 = arith.constant 0 : i32
    %dma_start3A_51 = tpu.memref_slice %arg2[%dma_start3A_49, %dma_start3A_50] : memref<10000x32xf32, #tpu.memory_space<hbm>> -> memref<10000x32xf32, #tpu.memory_space<hbm>>
    tpu.enqueue_indirect_dma source(%dma_start3A_51 : memref<10000x32xf32, #tpu.memory_space<hbm>>) target(%arg12 : memref<128x32xf32, #tpu.memory_space<vmem>>) offsets(%dma_start3A_48 : memref<128xi32, #tpu.memory_space<vmem>>) semaphore(%arg21 : memref<!tpu.dma_semaphore, #tpu.memory_space<semaphore_mem>>)
    %dma_start3A_52 = arith.constant 5 : i32
    %dma_start3A_53 = arith.constant 0 : i32
    %dma_start3A_54 = tpu.memref_slice %arg6[%dma_start3A_52, %dma_start3A_53] : memref<80x128xi32, #tpu.memory_space<vmem>> -> memref<1x128xi32, #tpu.memory_space<vmem>>
    %dma_start3A_55 = tpu.memref_squeeze %dma_start3A_54 : memref<1x128xi32, #tpu.memory_space<vmem>> -> memref<128xi32, #tpu.memory_space<vmem>>
    %dma_start3A_56 = arith.constant 0 : i32
    %dma_start3A_57 = arith.constant 0 : i32
    %dma_start3A_58 = tpu.memref_slice %arg2[%dma_start3A_56, %dma_start3A_57] : memref<10000x32xf32, #tpu.memory_space<hbm>> -> memref<10000x32xf32, #tpu.memory_space<hbm>>
    tpu.enqueue_indirect_dma source(%dma_start3A_58 : memref<10000x32xf32, #tpu.memory_space<hbm>>) target(%arg13 : memref<128x32xf32, #tpu.memory_space<vmem>>) offsets(%dma_start3A_55 : memref<128xi32, #tpu.memory_space<vmem>>) semaphore(%arg22 : memref<!tpu.dma_semaphore, #tpu.memory_space<semaphore_mem>>)
    %dma_start3A_59 = arith.constant 6 : i32
    %dma_start3A_60 = arith.constant 0 : i32
    %dma_start3A_61 = tpu.memref_slice %arg6[%dma_start3A_59, %dma_start3A_60] : memref<80x128xi32, #tpu.memory_space<vmem>> -> memref<1x128xi32, #tpu.memory_space<vmem>>
    %dma_start3A_62 = tpu.memref_squeeze %dma_start3A_61 : memref<1x128xi32, #tpu.memory_space<vmem>> -> memref<128xi32, #tpu.memory_space<vmem>>
    %dma_start3A_63 = arith.constant 0 : i32
    %dma_start3A_64 = arith.constant 0 : i32
    %dma_start3A_65 = tpu.memref_slice %arg2[%dma_start3A_63, %dma_start3A_64] : memref<10000x32xf32, #tpu.memory_space<hbm>> -> memref<10000x32xf32, #tpu.memory_space<hbm>>
    tpu.enqueue_indirect_dma source(%dma_start3A_65 : memref<10000x32xf32, #tpu.memory_space<hbm>>) target(%arg14 : memref<128x32xf32, #tpu.memory_space<vmem>>) offsets(%dma_start3A_62 : memref<128xi32, #tpu.memory_space<vmem>>) semaphore(%arg23 : memref<!tpu.dma_semaphore, #tpu.memory_space<semaphore_mem>>)
    %dma_start3A_66 = arith.constant 7 : i32
    %dma_start3A_67 = arith.constant 0 : i32
    %dma_start3A_68 = tpu.memref_slice %arg6[%dma_start3A_66, %dma_start3A_67] : memref<80x128xi32, #tpu.memory_space<vmem>> -> memref<1x128xi32, #tpu.memory_space<vmem>>
    %dma_start3A_69 = tpu.memref_squeeze %dma_start3A_68 : memref<1x128xi32, #tpu.memory_space<vmem>> -> memref<128xi32, #tpu.memory_space<vmem>>
    %dma_start3A_70 = arith.constant 0 : i32
    %dma_start3A_71 = arith.constant 0 : i32
    %dma_start3A_72 = tpu.memref_slice %arg2[%dma_start3A_70, %dma_start3A_71] : memref<10000x32xf32, #tpu.memory_space<hbm>> -> memref<10000x32xf32, #tpu.memory_space<hbm>>
    tpu.enqueue_indirect_dma source(%dma_start3A_72 : memref<10000x32xf32, #tpu.memory_space<hbm>>) target(%arg15 : memref<128x32xf32, #tpu.memory_space<vmem>>) offsets(%dma_start3A_69 : memref<128xi32, #tpu.memory_space<vmem>>) semaphore(%arg24 : memref<!tpu.dma_semaphore, #tpu.memory_space<semaphore_mem>>)
    %scan3A_73 = arith.constant 0 : i32
    %scan3A_74 = arith.constant 0 : i32
    %scan3A_75 = arith.constant 10 : i32
    %scan3A_76 = arith.addi %scan3A_74, %scan3A_75 : i32
    %scan3A_77 = arith.constant 1 : i32
    scf.for %scan3A_80 = %scan3A_74 to %scan3A_76 step %scan3A_77  : i32 {
      %mul3A_81 = arith.constant 8 : i32
      %mul3A_82 = arith.muli %scan3A_80, %mul3A_81 : i32
      %add3A_83 = arith.constant 0 : i32
      %add3A_84 = arith.addi %mul3A_82, %add3A_83 : i32
      %dma_wait3A = arith.constant 0 : i32
      %dma_wait3A_85 = tpu.memref_slice %arg6[%add3A_84, %dma_wait3A] : memref<80x128xi32, #tpu.memory_space<vmem>> -> memref<1x128xi32, #tpu.memory_space<vmem>>
      %dma_wait3A_86 = tpu.memref_squeeze %dma_wait3A_85 : memref<1x128xi32, #tpu.memory_space<vmem>> -> memref<128xi32, #tpu.memory_space<vmem>>
      %dma_wait3A_87 = arith.constant 0 : i32
      %dma_wait3A_88 = arith.constant 0 : i32
      %dma_wait3A_89 = tpu.memref_slice %arg2[%dma_wait3A_87, %dma_wait3A_88] : memref<10000x32xf32, #tpu.memory_space<hbm>> -> memref<10000x32xf32, #tpu.memory_space<hbm>>
      tpu.wait_indirect_dma semaphore(%arg17 : memref<!tpu.dma_semaphore, #tpu.memory_space<semaphore_mem>>) src(%dma_wait3A_89 : memref<10000x32xf32, #tpu.memory_space<hbm>>) dst(%arg8 : memref<128x32xf32, #tpu.memory_space<vmem>>)
      "tpu.region"() ({
        %run_scoped3A = tpu.sem_alloc : memref<!tpu.dma_semaphore, #tpu.memory_space<semaphore_mem>>
        %dma_start3A_213 = arith.constant 0 : i32
        %dma_start3A_214 = tpu.memref_slice %arg7[%add3A_84, %dma_start3A_213] : memref<80x128xi32, #tpu.memory_space<vmem>> -> memref<1x128xi32, #tpu.memory_space<vmem>>
        %dma_start3A_215 = tpu.memref_squeeze %dma_start3A_214 : memref<1x128xi32, #tpu.memory_space<vmem>> -> memref<128xi32, #tpu.memory_space<vmem>>
        %dma_start3A_216 = arith.constant 0 : i32
        %dma_start3A_217 = arith.constant 0 : i32
        %dma_start3A_218 = tpu.memref_slice %arg16[%dma_start3A_216, %dma_start3A_217] : memref<10240x32xf32, #tpu.memory_space<vmem_shared>> -> memref<10240x32xf32, #tpu.memory_space<vmem_shared>>
        tpu.enqueue_indirect_dma source(%arg8 : memref<128x32xf32, #tpu.memory_space<vmem>>) target(%dma_start3A_218 : memref<10240x32xf32, #tpu.memory_space<vmem_shared>>) offsets(%dma_start3A_215 : memref<128xi32, #tpu.memory_space<vmem>>) semaphore(%run_scoped3A : memref<!tpu.dma_semaphore, #tpu.memory_space<semaphore_mem>>) {add = true}
        %dma_wait3A_219 = arith.constant 0 : i32
        %dma_wait3A_220 = tpu.memref_slice %arg7[%add3A_84, %dma_wait3A_219] : memref<80x128xi32, #tpu.memory_space<vmem>> -> memref<1x128xi32, #tpu.memory_space<vmem>>
        %dma_wait3A_221 = tpu.memref_squeeze %dma_wait3A_220 : memref<1x128xi32, #tpu.memory_space<vmem>> -> memref<128xi32, #tpu.memory_space<vmem>>
        %dma_wait3A_222 = arith.constant 0 : i32
        %dma_wait3A_223 = arith.constant 0 : i32
        %dma_wait3A_224 = tpu.memref_slice %arg16[%dma_wait3A_222, %dma_wait3A_223] : memref<10240x32xf32, #tpu.memory_space<vmem_shared>> -> memref<10240x32xf32, #tpu.memory_space<vmem_shared>>
        tpu.wait_indirect_dma semaphore(%run_scoped3A : memref<!tpu.dma_semaphore, #tpu.memory_space<semaphore_mem>>) src(%arg8 : memref<128x32xf32, #tpu.memory_space<vmem>>) dst(%dma_wait3A_224 : memref<10240x32xf32, #tpu.memory_space<vmem_shared>>)
        tpu.yield
      }) : () -> ()
      %add3A_90 = arith.constant 8 : i32
      %add3A_91 = arith.addi %add3A_84, %add3A_90 : i32
      %lt3A = arith.constant 80 : i32
      %lt3A_92 = arith.cmpi slt, %add3A_91, %lt3A : i32
      %convert_element_type3A = arith.extui %lt3A_92 : i1 to i32
      %cond3A = arith.constant 0 : i32
      %cond3A_93 = arith.cmpi ne, %convert_element_type3A, %cond3A : i32
      scf.if %cond3A_93 {
        %add3A_213 = arith.constant 8 : i32
        %add3A_214 = arith.addi %add3A_84, %add3A_213 : i32
        %dma_start3A_215 = arith.constant 0 : i32
        %dma_start3A_216 = tpu.memref_slice %arg6[%add3A_214, %dma_start3A_215] : memref<80x128xi32, #tpu.memory_space<vmem>> -> memref<1x128xi32, #tpu.memory_space<vmem>>
        %dma_start3A_217 = tpu.memref_squeeze %dma_start3A_216 : memref<1x128xi32, #tpu.memory_space<vmem>> -> memref<128xi32, #tpu.memory_space<vmem>>
        %dma_start3A_218 = arith.constant 0 : i32
        %dma_start3A_219 = arith.constant 0 : i32
        %dma_start3A_220 = tpu.memref_slice %arg2[%dma_start3A_218, %dma_start3A_219] : memref<10000x32xf32, #tpu.memory_space<hbm>> -> memref<10000x32xf32, #tpu.memory_space<hbm>>
        tpu.enqueue_indirect_dma source(%dma_start3A_220 : memref<10000x32xf32, #tpu.memory_space<hbm>>) target(%arg8 : memref<128x32xf32, #tpu.memory_space<vmem>>) offsets(%dma_start3A_217 : memref<128xi32, #tpu.memory_space<vmem>>) semaphore(%arg17 : memref<!tpu.dma_semaphore, #tpu.memory_space<semaphore_mem>>)
      } else {
      }
      %mul3A_94 = arith.constant 8 : i32
      %mul3A_95 = arith.muli %scan3A_80, %mul3A_94 : i32
      %add3A_96 = arith.constant 1 : i32
      %add3A_97 = arith.addi %mul3A_95, %add3A_96 : i32
      %dma_wait3A_98 = arith.constant 0 : i32
      %dma_wait3A_99 = tpu.memref_slice %arg6[%add3A_97, %dma_wait3A_98] : memref<80x128xi32, #tpu.memory_space<vmem>> -> memref<1x128xi32, #tpu.memory_space<vmem>>
      %dma_wait3A_100 = tpu.memref_squeeze %dma_wait3A_99 : memref<1x128xi32, #tpu.memory_space<vmem>> -> memref<128xi32, #tpu.memory_space<vmem>>
      %dma_wait3A_101 = arith.constant 0 : i32
      %dma_wait3A_102 = arith.constant 0 : i32
      %dma_wait3A_103 = tpu.memref_slice %arg2[%dma_wait3A_101, %dma_wait3A_102] : memref<10000x32xf32, #tpu.memory_space<hbm>> -> memref<10000x32xf32, #tpu.memory_space<hbm>>
      tpu.wait_indirect_dma semaphore(%arg18 : memref<!tpu.dma_semaphore, #tpu.memory_space<semaphore_mem>>) src(%dma_wait3A_103 : memref<10000x32xf32, #tpu.memory_space<hbm>>) dst(%arg9 : memref<128x32xf32, #tpu.memory_space<vmem>>)
      "tpu.region"() ({
        %run_scoped3A = tpu.sem_alloc : memref<!tpu.dma_semaphore, #tpu.memory_space<semaphore_mem>>
        %dma_start3A_213 = arith.constant 0 : i32
        %dma_start3A_214 = tpu.memref_slice %arg7[%add3A_97, %dma_start3A_213] : memref<80x128xi32, #tpu.memory_space<vmem>> -> memref<1x128xi32, #tpu.memory_space<vmem>>
        %dma_start3A_215 = tpu.memref_squeeze %dma_start3A_214 : memref<1x128xi32, #tpu.memory_space<vmem>> -> memref<128xi32, #tpu.memory_space<vmem>>
        %dma_start3A_216 = arith.constant 0 : i32
        %dma_start3A_217 = arith.constant 0 : i32
        %dma_start3A_218 = tpu.memref_slice %arg16[%dma_start3A_216, %dma_start3A_217] : memref<10240x32xf32, #tpu.memory_space<vmem_shared>> -> memref<10240x32xf32, #tpu.memory_space<vmem_shared>>
        tpu.enqueue_indirect_dma source(%arg9 : memref<128x32xf32, #tpu.memory_space<vmem>>) target(%dma_start3A_218 : memref<10240x32xf32, #tpu.memory_space<vmem_shared>>) offsets(%dma_start3A_215 : memref<128xi32, #tpu.memory_space<vmem>>) semaphore(%run_scoped3A : memref<!tpu.dma_semaphore, #tpu.memory_space<semaphore_mem>>) {add = true}
        %dma_wait3A_219 = arith.constant 0 : i32
        %dma_wait3A_220 = tpu.memref_slice %arg7[%add3A_97, %dma_wait3A_219] : memref<80x128xi32, #tpu.memory_space<vmem>> -> memref<1x128xi32, #tpu.memory_space<vmem>>
        %dma_wait3A_221 = tpu.memref_squeeze %dma_wait3A_220 : memref<1x128xi32, #tpu.memory_space<vmem>> -> memref<128xi32, #tpu.memory_space<vmem>>
        %dma_wait3A_222 = arith.constant 0 : i32
        %dma_wait3A_223 = arith.constant 0 : i32
        %dma_wait3A_224 = tpu.memref_slice %arg16[%dma_wait3A_222, %dma_wait3A_223] : memref<10240x32xf32, #tpu.memory_space<vmem_shared>> -> memref<10240x32xf32, #tpu.memory_space<vmem_shared>>
        tpu.wait_indirect_dma semaphore(%run_scoped3A : memref<!tpu.dma_semaphore, #tpu.memory_space<semaphore_mem>>) src(%arg9 : memref<128x32xf32, #tpu.memory_space<vmem>>) dst(%dma_wait3A_224 : memref<10240x32xf32, #tpu.memory_space<vmem_shared>>)
        tpu.yield
      }) : () -> ()
      %add3A_104 = arith.constant 8 : i32
      %add3A_105 = arith.addi %add3A_97, %add3A_104 : i32
      %lt3A_106 = arith.constant 80 : i32
      %lt3A_107 = arith.cmpi slt, %add3A_105, %lt3A_106 : i32
      %convert_element_type3A_108 = arith.extui %lt3A_107 : i1 to i32
      %cond3A_109 = arith.constant 0 : i32
      %cond3A_110 = arith.cmpi ne, %convert_element_type3A_108, %cond3A_109 : i32
      scf.if %cond3A_110 {
        %add3A_213 = arith.constant 8 : i32
        %add3A_214 = arith.addi %add3A_97, %add3A_213 : i32
        %dma_start3A_215 = arith.constant 0 : i32
        %dma_start3A_216 = tpu.memref_slice %arg6[%add3A_214, %dma_start3A_215] : memref<80x128xi32, #tpu.memory_space<vmem>> -> memref<1x128xi32, #tpu.memory_space<vmem>>
        %dma_start3A_217 = tpu.memref_squeeze %dma_start3A_216 : memref<1x128xi32, #tpu.memory_space<vmem>> -> memref<128xi32, #tpu.memory_space<vmem>>
        %dma_start3A_218 = arith.constant 0 : i32
        %dma_start3A_219 = arith.constant 0 : i32
        %dma_start3A_220 = tpu.memref_slice %arg2[%dma_start3A_218, %dma_start3A_219] : memref<10000x32xf32, #tpu.memory_space<hbm>> -> memref<10000x32xf32, #tpu.memory_space<hbm>>
        tpu.enqueue_indirect_dma source(%dma_start3A_220 : memref<10000x32xf32, #tpu.memory_space<hbm>>) target(%arg9 : memref<128x32xf32, #tpu.memory_space<vmem>>) offsets(%dma_start3A_217 : memref<128xi32, #tpu.memory_space<vmem>>) semaphore(%arg18 : memref<!tpu.dma_semaphore, #tpu.memory_space<semaphore_mem>>)
      } else {
      }
      %mul3A_111 = arith.constant 8 : i32
      %mul3A_112 = arith.muli %scan3A_80, %mul3A_111 : i32
      %add3A_113 = arith.constant 2 : i32
      %add3A_114 = arith.addi %mul3A_112, %add3A_113 : i32
      %dma_wait3A_115 = arith.constant 0 : i32
      %dma_wait3A_116 = tpu.memref_slice %arg6[%add3A_114, %dma_wait3A_115] : memref<80x128xi32, #tpu.memory_space<vmem>> -> memref<1x128xi32, #tpu.memory_space<vmem>>
      %dma_wait3A_117 = tpu.memref_squeeze %dma_wait3A_116 : memref<1x128xi32, #tpu.memory_space<vmem>> -> memref<128xi32, #tpu.memory_space<vmem>>
      %dma_wait3A_118 = arith.constant 0 : i32
      %dma_wait3A_119 = arith.constant 0 : i32
      %dma_wait3A_120 = tpu.memref_slice %arg2[%dma_wait3A_118, %dma_wait3A_119] : memref<10000x32xf32, #tpu.memory_space<hbm>> -> memref<10000x32xf32, #tpu.memory_space<hbm>>
      tpu.wait_indirect_dma semaphore(%arg19 : memref<!tpu.dma_semaphore, #tpu.memory_space<semaphore_mem>>) src(%dma_wait3A_120 : memref<10000x32xf32, #tpu.memory_space<hbm>>) dst(%arg10 : memref<128x32xf32, #tpu.memory_space<vmem>>)
      "tpu.region"() ({
        %run_scoped3A = tpu.sem_alloc : memref<!tpu.dma_semaphore, #tpu.memory_space<semaphore_mem>>
        %dma_start3A_213 = arith.constant 0 : i32
        %dma_start3A_214 = tpu.memref_slice %arg7[%add3A_114, %dma_start3A_213] : memref<80x128xi32, #tpu.memory_space<vmem>> -> memref<1x128xi32, #tpu.memory_space<vmem>>
        %dma_start3A_215 = tpu.memref_squeeze %dma_start3A_214 : memref<1x128xi32, #tpu.memory_space<vmem>> -> memref<128xi32, #tpu.memory_space<vmem>>
        %dma_start3A_216 = arith.constant 0 : i32
        %dma_start3A_217 = arith.constant 0 : i32
        %dma_start3A_218 = tpu.memref_slice %arg16[%dma_start3A_216, %dma_start3A_217] : memref<10240x32xf32, #tpu.memory_space<vmem_shared>> -> memref<10240x32xf32, #tpu.memory_space<vmem_shared>>
        tpu.enqueue_indirect_dma source(%arg10 : memref<128x32xf32, #tpu.memory_space<vmem>>) target(%dma_start3A_218 : memref<10240x32xf32, #tpu.memory_space<vmem_shared>>) offsets(%dma_start3A_215 : memref<128xi32, #tpu.memory_space<vmem>>) semaphore(%run_scoped3A : memref<!tpu.dma_semaphore, #tpu.memory_space<semaphore_mem>>) {add = true}
        %dma_wait3A_219 = arith.constant 0 : i32
        %dma_wait3A_220 = tpu.memref_slice %arg7[%add3A_114, %dma_wait3A_219] : memref<80x128xi32, #tpu.memory_space<vmem>> -> memref<1x128xi32, #tpu.memory_space<vmem>>
        %dma_wait3A_221 = tpu.memref_squeeze %dma_wait3A_220 : memref<1x128xi32, #tpu.memory_space<vmem>> -> memref<128xi32, #tpu.memory_space<vmem>>
        %dma_wait3A_222 = arith.constant 0 : i32
        %dma_wait3A_223 = arith.constant 0 : i32
        %dma_wait3A_224 = tpu.memref_slice %arg16[%dma_wait3A_222, %dma_wait3A_223] : memref<10240x32xf32, #tpu.memory_space<vmem_shared>> -> memref<10240x32xf32, #tpu.memory_space<vmem_shared>>
        tpu.wait_indirect_dma semaphore(%run_scoped3A : memref<!tpu.dma_semaphore, #tpu.memory_space<semaphore_mem>>) src(%arg10 : memref<128x32xf32, #tpu.memory_space<vmem>>) dst(%dma_wait3A_224 : memref<10240x32xf32, #tpu.memory_space<vmem_shared>>)
        tpu.yield
      }) : () -> ()
      %add3A_121 = arith.constant 8 : i32
      %add3A_122 = arith.addi %add3A_114, %add3A_121 : i32
      %lt3A_123 = arith.constant 80 : i32
      %lt3A_124 = arith.cmpi slt, %add3A_122, %lt3A_123 : i32
      %convert_element_type3A_125 = arith.extui %lt3A_124 : i1 to i32
      %cond3A_126 = arith.constant 0 : i32
      %cond3A_127 = arith.cmpi ne, %convert_element_type3A_125, %cond3A_126 : i32
      scf.if %cond3A_127 {
        %add3A_213 = arith.constant 8 : i32
        %add3A_214 = arith.addi %add3A_114, %add3A_213 : i32
        %dma_start3A_215 = arith.constant 0 : i32
        %dma_start3A_216 = tpu.memref_slice %arg6[%add3A_214, %dma_start3A_215] : memref<80x128xi32, #tpu.memory_space<vmem>> -> memref<1x128xi32, #tpu.memory_space<vmem>>
        %dma_start3A_217 = tpu.memref_squeeze %dma_start3A_216 : memref<1x128xi32, #tpu.memory_space<vmem>> -> memref<128xi32, #tpu.memory_space<vmem>>
        %dma_start3A_218 = arith.constant 0 : i32
        %dma_start3A_219 = arith.constant 0 : i32
        %dma_start3A_220 = tpu.memref_slice %arg2[%dma_start3A_218, %dma_start3A_219] : memref<10000x32xf32, #tpu.memory_space<hbm>> -> memref<10000x32xf32, #tpu.memory_space<hbm>>
        tpu.enqueue_indirect_dma source(%dma_start3A_220 : memref<10000x32xf32, #tpu.memory_space<hbm>>) target(%arg10 : memref<128x32xf32, #tpu.memory_space<vmem>>) offsets(%dma_start3A_217 : memref<128xi32, #tpu.memory_space<vmem>>) semaphore(%arg19 : memref<!tpu.dma_semaphore, #tpu.memory_space<semaphore_mem>>)
      } else {
      }
      %mul3A_128 = arith.constant 8 : i32
      %mul3A_129 = arith.muli %scan3A_80, %mul3A_128 : i32
      %add3A_130 = arith.constant 3 : i32
      %add3A_131 = arith.addi %mul3A_129, %add3A_130 : i32
      %dma_wait3A_132 = arith.constant 0 : i32
      %dma_wait3A_133 = tpu.memref_slice %arg6[%add3A_131, %dma_wait3A_132] : memref<80x128xi32, #tpu.memory_space<vmem>> -> memref<1x128xi32, #tpu.memory_space<vmem>>
      %dma_wait3A_134 = tpu.memref_squeeze %dma_wait3A_133 : memref<1x128xi32, #tpu.memory_space<vmem>> -> memref<128xi32, #tpu.memory_space<vmem>>
      %dma_wait3A_135 = arith.constant 0 : i32
      %dma_wait3A_136 = arith.constant 0 : i32
      %dma_wait3A_137 = tpu.memref_slice %arg2[%dma_wait3A_135, %dma_wait3A_136] : memref<10000x32xf32, #tpu.memory_space<hbm>> -> memref<10000x32xf32, #tpu.memory_space<hbm>>
      tpu.wait_indirect_dma semaphore(%arg20 : memref<!tpu.dma_semaphore, #tpu.memory_space<semaphore_mem>>) src(%dma_wait3A_137 : memref<10000x32xf32, #tpu.memory_space<hbm>>) dst(%arg11 : memref<128x32xf32, #tpu.memory_space<vmem>>)
      "tpu.region"() ({
        %run_scoped3A = tpu.sem_alloc : memref<!tpu.dma_semaphore, #tpu.memory_space<semaphore_mem>>
        %dma_start3A_213 = arith.constant 0 : i32
        %dma_start3A_214 = tpu.memref_slice %arg7[%add3A_131, %dma_start3A_213] : memref<80x128xi32, #tpu.memory_space<vmem>> -> memref<1x128xi32, #tpu.memory_space<vmem>>
        %dma_start3A_215 = tpu.memref_squeeze %dma_start3A_214 : memref<1x128xi32, #tpu.memory_space<vmem>> -> memref<128xi32, #tpu.memory_space<vmem>>
        %dma_start3A_216 = arith.constant 0 : i32
        %dma_start3A_217 = arith.constant 0 : i32
        %dma_start3A_218 = tpu.memref_slice %arg16[%dma_start3A_216, %dma_start3A_217] : memref<10240x32xf32, #tpu.memory_space<vmem_shared>> -> memref<10240x32xf32, #tpu.memory_space<vmem_shared>>
        tpu.enqueue_indirect_dma source(%arg11 : memref<128x32xf32, #tpu.memory_space<vmem>>) target(%dma_start3A_218 : memref<10240x32xf32, #tpu.memory_space<vmem_shared>>) offsets(%dma_start3A_215 : memref<128xi32, #tpu.memory_space<vmem>>) semaphore(%run_scoped3A : memref<!tpu.dma_semaphore, #tpu.memory_space<semaphore_mem>>) {add = true}
        %dma_wait3A_219 = arith.constant 0 : i32
        %dma_wait3A_220 = tpu.memref_slice %arg7[%add3A_131, %dma_wait3A_219] : memref<80x128xi32, #tpu.memory_space<vmem>> -> memref<1x128xi32, #tpu.memory_space<vmem>>
        %dma_wait3A_221 = tpu.memref_squeeze %dma_wait3A_220 : memref<1x128xi32, #tpu.memory_space<vmem>> -> memref<128xi32, #tpu.memory_space<vmem>>
        %dma_wait3A_222 = arith.constant 0 : i32
        %dma_wait3A_223 = arith.constant 0 : i32
        %dma_wait3A_224 = tpu.memref_slice %arg16[%dma_wait3A_222, %dma_wait3A_223] : memref<10240x32xf32, #tpu.memory_space<vmem_shared>> -> memref<10240x32xf32, #tpu.memory_space<vmem_shared>>
        tpu.wait_indirect_dma semaphore(%run_scoped3A : memref<!tpu.dma_semaphore, #tpu.memory_space<semaphore_mem>>) src(%arg11 : memref<128x32xf32, #tpu.memory_space<vmem>>) dst(%dma_wait3A_224 : memref<10240x32xf32, #tpu.memory_space<vmem_shared>>)
        tpu.yield
      }) : () -> ()
      %add3A_138 = arith.constant 8 : i32
      %add3A_139 = arith.addi %add3A_131, %add3A_138 : i32
      %lt3A_140 = arith.constant 80 : i32
      %lt3A_141 = arith.cmpi slt, %add3A_139, %lt3A_140 : i32
      %convert_element_type3A_142 = arith.extui %lt3A_141 : i1 to i32
      %cond3A_143 = arith.constant 0 : i32
      %cond3A_144 = arith.cmpi ne, %convert_element_type3A_142, %cond3A_143 : i32
      scf.if %cond3A_144 {
        %add3A_213 = arith.constant 8 : i32
        %add3A_214 = arith.addi %add3A_131, %add3A_213 : i32
        %dma_start3A_215 = arith.constant 0 : i32
        %dma_start3A_216 = tpu.memref_slice %arg6[%add3A_214, %dma_start3A_215] : memref<80x128xi32, #tpu.memory_space<vmem>> -> memref<1x128xi32, #tpu.memory_space<vmem>>
        %dma_start3A_217 = tpu.memref_squeeze %dma_start3A_216 : memref<1x128xi32, #tpu.memory_space<vmem>> -> memref<128xi32, #tpu.memory_space<vmem>>
        %dma_start3A_218 = arith.constant 0 : i32
        %dma_start3A_219 = arith.constant 0 : i32
        %dma_start3A_220 = tpu.memref_slice %arg2[%dma_start3A_218, %dma_start3A_219] : memref<10000x32xf32, #tpu.memory_space<hbm>> -> memref<10000x32xf32, #tpu.memory_space<hbm>>
        tpu.enqueue_indirect_dma source(%dma_start3A_220 : memref<10000x32xf32, #tpu.memory_space<hbm>>) target(%arg11 : memref<128x32xf32, #tpu.memory_space<vmem>>) offsets(%dma_start3A_217 : memref<128xi32, #tpu.memory_space<vmem>>) semaphore(%arg20 : memref<!tpu.dma_semaphore, #tpu.memory_space<semaphore_mem>>)
      } else {
      }
      %mul3A_145 = arith.constant 8 : i32
      %mul3A_146 = arith.muli %scan3A_80, %mul3A_145 : i32
      %add3A_147 = arith.constant 4 : i32
      %add3A_148 = arith.addi %mul3A_146, %add3A_147 : i32
      %dma_wait3A_149 = arith.constant 0 : i32
      %dma_wait3A_150 = tpu.memref_slice %arg6[%add3A_148, %dma_wait3A_149] : memref<80x128xi32, #tpu.memory_space<vmem>> -> memref<1x128xi32, #tpu.memory_space<vmem>>
      %dma_wait3A_151 = tpu.memref_squeeze %dma_wait3A_150 : memref<1x128xi32, #tpu.memory_space<vmem>> -> memref<128xi32, #tpu.memory_space<vmem>>
      %dma_wait3A_152 = arith.constant 0 : i32
      %dma_wait3A_153 = arith.constant 0 : i32
      %dma_wait3A_154 = tpu.memref_slice %arg2[%dma_wait3A_152, %dma_wait3A_153] : memref<10000x32xf32, #tpu.memory_space<hbm>> -> memref<10000x32xf32, #tpu.memory_space<hbm>>
      tpu.wait_indirect_dma semaphore(%arg21 : memref<!tpu.dma_semaphore, #tpu.memory_space<semaphore_mem>>) src(%dma_wait3A_154 : memref<10000x32xf32, #tpu.memory_space<hbm>>) dst(%arg12 : memref<128x32xf32, #tpu.memory_space<vmem>>)
      "tpu.region"() ({
        %run_scoped3A = tpu.sem_alloc : memref<!tpu.dma_semaphore, #tpu.memory_space<semaphore_mem>>
        %dma_start3A_213 = arith.constant 0 : i32
        %dma_start3A_214 = tpu.memref_slice %arg7[%add3A_148, %dma_start3A_213] : memref<80x128xi32, #tpu.memory_space<vmem>> -> memref<1x128xi32, #tpu.memory_space<vmem>>
        %dma_start3A_215 = tpu.memref_squeeze %dma_start3A_214 : memref<1x128xi32, #tpu.memory_space<vmem>> -> memref<128xi32, #tpu.memory_space<vmem>>
        %dma_start3A_216 = arith.constant 0 : i32
        %dma_start3A_217 = arith.constant 0 : i32
        %dma_start3A_218 = tpu.memref_slice %arg16[%dma_start3A_216, %dma_start3A_217] : memref<10240x32xf32, #tpu.memory_space<vmem_shared>> -> memref<10240x32xf32, #tpu.memory_space<vmem_shared>>
        tpu.enqueue_indirect_dma source(%arg12 : memref<128x32xf32, #tpu.memory_space<vmem>>) target(%dma_start3A_218 : memref<10240x32xf32, #tpu.memory_space<vmem_shared>>) offsets(%dma_start3A_215 : memref<128xi32, #tpu.memory_space<vmem>>) semaphore(%run_scoped3A : memref<!tpu.dma_semaphore, #tpu.memory_space<semaphore_mem>>) {add = true}
        %dma_wait3A_219 = arith.constant 0 : i32
        %dma_wait3A_220 = tpu.memref_slice %arg7[%add3A_148, %dma_wait3A_219] : memref<80x128xi32, #tpu.memory_space<vmem>> -> memref<1x128xi32, #tpu.memory_space<vmem>>
        %dma_wait3A_221 = tpu.memref_squeeze %dma_wait3A_220 : memref<1x128xi32, #tpu.memory_space<vmem>> -> memref<128xi32, #tpu.memory_space<vmem>>
        %dma_wait3A_222 = arith.constant 0 : i32
        %dma_wait3A_223 = arith.constant 0 : i32
        %dma_wait3A_224 = tpu.memref_slice %arg16[%dma_wait3A_222, %dma_wait3A_223] : memref<10240x32xf32, #tpu.memory_space<vmem_shared>> -> memref<10240x32xf32, #tpu.memory_space<vmem_shared>>
        tpu.wait_indirect_dma semaphore(%run_scoped3A : memref<!tpu.dma_semaphore, #tpu.memory_space<semaphore_mem>>) src(%arg12 : memref<128x32xf32, #tpu.memory_space<vmem>>) dst(%dma_wait3A_224 : memref<10240x32xf32, #tpu.memory_space<vmem_shared>>)
        tpu.yield
      }) : () -> ()
      %add3A_155 = arith.constant 8 : i32
      %add3A_156 = arith.addi %add3A_148, %add3A_155 : i32
      %lt3A_157 = arith.constant 80 : i32
      %lt3A_158 = arith.cmpi slt, %add3A_156, %lt3A_157 : i32
      %convert_element_type3A_159 = arith.extui %lt3A_158 : i1 to i32
      %cond3A_160 = arith.constant 0 : i32
      %cond3A_161 = arith.cmpi ne, %convert_element_type3A_159, %cond3A_160 : i32
      scf.if %cond3A_161 {
        %add3A_213 = arith.constant 8 : i32
        %add3A_214 = arith.addi %add3A_148, %add3A_213 : i32
        %dma_start3A_215 = arith.constant 0 : i32
        %dma_start3A_216 = tpu.memref_slice %arg6[%add3A_214, %dma_start3A_215] : memref<80x128xi32, #tpu.memory_space<vmem>> -> memref<1x128xi32, #tpu.memory_space<vmem>>
        %dma_start3A_217 = tpu.memref_squeeze %dma_start3A_216 : memref<1x128xi32, #tpu.memory_space<vmem>> -> memref<128xi32, #tpu.memory_space<vmem>>
        %dma_start3A_218 = arith.constant 0 : i32
        %dma_start3A_219 = arith.constant 0 : i32
        %dma_start3A_220 = tpu.memref_slice %arg2[%dma_start3A_218, %dma_start3A_219] : memref<10000x32xf32, #tpu.memory_space<hbm>> -> memref<10000x32xf32, #tpu.memory_space<hbm>>
        tpu.enqueue_indirect_dma source(%dma_start3A_220 : memref<10000x32xf32, #tpu.memory_space<hbm>>) target(%arg12 : memref<128x32xf32, #tpu.memory_space<vmem>>) offsets(%dma_start3A_217 : memref<128xi32, #tpu.memory_space<vmem>>) semaphore(%arg21 : memref<!tpu.dma_semaphore, #tpu.memory_space<semaphore_mem>>)
      } else {
      }
      %mul3A_162 = arith.constant 8 : i32
      %mul3A_163 = arith.muli %scan3A_80, %mul3A_162 : i32
      %add3A_164 = arith.constant 5 : i32
      %add3A_165 = arith.addi %mul3A_163, %add3A_164 : i32
      %dma_wait3A_166 = arith.constant 0 : i32
      %dma_wait3A_167 = tpu.memref_slice %arg6[%add3A_165, %dma_wait3A_166] : memref<80x128xi32, #tpu.memory_space<vmem>> -> memref<1x128xi32, #tpu.memory_space<vmem>>
      %dma_wait3A_168 = tpu.memref_squeeze %dma_wait3A_167 : memref<1x128xi32, #tpu.memory_space<vmem>> -> memref<128xi32, #tpu.memory_space<vmem>>
      %dma_wait3A_169 = arith.constant 0 : i32
      %dma_wait3A_170 = arith.constant 0 : i32
      %dma_wait3A_171 = tpu.memref_slice %arg2[%dma_wait3A_169, %dma_wait3A_170] : memref<10000x32xf32, #tpu.memory_space<hbm>> -> memref<10000x32xf32, #tpu.memory_space<hbm>>
      tpu.wait_indirect_dma semaphore(%arg22 : memref<!tpu.dma_semaphore, #tpu.memory_space<semaphore_mem>>) src(%dma_wait3A_171 : memref<10000x32xf32, #tpu.memory_space<hbm>>) dst(%arg13 : memref<128x32xf32, #tpu.memory_space<vmem>>)
      "tpu.region"() ({
        %run_scoped3A = tpu.sem_alloc : memref<!tpu.dma_semaphore, #tpu.memory_space<semaphore_mem>>
        %dma_start3A_213 = arith.constant 0 : i32
        %dma_start3A_214 = tpu.memref_slice %arg7[%add3A_165, %dma_start3A_213] : memref<80x128xi32, #tpu.memory_space<vmem>> -> memref<1x128xi32, #tpu.memory_space<vmem>>
        %dma_start3A_215 = tpu.memref_squeeze %dma_start3A_214 : memref<1x128xi32, #tpu.memory_space<vmem>> -> memref<128xi32, #tpu.memory_space<vmem>>
        %dma_start3A_216 = arith.constant 0 : i32
        %dma_start3A_217 = arith.constant 0 : i32
        %dma_start3A_218 = tpu.memref_slice %arg16[%dma_start3A_216, %dma_start3A_217] : memref<10240x32xf32, #tpu.memory_space<vmem_shared>> -> memref<10240x32xf32, #tpu.memory_space<vmem_shared>>
        tpu.enqueue_indirect_dma source(%arg13 : memref<128x32xf32, #tpu.memory_space<vmem>>) target(%dma_start3A_218 : memref<10240x32xf32, #tpu.memory_space<vmem_shared>>) offsets(%dma_start3A_215 : memref<128xi32, #tpu.memory_space<vmem>>) semaphore(%run_scoped3A : memref<!tpu.dma_semaphore, #tpu.memory_space<semaphore_mem>>) {add = true}
        %dma_wait3A_219 = arith.constant 0 : i32
        %dma_wait3A_220 = tpu.memref_slice %arg7[%add3A_165, %dma_wait3A_219] : memref<80x128xi32, #tpu.memory_space<vmem>> -> memref<1x128xi32, #tpu.memory_space<vmem>>
        %dma_wait3A_221 = tpu.memref_squeeze %dma_wait3A_220 : memref<1x128xi32, #tpu.memory_space<vmem>> -> memref<128xi32, #tpu.memory_space<vmem>>
        %dma_wait3A_222 = arith.constant 0 : i32
        %dma_wait3A_223 = arith.constant 0 : i32
        %dma_wait3A_224 = tpu.memref_slice %arg16[%dma_wait3A_222, %dma_wait3A_223] : memref<10240x32xf32, #tpu.memory_space<vmem_shared>> -> memref<10240x32xf32, #tpu.memory_space<vmem_shared>>
        tpu.wait_indirect_dma semaphore(%run_scoped3A : memref<!tpu.dma_semaphore, #tpu.memory_space<semaphore_mem>>) src(%arg13 : memref<128x32xf32, #tpu.memory_space<vmem>>) dst(%dma_wait3A_224 : memref<10240x32xf32, #tpu.memory_space<vmem_shared>>)
        tpu.yield
      }) : () -> ()
      %add3A_172 = arith.constant 8 : i32
      %add3A_173 = arith.addi %add3A_165, %add3A_172 : i32
      %lt3A_174 = arith.constant 80 : i32
      %lt3A_175 = arith.cmpi slt, %add3A_173, %lt3A_174 : i32
      %convert_element_type3A_176 = arith.extui %lt3A_175 : i1 to i32
      %cond3A_177 = arith.constant 0 : i32
      %cond3A_178 = arith.cmpi ne, %convert_element_type3A_176, %cond3A_177 : i32
      scf.if %cond3A_178 {
        %add3A_213 = arith.constant 8 : i32
        %add3A_214 = arith.addi %add3A_165, %add3A_213 : i32
        %dma_start3A_215 = arith.constant 0 : i32
        %dma_start3A_216 = tpu.memref_slice %arg6[%add3A_214, %dma_start3A_215] : memref<80x128xi32, #tpu.memory_space<vmem>> -> memref<1x128xi32, #tpu.memory_space<vmem>>
        %dma_start3A_217 = tpu.memref_squeeze %dma_start3A_216 : memref<1x128xi32, #tpu.memory_space<vmem>> -> memref<128xi32, #tpu.memory_space<vmem>>
        %dma_start3A_218 = arith.constant 0 : i32
        %dma_start3A_219 = arith.constant 0 : i32
        %dma_start3A_220 = tpu.memref_slice %arg2[%dma_start3A_218, %dma_start3A_219] : memref<10000x32xf32, #tpu.memory_space<hbm>> -> memref<10000x32xf32, #tpu.memory_space<hbm>>
        tpu.enqueue_indirect_dma source(%dma_start3A_220 : memref<10000x32xf32, #tpu.memory_space<hbm>>) target(%arg13 : memref<128x32xf32, #tpu.memory_space<vmem>>) offsets(%dma_start3A_217 : memref<128xi32, #tpu.memory_space<vmem>>) semaphore(%arg22 : memref<!tpu.dma_semaphore, #tpu.memory_space<semaphore_mem>>)
      } else {
      }
      %mul3A_179 = arith.constant 8 : i32
      %mul3A_180 = arith.muli %scan3A_80, %mul3A_179 : i32
      %add3A_181 = arith.constant 6 : i32
      %add3A_182 = arith.addi %mul3A_180, %add3A_181 : i32
      %dma_wait3A_183 = arith.constant 0 : i32
      %dma_wait3A_184 = tpu.memref_slice %arg6[%add3A_182, %dma_wait3A_183] : memref<80x128xi32, #tpu.memory_space<vmem>> -> memref<1x128xi32, #tpu.memory_space<vmem>>
      %dma_wait3A_185 = tpu.memref_squeeze %dma_wait3A_184 : memref<1x128xi32, #tpu.memory_space<vmem>> -> memref<128xi32, #tpu.memory_space<vmem>>
      %dma_wait3A_186 = arith.constant 0 : i32
      %dma_wait3A_187 = arith.constant 0 : i32
      %dma_wait3A_188 = tpu.memref_slice %arg2[%dma_wait3A_186, %dma_wait3A_187] : memref<10000x32xf32, #tpu.memory_space<hbm>> -> memref<10000x32xf32, #tpu.memory_space<hbm>>
      tpu.wait_indirect_dma semaphore(%arg23 : memref<!tpu.dma_semaphore, #tpu.memory_space<semaphore_mem>>) src(%dma_wait3A_188 : memref<10000x32xf32, #tpu.memory_space<hbm>>) dst(%arg14 : memref<128x32xf32, #tpu.memory_space<vmem>>)
      "tpu.region"() ({
        %run_scoped3A = tpu.sem_alloc : memref<!tpu.dma_semaphore, #tpu.memory_space<semaphore_mem>>
        %dma_start3A_213 = arith.constant 0 : i32
        %dma_start3A_214 = tpu.memref_slice %arg7[%add3A_182, %dma_start3A_213] : memref<80x128xi32, #tpu.memory_space<vmem>> -> memref<1x128xi32, #tpu.memory_space<vmem>>
        %dma_start3A_215 = tpu.memref_squeeze %dma_start3A_214 : memref<1x128xi32, #tpu.memory_space<vmem>> -> memref<128xi32, #tpu.memory_space<vmem>>
        %dma_start3A_216 = arith.constant 0 : i32
        %dma_start3A_217 = arith.constant 0 : i32
        %dma_start3A_218 = tpu.memref_slice %arg16[%dma_start3A_216, %dma_start3A_217] : memref<10240x32xf32, #tpu.memory_space<vmem_shared>> -> memref<10240x32xf32, #tpu.memory_space<vmem_shared>>
        tpu.enqueue_indirect_dma source(%arg14 : memref<128x32xf32, #tpu.memory_space<vmem>>) target(%dma_start3A_218 : memref<10240x32xf32, #tpu.memory_space<vmem_shared>>) offsets(%dma_start3A_215 : memref<128xi32, #tpu.memory_space<vmem>>) semaphore(%run_scoped3A : memref<!tpu.dma_semaphore, #tpu.memory_space<semaphore_mem>>) {add = true}
        %dma_wait3A_219 = arith.constant 0 : i32
        %dma_wait3A_220 = tpu.memref_slice %arg7[%add3A_182, %dma_wait3A_219] : memref<80x128xi32, #tpu.memory_space<vmem>> -> memref<1x128xi32, #tpu.memory_space<vmem>>
        %dma_wait3A_221 = tpu.memref_squeeze %dma_wait3A_220 : memref<1x128xi32, #tpu.memory_space<vmem>> -> memref<128xi32, #tpu.memory_space<vmem>>
        %dma_wait3A_222 = arith.constant 0 : i32
        %dma_wait3A_223 = arith.constant 0 : i32
        %dma_wait3A_224 = tpu.memref_slice %arg16[%dma_wait3A_222, %dma_wait3A_223] : memref<10240x32xf32, #tpu.memory_space<vmem_shared>> -> memref<10240x32xf32, #tpu.memory_space<vmem_shared>>
        tpu.wait_indirect_dma semaphore(%run_scoped3A : memref<!tpu.dma_semaphore, #tpu.memory_space<semaphore_mem>>) src(%arg14 : memref<128x32xf32, #tpu.memory_space<vmem>>) dst(%dma_wait3A_224 : memref<10240x32xf32, #tpu.memory_space<vmem_shared>>)
        tpu.yield
      }) : () -> ()
      %add3A_189 = arith.constant 8 : i32
      %add3A_190 = arith.addi %add3A_182, %add3A_189 : i32
      %lt3A_191 = arith.constant 80 : i32
      %lt3A_192 = arith.cmpi slt, %add3A_190, %lt3A_191 : i32
      %convert_element_type3A_193 = arith.extui %lt3A_192 : i1 to i32
      %cond3A_194 = arith.constant 0 : i32
      %cond3A_195 = arith.cmpi ne, %convert_element_type3A_193, %cond3A_194 : i32
      scf.if %cond3A_195 {
        %add3A_213 = arith.constant 8 : i32
        %add3A_214 = arith.addi %add3A_182, %add3A_213 : i32
        %dma_start3A_215 = arith.constant 0 : i32
        %dma_start3A_216 = tpu.memref_slice %arg6[%add3A_214, %dma_start3A_215] : memref<80x128xi32, #tpu.memory_space<vmem>> -> memref<1x128xi32, #tpu.memory_space<vmem>>
        %dma_start3A_217 = tpu.memref_squeeze %dma_start3A_216 : memref<1x128xi32, #tpu.memory_space<vmem>> -> memref<128xi32, #tpu.memory_space<vmem>>
        %dma_start3A_218 = arith.constant 0 : i32
        %dma_start3A_219 = arith.constant 0 : i32
        %dma_start3A_220 = tpu.memref_slice %arg2[%dma_start3A_218, %dma_start3A_219] : memref<10000x32xf32, #tpu.memory_space<hbm>> -> memref<10000x32xf32, #tpu.memory_space<hbm>>
        tpu.enqueue_indirect_dma source(%dma_start3A_220 : memref<10000x32xf32, #tpu.memory_space<hbm>>) target(%arg14 : memref<128x32xf32, #tpu.memory_space<vmem>>) offsets(%dma_start3A_217 : memref<128xi32, #tpu.memory_space<vmem>>) semaphore(%arg23 : memref<!tpu.dma_semaphore, #tpu.memory_space<semaphore_mem>>)
      } else {
      }
      %mul3A_196 = arith.constant 8 : i32
      %mul3A_197 = arith.muli %scan3A_80, %mul3A_196 : i32
      %add3A_198 = arith.constant 7 : i32
      %add3A_199 = arith.addi %mul3A_197, %add3A_198 : i32
      %dma_wait3A_200 = arith.constant 0 : i32
      %dma_wait3A_201 = tpu.memref_slice %arg6[%add3A_199, %dma_wait3A_200] : memref<80x128xi32, #tpu.memory_space<vmem>> -> memref<1x128xi32, #tpu.memory_space<vmem>>
      %dma_wait3A_202 = tpu.memref_squeeze %dma_wait3A_201 : memref<1x128xi32, #tpu.memory_space<vmem>> -> memref<128xi32, #tpu.memory_space<vmem>>
      %dma_wait3A_203 = arith.constant 0 : i32
      %dma_wait3A_204 = arith.constant 0 : i32
      %dma_wait3A_205 = tpu.memref_slice %arg2[%dma_wait3A_203, %dma_wait3A_204] : memref<10000x32xf32, #tpu.memory_space<hbm>> -> memref<10000x32xf32, #tpu.memory_space<hbm>>
      tpu.wait_indirect_dma semaphore(%arg24 : memref<!tpu.dma_semaphore, #tpu.memory_space<semaphore_mem>>) src(%dma_wait3A_205 : memref<10000x32xf32, #tpu.memory_space<hbm>>) dst(%arg15 : memref<128x32xf32, #tpu.memory_space<vmem>>)
      "tpu.region"() ({
        %run_scoped3A = tpu.sem_alloc : memref<!tpu.dma_semaphore, #tpu.memory_space<semaphore_mem>>
        %dma_start3A_213 = arith.constant 0 : i32
        %dma_start3A_214 = tpu.memref_slice %arg7[%add3A_199, %dma_start3A_213] : memref<80x128xi32, #tpu.memory_space<vmem>> -> memref<1x128xi32, #tpu.memory_space<vmem>>
        %dma_start3A_215 = tpu.memref_squeeze %dma_start3A_214 : memref<1x128xi32, #tpu.memory_space<vmem>> -> memref<128xi32, #tpu.memory_space<vmem>>
        %dma_start3A_216 = arith.constant 0 : i32
        %dma_start3A_217 = arith.constant 0 : i32
        %dma_start3A_218 = tpu.memref_slice %arg16[%dma_start3A_216, %dma_start3A_217] : memref<10240x32xf32, #tpu.memory_space<vmem_shared>> -> memref<10240x32xf32, #tpu.memory_space<vmem_shared>>
        tpu.enqueue_indirect_dma source(%arg15 : memref<128x32xf32, #tpu.memory_space<vmem>>) target(%dma_start3A_218 : memref<10240x32xf32, #tpu.memory_space<vmem_shared>>) offsets(%dma_start3A_215 : memref<128xi32, #tpu.memory_space<vmem>>) semaphore(%run_scoped3A : memref<!tpu.dma_semaphore, #tpu.memory_space<semaphore_mem>>) {add = true}
        %dma_wait3A_219 = arith.constant 0 : i32
        %dma_wait3A_220 = tpu.memref_slice %arg7[%add3A_199, %dma_wait3A_219] : memref<80x128xi32, #tpu.memory_space<vmem>> -> memref<1x128xi32, #tpu.memory_space<vmem>>
        %dma_wait3A_221 = tpu.memref_squeeze %dma_wait3A_220 : memref<1x128xi32, #tpu.memory_space<vmem>> -> memref<128xi32, #tpu.memory_space<vmem>>
        %dma_wait3A_222 = arith.constant 0 : i32
        %dma_wait3A_223 = arith.constant 0 : i32
        %dma_wait3A_224 = tpu.memref_slice %arg16[%dma_wait3A_222, %dma_wait3A_223] : memref<10240x32xf32, #tpu.memory_space<vmem_shared>> -> memref<10240x32xf32, #tpu.memory_space<vmem_shared>>
        tpu.wait_indirect_dma semaphore(%run_scoped3A : memref<!tpu.dma_semaphore, #tpu.memory_space<semaphore_mem>>) src(%arg15 : memref<128x32xf32, #tpu.memory_space<vmem>>) dst(%dma_wait3A_224 : memref<10240x32xf32, #tpu.memory_space<vmem_shared>>)
        tpu.yield
      }) : () -> ()
      %add3A_206 = arith.constant 8 : i32
      %add3A_207 = arith.addi %add3A_199, %add3A_206 : i32
      %lt3A_208 = arith.constant 80 : i32
      %lt3A_209 = arith.cmpi slt, %add3A_207, %lt3A_208 : i32
      %convert_element_type3A_210 = arith.extui %lt3A_209 : i1 to i32
      %cond3A_211 = arith.constant 0 : i32
      %cond3A_212 = arith.cmpi ne, %convert_element_type3A_210, %cond3A_211 : i32
      scf.if %cond3A_212 {
        %add3A_213 = arith.constant 8 : i32
        %add3A_214 = arith.addi %add3A_199, %add3A_213 : i32
        %dma_start3A_215 = arith.constant 0 : i32
        %dma_start3A_216 = tpu.memref_slice %arg6[%add3A_214, %dma_start3A_215] : memref<80x128xi32, #tpu.memory_space<vmem>> -> memref<1x128xi32, #tpu.memory_space<vmem>>
        %dma_start3A_217 = tpu.memref_squeeze %dma_start3A_216 : memref<1x128xi32, #tpu.memory_space<vmem>> -> memref<128xi32, #tpu.memory_space<vmem>>
        %dma_start3A_218 = arith.constant 0 : i32
        %dma_start3A_219 = arith.constant 0 : i32
        %dma_start3A_220 = tpu.memref_slice %arg2[%dma_start3A_218, %dma_start3A_219] : memref<10000x32xf32, #tpu.memory_space<hbm>> -> memref<10000x32xf32, #tpu.memory_space<hbm>>
        tpu.enqueue_indirect_dma source(%dma_start3A_220 : memref<10000x32xf32, #tpu.memory_space<hbm>>) target(%arg15 : memref<128x32xf32, #tpu.memory_space<vmem>>) offsets(%dma_start3A_217 : memref<128xi32, #tpu.memory_space<vmem>>) semaphore(%arg24 : memref<!tpu.dma_semaphore, #tpu.memory_space<semaphore_mem>>)
      } else {
      }
    }
    %scan3A_78 = arith.constant 10 : i32
    %barrier3A_79 = arith.constant 0 : index
    tpu.barrier barrier_id(%barrier3A_79)
    "tpu.region"() ({
      %run_scoped3A = tpu.sem_alloc : memref<!tpu.dma_semaphore, #tpu.memory_space<semaphore_mem>>
      %dma_start3A_80 = arith.constant 0 : i32
      %dma_start3A_81 = tpu.memref_slice %arg5[%arg0, %multiple_of3A, %dma_start3A_80] : memref<2x10240x32xf32, #tpu.memory_space<hbm>> -> memref<1x640x32xf32, #tpu.memory_space<hbm>>
      %dma_start3A_82 = tpu.memref_squeeze %dma_start3A_81 : memref<1x640x32xf32, #tpu.memory_space<hbm>> -> memref<640x32xf32, #tpu.memory_space<hbm>>
      %dma_start3A_83 = arith.constant 0 : i32
      %dma_start3A_84 = tpu.memref_slice %arg16[%multiple_of3A, %dma_start3A_83] : memref<10240x32xf32, #tpu.memory_space<vmem_shared>> -> memref<640x32xf32, #tpu.memory_space<vmem_shared>>
      tpu.enqueue_dma source(%dma_start3A_84 : memref<640x32xf32, #tpu.memory_space<vmem_shared>>) target(%dma_start3A_82 : memref<640x32xf32, #tpu.memory_space<hbm>>) target_semaphore(%run_scoped3A : memref<!tpu.dma_semaphore, #tpu.memory_space<semaphore_mem>>)
      %dma_wait3A = arith.constant 0 : i32
      %dma_wait3A_85 = tpu.memref_slice %arg5[%arg0, %multiple_of3A, %dma_wait3A] : memref<2x10240x32xf32, #tpu.memory_space<hbm>> -> memref<1x640x32xf32, #tpu.memory_space<hbm>>
      %dma_wait3A_86 = tpu.memref_squeeze %dma_wait3A_85 : memref<1x640x32xf32, #tpu.memory_space<hbm>> -> memref<640x32xf32, #tpu.memory_space<hbm>>
      %dma_wait3A_87 = arith.constant 0 : i32
      %dma_wait3A_88 = tpu.memref_slice %arg16[%multiple_of3A, %dma_wait3A_87] : memref<10240x32xf32, #tpu.memory_space<vmem_shared>> -> memref<640x32xf32, #tpu.memory_space<vmem_shared>>
      tpu.wait_dma2 semaphore(%run_scoped3A : memref<!tpu.dma_semaphore, #tpu.memory_space<semaphore_mem>>) src(%dma_wait3A_88 : memref<640x32xf32, #tpu.memory_space<vmem_shared>>) dst(%dma_wait3A_86 : memref<640x32xf32, #tpu.memory_space<hbm>>)
      tpu.yield
    }) : () -> ()
    return
  }
}

#map = affine_map<(d0, d1) -> (0, 0)>
#map1 = affine_map<(d0, d1) -> (0, 0, 0)>
module attributes {stable_mosaic.version = 14 : i64} {
  func.func @segsum(%arg0: i32, %arg1: i32, %arg2: memref<10000x16xf32, #tpu.memory_space<hbm>>, %arg3: memref<32x80x128xi32, #tpu.memory_space<hbm>>, %arg4: memref<32x80x128xi32, #tpu.memory_space<hbm>>, %arg5: memref<2x10240x16xf32, #tpu.memory_space<hbm>>, %arg6: memref<80x128xi32, #tpu.memory_space<vmem>>, %arg7: memref<80x128xi32, #tpu.memory_space<vmem>>, %arg8: memref<128x16xf32, #tpu.memory_space<vmem>>, %arg9: memref<128x16xf32, #tpu.memory_space<vmem>>, %arg10: memref<128x16xf32, #tpu.memory_space<vmem>>, %arg11: memref<128x16xf32, #tpu.memory_space<vmem>>, %arg12: memref<128x16xf32, #tpu.memory_space<vmem>>, %arg13: memref<128x16xf32, #tpu.memory_space<vmem>>, %arg14: memref<128x16xf32, #tpu.memory_space<vmem>>, %arg15: memref<128x16xf32, #tpu.memory_space<vmem>>, %arg16: memref<10240x16xf32, #tpu.memory_space<vmem_shared>>, %arg17: memref<!tpu.dma_semaphore, #tpu.memory_space<semaphore_mem>>, %arg18: memref<!tpu.dma_semaphore, #tpu.memory_space<semaphore_mem>>, %arg19: memref<!tpu.dma_semaphore, #tpu.memory_space<semaphore_mem>>, %arg20: memref<!tpu.dma_semaphore, #tpu.memory_space<semaphore_mem>>, %arg21: memref<!tpu.dma_semaphore, #tpu.memory_space<semaphore_mem>>, %arg22: memref<!tpu.dma_semaphore, #tpu.memory_space<semaphore_mem>>, %arg23: memref<!tpu.dma_semaphore, #tpu.memory_space<semaphore_mem>>, %arg24: memref<!tpu.dma_semaphore, #tpu.memory_space<semaphore_mem>>) attributes {dimension_semantics = [#tpu.dimension_semantics<core_parallel>, #tpu.dimension_semantics<subcore_parallel>], iteration_bounds = array<i64: 2, 16>, scalar_prefetch = 0 : i64, scratch_operands = 19 : i64, tpu.core_type = #tpu.core_type<sc_vector_subcore>, window_params = [{transform_indices = #map}, {transform_indices = #map1}, {transform_indices = #map1}, {transform_indices = #map1}]} {
    %mul3A = arith.constant 16 : i32
    %mul3A_0 = arith.muli %arg0, %mul3A : i32
    %add3A = arith.addi %mul3A_0, %arg1 : i32
    "tpu.region"() ({
      %run_scoped3A = tpu.sem_alloc : memref<!tpu.dma_semaphore, #tpu.memory_space<semaphore_mem>>
      %dma_start3A_80 = arith.constant 0 : i32
      %dma_start3A_81 = arith.constant 0 : i32
      %dma_start3A_82 = tpu.memref_slice %arg3[%add3A, %dma_start3A_80, %dma_start3A_81] : memref<32x80x128xi32, #tpu.memory_space<hbm>> -> memref<1x80x128xi32, #tpu.memory_space<hbm>>
      %dma_start3A_83 = tpu.memref_squeeze %dma_start3A_82 : memref<1x80x128xi32, #tpu.memory_space<hbm>> -> memref<80x128xi32, #tpu.memory_space<hbm>>
      %dma_start3A_84 = arith.constant 0 : i32
      %dma_start3A_85 = arith.constant 0 : i32
      %dma_start3A_86 = tpu.memref_slice %arg3[%add3A, %dma_start3A_84, %dma_start3A_85] : memref<32x80x128xi32, #tpu.memory_space<hbm>> -> memref<1x80x128xi32, #tpu.memory_space<hbm>>
      %dma_start3A_87 = tpu.memref_squeeze %dma_start3A_86 : memref<1x80x128xi32, #tpu.memory_space<hbm>> -> memref<80x128xi32, #tpu.memory_space<hbm>>
      tpu.enqueue_dma source(%dma_start3A_87 : memref<80x128xi32, #tpu.memory_space<hbm>>) target(%arg6 : memref<80x128xi32, #tpu.memory_space<vmem>>) target_semaphore(%run_scoped3A : memref<!tpu.dma_semaphore, #tpu.memory_space<semaphore_mem>>)
      %dma_wait3A = arith.constant 0 : i32
      %dma_wait3A_88 = arith.constant 0 : i32
      %dma_wait3A_89 = tpu.memref_slice %arg3[%add3A, %dma_wait3A, %dma_wait3A_88] : memref<32x80x128xi32, #tpu.memory_space<hbm>> -> memref<1x80x128xi32, #tpu.memory_space<hbm>>
      %dma_wait3A_90 = tpu.memref_squeeze %dma_wait3A_89 : memref<1x80x128xi32, #tpu.memory_space<hbm>> -> memref<80x128xi32, #tpu.memory_space<hbm>>
      %dma_wait3A_91 = arith.constant 0 : i32
      %dma_wait3A_92 = arith.constant 0 : i32
      %dma_wait3A_93 = tpu.memref_slice %arg3[%add3A, %dma_wait3A_91, %dma_wait3A_92] : memref<32x80x128xi32, #tpu.memory_space<hbm>> -> memref<1x80x128xi32, #tpu.memory_space<hbm>>
      %dma_wait3A_94 = tpu.memref_squeeze %dma_wait3A_93 : memref<1x80x128xi32, #tpu.memory_space<hbm>> -> memref<80x128xi32, #tpu.memory_space<hbm>>
      tpu.wait_dma2 semaphore(%run_scoped3A : memref<!tpu.dma_semaphore, #tpu.memory_space<semaphore_mem>>) src(%dma_wait3A_94 : memref<80x128xi32, #tpu.memory_space<hbm>>) dst(%arg6 : memref<80x128xi32, #tpu.memory_space<vmem>>)
      tpu.yield
    }) : () -> ()
    "tpu.region"() ({
      %run_scoped3A = tpu.sem_alloc : memref<!tpu.dma_semaphore, #tpu.memory_space<semaphore_mem>>
      %dma_start3A_80 = arith.constant 0 : i32
      %dma_start3A_81 = arith.constant 0 : i32
      %dma_start3A_82 = tpu.memref_slice %arg4[%add3A, %dma_start3A_80, %dma_start3A_81] : memref<32x80x128xi32, #tpu.memory_space<hbm>> -> memref<1x80x128xi32, #tpu.memory_space<hbm>>
      %dma_start3A_83 = tpu.memref_squeeze %dma_start3A_82 : memref<1x80x128xi32, #tpu.memory_space<hbm>> -> memref<80x128xi32, #tpu.memory_space<hbm>>
      %dma_start3A_84 = arith.constant 0 : i32
      %dma_start3A_85 = arith.constant 0 : i32
      %dma_start3A_86 = tpu.memref_slice %arg4[%add3A, %dma_start3A_84, %dma_start3A_85] : memref<32x80x128xi32, #tpu.memory_space<hbm>> -> memref<1x80x128xi32, #tpu.memory_space<hbm>>
      %dma_start3A_87 = tpu.memref_squeeze %dma_start3A_86 : memref<1x80x128xi32, #tpu.memory_space<hbm>> -> memref<80x128xi32, #tpu.memory_space<hbm>>
      tpu.enqueue_dma source(%dma_start3A_87 : memref<80x128xi32, #tpu.memory_space<hbm>>) target(%arg7 : memref<80x128xi32, #tpu.memory_space<vmem>>) target_semaphore(%run_scoped3A : memref<!tpu.dma_semaphore, #tpu.memory_space<semaphore_mem>>)
      %dma_wait3A = arith.constant 0 : i32
      %dma_wait3A_88 = arith.constant 0 : i32
      %dma_wait3A_89 = tpu.memref_slice %arg4[%add3A, %dma_wait3A, %dma_wait3A_88] : memref<32x80x128xi32, #tpu.memory_space<hbm>> -> memref<1x80x128xi32, #tpu.memory_space<hbm>>
      %dma_wait3A_90 = tpu.memref_squeeze %dma_wait3A_89 : memref<1x80x128xi32, #tpu.memory_space<hbm>> -> memref<80x128xi32, #tpu.memory_space<hbm>>
      %dma_wait3A_91 = arith.constant 0 : i32
      %dma_wait3A_92 = arith.constant 0 : i32
      %dma_wait3A_93 = tpu.memref_slice %arg4[%add3A, %dma_wait3A_91, %dma_wait3A_92] : memref<32x80x128xi32, #tpu.memory_space<hbm>> -> memref<1x80x128xi32, #tpu.memory_space<hbm>>
      %dma_wait3A_94 = tpu.memref_squeeze %dma_wait3A_93 : memref<1x80x128xi32, #tpu.memory_space<hbm>> -> memref<80x128xi32, #tpu.memory_space<hbm>>
      tpu.wait_dma2 semaphore(%run_scoped3A : memref<!tpu.dma_semaphore, #tpu.memory_space<semaphore_mem>>) src(%dma_wait3A_94 : memref<80x128xi32, #tpu.memory_space<hbm>>) dst(%arg7 : memref<80x128xi32, #tpu.memory_space<vmem>>)
      tpu.yield
    }) : () -> ()
    %scan3A = arith.constant 0 : i32
    %scan3A_1 = arith.constant 0 : i32
    %scan3A_2 = arith.constant 32 : i32
    %scan3A_3 = arith.addi %scan3A_1, %scan3A_2 : i32
    %scan3A_4 = arith.constant 1 : i32
    scf.for %scan3A_80 = %scan3A_1 to %scan3A_3 step %scan3A_4  : i32 {
      %broadcast_in_dim3A = arith.constant 0.000000e+00 : f32
      %broadcast_in_dim3A_81 = vector.broadcast %broadcast_in_dim3A : f32 to vector<16xf32>
      %mul3A_82 = arith.constant 4 : i32
      %mul3A_83 = arith.muli %scan3A_80, %mul3A_82 : i32
      %add3A_84 = arith.constant 0 : i32
      %add3A_85 = arith.addi %mul3A_83, %add3A_84 : i32
      %swap3A = arith.index_cast %add3A_85 : i32 to index
      %swap3A_86 = arith.constant 0 : index
      %swap3A_87 = tpu.vector_load %arg8[%swap3A, %swap3A_86] {strides = array<i32>} : memref<128x16xf32, #tpu.memory_space<vmem>>, vector<1x16xf32>,
      %swap3A_88 = vector.shape_cast %swap3A_87 : vector<1x16xf32> to vector<16xf32>
      %swap3A_89 = vector.shape_cast %broadcast_in_dim3A_81 : vector<16xf32> to vector<1x16xf32>
      tpu.vector_store %arg8[%swap3A, %swap3A_86], %swap3A_89 {strides = array<i32>} : memref<128x16xf32, #tpu.memory_space<vmem>>, vector<1x16xf32>,
      %broadcast_in_dim3A_90 = arith.constant 0.000000e+00 : f32
      %broadcast_in_dim3A_91 = vector.broadcast %broadcast_in_dim3A_90 : f32 to vector<16xf32>
      %mul3A_92 = arith.constant 4 : i32
      %mul3A_93 = arith.muli %scan3A_80, %mul3A_92 : i32
      %add3A_94 = arith.constant 1 : i32
      %add3A_95 = arith.addi %mul3A_93, %add3A_94 : i32
      %swap3A_96 = arith.index_cast %add3A_95 : i32 to index
      %swap3A_97 = arith.constant 0 : index
      %swap3A_98 = tpu.vector_load %arg8[%swap3A_96, %swap3A_97] {strides = array<i32>} : memref<128x16xf32, #tpu.memory_space<vmem>>, vector<1x16xf32>,
      %swap3A_99 = vector.shape_cast %swap3A_98 : vector<1x16xf32> to vector<16xf32>
      %swap3A_100 = vector.shape_cast %broadcast_in_dim3A_91 : vector<16xf32> to vector<1x16xf32>
      tpu.vector_store %arg8[%swap3A_96, %swap3A_97], %swap3A_100 {strides = array<i32>} : memref<128x16xf32, #tpu.memory_space<vmem>>, vector<1x16xf32>,
      %broadcast_in_dim3A_101 = arith.constant 0.000000e+00 : f32
      %broadcast_in_dim3A_102 = vector.broadcast %broadcast_in_dim3A_101 : f32 to vector<16xf32>
      %mul3A_103 = arith.constant 4 : i32
      %mul3A_104 = arith.muli %scan3A_80, %mul3A_103 : i32
      %add3A_105 = arith.constant 2 : i32
      %add3A_106 = arith.addi %mul3A_104, %add3A_105 : i32
      %swap3A_107 = arith.index_cast %add3A_106 : i32 to index
      %swap3A_108 = arith.constant 0 : index
      %swap3A_109 = tpu.vector_load %arg8[%swap3A_107, %swap3A_108] {strides = array<i32>} : memref<128x16xf32, #tpu.memory_space<vmem>>, vector<1x16xf32>,
      %swap3A_110 = vector.shape_cast %swap3A_109 : vector<1x16xf32> to vector<16xf32>
      %swap3A_111 = vector.shape_cast %broadcast_in_dim3A_102 : vector<16xf32> to vector<1x16xf32>
      tpu.vector_store %arg8[%swap3A_107, %swap3A_108], %swap3A_111 {strides = array<i32>} : memref<128x16xf32, #tpu.memory_space<vmem>>, vector<1x16xf32>,
      %broadcast_in_dim3A_112 = arith.constant 0.000000e+00 : f32
      %broadcast_in_dim3A_113 = vector.broadcast %broadcast_in_dim3A_112 : f32 to vector<16xf32>
      %mul3A_114 = arith.constant 4 : i32
      %mul3A_115 = arith.muli %scan3A_80, %mul3A_114 : i32
      %add3A_116 = arith.constant 3 : i32
      %add3A_117 = arith.addi %mul3A_115, %add3A_116 : i32
      %swap3A_118 = arith.index_cast %add3A_117 : i32 to index
      %swap3A_119 = arith.constant 0 : index
      %swap3A_120 = tpu.vector_load %arg8[%swap3A_118, %swap3A_119] {strides = array<i32>} : memref<128x16xf32, #tpu.memory_space<vmem>>, vector<1x16xf32>,
      %swap3A_121 = vector.shape_cast %swap3A_120 : vector<1x16xf32> to vector<16xf32>
      %swap3A_122 = vector.shape_cast %broadcast_in_dim3A_113 : vector<16xf32> to vector<1x16xf32>
      tpu.vector_store %arg8[%swap3A_118, %swap3A_119], %swap3A_122 {strides = array<i32>} : memref<128x16xf32, #tpu.memory_space<vmem>>, vector<1x16xf32>,
    }
    %scan3A_5 = arith.constant 32 : i32
    %mul3A_6 = arith.constant 640 : i32
    %mul3A_7 = arith.muli %arg1, %mul3A_6 : i32
    %multiple_of3A = tpu.assume_multiple %mul3A_7, 8 : i32
    %add3A_8 = arith.constant 0 : i32
    %add3A_9 = arith.addi %multiple_of3A, %add3A_8 : i32
    "tpu.region"() ({
      %run_scoped3A = tpu.sem_alloc : memref<!tpu.dma_semaphore, #tpu.memory_space<semaphore_mem>>
      %dma_start3A_80 = arith.constant 0 : i32
      %dma_start3A_81 = tpu.memref_slice %arg16[%add3A_9, %dma_start3A_80] : memref<10240x16xf32, #tpu.memory_space<vmem_shared>> -> memref<128x16xf32, #tpu.memory_space<vmem_shared>>
      %dma_start3A_82 = arith.constant 0 : i32
      %dma_start3A_83 = tpu.memref_slice %arg16[%add3A_9, %dma_start3A_82] : memref<10240x16xf32, #tpu.memory_space<vmem_shared>> -> memref<128x16xf32, #tpu.memory_space<vmem_shared>>
      tpu.enqueue_dma source(%arg8 : memref<128x16xf32, #tpu.memory_space<vmem>>) target(%dma_start3A_83 : memref<128x16xf32, #tpu.memory_space<vmem_shared>>) target_semaphore(%run_scoped3A : memref<!tpu.dma_semaphore, #tpu.memory_space<semaphore_mem>>)
      %dma_wait3A = arith.constant 0 : i32
      %dma_wait3A_84 = tpu.memref_slice %arg16[%add3A_9, %dma_wait3A] : memref<10240x16xf32, #tpu.memory_space<vmem_shared>> -> memref<128x16xf32, #tpu.memory_space<vmem_shared>>
      %dma_wait3A_85 = arith.constant 0 : i32
      %dma_wait3A_86 = tpu.memref_slice %arg16[%add3A_9, %dma_wait3A_85] : memref<10240x16xf32, #tpu.memory_space<vmem_shared>> -> memref<128x16xf32, #tpu.memory_space<vmem_shared>>
      tpu.wait_dma2 semaphore(%run_scoped3A : memref<!tpu.dma_semaphore, #tpu.memory_space<semaphore_mem>>) src(%arg8 : memref<128x16xf32, #tpu.memory_space<vmem>>) dst(%dma_wait3A_86 : memref<128x16xf32, #tpu.memory_space<vmem_shared>>)
      tpu.yield
    }) : () -> ()
    %add3A_10 = arith.constant 128 : i32
    %add3A_11 = arith.addi %multiple_of3A, %add3A_10 : i32
    "tpu.region"() ({
      %run_scoped3A = tpu.sem_alloc : memref<!tpu.dma_semaphore, #tpu.memory_space<semaphore_mem>>
      %dma_start3A_80 = arith.constant 0 : i32
      %dma_start3A_81 = tpu.memref_slice %arg16[%add3A_11, %dma_start3A_80] : memref<10240x16xf32, #tpu.memory_space<vmem_shared>> -> memref<128x16xf32, #tpu.memory_space<vmem_shared>>
      %dma_start3A_82 = arith.constant 0 : i32
      %dma_start3A_83 = tpu.memref_slice %arg16[%add3A_11, %dma_start3A_82] : memref<10240x16xf32, #tpu.memory_space<vmem_shared>> -> memref<128x16xf32, #tpu.memory_space<vmem_shared>>
      tpu.enqueue_dma source(%arg8 : memref<128x16xf32, #tpu.memory_space<vmem>>) target(%dma_start3A_83 : memref<128x16xf32, #tpu.memory_space<vmem_shared>>) target_semaphore(%run_scoped3A : memref<!tpu.dma_semaphore, #tpu.memory_space<semaphore_mem>>)
      %dma_wait3A = arith.constant 0 : i32
      %dma_wait3A_84 = tpu.memref_slice %arg16[%add3A_11, %dma_wait3A] : memref<10240x16xf32, #tpu.memory_space<vmem_shared>> -> memref<128x16xf32, #tpu.memory_space<vmem_shared>>
      %dma_wait3A_85 = arith.constant 0 : i32
      %dma_wait3A_86 = tpu.memref_slice %arg16[%add3A_11, %dma_wait3A_85] : memref<10240x16xf32, #tpu.memory_space<vmem_shared>> -> memref<128x16xf32, #tpu.memory_space<vmem_shared>>
      tpu.wait_dma2 semaphore(%run_scoped3A : memref<!tpu.dma_semaphore, #tpu.memory_space<semaphore_mem>>) src(%arg8 : memref<128x16xf32, #tpu.memory_space<vmem>>) dst(%dma_wait3A_86 : memref<128x16xf32, #tpu.memory_space<vmem_shared>>)
      tpu.yield
    }) : () -> ()
    %add3A_12 = arith.constant 256 : i32
    %add3A_13 = arith.addi %multiple_of3A, %add3A_12 : i32
    "tpu.region"() ({
      %run_scoped3A = tpu.sem_alloc : memref<!tpu.dma_semaphore, #tpu.memory_space<semaphore_mem>>
      %dma_start3A_80 = arith.constant 0 : i32
      %dma_start3A_81 = tpu.memref_slice %arg16[%add3A_13, %dma_start3A_80] : memref<10240x16xf32, #tpu.memory_space<vmem_shared>> -> memref<128x16xf32, #tpu.memory_space<vmem_shared>>
      %dma_start3A_82 = arith.constant 0 : i32
      %dma_start3A_83 = tpu.memref_slice %arg16[%add3A_13, %dma_start3A_82] : memref<10240x16xf32, #tpu.memory_space<vmem_shared>> -> memref<128x16xf32, #tpu.memory_space<vmem_shared>>
      tpu.enqueue_dma source(%arg8 : memref<128x16xf32, #tpu.memory_space<vmem>>) target(%dma_start3A_83 : memref<128x16xf32, #tpu.memory_space<vmem_shared>>) target_semaphore(%run_scoped3A : memref<!tpu.dma_semaphore, #tpu.memory_space<semaphore_mem>>)
      %dma_wait3A = arith.constant 0 : i32
      %dma_wait3A_84 = tpu.memref_slice %arg16[%add3A_13, %dma_wait3A] : memref<10240x16xf32, #tpu.memory_space<vmem_shared>> -> memref<128x16xf32, #tpu.memory_space<vmem_shared>>
      %dma_wait3A_85 = arith.constant 0 : i32
      %dma_wait3A_86 = tpu.memref_slice %arg16[%add3A_13, %dma_wait3A_85] : memref<10240x16xf32, #tpu.memory_space<vmem_shared>> -> memref<128x16xf32, #tpu.memory_space<vmem_shared>>
      tpu.wait_dma2 semaphore(%run_scoped3A : memref<!tpu.dma_semaphore, #tpu.memory_space<semaphore_mem>>) src(%arg8 : memref<128x16xf32, #tpu.memory_space<vmem>>) dst(%dma_wait3A_86 : memref<128x16xf32, #tpu.memory_space<vmem_shared>>)
      tpu.yield
    }) : () -> ()
    %add3A_14 = arith.constant 384 : i32
    %add3A_15 = arith.addi %multiple_of3A, %add3A_14 : i32
    "tpu.region"() ({
      %run_scoped3A = tpu.sem_alloc : memref<!tpu.dma_semaphore, #tpu.memory_space<semaphore_mem>>
      %dma_start3A_80 = arith.constant 0 : i32
      %dma_start3A_81 = tpu.memref_slice %arg16[%add3A_15, %dma_start3A_80] : memref<10240x16xf32, #tpu.memory_space<vmem_shared>> -> memref<128x16xf32, #tpu.memory_space<vmem_shared>>
      %dma_start3A_82 = arith.constant 0 : i32
      %dma_start3A_83 = tpu.memref_slice %arg16[%add3A_15, %dma_start3A_82] : memref<10240x16xf32, #tpu.memory_space<vmem_shared>> -> memref<128x16xf32, #tpu.memory_space<vmem_shared>>
      tpu.enqueue_dma source(%arg8 : memref<128x16xf32, #tpu.memory_space<vmem>>) target(%dma_start3A_83 : memref<128x16xf32, #tpu.memory_space<vmem_shared>>) target_semaphore(%run_scoped3A : memref<!tpu.dma_semaphore, #tpu.memory_space<semaphore_mem>>)
      %dma_wait3A = arith.constant 0 : i32
      %dma_wait3A_84 = tpu.memref_slice %arg16[%add3A_15, %dma_wait3A] : memref<10240x16xf32, #tpu.memory_space<vmem_shared>> -> memref<128x16xf32, #tpu.memory_space<vmem_shared>>
      %dma_wait3A_85 = arith.constant 0 : i32
      %dma_wait3A_86 = tpu.memref_slice %arg16[%add3A_15, %dma_wait3A_85] : memref<10240x16xf32, #tpu.memory_space<vmem_shared>> -> memref<128x16xf32, #tpu.memory_space<vmem_shared>>
      tpu.wait_dma2 semaphore(%run_scoped3A : memref<!tpu.dma_semaphore, #tpu.memory_space<semaphore_mem>>) src(%arg8 : memref<128x16xf32, #tpu.memory_space<vmem>>) dst(%dma_wait3A_86 : memref<128x16xf32, #tpu.memory_space<vmem_shared>>)
      tpu.yield
    }) : () -> ()
    %add3A_16 = arith.constant 512 : i32
    %add3A_17 = arith.addi %multiple_of3A, %add3A_16 : i32
    "tpu.region"() ({
      %run_scoped3A = tpu.sem_alloc : memref<!tpu.dma_semaphore, #tpu.memory_space<semaphore_mem>>
      %dma_start3A_80 = arith.constant 0 : i32
      %dma_start3A_81 = tpu.memref_slice %arg16[%add3A_17, %dma_start3A_80] : memref<10240x16xf32, #tpu.memory_space<vmem_shared>> -> memref<128x16xf32, #tpu.memory_space<vmem_shared>>
      %dma_start3A_82 = arith.constant 0 : i32
      %dma_start3A_83 = tpu.memref_slice %arg16[%add3A_17, %dma_start3A_82] : memref<10240x16xf32, #tpu.memory_space<vmem_shared>> -> memref<128x16xf32, #tpu.memory_space<vmem_shared>>
      tpu.enqueue_dma source(%arg8 : memref<128x16xf32, #tpu.memory_space<vmem>>) target(%dma_start3A_83 : memref<128x16xf32, #tpu.memory_space<vmem_shared>>) target_semaphore(%run_scoped3A : memref<!tpu.dma_semaphore, #tpu.memory_space<semaphore_mem>>)
      %dma_wait3A = arith.constant 0 : i32
      %dma_wait3A_84 = tpu.memref_slice %arg16[%add3A_17, %dma_wait3A] : memref<10240x16xf32, #tpu.memory_space<vmem_shared>> -> memref<128x16xf32, #tpu.memory_space<vmem_shared>>
      %dma_wait3A_85 = arith.constant 0 : i32
      %dma_wait3A_86 = tpu.memref_slice %arg16[%add3A_17, %dma_wait3A_85] : memref<10240x16xf32, #tpu.memory_space<vmem_shared>> -> memref<128x16xf32, #tpu.memory_space<vmem_shared>>
      tpu.wait_dma2 semaphore(%run_scoped3A : memref<!tpu.dma_semaphore, #tpu.memory_space<semaphore_mem>>) src(%arg8 : memref<128x16xf32, #tpu.memory_space<vmem>>) dst(%dma_wait3A_86 : memref<128x16xf32, #tpu.memory_space<vmem_shared>>)
      tpu.yield
    }) : () -> ()
    %barrier3A = arith.constant 0 : index
    tpu.barrier barrier_id(%barrier3A)
    %dma_start3A = arith.constant 0 : i32
    %dma_start3A_18 = arith.constant 0 : i32
    %dma_start3A_19 = tpu.memref_slice %arg6[%dma_start3A, %dma_start3A_18] : memref<80x128xi32, #tpu.memory_space<vmem>> -> memref<1x128xi32, #tpu.memory_space<vmem>>
    %dma_start3A_20 = tpu.memref_squeeze %dma_start3A_19 : memref<1x128xi32, #tpu.memory_space<vmem>> -> memref<128xi32, #tpu.memory_space<vmem>>
    %dma_start3A_21 = arith.constant 0 : i32
    %dma_start3A_22 = arith.constant 0 : i32
    %dma_start3A_23 = tpu.memref_slice %arg2[%dma_start3A_21, %dma_start3A_22] : memref<10000x16xf32, #tpu.memory_space<hbm>> -> memref<10000x16xf32, #tpu.memory_space<hbm>>
    tpu.enqueue_indirect_dma source(%dma_start3A_23 : memref<10000x16xf32, #tpu.memory_space<hbm>>) target(%arg8 : memref<128x16xf32, #tpu.memory_space<vmem>>) offsets(%dma_start3A_20 : memref<128xi32, #tpu.memory_space<vmem>>) semaphore(%arg17 : memref<!tpu.dma_semaphore, #tpu.memory_space<semaphore_mem>>)
    %dma_start3A_24 = arith.constant 1 : i32
    %dma_start3A_25 = arith.constant 0 : i32
    %dma_start3A_26 = tpu.memref_slice %arg6[%dma_start3A_24, %dma_start3A_25] : memref<80x128xi32, #tpu.memory_space<vmem>> -> memref<1x128xi32, #tpu.memory_space<vmem>>
    %dma_start3A_27 = tpu.memref_squeeze %dma_start3A_26 : memref<1x128xi32, #tpu.memory_space<vmem>> -> memref<128xi32, #tpu.memory_space<vmem>>
    %dma_start3A_28 = arith.constant 0 : i32
    %dma_start3A_29 = arith.constant 0 : i32
    %dma_start3A_30 = tpu.memref_slice %arg2[%dma_start3A_28, %dma_start3A_29] : memref<10000x16xf32, #tpu.memory_space<hbm>> -> memref<10000x16xf32, #tpu.memory_space<hbm>>
    tpu.enqueue_indirect_dma source(%dma_start3A_30 : memref<10000x16xf32, #tpu.memory_space<hbm>>) target(%arg9 : memref<128x16xf32, #tpu.memory_space<vmem>>) offsets(%dma_start3A_27 : memref<128xi32, #tpu.memory_space<vmem>>) semaphore(%arg18 : memref<!tpu.dma_semaphore, #tpu.memory_space<semaphore_mem>>)
    %dma_start3A_31 = arith.constant 2 : i32
    %dma_start3A_32 = arith.constant 0 : i32
    %dma_start3A_33 = tpu.memref_slice %arg6[%dma_start3A_31, %dma_start3A_32] : memref<80x128xi32, #tpu.memory_space<vmem>> -> memref<1x128xi32, #tpu.memory_space<vmem>>
    %dma_start3A_34 = tpu.memref_squeeze %dma_start3A_33 : memref<1x128xi32, #tpu.memory_space<vmem>> -> memref<128xi32, #tpu.memory_space<vmem>>
    %dma_start3A_35 = arith.constant 0 : i32
    %dma_start3A_36 = arith.constant 0 : i32
    %dma_start3A_37 = tpu.memref_slice %arg2[%dma_start3A_35, %dma_start3A_36] : memref<10000x16xf32, #tpu.memory_space<hbm>> -> memref<10000x16xf32, #tpu.memory_space<hbm>>
    tpu.enqueue_indirect_dma source(%dma_start3A_37 : memref<10000x16xf32, #tpu.memory_space<hbm>>) target(%arg10 : memref<128x16xf32, #tpu.memory_space<vmem>>) offsets(%dma_start3A_34 : memref<128xi32, #tpu.memory_space<vmem>>) semaphore(%arg19 : memref<!tpu.dma_semaphore, #tpu.memory_space<semaphore_mem>>)
    %dma_start3A_38 = arith.constant 3 : i32
    %dma_start3A_39 = arith.constant 0 : i32
    %dma_start3A_40 = tpu.memref_slice %arg6[%dma_start3A_38, %dma_start3A_39] : memref<80x128xi32, #tpu.memory_space<vmem>> -> memref<1x128xi32, #tpu.memory_space<vmem>>
    %dma_start3A_41 = tpu.memref_squeeze %dma_start3A_40 : memref<1x128xi32, #tpu.memory_space<vmem>> -> memref<128xi32, #tpu.memory_space<vmem>>
    %dma_start3A_42 = arith.constant 0 : i32
    %dma_start3A_43 = arith.constant 0 : i32
    %dma_start3A_44 = tpu.memref_slice %arg2[%dma_start3A_42, %dma_start3A_43] : memref<10000x16xf32, #tpu.memory_space<hbm>> -> memref<10000x16xf32, #tpu.memory_space<hbm>>
    tpu.enqueue_indirect_dma source(%dma_start3A_44 : memref<10000x16xf32, #tpu.memory_space<hbm>>) target(%arg11 : memref<128x16xf32, #tpu.memory_space<vmem>>) offsets(%dma_start3A_41 : memref<128xi32, #tpu.memory_space<vmem>>) semaphore(%arg20 : memref<!tpu.dma_semaphore, #tpu.memory_space<semaphore_mem>>)
    %dma_start3A_45 = arith.constant 4 : i32
    %dma_start3A_46 = arith.constant 0 : i32
    %dma_start3A_47 = tpu.memref_slice %arg6[%dma_start3A_45, %dma_start3A_46] : memref<80x128xi32, #tpu.memory_space<vmem>> -> memref<1x128xi32, #tpu.memory_space<vmem>>
    %dma_start3A_48 = tpu.memref_squeeze %dma_start3A_47 : memref<1x128xi32, #tpu.memory_space<vmem>> -> memref<128xi32, #tpu.memory_space<vmem>>
    %dma_start3A_49 = arith.constant 0 : i32
    %dma_start3A_50 = arith.constant 0 : i32
    %dma_start3A_51 = tpu.memref_slice %arg2[%dma_start3A_49, %dma_start3A_50] : memref<10000x16xf32, #tpu.memory_space<hbm>> -> memref<10000x16xf32, #tpu.memory_space<hbm>>
    tpu.enqueue_indirect_dma source(%dma_start3A_51 : memref<10000x16xf32, #tpu.memory_space<hbm>>) target(%arg12 : memref<128x16xf32, #tpu.memory_space<vmem>>) offsets(%dma_start3A_48 : memref<128xi32, #tpu.memory_space<vmem>>) semaphore(%arg21 : memref<!tpu.dma_semaphore, #tpu.memory_space<semaphore_mem>>)
    %dma_start3A_52 = arith.constant 5 : i32
    %dma_start3A_53 = arith.constant 0 : i32
    %dma_start3A_54 = tpu.memref_slice %arg6[%dma_start3A_52, %dma_start3A_53] : memref<80x128xi32, #tpu.memory_space<vmem>> -> memref<1x128xi32, #tpu.memory_space<vmem>>
    %dma_start3A_55 = tpu.memref_squeeze %dma_start3A_54 : memref<1x128xi32, #tpu.memory_space<vmem>> -> memref<128xi32, #tpu.memory_space<vmem>>
    %dma_start3A_56 = arith.constant 0 : i32
    %dma_start3A_57 = arith.constant 0 : i32
    %dma_start3A_58 = tpu.memref_slice %arg2[%dma_start3A_56, %dma_start3A_57] : memref<10000x16xf32, #tpu.memory_space<hbm>> -> memref<10000x16xf32, #tpu.memory_space<hbm>>
    tpu.enqueue_indirect_dma source(%dma_start3A_58 : memref<10000x16xf32, #tpu.memory_space<hbm>>) target(%arg13 : memref<128x16xf32, #tpu.memory_space<vmem>>) offsets(%dma_start3A_55 : memref<128xi32, #tpu.memory_space<vmem>>) semaphore(%arg22 : memref<!tpu.dma_semaphore, #tpu.memory_space<semaphore_mem>>)
    %dma_start3A_59 = arith.constant 6 : i32
    %dma_start3A_60 = arith.constant 0 : i32
    %dma_start3A_61 = tpu.memref_slice %arg6[%dma_start3A_59, %dma_start3A_60] : memref<80x128xi32, #tpu.memory_space<vmem>> -> memref<1x128xi32, #tpu.memory_space<vmem>>
    %dma_start3A_62 = tpu.memref_squeeze %dma_start3A_61 : memref<1x128xi32, #tpu.memory_space<vmem>> -> memref<128xi32, #tpu.memory_space<vmem>>
    %dma_start3A_63 = arith.constant 0 : i32
    %dma_start3A_64 = arith.constant 0 : i32
    %dma_start3A_65 = tpu.memref_slice %arg2[%dma_start3A_63, %dma_start3A_64] : memref<10000x16xf32, #tpu.memory_space<hbm>> -> memref<10000x16xf32, #tpu.memory_space<hbm>>
    tpu.enqueue_indirect_dma source(%dma_start3A_65 : memref<10000x16xf32, #tpu.memory_space<hbm>>) target(%arg14 : memref<128x16xf32, #tpu.memory_space<vmem>>) offsets(%dma_start3A_62 : memref<128xi32, #tpu.memory_space<vmem>>) semaphore(%arg23 : memref<!tpu.dma_semaphore, #tpu.memory_space<semaphore_mem>>)
    %dma_start3A_66 = arith.constant 7 : i32
    %dma_start3A_67 = arith.constant 0 : i32
    %dma_start3A_68 = tpu.memref_slice %arg6[%dma_start3A_66, %dma_start3A_67] : memref<80x128xi32, #tpu.memory_space<vmem>> -> memref<1x128xi32, #tpu.memory_space<vmem>>
    %dma_start3A_69 = tpu.memref_squeeze %dma_start3A_68 : memref<1x128xi32, #tpu.memory_space<vmem>> -> memref<128xi32, #tpu.memory_space<vmem>>
    %dma_start3A_70 = arith.constant 0 : i32
    %dma_start3A_71 = arith.constant 0 : i32
    %dma_start3A_72 = tpu.memref_slice %arg2[%dma_start3A_70, %dma_start3A_71] : memref<10000x16xf32, #tpu.memory_space<hbm>> -> memref<10000x16xf32, #tpu.memory_space<hbm>>
    tpu.enqueue_indirect_dma source(%dma_start3A_72 : memref<10000x16xf32, #tpu.memory_space<hbm>>) target(%arg15 : memref<128x16xf32, #tpu.memory_space<vmem>>) offsets(%dma_start3A_69 : memref<128xi32, #tpu.memory_space<vmem>>) semaphore(%arg24 : memref<!tpu.dma_semaphore, #tpu.memory_space<semaphore_mem>>)
    %scan3A_73 = arith.constant 0 : i32
    %scan3A_74 = arith.constant 0 : i32
    %scan3A_75 = arith.constant 10 : i32
    %scan3A_76 = arith.addi %scan3A_74, %scan3A_75 : i32
    %scan3A_77 = arith.constant 1 : i32
    scf.for %scan3A_80 = %scan3A_74 to %scan3A_76 step %scan3A_77  : i32 {
      %mul3A_81 = arith.constant 8 : i32
      %mul3A_82 = arith.muli %scan3A_80, %mul3A_81 : i32
      %add3A_83 = arith.constant 0 : i32
      %add3A_84 = arith.addi %mul3A_82, %add3A_83 : i32
      %dma_wait3A = arith.constant 0 : i32
      %dma_wait3A_85 = tpu.memref_slice %arg6[%add3A_84, %dma_wait3A] : memref<80x128xi32, #tpu.memory_space<vmem>> -> memref<1x128xi32, #tpu.memory_space<vmem>>
      %dma_wait3A_86 = tpu.memref_squeeze %dma_wait3A_85 : memref<1x128xi32, #tpu.memory_space<vmem>> -> memref<128xi32, #tpu.memory_space<vmem>>
      %dma_wait3A_87 = arith.constant 0 : i32
      %dma_wait3A_88 = arith.constant 0 : i32
      %dma_wait3A_89 = tpu.memref_slice %arg2[%dma_wait3A_87, %dma_wait3A_88] : memref<10000x16xf32, #tpu.memory_space<hbm>> -> memref<10000x16xf32, #tpu.memory_space<hbm>>
      tpu.wait_indirect_dma semaphore(%arg17 : memref<!tpu.dma_semaphore, #tpu.memory_space<semaphore_mem>>) src(%dma_wait3A_89 : memref<10000x16xf32, #tpu.memory_space<hbm>>) dst(%arg8 : memref<128x16xf32, #tpu.memory_space<vmem>>)
      "tpu.region"() ({
        %run_scoped3A = tpu.sem_alloc : memref<!tpu.dma_semaphore, #tpu.memory_space<semaphore_mem>>
        %dma_start3A_213 = arith.constant 0 : i32
        %dma_start3A_214 = tpu.memref_slice %arg7[%add3A_84, %dma_start3A_213] : memref<80x128xi32, #tpu.memory_space<vmem>> -> memref<1x128xi32, #tpu.memory_space<vmem>>
        %dma_start3A_215 = tpu.memref_squeeze %dma_start3A_214 : memref<1x128xi32, #tpu.memory_space<vmem>> -> memref<128xi32, #tpu.memory_space<vmem>>
        %dma_start3A_216 = arith.constant 0 : i32
        %dma_start3A_217 = arith.constant 0 : i32
        %dma_start3A_218 = tpu.memref_slice %arg16[%dma_start3A_216, %dma_start3A_217] : memref<10240x16xf32, #tpu.memory_space<vmem_shared>> -> memref<10240x16xf32, #tpu.memory_space<vmem_shared>>
        tpu.enqueue_indirect_dma source(%arg8 : memref<128x16xf32, #tpu.memory_space<vmem>>) target(%dma_start3A_218 : memref<10240x16xf32, #tpu.memory_space<vmem_shared>>) offsets(%dma_start3A_215 : memref<128xi32, #tpu.memory_space<vmem>>) semaphore(%run_scoped3A : memref<!tpu.dma_semaphore, #tpu.memory_space<semaphore_mem>>) {add = true}
        %dma_wait3A_219 = arith.constant 0 : i32
        %dma_wait3A_220 = tpu.memref_slice %arg7[%add3A_84, %dma_wait3A_219] : memref<80x128xi32, #tpu.memory_space<vmem>> -> memref<1x128xi32, #tpu.memory_space<vmem>>
        %dma_wait3A_221 = tpu.memref_squeeze %dma_wait3A_220 : memref<1x128xi32, #tpu.memory_space<vmem>> -> memref<128xi32, #tpu.memory_space<vmem>>
        %dma_wait3A_222 = arith.constant 0 : i32
        %dma_wait3A_223 = arith.constant 0 : i32
        %dma_wait3A_224 = tpu.memref_slice %arg16[%dma_wait3A_222, %dma_wait3A_223] : memref<10240x16xf32, #tpu.memory_space<vmem_shared>> -> memref<10240x16xf32, #tpu.memory_space<vmem_shared>>
        tpu.wait_indirect_dma semaphore(%run_scoped3A : memref<!tpu.dma_semaphore, #tpu.memory_space<semaphore_mem>>) src(%arg8 : memref<128x16xf32, #tpu.memory_space<vmem>>) dst(%dma_wait3A_224 : memref<10240x16xf32, #tpu.memory_space<vmem_shared>>)
        tpu.yield
      }) : () -> ()
      %add3A_90 = arith.constant 8 : i32
      %add3A_91 = arith.addi %add3A_84, %add3A_90 : i32
      %lt3A = arith.constant 80 : i32
      %lt3A_92 = arith.cmpi slt, %add3A_91, %lt3A : i32
      %convert_element_type3A = arith.extui %lt3A_92 : i1 to i32
      %cond3A = arith.constant 0 : i32
      %cond3A_93 = arith.cmpi ne, %convert_element_type3A, %cond3A : i32
      scf.if %cond3A_93 {
        %add3A_213 = arith.constant 8 : i32
        %add3A_214 = arith.addi %add3A_84, %add3A_213 : i32
        %dma_start3A_215 = arith.constant 0 : i32
        %dma_start3A_216 = tpu.memref_slice %arg6[%add3A_214, %dma_start3A_215] : memref<80x128xi32, #tpu.memory_space<vmem>> -> memref<1x128xi32, #tpu.memory_space<vmem>>
        %dma_start3A_217 = tpu.memref_squeeze %dma_start3A_216 : memref<1x128xi32, #tpu.memory_space<vmem>> -> memref<128xi32, #tpu.memory_space<vmem>>
        %dma_start3A_218 = arith.constant 0 : i32
        %dma_start3A_219 = arith.constant 0 : i32
        %dma_start3A_220 = tpu.memref_slice %arg2[%dma_start3A_218, %dma_start3A_219] : memref<10000x16xf32, #tpu.memory_space<hbm>> -> memref<10000x16xf32, #tpu.memory_space<hbm>>
        tpu.enqueue_indirect_dma source(%dma_start3A_220 : memref<10000x16xf32, #tpu.memory_space<hbm>>) target(%arg8 : memref<128x16xf32, #tpu.memory_space<vmem>>) offsets(%dma_start3A_217 : memref<128xi32, #tpu.memory_space<vmem>>) semaphore(%arg17 : memref<!tpu.dma_semaphore, #tpu.memory_space<semaphore_mem>>)
      } else {
      }
      %mul3A_94 = arith.constant 8 : i32
      %mul3A_95 = arith.muli %scan3A_80, %mul3A_94 : i32
      %add3A_96 = arith.constant 1 : i32
      %add3A_97 = arith.addi %mul3A_95, %add3A_96 : i32
      %dma_wait3A_98 = arith.constant 0 : i32
      %dma_wait3A_99 = tpu.memref_slice %arg6[%add3A_97, %dma_wait3A_98] : memref<80x128xi32, #tpu.memory_space<vmem>> -> memref<1x128xi32, #tpu.memory_space<vmem>>
      %dma_wait3A_100 = tpu.memref_squeeze %dma_wait3A_99 : memref<1x128xi32, #tpu.memory_space<vmem>> -> memref<128xi32, #tpu.memory_space<vmem>>
      %dma_wait3A_101 = arith.constant 0 : i32
      %dma_wait3A_102 = arith.constant 0 : i32
      %dma_wait3A_103 = tpu.memref_slice %arg2[%dma_wait3A_101, %dma_wait3A_102] : memref<10000x16xf32, #tpu.memory_space<hbm>> -> memref<10000x16xf32, #tpu.memory_space<hbm>>
      tpu.wait_indirect_dma semaphore(%arg18 : memref<!tpu.dma_semaphore, #tpu.memory_space<semaphore_mem>>) src(%dma_wait3A_103 : memref<10000x16xf32, #tpu.memory_space<hbm>>) dst(%arg9 : memref<128x16xf32, #tpu.memory_space<vmem>>)
      "tpu.region"() ({
        %run_scoped3A = tpu.sem_alloc : memref<!tpu.dma_semaphore, #tpu.memory_space<semaphore_mem>>
        %dma_start3A_213 = arith.constant 0 : i32
        %dma_start3A_214 = tpu.memref_slice %arg7[%add3A_97, %dma_start3A_213] : memref<80x128xi32, #tpu.memory_space<vmem>> -> memref<1x128xi32, #tpu.memory_space<vmem>>
        %dma_start3A_215 = tpu.memref_squeeze %dma_start3A_214 : memref<1x128xi32, #tpu.memory_space<vmem>> -> memref<128xi32, #tpu.memory_space<vmem>>
        %dma_start3A_216 = arith.constant 0 : i32
        %dma_start3A_217 = arith.constant 0 : i32
        %dma_start3A_218 = tpu.memref_slice %arg16[%dma_start3A_216, %dma_start3A_217] : memref<10240x16xf32, #tpu.memory_space<vmem_shared>> -> memref<10240x16xf32, #tpu.memory_space<vmem_shared>>
        tpu.enqueue_indirect_dma source(%arg9 : memref<128x16xf32, #tpu.memory_space<vmem>>) target(%dma_start3A_218 : memref<10240x16xf32, #tpu.memory_space<vmem_shared>>) offsets(%dma_start3A_215 : memref<128xi32, #tpu.memory_space<vmem>>) semaphore(%run_scoped3A : memref<!tpu.dma_semaphore, #tpu.memory_space<semaphore_mem>>) {add = true}
        %dma_wait3A_219 = arith.constant 0 : i32
        %dma_wait3A_220 = tpu.memref_slice %arg7[%add3A_97, %dma_wait3A_219] : memref<80x128xi32, #tpu.memory_space<vmem>> -> memref<1x128xi32, #tpu.memory_space<vmem>>
        %dma_wait3A_221 = tpu.memref_squeeze %dma_wait3A_220 : memref<1x128xi32, #tpu.memory_space<vmem>> -> memref<128xi32, #tpu.memory_space<vmem>>
        %dma_wait3A_222 = arith.constant 0 : i32
        %dma_wait3A_223 = arith.constant 0 : i32
        %dma_wait3A_224 = tpu.memref_slice %arg16[%dma_wait3A_222, %dma_wait3A_223] : memref<10240x16xf32, #tpu.memory_space<vmem_shared>> -> memref<10240x16xf32, #tpu.memory_space<vmem_shared>>
        tpu.wait_indirect_dma semaphore(%run_scoped3A : memref<!tpu.dma_semaphore, #tpu.memory_space<semaphore_mem>>) src(%arg9 : memref<128x16xf32, #tpu.memory_space<vmem>>) dst(%dma_wait3A_224 : memref<10240x16xf32, #tpu.memory_space<vmem_shared>>)
        tpu.yield
      }) : () -> ()
      %add3A_104 = arith.constant 8 : i32
      %add3A_105 = arith.addi %add3A_97, %add3A_104 : i32
      %lt3A_106 = arith.constant 80 : i32
      %lt3A_107 = arith.cmpi slt, %add3A_105, %lt3A_106 : i32
      %convert_element_type3A_108 = arith.extui %lt3A_107 : i1 to i32
      %cond3A_109 = arith.constant 0 : i32
      %cond3A_110 = arith.cmpi ne, %convert_element_type3A_108, %cond3A_109 : i32
      scf.if %cond3A_110 {
        %add3A_213 = arith.constant 8 : i32
        %add3A_214 = arith.addi %add3A_97, %add3A_213 : i32
        %dma_start3A_215 = arith.constant 0 : i32
        %dma_start3A_216 = tpu.memref_slice %arg6[%add3A_214, %dma_start3A_215] : memref<80x128xi32, #tpu.memory_space<vmem>> -> memref<1x128xi32, #tpu.memory_space<vmem>>
        %dma_start3A_217 = tpu.memref_squeeze %dma_start3A_216 : memref<1x128xi32, #tpu.memory_space<vmem>> -> memref<128xi32, #tpu.memory_space<vmem>>
        %dma_start3A_218 = arith.constant 0 : i32
        %dma_start3A_219 = arith.constant 0 : i32
        %dma_start3A_220 = tpu.memref_slice %arg2[%dma_start3A_218, %dma_start3A_219] : memref<10000x16xf32, #tpu.memory_space<hbm>> -> memref<10000x16xf32, #tpu.memory_space<hbm>>
        tpu.enqueue_indirect_dma source(%dma_start3A_220 : memref<10000x16xf32, #tpu.memory_space<hbm>>) target(%arg9 : memref<128x16xf32, #tpu.memory_space<vmem>>) offsets(%dma_start3A_217 : memref<128xi32, #tpu.memory_space<vmem>>) semaphore(%arg18 : memref<!tpu.dma_semaphore, #tpu.memory_space<semaphore_mem>>)
      } else {
      }
      %mul3A_111 = arith.constant 8 : i32
      %mul3A_112 = arith.muli %scan3A_80, %mul3A_111 : i32
      %add3A_113 = arith.constant 2 : i32
      %add3A_114 = arith.addi %mul3A_112, %add3A_113 : i32
      %dma_wait3A_115 = arith.constant 0 : i32
      %dma_wait3A_116 = tpu.memref_slice %arg6[%add3A_114, %dma_wait3A_115] : memref<80x128xi32, #tpu.memory_space<vmem>> -> memref<1x128xi32, #tpu.memory_space<vmem>>
      %dma_wait3A_117 = tpu.memref_squeeze %dma_wait3A_116 : memref<1x128xi32, #tpu.memory_space<vmem>> -> memref<128xi32, #tpu.memory_space<vmem>>
      %dma_wait3A_118 = arith.constant 0 : i32
      %dma_wait3A_119 = arith.constant 0 : i32
      %dma_wait3A_120 = tpu.memref_slice %arg2[%dma_wait3A_118, %dma_wait3A_119] : memref<10000x16xf32, #tpu.memory_space<hbm>> -> memref<10000x16xf32, #tpu.memory_space<hbm>>
      tpu.wait_indirect_dma semaphore(%arg19 : memref<!tpu.dma_semaphore, #tpu.memory_space<semaphore_mem>>) src(%dma_wait3A_120 : memref<10000x16xf32, #tpu.memory_space<hbm>>) dst(%arg10 : memref<128x16xf32, #tpu.memory_space<vmem>>)
      "tpu.region"() ({
        %run_scoped3A = tpu.sem_alloc : memref<!tpu.dma_semaphore, #tpu.memory_space<semaphore_mem>>
        %dma_start3A_213 = arith.constant 0 : i32
        %dma_start3A_214 = tpu.memref_slice %arg7[%add3A_114, %dma_start3A_213] : memref<80x128xi32, #tpu.memory_space<vmem>> -> memref<1x128xi32, #tpu.memory_space<vmem>>
        %dma_start3A_215 = tpu.memref_squeeze %dma_start3A_214 : memref<1x128xi32, #tpu.memory_space<vmem>> -> memref<128xi32, #tpu.memory_space<vmem>>
        %dma_start3A_216 = arith.constant 0 : i32
        %dma_start3A_217 = arith.constant 0 : i32
        %dma_start3A_218 = tpu.memref_slice %arg16[%dma_start3A_216, %dma_start3A_217] : memref<10240x16xf32, #tpu.memory_space<vmem_shared>> -> memref<10240x16xf32, #tpu.memory_space<vmem_shared>>
        tpu.enqueue_indirect_dma source(%arg10 : memref<128x16xf32, #tpu.memory_space<vmem>>) target(%dma_start3A_218 : memref<10240x16xf32, #tpu.memory_space<vmem_shared>>) offsets(%dma_start3A_215 : memref<128xi32, #tpu.memory_space<vmem>>) semaphore(%run_scoped3A : memref<!tpu.dma_semaphore, #tpu.memory_space<semaphore_mem>>) {add = true}
        %dma_wait3A_219 = arith.constant 0 : i32
        %dma_wait3A_220 = tpu.memref_slice %arg7[%add3A_114, %dma_wait3A_219] : memref<80x128xi32, #tpu.memory_space<vmem>> -> memref<1x128xi32, #tpu.memory_space<vmem>>
        %dma_wait3A_221 = tpu.memref_squeeze %dma_wait3A_220 : memref<1x128xi32, #tpu.memory_space<vmem>> -> memref<128xi32, #tpu.memory_space<vmem>>
        %dma_wait3A_222 = arith.constant 0 : i32
        %dma_wait3A_223 = arith.constant 0 : i32
        %dma_wait3A_224 = tpu.memref_slice %arg16[%dma_wait3A_222, %dma_wait3A_223] : memref<10240x16xf32, #tpu.memory_space<vmem_shared>> -> memref<10240x16xf32, #tpu.memory_space<vmem_shared>>
        tpu.wait_indirect_dma semaphore(%run_scoped3A : memref<!tpu.dma_semaphore, #tpu.memory_space<semaphore_mem>>) src(%arg10 : memref<128x16xf32, #tpu.memory_space<vmem>>) dst(%dma_wait3A_224 : memref<10240x16xf32, #tpu.memory_space<vmem_shared>>)
        tpu.yield
      }) : () -> ()
      %add3A_121 = arith.constant 8 : i32
      %add3A_122 = arith.addi %add3A_114, %add3A_121 : i32
      %lt3A_123 = arith.constant 80 : i32
      %lt3A_124 = arith.cmpi slt, %add3A_122, %lt3A_123 : i32
      %convert_element_type3A_125 = arith.extui %lt3A_124 : i1 to i32
      %cond3A_126 = arith.constant 0 : i32
      %cond3A_127 = arith.cmpi ne, %convert_element_type3A_125, %cond3A_126 : i32
      scf.if %cond3A_127 {
        %add3A_213 = arith.constant 8 : i32
        %add3A_214 = arith.addi %add3A_114, %add3A_213 : i32
        %dma_start3A_215 = arith.constant 0 : i32
        %dma_start3A_216 = tpu.memref_slice %arg6[%add3A_214, %dma_start3A_215] : memref<80x128xi32, #tpu.memory_space<vmem>> -> memref<1x128xi32, #tpu.memory_space<vmem>>
        %dma_start3A_217 = tpu.memref_squeeze %dma_start3A_216 : memref<1x128xi32, #tpu.memory_space<vmem>> -> memref<128xi32, #tpu.memory_space<vmem>>
        %dma_start3A_218 = arith.constant 0 : i32
        %dma_start3A_219 = arith.constant 0 : i32
        %dma_start3A_220 = tpu.memref_slice %arg2[%dma_start3A_218, %dma_start3A_219] : memref<10000x16xf32, #tpu.memory_space<hbm>> -> memref<10000x16xf32, #tpu.memory_space<hbm>>
        tpu.enqueue_indirect_dma source(%dma_start3A_220 : memref<10000x16xf32, #tpu.memory_space<hbm>>) target(%arg10 : memref<128x16xf32, #tpu.memory_space<vmem>>) offsets(%dma_start3A_217 : memref<128xi32, #tpu.memory_space<vmem>>) semaphore(%arg19 : memref<!tpu.dma_semaphore, #tpu.memory_space<semaphore_mem>>)
      } else {
      }
      %mul3A_128 = arith.constant 8 : i32
      %mul3A_129 = arith.muli %scan3A_80, %mul3A_128 : i32
      %add3A_130 = arith.constant 3 : i32
      %add3A_131 = arith.addi %mul3A_129, %add3A_130 : i32
      %dma_wait3A_132 = arith.constant 0 : i32
      %dma_wait3A_133 = tpu.memref_slice %arg6[%add3A_131, %dma_wait3A_132] : memref<80x128xi32, #tpu.memory_space<vmem>> -> memref<1x128xi32, #tpu.memory_space<vmem>>
      %dma_wait3A_134 = tpu.memref_squeeze %dma_wait3A_133 : memref<1x128xi32, #tpu.memory_space<vmem>> -> memref<128xi32, #tpu.memory_space<vmem>>
      %dma_wait3A_135 = arith.constant 0 : i32
      %dma_wait3A_136 = arith.constant 0 : i32
      %dma_wait3A_137 = tpu.memref_slice %arg2[%dma_wait3A_135, %dma_wait3A_136] : memref<10000x16xf32, #tpu.memory_space<hbm>> -> memref<10000x16xf32, #tpu.memory_space<hbm>>
      tpu.wait_indirect_dma semaphore(%arg20 : memref<!tpu.dma_semaphore, #tpu.memory_space<semaphore_mem>>) src(%dma_wait3A_137 : memref<10000x16xf32, #tpu.memory_space<hbm>>) dst(%arg11 : memref<128x16xf32, #tpu.memory_space<vmem>>)
      "tpu.region"() ({
        %run_scoped3A = tpu.sem_alloc : memref<!tpu.dma_semaphore, #tpu.memory_space<semaphore_mem>>
        %dma_start3A_213 = arith.constant 0 : i32
        %dma_start3A_214 = tpu.memref_slice %arg7[%add3A_131, %dma_start3A_213] : memref<80x128xi32, #tpu.memory_space<vmem>> -> memref<1x128xi32, #tpu.memory_space<vmem>>
        %dma_start3A_215 = tpu.memref_squeeze %dma_start3A_214 : memref<1x128xi32, #tpu.memory_space<vmem>> -> memref<128xi32, #tpu.memory_space<vmem>>
        %dma_start3A_216 = arith.constant 0 : i32
        %dma_start3A_217 = arith.constant 0 : i32
        %dma_start3A_218 = tpu.memref_slice %arg16[%dma_start3A_216, %dma_start3A_217] : memref<10240x16xf32, #tpu.memory_space<vmem_shared>> -> memref<10240x16xf32, #tpu.memory_space<vmem_shared>>
        tpu.enqueue_indirect_dma source(%arg11 : memref<128x16xf32, #tpu.memory_space<vmem>>) target(%dma_start3A_218 : memref<10240x16xf32, #tpu.memory_space<vmem_shared>>) offsets(%dma_start3A_215 : memref<128xi32, #tpu.memory_space<vmem>>) semaphore(%run_scoped3A : memref<!tpu.dma_semaphore, #tpu.memory_space<semaphore_mem>>) {add = true}
        %dma_wait3A_219 = arith.constant 0 : i32
        %dma_wait3A_220 = tpu.memref_slice %arg7[%add3A_131, %dma_wait3A_219] : memref<80x128xi32, #tpu.memory_space<vmem>> -> memref<1x128xi32, #tpu.memory_space<vmem>>
        %dma_wait3A_221 = tpu.memref_squeeze %dma_wait3A_220 : memref<1x128xi32, #tpu.memory_space<vmem>> -> memref<128xi32, #tpu.memory_space<vmem>>
        %dma_wait3A_222 = arith.constant 0 : i32
        %dma_wait3A_223 = arith.constant 0 : i32
        %dma_wait3A_224 = tpu.memref_slice %arg16[%dma_wait3A_222, %dma_wait3A_223] : memref<10240x16xf32, #tpu.memory_space<vmem_shared>> -> memref<10240x16xf32, #tpu.memory_space<vmem_shared>>
        tpu.wait_indirect_dma semaphore(%run_scoped3A : memref<!tpu.dma_semaphore, #tpu.memory_space<semaphore_mem>>) src(%arg11 : memref<128x16xf32, #tpu.memory_space<vmem>>) dst(%dma_wait3A_224 : memref<10240x16xf32, #tpu.memory_space<vmem_shared>>)
        tpu.yield
      }) : () -> ()
      %add3A_138 = arith.constant 8 : i32
      %add3A_139 = arith.addi %add3A_131, %add3A_138 : i32
      %lt3A_140 = arith.constant 80 : i32
      %lt3A_141 = arith.cmpi slt, %add3A_139, %lt3A_140 : i32
      %convert_element_type3A_142 = arith.extui %lt3A_141 : i1 to i32
      %cond3A_143 = arith.constant 0 : i32
      %cond3A_144 = arith.cmpi ne, %convert_element_type3A_142, %cond3A_143 : i32
      scf.if %cond3A_144 {
        %add3A_213 = arith.constant 8 : i32
        %add3A_214 = arith.addi %add3A_131, %add3A_213 : i32
        %dma_start3A_215 = arith.constant 0 : i32
        %dma_start3A_216 = tpu.memref_slice %arg6[%add3A_214, %dma_start3A_215] : memref<80x128xi32, #tpu.memory_space<vmem>> -> memref<1x128xi32, #tpu.memory_space<vmem>>
        %dma_start3A_217 = tpu.memref_squeeze %dma_start3A_216 : memref<1x128xi32, #tpu.memory_space<vmem>> -> memref<128xi32, #tpu.memory_space<vmem>>
        %dma_start3A_218 = arith.constant 0 : i32
        %dma_start3A_219 = arith.constant 0 : i32
        %dma_start3A_220 = tpu.memref_slice %arg2[%dma_start3A_218, %dma_start3A_219] : memref<10000x16xf32, #tpu.memory_space<hbm>> -> memref<10000x16xf32, #tpu.memory_space<hbm>>
        tpu.enqueue_indirect_dma source(%dma_start3A_220 : memref<10000x16xf32, #tpu.memory_space<hbm>>) target(%arg11 : memref<128x16xf32, #tpu.memory_space<vmem>>) offsets(%dma_start3A_217 : memref<128xi32, #tpu.memory_space<vmem>>) semaphore(%arg20 : memref<!tpu.dma_semaphore, #tpu.memory_space<semaphore_mem>>)
      } else {
      }
      %mul3A_145 = arith.constant 8 : i32
      %mul3A_146 = arith.muli %scan3A_80, %mul3A_145 : i32
      %add3A_147 = arith.constant 4 : i32
      %add3A_148 = arith.addi %mul3A_146, %add3A_147 : i32
      %dma_wait3A_149 = arith.constant 0 : i32
      %dma_wait3A_150 = tpu.memref_slice %arg6[%add3A_148, %dma_wait3A_149] : memref<80x128xi32, #tpu.memory_space<vmem>> -> memref<1x128xi32, #tpu.memory_space<vmem>>
      %dma_wait3A_151 = tpu.memref_squeeze %dma_wait3A_150 : memref<1x128xi32, #tpu.memory_space<vmem>> -> memref<128xi32, #tpu.memory_space<vmem>>
      %dma_wait3A_152 = arith.constant 0 : i32
      %dma_wait3A_153 = arith.constant 0 : i32
      %dma_wait3A_154 = tpu.memref_slice %arg2[%dma_wait3A_152, %dma_wait3A_153] : memref<10000x16xf32, #tpu.memory_space<hbm>> -> memref<10000x16xf32, #tpu.memory_space<hbm>>
      tpu.wait_indirect_dma semaphore(%arg21 : memref<!tpu.dma_semaphore, #tpu.memory_space<semaphore_mem>>) src(%dma_wait3A_154 : memref<10000x16xf32, #tpu.memory_space<hbm>>) dst(%arg12 : memref<128x16xf32, #tpu.memory_space<vmem>>)
      "tpu.region"() ({
        %run_scoped3A = tpu.sem_alloc : memref<!tpu.dma_semaphore, #tpu.memory_space<semaphore_mem>>
        %dma_start3A_213 = arith.constant 0 : i32
        %dma_start3A_214 = tpu.memref_slice %arg7[%add3A_148, %dma_start3A_213] : memref<80x128xi32, #tpu.memory_space<vmem>> -> memref<1x128xi32, #tpu.memory_space<vmem>>
        %dma_start3A_215 = tpu.memref_squeeze %dma_start3A_214 : memref<1x128xi32, #tpu.memory_space<vmem>> -> memref<128xi32, #tpu.memory_space<vmem>>
        %dma_start3A_216 = arith.constant 0 : i32
        %dma_start3A_217 = arith.constant 0 : i32
        %dma_start3A_218 = tpu.memref_slice %arg16[%dma_start3A_216, %dma_start3A_217] : memref<10240x16xf32, #tpu.memory_space<vmem_shared>> -> memref<10240x16xf32, #tpu.memory_space<vmem_shared>>
        tpu.enqueue_indirect_dma source(%arg12 : memref<128x16xf32, #tpu.memory_space<vmem>>) target(%dma_start3A_218 : memref<10240x16xf32, #tpu.memory_space<vmem_shared>>) offsets(%dma_start3A_215 : memref<128xi32, #tpu.memory_space<vmem>>) semaphore(%run_scoped3A : memref<!tpu.dma_semaphore, #tpu.memory_space<semaphore_mem>>) {add = true}
        %dma_wait3A_219 = arith.constant 0 : i32
        %dma_wait3A_220 = tpu.memref_slice %arg7[%add3A_148, %dma_wait3A_219] : memref<80x128xi32, #tpu.memory_space<vmem>> -> memref<1x128xi32, #tpu.memory_space<vmem>>
        %dma_wait3A_221 = tpu.memref_squeeze %dma_wait3A_220 : memref<1x128xi32, #tpu.memory_space<vmem>> -> memref<128xi32, #tpu.memory_space<vmem>>
        %dma_wait3A_222 = arith.constant 0 : i32
        %dma_wait3A_223 = arith.constant 0 : i32
        %dma_wait3A_224 = tpu.memref_slice %arg16[%dma_wait3A_222, %dma_wait3A_223] : memref<10240x16xf32, #tpu.memory_space<vmem_shared>> -> memref<10240x16xf32, #tpu.memory_space<vmem_shared>>
        tpu.wait_indirect_dma semaphore(%run_scoped3A : memref<!tpu.dma_semaphore, #tpu.memory_space<semaphore_mem>>) src(%arg12 : memref<128x16xf32, #tpu.memory_space<vmem>>) dst(%dma_wait3A_224 : memref<10240x16xf32, #tpu.memory_space<vmem_shared>>)
        tpu.yield
      }) : () -> ()
      %add3A_155 = arith.constant 8 : i32
      %add3A_156 = arith.addi %add3A_148, %add3A_155 : i32
      %lt3A_157 = arith.constant 80 : i32
      %lt3A_158 = arith.cmpi slt, %add3A_156, %lt3A_157 : i32
      %convert_element_type3A_159 = arith.extui %lt3A_158 : i1 to i32
      %cond3A_160 = arith.constant 0 : i32
      %cond3A_161 = arith.cmpi ne, %convert_element_type3A_159, %cond3A_160 : i32
      scf.if %cond3A_161 {
        %add3A_213 = arith.constant 8 : i32
        %add3A_214 = arith.addi %add3A_148, %add3A_213 : i32
        %dma_start3A_215 = arith.constant 0 : i32
        %dma_start3A_216 = tpu.memref_slice %arg6[%add3A_214, %dma_start3A_215] : memref<80x128xi32, #tpu.memory_space<vmem>> -> memref<1x128xi32, #tpu.memory_space<vmem>>
        %dma_start3A_217 = tpu.memref_squeeze %dma_start3A_216 : memref<1x128xi32, #tpu.memory_space<vmem>> -> memref<128xi32, #tpu.memory_space<vmem>>
        %dma_start3A_218 = arith.constant 0 : i32
        %dma_start3A_219 = arith.constant 0 : i32
        %dma_start3A_220 = tpu.memref_slice %arg2[%dma_start3A_218, %dma_start3A_219] : memref<10000x16xf32, #tpu.memory_space<hbm>> -> memref<10000x16xf32, #tpu.memory_space<hbm>>
        tpu.enqueue_indirect_dma source(%dma_start3A_220 : memref<10000x16xf32, #tpu.memory_space<hbm>>) target(%arg12 : memref<128x16xf32, #tpu.memory_space<vmem>>) offsets(%dma_start3A_217 : memref<128xi32, #tpu.memory_space<vmem>>) semaphore(%arg21 : memref<!tpu.dma_semaphore, #tpu.memory_space<semaphore_mem>>)
      } else {
      }
      %mul3A_162 = arith.constant 8 : i32
      %mul3A_163 = arith.muli %scan3A_80, %mul3A_162 : i32
      %add3A_164 = arith.constant 5 : i32
      %add3A_165 = arith.addi %mul3A_163, %add3A_164 : i32
      %dma_wait3A_166 = arith.constant 0 : i32
      %dma_wait3A_167 = tpu.memref_slice %arg6[%add3A_165, %dma_wait3A_166] : memref<80x128xi32, #tpu.memory_space<vmem>> -> memref<1x128xi32, #tpu.memory_space<vmem>>
      %dma_wait3A_168 = tpu.memref_squeeze %dma_wait3A_167 : memref<1x128xi32, #tpu.memory_space<vmem>> -> memref<128xi32, #tpu.memory_space<vmem>>
      %dma_wait3A_169 = arith.constant 0 : i32
      %dma_wait3A_170 = arith.constant 0 : i32
      %dma_wait3A_171 = tpu.memref_slice %arg2[%dma_wait3A_169, %dma_wait3A_170] : memref<10000x16xf32, #tpu.memory_space<hbm>> -> memref<10000x16xf32, #tpu.memory_space<hbm>>
      tpu.wait_indirect_dma semaphore(%arg22 : memref<!tpu.dma_semaphore, #tpu.memory_space<semaphore_mem>>) src(%dma_wait3A_171 : memref<10000x16xf32, #tpu.memory_space<hbm>>) dst(%arg13 : memref<128x16xf32, #tpu.memory_space<vmem>>)
      "tpu.region"() ({
        %run_scoped3A = tpu.sem_alloc : memref<!tpu.dma_semaphore, #tpu.memory_space<semaphore_mem>>
        %dma_start3A_213 = arith.constant 0 : i32
        %dma_start3A_214 = tpu.memref_slice %arg7[%add3A_165, %dma_start3A_213] : memref<80x128xi32, #tpu.memory_space<vmem>> -> memref<1x128xi32, #tpu.memory_space<vmem>>
        %dma_start3A_215 = tpu.memref_squeeze %dma_start3A_214 : memref<1x128xi32, #tpu.memory_space<vmem>> -> memref<128xi32, #tpu.memory_space<vmem>>
        %dma_start3A_216 = arith.constant 0 : i32
        %dma_start3A_217 = arith.constant 0 : i32
        %dma_start3A_218 = tpu.memref_slice %arg16[%dma_start3A_216, %dma_start3A_217] : memref<10240x16xf32, #tpu.memory_space<vmem_shared>> -> memref<10240x16xf32, #tpu.memory_space<vmem_shared>>
        tpu.enqueue_indirect_dma source(%arg13 : memref<128x16xf32, #tpu.memory_space<vmem>>) target(%dma_start3A_218 : memref<10240x16xf32, #tpu.memory_space<vmem_shared>>) offsets(%dma_start3A_215 : memref<128xi32, #tpu.memory_space<vmem>>) semaphore(%run_scoped3A : memref<!tpu.dma_semaphore, #tpu.memory_space<semaphore_mem>>) {add = true}
        %dma_wait3A_219 = arith.constant 0 : i32
        %dma_wait3A_220 = tpu.memref_slice %arg7[%add3A_165, %dma_wait3A_219] : memref<80x128xi32, #tpu.memory_space<vmem>> -> memref<1x128xi32, #tpu.memory_space<vmem>>
        %dma_wait3A_221 = tpu.memref_squeeze %dma_wait3A_220 : memref<1x128xi32, #tpu.memory_space<vmem>> -> memref<128xi32, #tpu.memory_space<vmem>>
        %dma_wait3A_222 = arith.constant 0 : i32
        %dma_wait3A_223 = arith.constant 0 : i32
        %dma_wait3A_224 = tpu.memref_slice %arg16[%dma_wait3A_222, %dma_wait3A_223] : memref<10240x16xf32, #tpu.memory_space<vmem_shared>> -> memref<10240x16xf32, #tpu.memory_space<vmem_shared>>
        tpu.wait_indirect_dma semaphore(%run_scoped3A : memref<!tpu.dma_semaphore, #tpu.memory_space<semaphore_mem>>) src(%arg13 : memref<128x16xf32, #tpu.memory_space<vmem>>) dst(%dma_wait3A_224 : memref<10240x16xf32, #tpu.memory_space<vmem_shared>>)
        tpu.yield
      }) : () -> ()
      %add3A_172 = arith.constant 8 : i32
      %add3A_173 = arith.addi %add3A_165, %add3A_172 : i32
      %lt3A_174 = arith.constant 80 : i32
      %lt3A_175 = arith.cmpi slt, %add3A_173, %lt3A_174 : i32
      %convert_element_type3A_176 = arith.extui %lt3A_175 : i1 to i32
      %cond3A_177 = arith.constant 0 : i32
      %cond3A_178 = arith.cmpi ne, %convert_element_type3A_176, %cond3A_177 : i32
      scf.if %cond3A_178 {
        %add3A_213 = arith.constant 8 : i32
        %add3A_214 = arith.addi %add3A_165, %add3A_213 : i32
        %dma_start3A_215 = arith.constant 0 : i32
        %dma_start3A_216 = tpu.memref_slice %arg6[%add3A_214, %dma_start3A_215] : memref<80x128xi32, #tpu.memory_space<vmem>> -> memref<1x128xi32, #tpu.memory_space<vmem>>
        %dma_start3A_217 = tpu.memref_squeeze %dma_start3A_216 : memref<1x128xi32, #tpu.memory_space<vmem>> -> memref<128xi32, #tpu.memory_space<vmem>>
        %dma_start3A_218 = arith.constant 0 : i32
        %dma_start3A_219 = arith.constant 0 : i32
        %dma_start3A_220 = tpu.memref_slice %arg2[%dma_start3A_218, %dma_start3A_219] : memref<10000x16xf32, #tpu.memory_space<hbm>> -> memref<10000x16xf32, #tpu.memory_space<hbm>>
        tpu.enqueue_indirect_dma source(%dma_start3A_220 : memref<10000x16xf32, #tpu.memory_space<hbm>>) target(%arg13 : memref<128x16xf32, #tpu.memory_space<vmem>>) offsets(%dma_start3A_217 : memref<128xi32, #tpu.memory_space<vmem>>) semaphore(%arg22 : memref<!tpu.dma_semaphore, #tpu.memory_space<semaphore_mem>>)
      } else {
      }
      %mul3A_179 = arith.constant 8 : i32
      %mul3A_180 = arith.muli %scan3A_80, %mul3A_179 : i32
      %add3A_181 = arith.constant 6 : i32
      %add3A_182 = arith.addi %mul3A_180, %add3A_181 : i32
      %dma_wait3A_183 = arith.constant 0 : i32
      %dma_wait3A_184 = tpu.memref_slice %arg6[%add3A_182, %dma_wait3A_183] : memref<80x128xi32, #tpu.memory_space<vmem>> -> memref<1x128xi32, #tpu.memory_space<vmem>>
      %dma_wait3A_185 = tpu.memref_squeeze %dma_wait3A_184 : memref<1x128xi32, #tpu.memory_space<vmem>> -> memref<128xi32, #tpu.memory_space<vmem>>
      %dma_wait3A_186 = arith.constant 0 : i32
      %dma_wait3A_187 = arith.constant 0 : i32
      %dma_wait3A_188 = tpu.memref_slice %arg2[%dma_wait3A_186, %dma_wait3A_187] : memref<10000x16xf32, #tpu.memory_space<hbm>> -> memref<10000x16xf32, #tpu.memory_space<hbm>>
      tpu.wait_indirect_dma semaphore(%arg23 : memref<!tpu.dma_semaphore, #tpu.memory_space<semaphore_mem>>) src(%dma_wait3A_188 : memref<10000x16xf32, #tpu.memory_space<hbm>>) dst(%arg14 : memref<128x16xf32, #tpu.memory_space<vmem>>)
      "tpu.region"() ({
        %run_scoped3A = tpu.sem_alloc : memref<!tpu.dma_semaphore, #tpu.memory_space<semaphore_mem>>
        %dma_start3A_213 = arith.constant 0 : i32
        %dma_start3A_214 = tpu.memref_slice %arg7[%add3A_182, %dma_start3A_213] : memref<80x128xi32, #tpu.memory_space<vmem>> -> memref<1x128xi32, #tpu.memory_space<vmem>>
        %dma_start3A_215 = tpu.memref_squeeze %dma_start3A_214 : memref<1x128xi32, #tpu.memory_space<vmem>> -> memref<128xi32, #tpu.memory_space<vmem>>
        %dma_start3A_216 = arith.constant 0 : i32
        %dma_start3A_217 = arith.constant 0 : i32
        %dma_start3A_218 = tpu.memref_slice %arg16[%dma_start3A_216, %dma_start3A_217] : memref<10240x16xf32, #tpu.memory_space<vmem_shared>> -> memref<10240x16xf32, #tpu.memory_space<vmem_shared>>
        tpu.enqueue_indirect_dma source(%arg14 : memref<128x16xf32, #tpu.memory_space<vmem>>) target(%dma_start3A_218 : memref<10240x16xf32, #tpu.memory_space<vmem_shared>>) offsets(%dma_start3A_215 : memref<128xi32, #tpu.memory_space<vmem>>) semaphore(%run_scoped3A : memref<!tpu.dma_semaphore, #tpu.memory_space<semaphore_mem>>) {add = true}
        %dma_wait3A_219 = arith.constant 0 : i32
        %dma_wait3A_220 = tpu.memref_slice %arg7[%add3A_182, %dma_wait3A_219] : memref<80x128xi32, #tpu.memory_space<vmem>> -> memref<1x128xi32, #tpu.memory_space<vmem>>
        %dma_wait3A_221 = tpu.memref_squeeze %dma_wait3A_220 : memref<1x128xi32, #tpu.memory_space<vmem>> -> memref<128xi32, #tpu.memory_space<vmem>>
        %dma_wait3A_222 = arith.constant 0 : i32
        %dma_wait3A_223 = arith.constant 0 : i32
        %dma_wait3A_224 = tpu.memref_slice %arg16[%dma_wait3A_222, %dma_wait3A_223] : memref<10240x16xf32, #tpu.memory_space<vmem_shared>> -> memref<10240x16xf32, #tpu.memory_space<vmem_shared>>
        tpu.wait_indirect_dma semaphore(%run_scoped3A : memref<!tpu.dma_semaphore, #tpu.memory_space<semaphore_mem>>) src(%arg14 : memref<128x16xf32, #tpu.memory_space<vmem>>) dst(%dma_wait3A_224 : memref<10240x16xf32, #tpu.memory_space<vmem_shared>>)
        tpu.yield
      }) : () -> ()
      %add3A_189 = arith.constant 8 : i32
      %add3A_190 = arith.addi %add3A_182, %add3A_189 : i32
      %lt3A_191 = arith.constant 80 : i32
      %lt3A_192 = arith.cmpi slt, %add3A_190, %lt3A_191 : i32
      %convert_element_type3A_193 = arith.extui %lt3A_192 : i1 to i32
      %cond3A_194 = arith.constant 0 : i32
      %cond3A_195 = arith.cmpi ne, %convert_element_type3A_193, %cond3A_194 : i32
      scf.if %cond3A_195 {
        %add3A_213 = arith.constant 8 : i32
        %add3A_214 = arith.addi %add3A_182, %add3A_213 : i32
        %dma_start3A_215 = arith.constant 0 : i32
        %dma_start3A_216 = tpu.memref_slice %arg6[%add3A_214, %dma_start3A_215] : memref<80x128xi32, #tpu.memory_space<vmem>> -> memref<1x128xi32, #tpu.memory_space<vmem>>
        %dma_start3A_217 = tpu.memref_squeeze %dma_start3A_216 : memref<1x128xi32, #tpu.memory_space<vmem>> -> memref<128xi32, #tpu.memory_space<vmem>>
        %dma_start3A_218 = arith.constant 0 : i32
        %dma_start3A_219 = arith.constant 0 : i32
        %dma_start3A_220 = tpu.memref_slice %arg2[%dma_start3A_218, %dma_start3A_219] : memref<10000x16xf32, #tpu.memory_space<hbm>> -> memref<10000x16xf32, #tpu.memory_space<hbm>>
        tpu.enqueue_indirect_dma source(%dma_start3A_220 : memref<10000x16xf32, #tpu.memory_space<hbm>>) target(%arg14 : memref<128x16xf32, #tpu.memory_space<vmem>>) offsets(%dma_start3A_217 : memref<128xi32, #tpu.memory_space<vmem>>) semaphore(%arg23 : memref<!tpu.dma_semaphore, #tpu.memory_space<semaphore_mem>>)
      } else {
      }
      %mul3A_196 = arith.constant 8 : i32
      %mul3A_197 = arith.muli %scan3A_80, %mul3A_196 : i32
      %add3A_198 = arith.constant 7 : i32
      %add3A_199 = arith.addi %mul3A_197, %add3A_198 : i32
      %dma_wait3A_200 = arith.constant 0 : i32
      %dma_wait3A_201 = tpu.memref_slice %arg6[%add3A_199, %dma_wait3A_200] : memref<80x128xi32, #tpu.memory_space<vmem>> -> memref<1x128xi32, #tpu.memory_space<vmem>>
      %dma_wait3A_202 = tpu.memref_squeeze %dma_wait3A_201 : memref<1x128xi32, #tpu.memory_space<vmem>> -> memref<128xi32, #tpu.memory_space<vmem>>
      %dma_wait3A_203 = arith.constant 0 : i32
      %dma_wait3A_204 = arith.constant 0 : i32
      %dma_wait3A_205 = tpu.memref_slice %arg2[%dma_wait3A_203, %dma_wait3A_204] : memref<10000x16xf32, #tpu.memory_space<hbm>> -> memref<10000x16xf32, #tpu.memory_space<hbm>>
      tpu.wait_indirect_dma semaphore(%arg24 : memref<!tpu.dma_semaphore, #tpu.memory_space<semaphore_mem>>) src(%dma_wait3A_205 : memref<10000x16xf32, #tpu.memory_space<hbm>>) dst(%arg15 : memref<128x16xf32, #tpu.memory_space<vmem>>)
      "tpu.region"() ({
        %run_scoped3A = tpu.sem_alloc : memref<!tpu.dma_semaphore, #tpu.memory_space<semaphore_mem>>
        %dma_start3A_213 = arith.constant 0 : i32
        %dma_start3A_214 = tpu.memref_slice %arg7[%add3A_199, %dma_start3A_213] : memref<80x128xi32, #tpu.memory_space<vmem>> -> memref<1x128xi32, #tpu.memory_space<vmem>>
        %dma_start3A_215 = tpu.memref_squeeze %dma_start3A_214 : memref<1x128xi32, #tpu.memory_space<vmem>> -> memref<128xi32, #tpu.memory_space<vmem>>
        %dma_start3A_216 = arith.constant 0 : i32
        %dma_start3A_217 = arith.constant 0 : i32
        %dma_start3A_218 = tpu.memref_slice %arg16[%dma_start3A_216, %dma_start3A_217] : memref<10240x16xf32, #tpu.memory_space<vmem_shared>> -> memref<10240x16xf32, #tpu.memory_space<vmem_shared>>
        tpu.enqueue_indirect_dma source(%arg15 : memref<128x16xf32, #tpu.memory_space<vmem>>) target(%dma_start3A_218 : memref<10240x16xf32, #tpu.memory_space<vmem_shared>>) offsets(%dma_start3A_215 : memref<128xi32, #tpu.memory_space<vmem>>) semaphore(%run_scoped3A : memref<!tpu.dma_semaphore, #tpu.memory_space<semaphore_mem>>) {add = true}
        %dma_wait3A_219 = arith.constant 0 : i32
        %dma_wait3A_220 = tpu.memref_slice %arg7[%add3A_199, %dma_wait3A_219] : memref<80x128xi32, #tpu.memory_space<vmem>> -> memref<1x128xi32, #tpu.memory_space<vmem>>
        %dma_wait3A_221 = tpu.memref_squeeze %dma_wait3A_220 : memref<1x128xi32, #tpu.memory_space<vmem>> -> memref<128xi32, #tpu.memory_space<vmem>>
        %dma_wait3A_222 = arith.constant 0 : i32
        %dma_wait3A_223 = arith.constant 0 : i32
        %dma_wait3A_224 = tpu.memref_slice %arg16[%dma_wait3A_222, %dma_wait3A_223] : memref<10240x16xf32, #tpu.memory_space<vmem_shared>> -> memref<10240x16xf32, #tpu.memory_space<vmem_shared>>
        tpu.wait_indirect_dma semaphore(%run_scoped3A : memref<!tpu.dma_semaphore, #tpu.memory_space<semaphore_mem>>) src(%arg15 : memref<128x16xf32, #tpu.memory_space<vmem>>) dst(%dma_wait3A_224 : memref<10240x16xf32, #tpu.memory_space<vmem_shared>>)
        tpu.yield
      }) : () -> ()
      %add3A_206 = arith.constant 8 : i32
      %add3A_207 = arith.addi %add3A_199, %add3A_206 : i32
      %lt3A_208 = arith.constant 80 : i32
      %lt3A_209 = arith.cmpi slt, %add3A_207, %lt3A_208 : i32
      %convert_element_type3A_210 = arith.extui %lt3A_209 : i1 to i32
      %cond3A_211 = arith.constant 0 : i32
      %cond3A_212 = arith.cmpi ne, %convert_element_type3A_210, %cond3A_211 : i32
      scf.if %cond3A_212 {
        %add3A_213 = arith.constant 8 : i32
        %add3A_214 = arith.addi %add3A_199, %add3A_213 : i32
        %dma_start3A_215 = arith.constant 0 : i32
        %dma_start3A_216 = tpu.memref_slice %arg6[%add3A_214, %dma_start3A_215] : memref<80x128xi32, #tpu.memory_space<vmem>> -> memref<1x128xi32, #tpu.memory_space<vmem>>
        %dma_start3A_217 = tpu.memref_squeeze %dma_start3A_216 : memref<1x128xi32, #tpu.memory_space<vmem>> -> memref<128xi32, #tpu.memory_space<vmem>>
        %dma_start3A_218 = arith.constant 0 : i32
        %dma_start3A_219 = arith.constant 0 : i32
        %dma_start3A_220 = tpu.memref_slice %arg2[%dma_start3A_218, %dma_start3A_219] : memref<10000x16xf32, #tpu.memory_space<hbm>> -> memref<10000x16xf32, #tpu.memory_space<hbm>>
        tpu.enqueue_indirect_dma source(%dma_start3A_220 : memref<10000x16xf32, #tpu.memory_space<hbm>>) target(%arg15 : memref<128x16xf32, #tpu.memory_space<vmem>>) offsets(%dma_start3A_217 : memref<128xi32, #tpu.memory_space<vmem>>) semaphore(%arg24 : memref<!tpu.dma_semaphore, #tpu.memory_space<semaphore_mem>>)
      } else {
      }
    }
    %scan3A_78 = arith.constant 10 : i32
    %barrier3A_79 = arith.constant 0 : index
    tpu.barrier barrier_id(%barrier3A_79)
    "tpu.region"() ({
      %run_scoped3A = tpu.sem_alloc : memref<!tpu.dma_semaphore, #tpu.memory_space<semaphore_mem>>
      %dma_start3A_80 = arith.constant 0 : i32
      %dma_start3A_81 = tpu.memref_slice %arg5[%arg0, %multiple_of3A, %dma_start3A_80] : memref<2x10240x16xf32, #tpu.memory_space<hbm>> -> memref<1x640x16xf32, #tpu.memory_space<hbm>>
      %dma_start3A_82 = tpu.memref_squeeze %dma_start3A_81 : memref<1x640x16xf32, #tpu.memory_space<hbm>> -> memref<640x16xf32, #tpu.memory_space<hbm>>
      %dma_start3A_83 = arith.constant 0 : i32
      %dma_start3A_84 = tpu.memref_slice %arg16[%multiple_of3A, %dma_start3A_83] : memref<10240x16xf32, #tpu.memory_space<vmem_shared>> -> memref<640x16xf32, #tpu.memory_space<vmem_shared>>
      tpu.enqueue_dma source(%dma_start3A_84 : memref<640x16xf32, #tpu.memory_space<vmem_shared>>) target(%dma_start3A_82 : memref<640x16xf32, #tpu.memory_space<hbm>>) target_semaphore(%run_scoped3A : memref<!tpu.dma_semaphore, #tpu.memory_space<semaphore_mem>>)
      %dma_wait3A = arith.constant 0 : i32
      %dma_wait3A_85 = tpu.memref_slice %arg5[%arg0, %multiple_of3A, %dma_wait3A] : memref<2x10240x16xf32, #tpu.memory_space<hbm>> -> memref<1x640x16xf32, #tpu.memory_space<hbm>>
      %dma_wait3A_86 = tpu.memref_squeeze %dma_wait3A_85 : memref<1x640x16xf32, #tpu.memory_space<hbm>> -> memref<640x16xf32, #tpu.memory_space<hbm>>
      %dma_wait3A_87 = arith.constant 0 : i32
      %dma_wait3A_88 = tpu.memref_slice %arg16[%multiple_of3A, %dma_wait3A_87] : memref<10240x16xf32, #tpu.memory_space<vmem_shared>> -> memref<640x16xf32, #tpu.memory_space<vmem_shared>>
      tpu.wait_dma2 semaphore(%run_scoped3A : memref<!tpu.dma_semaphore, #tpu.memory_space<semaphore_mem>>) src(%dma_wait3A_88 : memref<640x16xf32, #tpu.memory_space<vmem_shared>>) dst(%dma_wait3A_86 : memref<640x16xf32, #tpu.memory_space<hbm>>)
      tpu.yield
    }) : () -> ()
    return
  }
}

#map = affine_map<(d0, d1) -> (0, 0)>
#map1 = affine_map<(d0, d1) -> (0, 0, 0)>
module attributes {stable_mosaic.version = 14 : i64} {
  func.func @segsum(%arg0: i32, %arg1: i32, %arg2: memref<10000x16xf32, #tpu.memory_space<hbm>>, %arg3: memref<32x80x128xi32, #tpu.memory_space<hbm>>, %arg4: memref<32x80x128xi32, #tpu.memory_space<hbm>>, %arg5: memref<2x10240x16xf32, #tpu.memory_space<hbm>>, %arg6: memref<80x128xi32, #tpu.memory_space<vmem>>, %arg7: memref<80x128xi32, #tpu.memory_space<vmem>>, %arg8: memref<128x16xf32, #tpu.memory_space<vmem>>, %arg9: memref<128x16xf32, #tpu.memory_space<vmem>>, %arg10: memref<128x16xf32, #tpu.memory_space<vmem>>, %arg11: memref<128x16xf32, #tpu.memory_space<vmem>>, %arg12: memref<128x16xf32, #tpu.memory_space<vmem>>, %arg13: memref<128x16xf32, #tpu.memory_space<vmem>>, %arg14: memref<128x16xf32, #tpu.memory_space<vmem>>, %arg15: memref<128x16xf32, #tpu.memory_space<vmem>>, %arg16: memref<10240x16xf32, #tpu.memory_space<vmem_shared>>, %arg17: memref<!tpu.dma_semaphore, #tpu.memory_space<semaphore_mem>>, %arg18: memref<!tpu.dma_semaphore, #tpu.memory_space<semaphore_mem>>, %arg19: memref<!tpu.dma_semaphore, #tpu.memory_space<semaphore_mem>>, %arg20: memref<!tpu.dma_semaphore, #tpu.memory_space<semaphore_mem>>, %arg21: memref<!tpu.dma_semaphore, #tpu.memory_space<semaphore_mem>>, %arg22: memref<!tpu.dma_semaphore, #tpu.memory_space<semaphore_mem>>, %arg23: memref<!tpu.dma_semaphore, #tpu.memory_space<semaphore_mem>>, %arg24: memref<!tpu.dma_semaphore, #tpu.memory_space<semaphore_mem>>) attributes {dimension_semantics = [#tpu.dimension_semantics<core_parallel>, #tpu.dimension_semantics<subcore_parallel>], iteration_bounds = array<i64: 2, 16>, scalar_prefetch = 0 : i64, scratch_operands = 19 : i64, tpu.core_type = #tpu.core_type<sc_vector_subcore>, window_params = [{transform_indices = #map}, {transform_indices = #map1}, {transform_indices = #map1}, {transform_indices = #map1}]} {
    %mul3A = arith.constant 16 : i32
    %mul3A_0 = arith.muli %arg0, %mul3A : i32
    %add3A = arith.addi %mul3A_0, %arg1 : i32
    "tpu.region"() ({
      %run_scoped3A = tpu.sem_alloc : memref<!tpu.dma_semaphore, #tpu.memory_space<semaphore_mem>>
      %dma_start3A_80 = arith.constant 0 : i32
      %dma_start3A_81 = arith.constant 0 : i32
      %dma_start3A_82 = tpu.memref_slice %arg3[%add3A, %dma_start3A_80, %dma_start3A_81] : memref<32x80x128xi32, #tpu.memory_space<hbm>> -> memref<1x80x128xi32, #tpu.memory_space<hbm>>
      %dma_start3A_83 = tpu.memref_squeeze %dma_start3A_82 : memref<1x80x128xi32, #tpu.memory_space<hbm>> -> memref<80x128xi32, #tpu.memory_space<hbm>>
      %dma_start3A_84 = arith.constant 0 : i32
      %dma_start3A_85 = arith.constant 0 : i32
      %dma_start3A_86 = tpu.memref_slice %arg3[%add3A, %dma_start3A_84, %dma_start3A_85] : memref<32x80x128xi32, #tpu.memory_space<hbm>> -> memref<1x80x128xi32, #tpu.memory_space<hbm>>
      %dma_start3A_87 = tpu.memref_squeeze %dma_start3A_86 : memref<1x80x128xi32, #tpu.memory_space<hbm>> -> memref<80x128xi32, #tpu.memory_space<hbm>>
      tpu.enqueue_dma source(%dma_start3A_87 : memref<80x128xi32, #tpu.memory_space<hbm>>) target(%arg6 : memref<80x128xi32, #tpu.memory_space<vmem>>) target_semaphore(%run_scoped3A : memref<!tpu.dma_semaphore, #tpu.memory_space<semaphore_mem>>)
      %dma_wait3A = arith.constant 0 : i32
      %dma_wait3A_88 = arith.constant 0 : i32
      %dma_wait3A_89 = tpu.memref_slice %arg3[%add3A, %dma_wait3A, %dma_wait3A_88] : memref<32x80x128xi32, #tpu.memory_space<hbm>> -> memref<1x80x128xi32, #tpu.memory_space<hbm>>
      %dma_wait3A_90 = tpu.memref_squeeze %dma_wait3A_89 : memref<1x80x128xi32, #tpu.memory_space<hbm>> -> memref<80x128xi32, #tpu.memory_space<hbm>>
      %dma_wait3A_91 = arith.constant 0 : i32
      %dma_wait3A_92 = arith.constant 0 : i32
      %dma_wait3A_93 = tpu.memref_slice %arg3[%add3A, %dma_wait3A_91, %dma_wait3A_92] : memref<32x80x128xi32, #tpu.memory_space<hbm>> -> memref<1x80x128xi32, #tpu.memory_space<hbm>>
      %dma_wait3A_94 = tpu.memref_squeeze %dma_wait3A_93 : memref<1x80x128xi32, #tpu.memory_space<hbm>> -> memref<80x128xi32, #tpu.memory_space<hbm>>
      tpu.wait_dma2 semaphore(%run_scoped3A : memref<!tpu.dma_semaphore, #tpu.memory_space<semaphore_mem>>) src(%dma_wait3A_94 : memref<80x128xi32, #tpu.memory_space<hbm>>) dst(%arg6 : memref<80x128xi32, #tpu.memory_space<vmem>>)
      tpu.yield
    }) : () -> ()
    "tpu.region"() ({
      %run_scoped3A = tpu.sem_alloc : memref<!tpu.dma_semaphore, #tpu.memory_space<semaphore_mem>>
      %dma_start3A_80 = arith.constant 0 : i32
      %dma_start3A_81 = arith.constant 0 : i32
      %dma_start3A_82 = tpu.memref_slice %arg4[%add3A, %dma_start3A_80, %dma_start3A_81] : memref<32x80x128xi32, #tpu.memory_space<hbm>> -> memref<1x80x128xi32, #tpu.memory_space<hbm>>
      %dma_start3A_83 = tpu.memref_squeeze %dma_start3A_82 : memref<1x80x128xi32, #tpu.memory_space<hbm>> -> memref<80x128xi32, #tpu.memory_space<hbm>>
      %dma_start3A_84 = arith.constant 0 : i32
      %dma_start3A_85 = arith.constant 0 : i32
      %dma_start3A_86 = tpu.memref_slice %arg4[%add3A, %dma_start3A_84, %dma_start3A_85] : memref<32x80x128xi32, #tpu.memory_space<hbm>> -> memref<1x80x128xi32, #tpu.memory_space<hbm>>
      %dma_start3A_87 = tpu.memref_squeeze %dma_start3A_86 : memref<1x80x128xi32, #tpu.memory_space<hbm>> -> memref<80x128xi32, #tpu.memory_space<hbm>>
      tpu.enqueue_dma source(%dma_start3A_87 : memref<80x128xi32, #tpu.memory_space<hbm>>) target(%arg7 : memref<80x128xi32, #tpu.memory_space<vmem>>) target_semaphore(%run_scoped3A : memref<!tpu.dma_semaphore, #tpu.memory_space<semaphore_mem>>)
      %dma_wait3A = arith.constant 0 : i32
      %dma_wait3A_88 = arith.constant 0 : i32
      %dma_wait3A_89 = tpu.memref_slice %arg4[%add3A, %dma_wait3A, %dma_wait3A_88] : memref<32x80x128xi32, #tpu.memory_space<hbm>> -> memref<1x80x128xi32, #tpu.memory_space<hbm>>
      %dma_wait3A_90 = tpu.memref_squeeze %dma_wait3A_89 : memref<1x80x128xi32, #tpu.memory_space<hbm>> -> memref<80x128xi32, #tpu.memory_space<hbm>>
      %dma_wait3A_91 = arith.constant 0 : i32
      %dma_wait3A_92 = arith.constant 0 : i32
      %dma_wait3A_93 = tpu.memref_slice %arg4[%add3A, %dma_wait3A_91, %dma_wait3A_92] : memref<32x80x128xi32, #tpu.memory_space<hbm>> -> memref<1x80x128xi32, #tpu.memory_space<hbm>>
      %dma_wait3A_94 = tpu.memref_squeeze %dma_wait3A_93 : memref<1x80x128xi32, #tpu.memory_space<hbm>> -> memref<80x128xi32, #tpu.memory_space<hbm>>
      tpu.wait_dma2 semaphore(%run_scoped3A : memref<!tpu.dma_semaphore, #tpu.memory_space<semaphore_mem>>) src(%dma_wait3A_94 : memref<80x128xi32, #tpu.memory_space<hbm>>) dst(%arg7 : memref<80x128xi32, #tpu.memory_space<vmem>>)
      tpu.yield
    }) : () -> ()
    %scan3A = arith.constant 0 : i32
    %scan3A_1 = arith.constant 0 : i32
    %scan3A_2 = arith.constant 32 : i32
    %scan3A_3 = arith.addi %scan3A_1, %scan3A_2 : i32
    %scan3A_4 = arith.constant 1 : i32
    scf.for %scan3A_80 = %scan3A_1 to %scan3A_3 step %scan3A_4  : i32 {
      %broadcast_in_dim3A = arith.constant 0.000000e+00 : f32
      %broadcast_in_dim3A_81 = vector.broadcast %broadcast_in_dim3A : f32 to vector<16xf32>
      %mul3A_82 = arith.constant 4 : i32
      %mul3A_83 = arith.muli %scan3A_80, %mul3A_82 : i32
      %add3A_84 = arith.constant 0 : i32
      %add3A_85 = arith.addi %mul3A_83, %add3A_84 : i32
      %swap3A = arith.index_cast %add3A_85 : i32 to index
      %swap3A_86 = arith.constant 0 : index
      %swap3A_87 = tpu.vector_load %arg8[%swap3A, %swap3A_86] {strides = array<i32>} : memref<128x16xf32, #tpu.memory_space<vmem>>, vector<1x16xf32>,
      %swap3A_88 = vector.shape_cast %swap3A_87 : vector<1x16xf32> to vector<16xf32>
      %swap3A_89 = vector.shape_cast %broadcast_in_dim3A_81 : vector<16xf32> to vector<1x16xf32>
      tpu.vector_store %arg8[%swap3A, %swap3A_86], %swap3A_89 {strides = array<i32>} : memref<128x16xf32, #tpu.memory_space<vmem>>, vector<1x16xf32>,
      %broadcast_in_dim3A_90 = arith.constant 0.000000e+00 : f32
      %broadcast_in_dim3A_91 = vector.broadcast %broadcast_in_dim3A_90 : f32 to vector<16xf32>
      %mul3A_92 = arith.constant 4 : i32
      %mul3A_93 = arith.muli %scan3A_80, %mul3A_92 : i32
      %add3A_94 = arith.constant 1 : i32
      %add3A_95 = arith.addi %mul3A_93, %add3A_94 : i32
      %swap3A_96 = arith.index_cast %add3A_95 : i32 to index
      %swap3A_97 = arith.constant 0 : index
      %swap3A_98 = tpu.vector_load %arg8[%swap3A_96, %swap3A_97] {strides = array<i32>} : memref<128x16xf32, #tpu.memory_space<vmem>>, vector<1x16xf32>,
      %swap3A_99 = vector.shape_cast %swap3A_98 : vector<1x16xf32> to vector<16xf32>
      %swap3A_100 = vector.shape_cast %broadcast_in_dim3A_91 : vector<16xf32> to vector<1x16xf32>
      tpu.vector_store %arg8[%swap3A_96, %swap3A_97], %swap3A_100 {strides = array<i32>} : memref<128x16xf32, #tpu.memory_space<vmem>>, vector<1x16xf32>,
      %broadcast_in_dim3A_101 = arith.constant 0.000000e+00 : f32
      %broadcast_in_dim3A_102 = vector.broadcast %broadcast_in_dim3A_101 : f32 to vector<16xf32>
      %mul3A_103 = arith.constant 4 : i32
      %mul3A_104 = arith.muli %scan3A_80, %mul3A_103 : i32
      %add3A_105 = arith.constant 2 : i32
      %add3A_106 = arith.addi %mul3A_104, %add3A_105 : i32
      %swap3A_107 = arith.index_cast %add3A_106 : i32 to index
      %swap3A_108 = arith.constant 0 : index
      %swap3A_109 = tpu.vector_load %arg8[%swap3A_107, %swap3A_108] {strides = array<i32>} : memref<128x16xf32, #tpu.memory_space<vmem>>, vector<1x16xf32>,
      %swap3A_110 = vector.shape_cast %swap3A_109 : vector<1x16xf32> to vector<16xf32>
      %swap3A_111 = vector.shape_cast %broadcast_in_dim3A_102 : vector<16xf32> to vector<1x16xf32>
      tpu.vector_store %arg8[%swap3A_107, %swap3A_108], %swap3A_111 {strides = array<i32>} : memref<128x16xf32, #tpu.memory_space<vmem>>, vector<1x16xf32>,
      %broadcast_in_dim3A_112 = arith.constant 0.000000e+00 : f32
      %broadcast_in_dim3A_113 = vector.broadcast %broadcast_in_dim3A_112 : f32 to vector<16xf32>
      %mul3A_114 = arith.constant 4 : i32
      %mul3A_115 = arith.muli %scan3A_80, %mul3A_114 : i32
      %add3A_116 = arith.constant 3 : i32
      %add3A_117 = arith.addi %mul3A_115, %add3A_116 : i32
      %swap3A_118 = arith.index_cast %add3A_117 : i32 to index
      %swap3A_119 = arith.constant 0 : index
      %swap3A_120 = tpu.vector_load %arg8[%swap3A_118, %swap3A_119] {strides = array<i32>} : memref<128x16xf32, #tpu.memory_space<vmem>>, vector<1x16xf32>,
      %swap3A_121 = vector.shape_cast %swap3A_120 : vector<1x16xf32> to vector<16xf32>
      %swap3A_122 = vector.shape_cast %broadcast_in_dim3A_113 : vector<16xf32> to vector<1x16xf32>
      tpu.vector_store %arg8[%swap3A_118, %swap3A_119], %swap3A_122 {strides = array<i32>} : memref<128x16xf32, #tpu.memory_space<vmem>>, vector<1x16xf32>,
    }
    %scan3A_5 = arith.constant 32 : i32
    %mul3A_6 = arith.constant 640 : i32
    %mul3A_7 = arith.muli %arg1, %mul3A_6 : i32
    %multiple_of3A = tpu.assume_multiple %mul3A_7, 8 : i32
    %add3A_8 = arith.constant 0 : i32
    %add3A_9 = arith.addi %multiple_of3A, %add3A_8 : i32
    "tpu.region"() ({
      %run_scoped3A = tpu.sem_alloc : memref<!tpu.dma_semaphore, #tpu.memory_space<semaphore_mem>>
      %dma_start3A_80 = arith.constant 0 : i32
      %dma_start3A_81 = tpu.memref_slice %arg16[%add3A_9, %dma_start3A_80] : memref<10240x16xf32, #tpu.memory_space<vmem_shared>> -> memref<128x16xf32, #tpu.memory_space<vmem_shared>>
      %dma_start3A_82 = arith.constant 0 : i32
      %dma_start3A_83 = tpu.memref_slice %arg16[%add3A_9, %dma_start3A_82] : memref<10240x16xf32, #tpu.memory_space<vmem_shared>> -> memref<128x16xf32, #tpu.memory_space<vmem_shared>>
      tpu.enqueue_dma source(%arg8 : memref<128x16xf32, #tpu.memory_space<vmem>>) target(%dma_start3A_83 : memref<128x16xf32, #tpu.memory_space<vmem_shared>>) target_semaphore(%run_scoped3A : memref<!tpu.dma_semaphore, #tpu.memory_space<semaphore_mem>>)
      %dma_wait3A = arith.constant 0 : i32
      %dma_wait3A_84 = tpu.memref_slice %arg16[%add3A_9, %dma_wait3A] : memref<10240x16xf32, #tpu.memory_space<vmem_shared>> -> memref<128x16xf32, #tpu.memory_space<vmem_shared>>
      %dma_wait3A_85 = arith.constant 0 : i32
      %dma_wait3A_86 = tpu.memref_slice %arg16[%add3A_9, %dma_wait3A_85] : memref<10240x16xf32, #tpu.memory_space<vmem_shared>> -> memref<128x16xf32, #tpu.memory_space<vmem_shared>>
      tpu.wait_dma2 semaphore(%run_scoped3A : memref<!tpu.dma_semaphore, #tpu.memory_space<semaphore_mem>>) src(%arg8 : memref<128x16xf32, #tpu.memory_space<vmem>>) dst(%dma_wait3A_86 : memref<128x16xf32, #tpu.memory_space<vmem_shared>>)
      tpu.yield
    }) : () -> ()
    %add3A_10 = arith.constant 128 : i32
    %add3A_11 = arith.addi %multiple_of3A, %add3A_10 : i32
    "tpu.region"() ({
      %run_scoped3A = tpu.sem_alloc : memref<!tpu.dma_semaphore, #tpu.memory_space<semaphore_mem>>
      %dma_start3A_80 = arith.constant 0 : i32
      %dma_start3A_81 = tpu.memref_slice %arg16[%add3A_11, %dma_start3A_80] : memref<10240x16xf32, #tpu.memory_space<vmem_shared>> -> memref<128x16xf32, #tpu.memory_space<vmem_shared>>
      %dma_start3A_82 = arith.constant 0 : i32
      %dma_start3A_83 = tpu.memref_slice %arg16[%add3A_11, %dma_start3A_82] : memref<10240x16xf32, #tpu.memory_space<vmem_shared>> -> memref<128x16xf32, #tpu.memory_space<vmem_shared>>
      tpu.enqueue_dma source(%arg8 : memref<128x16xf32, #tpu.memory_space<vmem>>) target(%dma_start3A_83 : memref<128x16xf32, #tpu.memory_space<vmem_shared>>) target_semaphore(%run_scoped3A : memref<!tpu.dma_semaphore, #tpu.memory_space<semaphore_mem>>)
      %dma_wait3A = arith.constant 0 : i32
      %dma_wait3A_84 = tpu.memref_slice %arg16[%add3A_11, %dma_wait3A] : memref<10240x16xf32, #tpu.memory_space<vmem_shared>> -> memref<128x16xf32, #tpu.memory_space<vmem_shared>>
      %dma_wait3A_85 = arith.constant 0 : i32
      %dma_wait3A_86 = tpu.memref_slice %arg16[%add3A_11, %dma_wait3A_85] : memref<10240x16xf32, #tpu.memory_space<vmem_shared>> -> memref<128x16xf32, #tpu.memory_space<vmem_shared>>
      tpu.wait_dma2 semaphore(%run_scoped3A : memref<!tpu.dma_semaphore, #tpu.memory_space<semaphore_mem>>) src(%arg8 : memref<128x16xf32, #tpu.memory_space<vmem>>) dst(%dma_wait3A_86 : memref<128x16xf32, #tpu.memory_space<vmem_shared>>)
      tpu.yield
    }) : () -> ()
    %add3A_12 = arith.constant 256 : i32
    %add3A_13 = arith.addi %multiple_of3A, %add3A_12 : i32
    "tpu.region"() ({
      %run_scoped3A = tpu.sem_alloc : memref<!tpu.dma_semaphore, #tpu.memory_space<semaphore_mem>>
      %dma_start3A_80 = arith.constant 0 : i32
      %dma_start3A_81 = tpu.memref_slice %arg16[%add3A_13, %dma_start3A_80] : memref<10240x16xf32, #tpu.memory_space<vmem_shared>> -> memref<128x16xf32, #tpu.memory_space<vmem_shared>>
      %dma_start3A_82 = arith.constant 0 : i32
      %dma_start3A_83 = tpu.memref_slice %arg16[%add3A_13, %dma_start3A_82] : memref<10240x16xf32, #tpu.memory_space<vmem_shared>> -> memref<128x16xf32, #tpu.memory_space<vmem_shared>>
      tpu.enqueue_dma source(%arg8 : memref<128x16xf32, #tpu.memory_space<vmem>>) target(%dma_start3A_83 : memref<128x16xf32, #tpu.memory_space<vmem_shared>>) target_semaphore(%run_scoped3A : memref<!tpu.dma_semaphore, #tpu.memory_space<semaphore_mem>>)
      %dma_wait3A = arith.constant 0 : i32
      %dma_wait3A_84 = tpu.memref_slice %arg16[%add3A_13, %dma_wait3A] : memref<10240x16xf32, #tpu.memory_space<vmem_shared>> -> memref<128x16xf32, #tpu.memory_space<vmem_shared>>
      %dma_wait3A_85 = arith.constant 0 : i32
      %dma_wait3A_86 = tpu.memref_slice %arg16[%add3A_13, %dma_wait3A_85] : memref<10240x16xf32, #tpu.memory_space<vmem_shared>> -> memref<128x16xf32, #tpu.memory_space<vmem_shared>>
      tpu.wait_dma2 semaphore(%run_scoped3A : memref<!tpu.dma_semaphore, #tpu.memory_space<semaphore_mem>>) src(%arg8 : memref<128x16xf32, #tpu.memory_space<vmem>>) dst(%dma_wait3A_86 : memref<128x16xf32, #tpu.memory_space<vmem_shared>>)
      tpu.yield
    }) : () -> ()
    %add3A_14 = arith.constant 384 : i32
    %add3A_15 = arith.addi %multiple_of3A, %add3A_14 : i32
    "tpu.region"() ({
      %run_scoped3A = tpu.sem_alloc : memref<!tpu.dma_semaphore, #tpu.memory_space<semaphore_mem>>
      %dma_start3A_80 = arith.constant 0 : i32
      %dma_start3A_81 = tpu.memref_slice %arg16[%add3A_15, %dma_start3A_80] : memref<10240x16xf32, #tpu.memory_space<vmem_shared>> -> memref<128x16xf32, #tpu.memory_space<vmem_shared>>
      %dma_start3A_82 = arith.constant 0 : i32
      %dma_start3A_83 = tpu.memref_slice %arg16[%add3A_15, %dma_start3A_82] : memref<10240x16xf32, #tpu.memory_space<vmem_shared>> -> memref<128x16xf32, #tpu.memory_space<vmem_shared>>
      tpu.enqueue_dma source(%arg8 : memref<128x16xf32, #tpu.memory_space<vmem>>) target(%dma_start3A_83 : memref<128x16xf32, #tpu.memory_space<vmem_shared>>) target_semaphore(%run_scoped3A : memref<!tpu.dma_semaphore, #tpu.memory_space<semaphore_mem>>)
      %dma_wait3A = arith.constant 0 : i32
      %dma_wait3A_84 = tpu.memref_slice %arg16[%add3A_15, %dma_wait3A] : memref<10240x16xf32, #tpu.memory_space<vmem_shared>> -> memref<128x16xf32, #tpu.memory_space<vmem_shared>>
      %dma_wait3A_85 = arith.constant 0 : i32
      %dma_wait3A_86 = tpu.memref_slice %arg16[%add3A_15, %dma_wait3A_85] : memref<10240x16xf32, #tpu.memory_space<vmem_shared>> -> memref<128x16xf32, #tpu.memory_space<vmem_shared>>
      tpu.wait_dma2 semaphore(%run_scoped3A : memref<!tpu.dma_semaphore, #tpu.memory_space<semaphore_mem>>) src(%arg8 : memref<128x16xf32, #tpu.memory_space<vmem>>) dst(%dma_wait3A_86 : memref<128x16xf32, #tpu.memory_space<vmem_shared>>)
      tpu.yield
    }) : () -> ()
    %add3A_16 = arith.constant 512 : i32
    %add3A_17 = arith.addi %multiple_of3A, %add3A_16 : i32
    "tpu.region"() ({
      %run_scoped3A = tpu.sem_alloc : memref<!tpu.dma_semaphore, #tpu.memory_space<semaphore_mem>>
      %dma_start3A_80 = arith.constant 0 : i32
      %dma_start3A_81 = tpu.memref_slice %arg16[%add3A_17, %dma_start3A_80] : memref<10240x16xf32, #tpu.memory_space<vmem_shared>> -> memref<128x16xf32, #tpu.memory_space<vmem_shared>>
      %dma_start3A_82 = arith.constant 0 : i32
      %dma_start3A_83 = tpu.memref_slice %arg16[%add3A_17, %dma_start3A_82] : memref<10240x16xf32, #tpu.memory_space<vmem_shared>> -> memref<128x16xf32, #tpu.memory_space<vmem_shared>>
      tpu.enqueue_dma source(%arg8 : memref<128x16xf32, #tpu.memory_space<vmem>>) target(%dma_start3A_83 : memref<128x16xf32, #tpu.memory_space<vmem_shared>>) target_semaphore(%run_scoped3A : memref<!tpu.dma_semaphore, #tpu.memory_space<semaphore_mem>>)
      %dma_wait3A = arith.constant 0 : i32
      %dma_wait3A_84 = tpu.memref_slice %arg16[%add3A_17, %dma_wait3A] : memref<10240x16xf32, #tpu.memory_space<vmem_shared>> -> memref<128x16xf32, #tpu.memory_space<vmem_shared>>
      %dma_wait3A_85 = arith.constant 0 : i32
      %dma_wait3A_86 = tpu.memref_slice %arg16[%add3A_17, %dma_wait3A_85] : memref<10240x16xf32, #tpu.memory_space<vmem_shared>> -> memref<128x16xf32, #tpu.memory_space<vmem_shared>>
      tpu.wait_dma2 semaphore(%run_scoped3A : memref<!tpu.dma_semaphore, #tpu.memory_space<semaphore_mem>>) src(%arg8 : memref<128x16xf32, #tpu.memory_space<vmem>>) dst(%dma_wait3A_86 : memref<128x16xf32, #tpu.memory_space<vmem_shared>>)
      tpu.yield
    }) : () -> ()
    %barrier3A = arith.constant 0 : index
    tpu.barrier barrier_id(%barrier3A)
    %dma_start3A = arith.constant 0 : i32
    %dma_start3A_18 = arith.constant 0 : i32
    %dma_start3A_19 = tpu.memref_slice %arg6[%dma_start3A, %dma_start3A_18] : memref<80x128xi32, #tpu.memory_space<vmem>> -> memref<1x128xi32, #tpu.memory_space<vmem>>
    %dma_start3A_20 = tpu.memref_squeeze %dma_start3A_19 : memref<1x128xi32, #tpu.memory_space<vmem>> -> memref<128xi32, #tpu.memory_space<vmem>>
    %dma_start3A_21 = arith.constant 0 : i32
    %dma_start3A_22 = arith.constant 0 : i32
    %dma_start3A_23 = tpu.memref_slice %arg2[%dma_start3A_21, %dma_start3A_22] : memref<10000x16xf32, #tpu.memory_space<hbm>> -> memref<10000x16xf32, #tpu.memory_space<hbm>>
    tpu.enqueue_indirect_dma source(%dma_start3A_23 : memref<10000x16xf32, #tpu.memory_space<hbm>>) target(%arg8 : memref<128x16xf32, #tpu.memory_space<vmem>>) offsets(%dma_start3A_20 : memref<128xi32, #tpu.memory_space<vmem>>) semaphore(%arg17 : memref<!tpu.dma_semaphore, #tpu.memory_space<semaphore_mem>>)
    %dma_start3A_24 = arith.constant 1 : i32
    %dma_start3A_25 = arith.constant 0 : i32
    %dma_start3A_26 = tpu.memref_slice %arg6[%dma_start3A_24, %dma_start3A_25] : memref<80x128xi32, #tpu.memory_space<vmem>> -> memref<1x128xi32, #tpu.memory_space<vmem>>
    %dma_start3A_27 = tpu.memref_squeeze %dma_start3A_26 : memref<1x128xi32, #tpu.memory_space<vmem>> -> memref<128xi32, #tpu.memory_space<vmem>>
    %dma_start3A_28 = arith.constant 0 : i32
    %dma_start3A_29 = arith.constant 0 : i32
    %dma_start3A_30 = tpu.memref_slice %arg2[%dma_start3A_28, %dma_start3A_29] : memref<10000x16xf32, #tpu.memory_space<hbm>> -> memref<10000x16xf32, #tpu.memory_space<hbm>>
    tpu.enqueue_indirect_dma source(%dma_start3A_30 : memref<10000x16xf32, #tpu.memory_space<hbm>>) target(%arg9 : memref<128x16xf32, #tpu.memory_space<vmem>>) offsets(%dma_start3A_27 : memref<128xi32, #tpu.memory_space<vmem>>) semaphore(%arg18 : memref<!tpu.dma_semaphore, #tpu.memory_space<semaphore_mem>>)
    %dma_start3A_31 = arith.constant 2 : i32
    %dma_start3A_32 = arith.constant 0 : i32
    %dma_start3A_33 = tpu.memref_slice %arg6[%dma_start3A_31, %dma_start3A_32] : memref<80x128xi32, #tpu.memory_space<vmem>> -> memref<1x128xi32, #tpu.memory_space<vmem>>
    %dma_start3A_34 = tpu.memref_squeeze %dma_start3A_33 : memref<1x128xi32, #tpu.memory_space<vmem>> -> memref<128xi32, #tpu.memory_space<vmem>>
    %dma_start3A_35 = arith.constant 0 : i32
    %dma_start3A_36 = arith.constant 0 : i32
    %dma_start3A_37 = tpu.memref_slice %arg2[%dma_start3A_35, %dma_start3A_36] : memref<10000x16xf32, #tpu.memory_space<hbm>> -> memref<10000x16xf32, #tpu.memory_space<hbm>>
    tpu.enqueue_indirect_dma source(%dma_start3A_37 : memref<10000x16xf32, #tpu.memory_space<hbm>>) target(%arg10 : memref<128x16xf32, #tpu.memory_space<vmem>>) offsets(%dma_start3A_34 : memref<128xi32, #tpu.memory_space<vmem>>) semaphore(%arg19 : memref<!tpu.dma_semaphore, #tpu.memory_space<semaphore_mem>>)
    %dma_start3A_38 = arith.constant 3 : i32
    %dma_start3A_39 = arith.constant 0 : i32
    %dma_start3A_40 = tpu.memref_slice %arg6[%dma_start3A_38, %dma_start3A_39] : memref<80x128xi32, #tpu.memory_space<vmem>> -> memref<1x128xi32, #tpu.memory_space<vmem>>
    %dma_start3A_41 = tpu.memref_squeeze %dma_start3A_40 : memref<1x128xi32, #tpu.memory_space<vmem>> -> memref<128xi32, #tpu.memory_space<vmem>>
    %dma_start3A_42 = arith.constant 0 : i32
    %dma_start3A_43 = arith.constant 0 : i32
    %dma_start3A_44 = tpu.memref_slice %arg2[%dma_start3A_42, %dma_start3A_43] : memref<10000x16xf32, #tpu.memory_space<hbm>> -> memref<10000x16xf32, #tpu.memory_space<hbm>>
    tpu.enqueue_indirect_dma source(%dma_start3A_44 : memref<10000x16xf32, #tpu.memory_space<hbm>>) target(%arg11 : memref<128x16xf32, #tpu.memory_space<vmem>>) offsets(%dma_start3A_41 : memref<128xi32, #tpu.memory_space<vmem>>) semaphore(%arg20 : memref<!tpu.dma_semaphore, #tpu.memory_space<semaphore_mem>>)
    %dma_start3A_45 = arith.constant 4 : i32
    %dma_start3A_46 = arith.constant 0 : i32
    %dma_start3A_47 = tpu.memref_slice %arg6[%dma_start3A_45, %dma_start3A_46] : memref<80x128xi32, #tpu.memory_space<vmem>> -> memref<1x128xi32, #tpu.memory_space<vmem>>
    %dma_start3A_48 = tpu.memref_squeeze %dma_start3A_47 : memref<1x128xi32, #tpu.memory_space<vmem>> -> memref<128xi32, #tpu.memory_space<vmem>>
    %dma_start3A_49 = arith.constant 0 : i32
    %dma_start3A_50 = arith.constant 0 : i32
    %dma_start3A_51 = tpu.memref_slice %arg2[%dma_start3A_49, %dma_start3A_50] : memref<10000x16xf32, #tpu.memory_space<hbm>> -> memref<10000x16xf32, #tpu.memory_space<hbm>>
    tpu.enqueue_indirect_dma source(%dma_start3A_51 : memref<10000x16xf32, #tpu.memory_space<hbm>>) target(%arg12 : memref<128x16xf32, #tpu.memory_space<vmem>>) offsets(%dma_start3A_48 : memref<128xi32, #tpu.memory_space<vmem>>) semaphore(%arg21 : memref<!tpu.dma_semaphore, #tpu.memory_space<semaphore_mem>>)
    %dma_start3A_52 = arith.constant 5 : i32
    %dma_start3A_53 = arith.constant 0 : i32
    %dma_start3A_54 = tpu.memref_slice %arg6[%dma_start3A_52, %dma_start3A_53] : memref<80x128xi32, #tpu.memory_space<vmem>> -> memref<1x128xi32, #tpu.memory_space<vmem>>
    %dma_start3A_55 = tpu.memref_squeeze %dma_start3A_54 : memref<1x128xi32, #tpu.memory_space<vmem>> -> memref<128xi32, #tpu.memory_space<vmem>>
    %dma_start3A_56 = arith.constant 0 : i32
    %dma_start3A_57 = arith.constant 0 : i32
    %dma_start3A_58 = tpu.memref_slice %arg2[%dma_start3A_56, %dma_start3A_57] : memref<10000x16xf32, #tpu.memory_space<hbm>> -> memref<10000x16xf32, #tpu.memory_space<hbm>>
    tpu.enqueue_indirect_dma source(%dma_start3A_58 : memref<10000x16xf32, #tpu.memory_space<hbm>>) target(%arg13 : memref<128x16xf32, #tpu.memory_space<vmem>>) offsets(%dma_start3A_55 : memref<128xi32, #tpu.memory_space<vmem>>) semaphore(%arg22 : memref<!tpu.dma_semaphore, #tpu.memory_space<semaphore_mem>>)
    %dma_start3A_59 = arith.constant 6 : i32
    %dma_start3A_60 = arith.constant 0 : i32
    %dma_start3A_61 = tpu.memref_slice %arg6[%dma_start3A_59, %dma_start3A_60] : memref<80x128xi32, #tpu.memory_space<vmem>> -> memref<1x128xi32, #tpu.memory_space<vmem>>
    %dma_start3A_62 = tpu.memref_squeeze %dma_start3A_61 : memref<1x128xi32, #tpu.memory_space<vmem>> -> memref<128xi32, #tpu.memory_space<vmem>>
    %dma_start3A_63 = arith.constant 0 : i32
    %dma_start3A_64 = arith.constant 0 : i32
    %dma_start3A_65 = tpu.memref_slice %arg2[%dma_start3A_63, %dma_start3A_64] : memref<10000x16xf32, #tpu.memory_space<hbm>> -> memref<10000x16xf32, #tpu.memory_space<hbm>>
    tpu.enqueue_indirect_dma source(%dma_start3A_65 : memref<10000x16xf32, #tpu.memory_space<hbm>>) target(%arg14 : memref<128x16xf32, #tpu.memory_space<vmem>>) offsets(%dma_start3A_62 : memref<128xi32, #tpu.memory_space<vmem>>) semaphore(%arg23 : memref<!tpu.dma_semaphore, #tpu.memory_space<semaphore_mem>>)
    %dma_start3A_66 = arith.constant 7 : i32
    %dma_start3A_67 = arith.constant 0 : i32
    %dma_start3A_68 = tpu.memref_slice %arg6[%dma_start3A_66, %dma_start3A_67] : memref<80x128xi32, #tpu.memory_space<vmem>> -> memref<1x128xi32, #tpu.memory_space<vmem>>
    %dma_start3A_69 = tpu.memref_squeeze %dma_start3A_68 : memref<1x128xi32, #tpu.memory_space<vmem>> -> memref<128xi32, #tpu.memory_space<vmem>>
    %dma_start3A_70 = arith.constant 0 : i32
    %dma_start3A_71 = arith.constant 0 : i32
    %dma_start3A_72 = tpu.memref_slice %arg2[%dma_start3A_70, %dma_start3A_71] : memref<10000x16xf32, #tpu.memory_space<hbm>> -> memref<10000x16xf32, #tpu.memory_space<hbm>>
    tpu.enqueue_indirect_dma source(%dma_start3A_72 : memref<10000x16xf32, #tpu.memory_space<hbm>>) target(%arg15 : memref<128x16xf32, #tpu.memory_space<vmem>>) offsets(%dma_start3A_69 : memref<128xi32, #tpu.memory_space<vmem>>) semaphore(%arg24 : memref<!tpu.dma_semaphore, #tpu.memory_space<semaphore_mem>>)
    %scan3A_73 = arith.constant 0 : i32
    %scan3A_74 = arith.constant 0 : i32
    %scan3A_75 = arith.constant 10 : i32
    %scan3A_76 = arith.addi %scan3A_74, %scan3A_75 : i32
    %scan3A_77 = arith.constant 1 : i32
    scf.for %scan3A_80 = %scan3A_74 to %scan3A_76 step %scan3A_77  : i32 {
      %mul3A_81 = arith.constant 8 : i32
      %mul3A_82 = arith.muli %scan3A_80, %mul3A_81 : i32
      %add3A_83 = arith.constant 0 : i32
      %add3A_84 = arith.addi %mul3A_82, %add3A_83 : i32
      %dma_wait3A = arith.constant 0 : i32
      %dma_wait3A_85 = tpu.memref_slice %arg6[%add3A_84, %dma_wait3A] : memref<80x128xi32, #tpu.memory_space<vmem>> -> memref<1x128xi32, #tpu.memory_space<vmem>>
      %dma_wait3A_86 = tpu.memref_squeeze %dma_wait3A_85 : memref<1x128xi32, #tpu.memory_space<vmem>> -> memref<128xi32, #tpu.memory_space<vmem>>
      %dma_wait3A_87 = arith.constant 0 : i32
      %dma_wait3A_88 = arith.constant 0 : i32
      %dma_wait3A_89 = tpu.memref_slice %arg2[%dma_wait3A_87, %dma_wait3A_88] : memref<10000x16xf32, #tpu.memory_space<hbm>> -> memref<10000x16xf32, #tpu.memory_space<hbm>>
      tpu.wait_indirect_dma semaphore(%arg17 : memref<!tpu.dma_semaphore, #tpu.memory_space<semaphore_mem>>) src(%dma_wait3A_89 : memref<10000x16xf32, #tpu.memory_space<hbm>>) dst(%arg8 : memref<128x16xf32, #tpu.memory_space<vmem>>)
      "tpu.region"() ({
        %run_scoped3A = tpu.sem_alloc : memref<!tpu.dma_semaphore, #tpu.memory_space<semaphore_mem>>
        %dma_start3A_213 = arith.constant 0 : i32
        %dma_start3A_214 = tpu.memref_slice %arg7[%add3A_84, %dma_start3A_213] : memref<80x128xi32, #tpu.memory_space<vmem>> -> memref<1x128xi32, #tpu.memory_space<vmem>>
        %dma_start3A_215 = tpu.memref_squeeze %dma_start3A_214 : memref<1x128xi32, #tpu.memory_space<vmem>> -> memref<128xi32, #tpu.memory_space<vmem>>
        %dma_start3A_216 = arith.constant 0 : i32
        %dma_start3A_217 = arith.constant 0 : i32
        %dma_start3A_218 = tpu.memref_slice %arg16[%dma_start3A_216, %dma_start3A_217] : memref<10240x16xf32, #tpu.memory_space<vmem_shared>> -> memref<10240x16xf32, #tpu.memory_space<vmem_shared>>
        tpu.enqueue_indirect_dma source(%arg8 : memref<128x16xf32, #tpu.memory_space<vmem>>) target(%dma_start3A_218 : memref<10240x16xf32, #tpu.memory_space<vmem_shared>>) offsets(%dma_start3A_215 : memref<128xi32, #tpu.memory_space<vmem>>) semaphore(%run_scoped3A : memref<!tpu.dma_semaphore, #tpu.memory_space<semaphore_mem>>) {add = true}
        %dma_wait3A_219 = arith.constant 0 : i32
        %dma_wait3A_220 = tpu.memref_slice %arg7[%add3A_84, %dma_wait3A_219] : memref<80x128xi32, #tpu.memory_space<vmem>> -> memref<1x128xi32, #tpu.memory_space<vmem>>
        %dma_wait3A_221 = tpu.memref_squeeze %dma_wait3A_220 : memref<1x128xi32, #tpu.memory_space<vmem>> -> memref<128xi32, #tpu.memory_space<vmem>>
        %dma_wait3A_222 = arith.constant 0 : i32
        %dma_wait3A_223 = arith.constant 0 : i32
        %dma_wait3A_224 = tpu.memref_slice %arg16[%dma_wait3A_222, %dma_wait3A_223] : memref<10240x16xf32, #tpu.memory_space<vmem_shared>> -> memref<10240x16xf32, #tpu.memory_space<vmem_shared>>
        tpu.wait_indirect_dma semaphore(%run_scoped3A : memref<!tpu.dma_semaphore, #tpu.memory_space<semaphore_mem>>) src(%arg8 : memref<128x16xf32, #tpu.memory_space<vmem>>) dst(%dma_wait3A_224 : memref<10240x16xf32, #tpu.memory_space<vmem_shared>>)
        tpu.yield
      }) : () -> ()
      %add3A_90 = arith.constant 8 : i32
      %add3A_91 = arith.addi %add3A_84, %add3A_90 : i32
      %lt3A = arith.constant 80 : i32
      %lt3A_92 = arith.cmpi slt, %add3A_91, %lt3A : i32
      %convert_element_type3A = arith.extui %lt3A_92 : i1 to i32
      %cond3A = arith.constant 0 : i32
      %cond3A_93 = arith.cmpi ne, %convert_element_type3A, %cond3A : i32
      scf.if %cond3A_93 {
        %add3A_213 = arith.constant 8 : i32
        %add3A_214 = arith.addi %add3A_84, %add3A_213 : i32
        %dma_start3A_215 = arith.constant 0 : i32
        %dma_start3A_216 = tpu.memref_slice %arg6[%add3A_214, %dma_start3A_215] : memref<80x128xi32, #tpu.memory_space<vmem>> -> memref<1x128xi32, #tpu.memory_space<vmem>>
        %dma_start3A_217 = tpu.memref_squeeze %dma_start3A_216 : memref<1x128xi32, #tpu.memory_space<vmem>> -> memref<128xi32, #tpu.memory_space<vmem>>
        %dma_start3A_218 = arith.constant 0 : i32
        %dma_start3A_219 = arith.constant 0 : i32
        %dma_start3A_220 = tpu.memref_slice %arg2[%dma_start3A_218, %dma_start3A_219] : memref<10000x16xf32, #tpu.memory_space<hbm>> -> memref<10000x16xf32, #tpu.memory_space<hbm>>
        tpu.enqueue_indirect_dma source(%dma_start3A_220 : memref<10000x16xf32, #tpu.memory_space<hbm>>) target(%arg8 : memref<128x16xf32, #tpu.memory_space<vmem>>) offsets(%dma_start3A_217 : memref<128xi32, #tpu.memory_space<vmem>>) semaphore(%arg17 : memref<!tpu.dma_semaphore, #tpu.memory_space<semaphore_mem>>)
      } else {
      }
      %mul3A_94 = arith.constant 8 : i32
      %mul3A_95 = arith.muli %scan3A_80, %mul3A_94 : i32
      %add3A_96 = arith.constant 1 : i32
      %add3A_97 = arith.addi %mul3A_95, %add3A_96 : i32
      %dma_wait3A_98 = arith.constant 0 : i32
      %dma_wait3A_99 = tpu.memref_slice %arg6[%add3A_97, %dma_wait3A_98] : memref<80x128xi32, #tpu.memory_space<vmem>> -> memref<1x128xi32, #tpu.memory_space<vmem>>
      %dma_wait3A_100 = tpu.memref_squeeze %dma_wait3A_99 : memref<1x128xi32, #tpu.memory_space<vmem>> -> memref<128xi32, #tpu.memory_space<vmem>>
      %dma_wait3A_101 = arith.constant 0 : i32
      %dma_wait3A_102 = arith.constant 0 : i32
      %dma_wait3A_103 = tpu.memref_slice %arg2[%dma_wait3A_101, %dma_wait3A_102] : memref<10000x16xf32, #tpu.memory_space<hbm>> -> memref<10000x16xf32, #tpu.memory_space<hbm>>
      tpu.wait_indirect_dma semaphore(%arg18 : memref<!tpu.dma_semaphore, #tpu.memory_space<semaphore_mem>>) src(%dma_wait3A_103 : memref<10000x16xf32, #tpu.memory_space<hbm>>) dst(%arg9 : memref<128x16xf32, #tpu.memory_space<vmem>>)
      "tpu.region"() ({
        %run_scoped3A = tpu.sem_alloc : memref<!tpu.dma_semaphore, #tpu.memory_space<semaphore_mem>>
        %dma_start3A_213 = arith.constant 0 : i32
        %dma_start3A_214 = tpu.memref_slice %arg7[%add3A_97, %dma_start3A_213] : memref<80x128xi32, #tpu.memory_space<vmem>> -> memref<1x128xi32, #tpu.memory_space<vmem>>
        %dma_start3A_215 = tpu.memref_squeeze %dma_start3A_214 : memref<1x128xi32, #tpu.memory_space<vmem>> -> memref<128xi32, #tpu.memory_space<vmem>>
        %dma_start3A_216 = arith.constant 0 : i32
        %dma_start3A_217 = arith.constant 0 : i32
        %dma_start3A_218 = tpu.memref_slice %arg16[%dma_start3A_216, %dma_start3A_217] : memref<10240x16xf32, #tpu.memory_space<vmem_shared>> -> memref<10240x16xf32, #tpu.memory_space<vmem_shared>>
        tpu.enqueue_indirect_dma source(%arg9 : memref<128x16xf32, #tpu.memory_space<vmem>>) target(%dma_start3A_218 : memref<10240x16xf32, #tpu.memory_space<vmem_shared>>) offsets(%dma_start3A_215 : memref<128xi32, #tpu.memory_space<vmem>>) semaphore(%run_scoped3A : memref<!tpu.dma_semaphore, #tpu.memory_space<semaphore_mem>>) {add = true}
        %dma_wait3A_219 = arith.constant 0 : i32
        %dma_wait3A_220 = tpu.memref_slice %arg7[%add3A_97, %dma_wait3A_219] : memref<80x128xi32, #tpu.memory_space<vmem>> -> memref<1x128xi32, #tpu.memory_space<vmem>>
        %dma_wait3A_221 = tpu.memref_squeeze %dma_wait3A_220 : memref<1x128xi32, #tpu.memory_space<vmem>> -> memref<128xi32, #tpu.memory_space<vmem>>
        %dma_wait3A_222 = arith.constant 0 : i32
        %dma_wait3A_223 = arith.constant 0 : i32
        %dma_wait3A_224 = tpu.memref_slice %arg16[%dma_wait3A_222, %dma_wait3A_223] : memref<10240x16xf32, #tpu.memory_space<vmem_shared>> -> memref<10240x16xf32, #tpu.memory_space<vmem_shared>>
        tpu.wait_indirect_dma semaphore(%run_scoped3A : memref<!tpu.dma_semaphore, #tpu.memory_space<semaphore_mem>>) src(%arg9 : memref<128x16xf32, #tpu.memory_space<vmem>>) dst(%dma_wait3A_224 : memref<10240x16xf32, #tpu.memory_space<vmem_shared>>)
        tpu.yield
      }) : () -> ()
      %add3A_104 = arith.constant 8 : i32
      %add3A_105 = arith.addi %add3A_97, %add3A_104 : i32
      %lt3A_106 = arith.constant 80 : i32
      %lt3A_107 = arith.cmpi slt, %add3A_105, %lt3A_106 : i32
      %convert_element_type3A_108 = arith.extui %lt3A_107 : i1 to i32
      %cond3A_109 = arith.constant 0 : i32
      %cond3A_110 = arith.cmpi ne, %convert_element_type3A_108, %cond3A_109 : i32
      scf.if %cond3A_110 {
        %add3A_213 = arith.constant 8 : i32
        %add3A_214 = arith.addi %add3A_97, %add3A_213 : i32
        %dma_start3A_215 = arith.constant 0 : i32
        %dma_start3A_216 = tpu.memref_slice %arg6[%add3A_214, %dma_start3A_215] : memref<80x128xi32, #tpu.memory_space<vmem>> -> memref<1x128xi32, #tpu.memory_space<vmem>>
        %dma_start3A_217 = tpu.memref_squeeze %dma_start3A_216 : memref<1x128xi32, #tpu.memory_space<vmem>> -> memref<128xi32, #tpu.memory_space<vmem>>
        %dma_start3A_218 = arith.constant 0 : i32
        %dma_start3A_219 = arith.constant 0 : i32
        %dma_start3A_220 = tpu.memref_slice %arg2[%dma_start3A_218, %dma_start3A_219] : memref<10000x16xf32, #tpu.memory_space<hbm>> -> memref<10000x16xf32, #tpu.memory_space<hbm>>
        tpu.enqueue_indirect_dma source(%dma_start3A_220 : memref<10000x16xf32, #tpu.memory_space<hbm>>) target(%arg9 : memref<128x16xf32, #tpu.memory_space<vmem>>) offsets(%dma_start3A_217 : memref<128xi32, #tpu.memory_space<vmem>>) semaphore(%arg18 : memref<!tpu.dma_semaphore, #tpu.memory_space<semaphore_mem>>)
      } else {
      }
      %mul3A_111 = arith.constant 8 : i32
      %mul3A_112 = arith.muli %scan3A_80, %mul3A_111 : i32
      %add3A_113 = arith.constant 2 : i32
      %add3A_114 = arith.addi %mul3A_112, %add3A_113 : i32
      %dma_wait3A_115 = arith.constant 0 : i32
      %dma_wait3A_116 = tpu.memref_slice %arg6[%add3A_114, %dma_wait3A_115] : memref<80x128xi32, #tpu.memory_space<vmem>> -> memref<1x128xi32, #tpu.memory_space<vmem>>
      %dma_wait3A_117 = tpu.memref_squeeze %dma_wait3A_116 : memref<1x128xi32, #tpu.memory_space<vmem>> -> memref<128xi32, #tpu.memory_space<vmem>>
      %dma_wait3A_118 = arith.constant 0 : i32
      %dma_wait3A_119 = arith.constant 0 : i32
      %dma_wait3A_120 = tpu.memref_slice %arg2[%dma_wait3A_118, %dma_wait3A_119] : memref<10000x16xf32, #tpu.memory_space<hbm>> -> memref<10000x16xf32, #tpu.memory_space<hbm>>
      tpu.wait_indirect_dma semaphore(%arg19 : memref<!tpu.dma_semaphore, #tpu.memory_space<semaphore_mem>>) src(%dma_wait3A_120 : memref<10000x16xf32, #tpu.memory_space<hbm>>) dst(%arg10 : memref<128x16xf32, #tpu.memory_space<vmem>>)
      "tpu.region"() ({
        %run_scoped3A = tpu.sem_alloc : memref<!tpu.dma_semaphore, #tpu.memory_space<semaphore_mem>>
        %dma_start3A_213 = arith.constant 0 : i32
        %dma_start3A_214 = tpu.memref_slice %arg7[%add3A_114, %dma_start3A_213] : memref<80x128xi32, #tpu.memory_space<vmem>> -> memref<1x128xi32, #tpu.memory_space<vmem>>
        %dma_start3A_215 = tpu.memref_squeeze %dma_start3A_214 : memref<1x128xi32, #tpu.memory_space<vmem>> -> memref<128xi32, #tpu.memory_space<vmem>>
        %dma_start3A_216 = arith.constant 0 : i32
        %dma_start3A_217 = arith.constant 0 : i32
        %dma_start3A_218 = tpu.memref_slice %arg16[%dma_start3A_216, %dma_start3A_217] : memref<10240x16xf32, #tpu.memory_space<vmem_shared>> -> memref<10240x16xf32, #tpu.memory_space<vmem_shared>>
        tpu.enqueue_indirect_dma source(%arg10 : memref<128x16xf32, #tpu.memory_space<vmem>>) target(%dma_start3A_218 : memref<10240x16xf32, #tpu.memory_space<vmem_shared>>) offsets(%dma_start3A_215 : memref<128xi32, #tpu.memory_space<vmem>>) semaphore(%run_scoped3A : memref<!tpu.dma_semaphore, #tpu.memory_space<semaphore_mem>>) {add = true}
        %dma_wait3A_219 = arith.constant 0 : i32
        %dma_wait3A_220 = tpu.memref_slice %arg7[%add3A_114, %dma_wait3A_219] : memref<80x128xi32, #tpu.memory_space<vmem>> -> memref<1x128xi32, #tpu.memory_space<vmem>>
        %dma_wait3A_221 = tpu.memref_squeeze %dma_wait3A_220 : memref<1x128xi32, #tpu.memory_space<vmem>> -> memref<128xi32, #tpu.memory_space<vmem>>
        %dma_wait3A_222 = arith.constant 0 : i32
        %dma_wait3A_223 = arith.constant 0 : i32
        %dma_wait3A_224 = tpu.memref_slice %arg16[%dma_wait3A_222, %dma_wait3A_223] : memref<10240x16xf32, #tpu.memory_space<vmem_shared>> -> memref<10240x16xf32, #tpu.memory_space<vmem_shared>>
        tpu.wait_indirect_dma semaphore(%run_scoped3A : memref<!tpu.dma_semaphore, #tpu.memory_space<semaphore_mem>>) src(%arg10 : memref<128x16xf32, #tpu.memory_space<vmem>>) dst(%dma_wait3A_224 : memref<10240x16xf32, #tpu.memory_space<vmem_shared>>)
        tpu.yield
      }) : () -> ()
      %add3A_121 = arith.constant 8 : i32
      %add3A_122 = arith.addi %add3A_114, %add3A_121 : i32
      %lt3A_123 = arith.constant 80 : i32
      %lt3A_124 = arith.cmpi slt, %add3A_122, %lt3A_123 : i32
      %convert_element_type3A_125 = arith.extui %lt3A_124 : i1 to i32
      %cond3A_126 = arith.constant 0 : i32
      %cond3A_127 = arith.cmpi ne, %convert_element_type3A_125, %cond3A_126 : i32
      scf.if %cond3A_127 {
        %add3A_213 = arith.constant 8 : i32
        %add3A_214 = arith.addi %add3A_114, %add3A_213 : i32
        %dma_start3A_215 = arith.constant 0 : i32
        %dma_start3A_216 = tpu.memref_slice %arg6[%add3A_214, %dma_start3A_215] : memref<80x128xi32, #tpu.memory_space<vmem>> -> memref<1x128xi32, #tpu.memory_space<vmem>>
        %dma_start3A_217 = tpu.memref_squeeze %dma_start3A_216 : memref<1x128xi32, #tpu.memory_space<vmem>> -> memref<128xi32, #tpu.memory_space<vmem>>
        %dma_start3A_218 = arith.constant 0 : i32
        %dma_start3A_219 = arith.constant 0 : i32
        %dma_start3A_220 = tpu.memref_slice %arg2[%dma_start3A_218, %dma_start3A_219] : memref<10000x16xf32, #tpu.memory_space<hbm>> -> memref<10000x16xf32, #tpu.memory_space<hbm>>
        tpu.enqueue_indirect_dma source(%dma_start3A_220 : memref<10000x16xf32, #tpu.memory_space<hbm>>) target(%arg10 : memref<128x16xf32, #tpu.memory_space<vmem>>) offsets(%dma_start3A_217 : memref<128xi32, #tpu.memory_space<vmem>>) semaphore(%arg19 : memref<!tpu.dma_semaphore, #tpu.memory_space<semaphore_mem>>)
      } else {
      }
      %mul3A_128 = arith.constant 8 : i32
      %mul3A_129 = arith.muli %scan3A_80, %mul3A_128 : i32
      %add3A_130 = arith.constant 3 : i32
      %add3A_131 = arith.addi %mul3A_129, %add3A_130 : i32
      %dma_wait3A_132 = arith.constant 0 : i32
      %dma_wait3A_133 = tpu.memref_slice %arg6[%add3A_131, %dma_wait3A_132] : memref<80x128xi32, #tpu.memory_space<vmem>> -> memref<1x128xi32, #tpu.memory_space<vmem>>
      %dma_wait3A_134 = tpu.memref_squeeze %dma_wait3A_133 : memref<1x128xi32, #tpu.memory_space<vmem>> -> memref<128xi32, #tpu.memory_space<vmem>>
      %dma_wait3A_135 = arith.constant 0 : i32
      %dma_wait3A_136 = arith.constant 0 : i32
      %dma_wait3A_137 = tpu.memref_slice %arg2[%dma_wait3A_135, %dma_wait3A_136] : memref<10000x16xf32, #tpu.memory_space<hbm>> -> memref<10000x16xf32, #tpu.memory_space<hbm>>
      tpu.wait_indirect_dma semaphore(%arg20 : memref<!tpu.dma_semaphore, #tpu.memory_space<semaphore_mem>>) src(%dma_wait3A_137 : memref<10000x16xf32, #tpu.memory_space<hbm>>) dst(%arg11 : memref<128x16xf32, #tpu.memory_space<vmem>>)
      "tpu.region"() ({
        %run_scoped3A = tpu.sem_alloc : memref<!tpu.dma_semaphore, #tpu.memory_space<semaphore_mem>>
        %dma_start3A_213 = arith.constant 0 : i32
        %dma_start3A_214 = tpu.memref_slice %arg7[%add3A_131, %dma_start3A_213] : memref<80x128xi32, #tpu.memory_space<vmem>> -> memref<1x128xi32, #tpu.memory_space<vmem>>
        %dma_start3A_215 = tpu.memref_squeeze %dma_start3A_214 : memref<1x128xi32, #tpu.memory_space<vmem>> -> memref<128xi32, #tpu.memory_space<vmem>>
        %dma_start3A_216 = arith.constant 0 : i32
        %dma_start3A_217 = arith.constant 0 : i32
        %dma_start3A_218 = tpu.memref_slice %arg16[%dma_start3A_216, %dma_start3A_217] : memref<10240x16xf32, #tpu.memory_space<vmem_shared>> -> memref<10240x16xf32, #tpu.memory_space<vmem_shared>>
        tpu.enqueue_indirect_dma source(%arg11 : memref<128x16xf32, #tpu.memory_space<vmem>>) target(%dma_start3A_218 : memref<10240x16xf32, #tpu.memory_space<vmem_shared>>) offsets(%dma_start3A_215 : memref<128xi32, #tpu.memory_space<vmem>>) semaphore(%run_scoped3A : memref<!tpu.dma_semaphore, #tpu.memory_space<semaphore_mem>>) {add = true}
        %dma_wait3A_219 = arith.constant 0 : i32
        %dma_wait3A_220 = tpu.memref_slice %arg7[%add3A_131, %dma_wait3A_219] : memref<80x128xi32, #tpu.memory_space<vmem>> -> memref<1x128xi32, #tpu.memory_space<vmem>>
        %dma_wait3A_221 = tpu.memref_squeeze %dma_wait3A_220 : memref<1x128xi32, #tpu.memory_space<vmem>> -> memref<128xi32, #tpu.memory_space<vmem>>
        %dma_wait3A_222 = arith.constant 0 : i32
        %dma_wait3A_223 = arith.constant 0 : i32
        %dma_wait3A_224 = tpu.memref_slice %arg16[%dma_wait3A_222, %dma_wait3A_223] : memref<10240x16xf32, #tpu.memory_space<vmem_shared>> -> memref<10240x16xf32, #tpu.memory_space<vmem_shared>>
        tpu.wait_indirect_dma semaphore(%run_scoped3A : memref<!tpu.dma_semaphore, #tpu.memory_space<semaphore_mem>>) src(%arg11 : memref<128x16xf32, #tpu.memory_space<vmem>>) dst(%dma_wait3A_224 : memref<10240x16xf32, #tpu.memory_space<vmem_shared>>)
        tpu.yield
      }) : () -> ()
      %add3A_138 = arith.constant 8 : i32
      %add3A_139 = arith.addi %add3A_131, %add3A_138 : i32
      %lt3A_140 = arith.constant 80 : i32
      %lt3A_141 = arith.cmpi slt, %add3A_139, %lt3A_140 : i32
      %convert_element_type3A_142 = arith.extui %lt3A_141 : i1 to i32
      %cond3A_143 = arith.constant 0 : i32
      %cond3A_144 = arith.cmpi ne, %convert_element_type3A_142, %cond3A_143 : i32
      scf.if %cond3A_144 {
        %add3A_213 = arith.constant 8 : i32
        %add3A_214 = arith.addi %add3A_131, %add3A_213 : i32
        %dma_start3A_215 = arith.constant 0 : i32
        %dma_start3A_216 = tpu.memref_slice %arg6[%add3A_214, %dma_start3A_215] : memref<80x128xi32, #tpu.memory_space<vmem>> -> memref<1x128xi32, #tpu.memory_space<vmem>>
        %dma_start3A_217 = tpu.memref_squeeze %dma_start3A_216 : memref<1x128xi32, #tpu.memory_space<vmem>> -> memref<128xi32, #tpu.memory_space<vmem>>
        %dma_start3A_218 = arith.constant 0 : i32
        %dma_start3A_219 = arith.constant 0 : i32
        %dma_start3A_220 = tpu.memref_slice %arg2[%dma_start3A_218, %dma_start3A_219] : memref<10000x16xf32, #tpu.memory_space<hbm>> -> memref<10000x16xf32, #tpu.memory_space<hbm>>
        tpu.enqueue_indirect_dma source(%dma_start3A_220 : memref<10000x16xf32, #tpu.memory_space<hbm>>) target(%arg11 : memref<128x16xf32, #tpu.memory_space<vmem>>) offsets(%dma_start3A_217 : memref<128xi32, #tpu.memory_space<vmem>>) semaphore(%arg20 : memref<!tpu.dma_semaphore, #tpu.memory_space<semaphore_mem>>)
      } else {
      }
      %mul3A_145 = arith.constant 8 : i32
      %mul3A_146 = arith.muli %scan3A_80, %mul3A_145 : i32
      %add3A_147 = arith.constant 4 : i32
      %add3A_148 = arith.addi %mul3A_146, %add3A_147 : i32
      %dma_wait3A_149 = arith.constant 0 : i32
      %dma_wait3A_150 = tpu.memref_slice %arg6[%add3A_148, %dma_wait3A_149] : memref<80x128xi32, #tpu.memory_space<vmem>> -> memref<1x128xi32, #tpu.memory_space<vmem>>
      %dma_wait3A_151 = tpu.memref_squeeze %dma_wait3A_150 : memref<1x128xi32, #tpu.memory_space<vmem>> -> memref<128xi32, #tpu.memory_space<vmem>>
      %dma_wait3A_152 = arith.constant 0 : i32
      %dma_wait3A_153 = arith.constant 0 : i32
      %dma_wait3A_154 = tpu.memref_slice %arg2[%dma_wait3A_152, %dma_wait3A_153] : memref<10000x16xf32, #tpu.memory_space<hbm>> -> memref<10000x16xf32, #tpu.memory_space<hbm>>
      tpu.wait_indirect_dma semaphore(%arg21 : memref<!tpu.dma_semaphore, #tpu.memory_space<semaphore_mem>>) src(%dma_wait3A_154 : memref<10000x16xf32, #tpu.memory_space<hbm>>) dst(%arg12 : memref<128x16xf32, #tpu.memory_space<vmem>>)
      "tpu.region"() ({
        %run_scoped3A = tpu.sem_alloc : memref<!tpu.dma_semaphore, #tpu.memory_space<semaphore_mem>>
        %dma_start3A_213 = arith.constant 0 : i32
        %dma_start3A_214 = tpu.memref_slice %arg7[%add3A_148, %dma_start3A_213] : memref<80x128xi32, #tpu.memory_space<vmem>> -> memref<1x128xi32, #tpu.memory_space<vmem>>
        %dma_start3A_215 = tpu.memref_squeeze %dma_start3A_214 : memref<1x128xi32, #tpu.memory_space<vmem>> -> memref<128xi32, #tpu.memory_space<vmem>>
        %dma_start3A_216 = arith.constant 0 : i32
        %dma_start3A_217 = arith.constant 0 : i32
        %dma_start3A_218 = tpu.memref_slice %arg16[%dma_start3A_216, %dma_start3A_217] : memref<10240x16xf32, #tpu.memory_space<vmem_shared>> -> memref<10240x16xf32, #tpu.memory_space<vmem_shared>>
        tpu.enqueue_indirect_dma source(%arg12 : memref<128x16xf32, #tpu.memory_space<vmem>>) target(%dma_start3A_218 : memref<10240x16xf32, #tpu.memory_space<vmem_shared>>) offsets(%dma_start3A_215 : memref<128xi32, #tpu.memory_space<vmem>>) semaphore(%run_scoped3A : memref<!tpu.dma_semaphore, #tpu.memory_space<semaphore_mem>>) {add = true}
        %dma_wait3A_219 = arith.constant 0 : i32
        %dma_wait3A_220 = tpu.memref_slice %arg7[%add3A_148, %dma_wait3A_219] : memref<80x128xi32, #tpu.memory_space<vmem>> -> memref<1x128xi32, #tpu.memory_space<vmem>>
        %dma_wait3A_221 = tpu.memref_squeeze %dma_wait3A_220 : memref<1x128xi32, #tpu.memory_space<vmem>> -> memref<128xi32, #tpu.memory_space<vmem>>
        %dma_wait3A_222 = arith.constant 0 : i32
        %dma_wait3A_223 = arith.constant 0 : i32
        %dma_wait3A_224 = tpu.memref_slice %arg16[%dma_wait3A_222, %dma_wait3A_223] : memref<10240x16xf32, #tpu.memory_space<vmem_shared>> -> memref<10240x16xf32, #tpu.memory_space<vmem_shared>>
        tpu.wait_indirect_dma semaphore(%run_scoped3A : memref<!tpu.dma_semaphore, #tpu.memory_space<semaphore_mem>>) src(%arg12 : memref<128x16xf32, #tpu.memory_space<vmem>>) dst(%dma_wait3A_224 : memref<10240x16xf32, #tpu.memory_space<vmem_shared>>)
        tpu.yield
      }) : () -> ()
      %add3A_155 = arith.constant 8 : i32
      %add3A_156 = arith.addi %add3A_148, %add3A_155 : i32
      %lt3A_157 = arith.constant 80 : i32
      %lt3A_158 = arith.cmpi slt, %add3A_156, %lt3A_157 : i32
      %convert_element_type3A_159 = arith.extui %lt3A_158 : i1 to i32
      %cond3A_160 = arith.constant 0 : i32
      %cond3A_161 = arith.cmpi ne, %convert_element_type3A_159, %cond3A_160 : i32
      scf.if %cond3A_161 {
        %add3A_213 = arith.constant 8 : i32
        %add3A_214 = arith.addi %add3A_148, %add3A_213 : i32
        %dma_start3A_215 = arith.constant 0 : i32
        %dma_start3A_216 = tpu.memref_slice %arg6[%add3A_214, %dma_start3A_215] : memref<80x128xi32, #tpu.memory_space<vmem>> -> memref<1x128xi32, #tpu.memory_space<vmem>>
        %dma_start3A_217 = tpu.memref_squeeze %dma_start3A_216 : memref<1x128xi32, #tpu.memory_space<vmem>> -> memref<128xi32, #tpu.memory_space<vmem>>
        %dma_start3A_218 = arith.constant 0 : i32
        %dma_start3A_219 = arith.constant 0 : i32
        %dma_start3A_220 = tpu.memref_slice %arg2[%dma_start3A_218, %dma_start3A_219] : memref<10000x16xf32, #tpu.memory_space<hbm>> -> memref<10000x16xf32, #tpu.memory_space<hbm>>
        tpu.enqueue_indirect_dma source(%dma_start3A_220 : memref<10000x16xf32, #tpu.memory_space<hbm>>) target(%arg12 : memref<128x16xf32, #tpu.memory_space<vmem>>) offsets(%dma_start3A_217 : memref<128xi32, #tpu.memory_space<vmem>>) semaphore(%arg21 : memref<!tpu.dma_semaphore, #tpu.memory_space<semaphore_mem>>)
      } else {
      }
      %mul3A_162 = arith.constant 8 : i32
      %mul3A_163 = arith.muli %scan3A_80, %mul3A_162 : i32
      %add3A_164 = arith.constant 5 : i32
      %add3A_165 = arith.addi %mul3A_163, %add3A_164 : i32
      %dma_wait3A_166 = arith.constant 0 : i32
      %dma_wait3A_167 = tpu.memref_slice %arg6[%add3A_165, %dma_wait3A_166] : memref<80x128xi32, #tpu.memory_space<vmem>> -> memref<1x128xi32, #tpu.memory_space<vmem>>
      %dma_wait3A_168 = tpu.memref_squeeze %dma_wait3A_167 : memref<1x128xi32, #tpu.memory_space<vmem>> -> memref<128xi32, #tpu.memory_space<vmem>>
      %dma_wait3A_169 = arith.constant 0 : i32
      %dma_wait3A_170 = arith.constant 0 : i32
      %dma_wait3A_171 = tpu.memref_slice %arg2[%dma_wait3A_169, %dma_wait3A_170] : memref<10000x16xf32, #tpu.memory_space<hbm>> -> memref<10000x16xf32, #tpu.memory_space<hbm>>
      tpu.wait_indirect_dma semaphore(%arg22 : memref<!tpu.dma_semaphore, #tpu.memory_space<semaphore_mem>>) src(%dma_wait3A_171 : memref<10000x16xf32, #tpu.memory_space<hbm>>) dst(%arg13 : memref<128x16xf32, #tpu.memory_space<vmem>>)
      "tpu.region"() ({
        %run_scoped3A = tpu.sem_alloc : memref<!tpu.dma_semaphore, #tpu.memory_space<semaphore_mem>>
        %dma_start3A_213 = arith.constant 0 : i32
        %dma_start3A_214 = tpu.memref_slice %arg7[%add3A_165, %dma_start3A_213] : memref<80x128xi32, #tpu.memory_space<vmem>> -> memref<1x128xi32, #tpu.memory_space<vmem>>
        %dma_start3A_215 = tpu.memref_squeeze %dma_start3A_214 : memref<1x128xi32, #tpu.memory_space<vmem>> -> memref<128xi32, #tpu.memory_space<vmem>>
        %dma_start3A_216 = arith.constant 0 : i32
        %dma_start3A_217 = arith.constant 0 : i32
        %dma_start3A_218 = tpu.memref_slice %arg16[%dma_start3A_216, %dma_start3A_217] : memref<10240x16xf32, #tpu.memory_space<vmem_shared>> -> memref<10240x16xf32, #tpu.memory_space<vmem_shared>>
        tpu.enqueue_indirect_dma source(%arg13 : memref<128x16xf32, #tpu.memory_space<vmem>>) target(%dma_start3A_218 : memref<10240x16xf32, #tpu.memory_space<vmem_shared>>) offsets(%dma_start3A_215 : memref<128xi32, #tpu.memory_space<vmem>>) semaphore(%run_scoped3A : memref<!tpu.dma_semaphore, #tpu.memory_space<semaphore_mem>>) {add = true}
        %dma_wait3A_219 = arith.constant 0 : i32
        %dma_wait3A_220 = tpu.memref_slice %arg7[%add3A_165, %dma_wait3A_219] : memref<80x128xi32, #tpu.memory_space<vmem>> -> memref<1x128xi32, #tpu.memory_space<vmem>>
        %dma_wait3A_221 = tpu.memref_squeeze %dma_wait3A_220 : memref<1x128xi32, #tpu.memory_space<vmem>> -> memref<128xi32, #tpu.memory_space<vmem>>
        %dma_wait3A_222 = arith.constant 0 : i32
        %dma_wait3A_223 = arith.constant 0 : i32
        %dma_wait3A_224 = tpu.memref_slice %arg16[%dma_wait3A_222, %dma_wait3A_223] : memref<10240x16xf32, #tpu.memory_space<vmem_shared>> -> memref<10240x16xf32, #tpu.memory_space<vmem_shared>>
        tpu.wait_indirect_dma semaphore(%run_scoped3A : memref<!tpu.dma_semaphore, #tpu.memory_space<semaphore_mem>>) src(%arg13 : memref<128x16xf32, #tpu.memory_space<vmem>>) dst(%dma_wait3A_224 : memref<10240x16xf32, #tpu.memory_space<vmem_shared>>)
        tpu.yield
      }) : () -> ()
      %add3A_172 = arith.constant 8 : i32
      %add3A_173 = arith.addi %add3A_165, %add3A_172 : i32
      %lt3A_174 = arith.constant 80 : i32
      %lt3A_175 = arith.cmpi slt, %add3A_173, %lt3A_174 : i32
      %convert_element_type3A_176 = arith.extui %lt3A_175 : i1 to i32
      %cond3A_177 = arith.constant 0 : i32
      %cond3A_178 = arith.cmpi ne, %convert_element_type3A_176, %cond3A_177 : i32
      scf.if %cond3A_178 {
        %add3A_213 = arith.constant 8 : i32
        %add3A_214 = arith.addi %add3A_165, %add3A_213 : i32
        %dma_start3A_215 = arith.constant 0 : i32
        %dma_start3A_216 = tpu.memref_slice %arg6[%add3A_214, %dma_start3A_215] : memref<80x128xi32, #tpu.memory_space<vmem>> -> memref<1x128xi32, #tpu.memory_space<vmem>>
        %dma_start3A_217 = tpu.memref_squeeze %dma_start3A_216 : memref<1x128xi32, #tpu.memory_space<vmem>> -> memref<128xi32, #tpu.memory_space<vmem>>
        %dma_start3A_218 = arith.constant 0 : i32
        %dma_start3A_219 = arith.constant 0 : i32
        %dma_start3A_220 = tpu.memref_slice %arg2[%dma_start3A_218, %dma_start3A_219] : memref<10000x16xf32, #tpu.memory_space<hbm>> -> memref<10000x16xf32, #tpu.memory_space<hbm>>
        tpu.enqueue_indirect_dma source(%dma_start3A_220 : memref<10000x16xf32, #tpu.memory_space<hbm>>) target(%arg13 : memref<128x16xf32, #tpu.memory_space<vmem>>) offsets(%dma_start3A_217 : memref<128xi32, #tpu.memory_space<vmem>>) semaphore(%arg22 : memref<!tpu.dma_semaphore, #tpu.memory_space<semaphore_mem>>)
      } else {
      }
      %mul3A_179 = arith.constant 8 : i32
      %mul3A_180 = arith.muli %scan3A_80, %mul3A_179 : i32
      %add3A_181 = arith.constant 6 : i32
      %add3A_182 = arith.addi %mul3A_180, %add3A_181 : i32
      %dma_wait3A_183 = arith.constant 0 : i32
      %dma_wait3A_184 = tpu.memref_slice %arg6[%add3A_182, %dma_wait3A_183] : memref<80x128xi32, #tpu.memory_space<vmem>> -> memref<1x128xi32, #tpu.memory_space<vmem>>
      %dma_wait3A_185 = tpu.memref_squeeze %dma_wait3A_184 : memref<1x128xi32, #tpu.memory_space<vmem>> -> memref<128xi32, #tpu.memory_space<vmem>>
      %dma_wait3A_186 = arith.constant 0 : i32
      %dma_wait3A_187 = arith.constant 0 : i32
      %dma_wait3A_188 = tpu.memref_slice %arg2[%dma_wait3A_186, %dma_wait3A_187] : memref<10000x16xf32, #tpu.memory_space<hbm>> -> memref<10000x16xf32, #tpu.memory_space<hbm>>
      tpu.wait_indirect_dma semaphore(%arg23 : memref<!tpu.dma_semaphore, #tpu.memory_space<semaphore_mem>>) src(%dma_wait3A_188 : memref<10000x16xf32, #tpu.memory_space<hbm>>) dst(%arg14 : memref<128x16xf32, #tpu.memory_space<vmem>>)
      "tpu.region"() ({
        %run_scoped3A = tpu.sem_alloc : memref<!tpu.dma_semaphore, #tpu.memory_space<semaphore_mem>>
        %dma_start3A_213 = arith.constant 0 : i32
        %dma_start3A_214 = tpu.memref_slice %arg7[%add3A_182, %dma_start3A_213] : memref<80x128xi32, #tpu.memory_space<vmem>> -> memref<1x128xi32, #tpu.memory_space<vmem>>
        %dma_start3A_215 = tpu.memref_squeeze %dma_start3A_214 : memref<1x128xi32, #tpu.memory_space<vmem>> -> memref<128xi32, #tpu.memory_space<vmem>>
        %dma_start3A_216 = arith.constant 0 : i32
        %dma_start3A_217 = arith.constant 0 : i32
        %dma_start3A_218 = tpu.memref_slice %arg16[%dma_start3A_216, %dma_start3A_217] : memref<10240x16xf32, #tpu.memory_space<vmem_shared>> -> memref<10240x16xf32, #tpu.memory_space<vmem_shared>>
        tpu.enqueue_indirect_dma source(%arg14 : memref<128x16xf32, #tpu.memory_space<vmem>>) target(%dma_start3A_218 : memref<10240x16xf32, #tpu.memory_space<vmem_shared>>) offsets(%dma_start3A_215 : memref<128xi32, #tpu.memory_space<vmem>>) semaphore(%run_scoped3A : memref<!tpu.dma_semaphore, #tpu.memory_space<semaphore_mem>>) {add = true}
        %dma_wait3A_219 = arith.constant 0 : i32
        %dma_wait3A_220 = tpu.memref_slice %arg7[%add3A_182, %dma_wait3A_219] : memref<80x128xi32, #tpu.memory_space<vmem>> -> memref<1x128xi32, #tpu.memory_space<vmem>>
        %dma_wait3A_221 = tpu.memref_squeeze %dma_wait3A_220 : memref<1x128xi32, #tpu.memory_space<vmem>> -> memref<128xi32, #tpu.memory_space<vmem>>
        %dma_wait3A_222 = arith.constant 0 : i32
        %dma_wait3A_223 = arith.constant 0 : i32
        %dma_wait3A_224 = tpu.memref_slice %arg16[%dma_wait3A_222, %dma_wait3A_223] : memref<10240x16xf32, #tpu.memory_space<vmem_shared>> -> memref<10240x16xf32, #tpu.memory_space<vmem_shared>>
        tpu.wait_indirect_dma semaphore(%run_scoped3A : memref<!tpu.dma_semaphore, #tpu.memory_space<semaphore_mem>>) src(%arg14 : memref<128x16xf32, #tpu.memory_space<vmem>>) dst(%dma_wait3A_224 : memref<10240x16xf32, #tpu.memory_space<vmem_shared>>)
        tpu.yield
      }) : () -> ()
      %add3A_189 = arith.constant 8 : i32
      %add3A_190 = arith.addi %add3A_182, %add3A_189 : i32
      %lt3A_191 = arith.constant 80 : i32
      %lt3A_192 = arith.cmpi slt, %add3A_190, %lt3A_191 : i32
      %convert_element_type3A_193 = arith.extui %lt3A_192 : i1 to i32
      %cond3A_194 = arith.constant 0 : i32
      %cond3A_195 = arith.cmpi ne, %convert_element_type3A_193, %cond3A_194 : i32
      scf.if %cond3A_195 {
        %add3A_213 = arith.constant 8 : i32
        %add3A_214 = arith.addi %add3A_182, %add3A_213 : i32
        %dma_start3A_215 = arith.constant 0 : i32
        %dma_start3A_216 = tpu.memref_slice %arg6[%add3A_214, %dma_start3A_215] : memref<80x128xi32, #tpu.memory_space<vmem>> -> memref<1x128xi32, #tpu.memory_space<vmem>>
        %dma_start3A_217 = tpu.memref_squeeze %dma_start3A_216 : memref<1x128xi32, #tpu.memory_space<vmem>> -> memref<128xi32, #tpu.memory_space<vmem>>
        %dma_start3A_218 = arith.constant 0 : i32
        %dma_start3A_219 = arith.constant 0 : i32
        %dma_start3A_220 = tpu.memref_slice %arg2[%dma_start3A_218, %dma_start3A_219] : memref<10000x16xf32, #tpu.memory_space<hbm>> -> memref<10000x16xf32, #tpu.memory_space<hbm>>
        tpu.enqueue_indirect_dma source(%dma_start3A_220 : memref<10000x16xf32, #tpu.memory_space<hbm>>) target(%arg14 : memref<128x16xf32, #tpu.memory_space<vmem>>) offsets(%dma_start3A_217 : memref<128xi32, #tpu.memory_space<vmem>>) semaphore(%arg23 : memref<!tpu.dma_semaphore, #tpu.memory_space<semaphore_mem>>)
      } else {
      }
      %mul3A_196 = arith.constant 8 : i32
      %mul3A_197 = arith.muli %scan3A_80, %mul3A_196 : i32
      %add3A_198 = arith.constant 7 : i32
      %add3A_199 = arith.addi %mul3A_197, %add3A_198 : i32
      %dma_wait3A_200 = arith.constant 0 : i32
      %dma_wait3A_201 = tpu.memref_slice %arg6[%add3A_199, %dma_wait3A_200] : memref<80x128xi32, #tpu.memory_space<vmem>> -> memref<1x128xi32, #tpu.memory_space<vmem>>
      %dma_wait3A_202 = tpu.memref_squeeze %dma_wait3A_201 : memref<1x128xi32, #tpu.memory_space<vmem>> -> memref<128xi32, #tpu.memory_space<vmem>>
      %dma_wait3A_203 = arith.constant 0 : i32
      %dma_wait3A_204 = arith.constant 0 : i32
      %dma_wait3A_205 = tpu.memref_slice %arg2[%dma_wait3A_203, %dma_wait3A_204] : memref<10000x16xf32, #tpu.memory_space<hbm>> -> memref<10000x16xf32, #tpu.memory_space<hbm>>
      tpu.wait_indirect_dma semaphore(%arg24 : memref<!tpu.dma_semaphore, #tpu.memory_space<semaphore_mem>>) src(%dma_wait3A_205 : memref<10000x16xf32, #tpu.memory_space<hbm>>) dst(%arg15 : memref<128x16xf32, #tpu.memory_space<vmem>>)
      "tpu.region"() ({
        %run_scoped3A = tpu.sem_alloc : memref<!tpu.dma_semaphore, #tpu.memory_space<semaphore_mem>>
        %dma_start3A_213 = arith.constant 0 : i32
        %dma_start3A_214 = tpu.memref_slice %arg7[%add3A_199, %dma_start3A_213] : memref<80x128xi32, #tpu.memory_space<vmem>> -> memref<1x128xi32, #tpu.memory_space<vmem>>
        %dma_start3A_215 = tpu.memref_squeeze %dma_start3A_214 : memref<1x128xi32, #tpu.memory_space<vmem>> -> memref<128xi32, #tpu.memory_space<vmem>>
        %dma_start3A_216 = arith.constant 0 : i32
        %dma_start3A_217 = arith.constant 0 : i32
        %dma_start3A_218 = tpu.memref_slice %arg16[%dma_start3A_216, %dma_start3A_217] : memref<10240x16xf32, #tpu.memory_space<vmem_shared>> -> memref<10240x16xf32, #tpu.memory_space<vmem_shared>>
        tpu.enqueue_indirect_dma source(%arg15 : memref<128x16xf32, #tpu.memory_space<vmem>>) target(%dma_start3A_218 : memref<10240x16xf32, #tpu.memory_space<vmem_shared>>) offsets(%dma_start3A_215 : memref<128xi32, #tpu.memory_space<vmem>>) semaphore(%run_scoped3A : memref<!tpu.dma_semaphore, #tpu.memory_space<semaphore_mem>>) {add = true}
        %dma_wait3A_219 = arith.constant 0 : i32
        %dma_wait3A_220 = tpu.memref_slice %arg7[%add3A_199, %dma_wait3A_219] : memref<80x128xi32, #tpu.memory_space<vmem>> -> memref<1x128xi32, #tpu.memory_space<vmem>>
        %dma_wait3A_221 = tpu.memref_squeeze %dma_wait3A_220 : memref<1x128xi32, #tpu.memory_space<vmem>> -> memref<128xi32, #tpu.memory_space<vmem>>
        %dma_wait3A_222 = arith.constant 0 : i32
        %dma_wait3A_223 = arith.constant 0 : i32
        %dma_wait3A_224 = tpu.memref_slice %arg16[%dma_wait3A_222, %dma_wait3A_223] : memref<10240x16xf32, #tpu.memory_space<vmem_shared>> -> memref<10240x16xf32, #tpu.memory_space<vmem_shared>>
        tpu.wait_indirect_dma semaphore(%run_scoped3A : memref<!tpu.dma_semaphore, #tpu.memory_space<semaphore_mem>>) src(%arg15 : memref<128x16xf32, #tpu.memory_space<vmem>>) dst(%dma_wait3A_224 : memref<10240x16xf32, #tpu.memory_space<vmem_shared>>)
        tpu.yield
      }) : () -> ()
      %add3A_206 = arith.constant 8 : i32
      %add3A_207 = arith.addi %add3A_199, %add3A_206 : i32
      %lt3A_208 = arith.constant 80 : i32
      %lt3A_209 = arith.cmpi slt, %add3A_207, %lt3A_208 : i32
      %convert_element_type3A_210 = arith.extui %lt3A_209 : i1 to i32
      %cond3A_211 = arith.constant 0 : i32
      %cond3A_212 = arith.cmpi ne, %convert_element_type3A_210, %cond3A_211 : i32
      scf.if %cond3A_212 {
        %add3A_213 = arith.constant 8 : i32
        %add3A_214 = arith.addi %add3A_199, %add3A_213 : i32
        %dma_start3A_215 = arith.constant 0 : i32
        %dma_start3A_216 = tpu.memref_slice %arg6[%add3A_214, %dma_start3A_215] : memref<80x128xi32, #tpu.memory_space<vmem>> -> memref<1x128xi32, #tpu.memory_space<vmem>>
        %dma_start3A_217 = tpu.memref_squeeze %dma_start3A_216 : memref<1x128xi32, #tpu.memory_space<vmem>> -> memref<128xi32, #tpu.memory_space<vmem>>
        %dma_start3A_218 = arith.constant 0 : i32
        %dma_start3A_219 = arith.constant 0 : i32
        %dma_start3A_220 = tpu.memref_slice %arg2[%dma_start3A_218, %dma_start3A_219] : memref<10000x16xf32, #tpu.memory_space<hbm>> -> memref<10000x16xf32, #tpu.memory_space<hbm>>
        tpu.enqueue_indirect_dma source(%dma_start3A_220 : memref<10000x16xf32, #tpu.memory_space<hbm>>) target(%arg15 : memref<128x16xf32, #tpu.memory_space<vmem>>) offsets(%dma_start3A_217 : memref<128xi32, #tpu.memory_space<vmem>>) semaphore(%arg24 : memref<!tpu.dma_semaphore, #tpu.memory_space<semaphore_mem>>)
      } else {
      }
    }
    %scan3A_78 = arith.constant 10 : i32
    %barrier3A_79 = arith.constant 0 : index
    tpu.barrier barrier_id(%barrier3A_79)
    "tpu.region"() ({
      %run_scoped3A = tpu.sem_alloc : memref<!tpu.dma_semaphore, #tpu.memory_space<semaphore_mem>>
      %dma_start3A_80 = arith.constant 0 : i32
      %dma_start3A_81 = tpu.memref_slice %arg5[%arg0, %multiple_of3A, %dma_start3A_80] : memref<2x10240x16xf32, #tpu.memory_space<hbm>> -> memref<1x640x16xf32, #tpu.memory_space<hbm>>
      %dma_start3A_82 = tpu.memref_squeeze %dma_start3A_81 : memref<1x640x16xf32, #tpu.memory_space<hbm>> -> memref<640x16xf32, #tpu.memory_space<hbm>>
      %dma_start3A_83 = arith.constant 0 : i32
      %dma_start3A_84 = tpu.memref_slice %arg16[%multiple_of3A, %dma_start3A_83] : memref<10240x16xf32, #tpu.memory_space<vmem_shared>> -> memref<640x16xf32, #tpu.memory_space<vmem_shared>>
      tpu.enqueue_dma source(%dma_start3A_84 : memref<640x16xf32, #tpu.memory_space<vmem_shared>>) target(%dma_start3A_82 : memref<640x16xf32, #tpu.memory_space<hbm>>) target_semaphore(%run_scoped3A : memref<!tpu.dma_semaphore, #tpu.memory_space<semaphore_mem>>)
      %dma_wait3A = arith.constant 0 : i32
      %dma_wait3A_85 = tpu.memref_slice %arg5[%arg0, %multiple_of3A, %dma_wait3A] : memref<2x10240x16xf32, #tpu.memory_space<hbm>> -> memref<1x640x16xf32, #tpu.memory_space<hbm>>
      %dma_wait3A_86 = tpu.memref_squeeze %dma_wait3A_85 : memref<1x640x16xf32, #tpu.memory_space<hbm>> -> memref<640x16xf32, #tpu.memory_space<hbm>>
      %dma_wait3A_87 = arith.constant 0 : i32
      %dma_wait3A_88 = tpu.memref_slice %arg16[%multiple_of3A, %dma_wait3A_87] : memref<10240x16xf32, #tpu.memory_space<vmem_shared>> -> memref<640x16xf32, #tpu.memory_space<vmem_shared>>
      tpu.wait_dma2 semaphore(%run_scoped3A : memref<!tpu.dma_semaphore, #tpu.memory_space<semaphore_mem>>) src(%dma_wait3A_88 : memref<640x16xf32, #tpu.memory_space<vmem_shared>>) dst(%dma_wait3A_86 : memref<640x16xf32, #tpu.memory_space<hbm>>)
      tpu.yield
    }) : () -> ()
    return
  }
}

module attributes {stable_mosaic.version = 14 : i64} {
  func.func @_mm_body(%arg0: memref<10000x128xf32, #tpu.memory_space<vmem>>, %arg1: memref<128x16xf32, #tpu.memory_space<vmem>>, %arg2: memref<10000x16xf32, #tpu.memory_space<vmem>>) attributes {dimension_semantics = [], scalar_prefetch = 0 : i64, scratch_operands = 0 : i64, tpu.core_type = #tpu.core_type<tc>} {
    %get3A = arith.constant 0 : index
    %get3A_0 = arith.constant 0 : index
    %get3A_1 = vector.load %arg0[%get3A, %get3A_0] : memref<10000x128xf32, #tpu.memory_space<vmem>>, vector<10000x128xf32>
    %get3A_2 = arith.constant 0 : index
    %get3A_3 = arith.constant 0 : index
    %get3A_4 = vector.load %arg1[%get3A_2, %get3A_3] : memref<128x16xf32, #tpu.memory_space<vmem>>, vector<128x16xf32>
    %dot_general3A = arith.constant dense<0.000000e+00> : vector<10000x16xf32>
    %dot_general3A_5 = tpu.matmul %get3A_1, %get3A_4, %dot_general3A {dimension_numbers = #tpu.dot_dimension_numbers<[1], [0], [0], [1], [0, 0, 1, 1], [], []>, transpose_lhs_hint = false} : vector<10000x128xf32>, vector<128x16xf32>, vector<10000x16xf32> -> vector<10000x16xf32>
    %swap3A = arith.constant 0 : index
    %swap3A_6 = arith.constant 0 : index
    %swap3A_7 = vector.load %arg2[%swap3A, %swap3A_6] : memref<10000x16xf32, #tpu.memory_space<vmem>>, vector<10000x16xf32>
    tpu.vector_store %arg2[%swap3A, %swap3A_6], %dot_general3A_5 {strides = array<i32>} : memref<10000x16xf32, #tpu.memory_space<vmem>>, vector<10000x16xf32>,
    return
  }
}

module attributes {stable_mosaic.version = 14 : i64} {
  func.func @_mm_bias_body(%arg0: memref<10000x128xf32, #tpu.memory_space<vmem>>, %arg1: memref<128x16xf32, #tpu.memory_space<vmem>>, %arg2: memref<1x16xf32, #tpu.memory_space<vmem>>, %arg3: memref<10000x16xf32, #tpu.memory_space<vmem>>) attributes {dimension_semantics = [], scalar_prefetch = 0 : i64, scratch_operands = 0 : i64, tpu.core_type = #tpu.core_type<tc>} {
    %get3A = arith.constant 0 : index
    %get3A_0 = arith.constant 0 : index
    %get3A_1 = vector.load %arg0[%get3A, %get3A_0] : memref<10000x128xf32, #tpu.memory_space<vmem>>, vector<10000x128xf32>
    %get3A_2 = arith.constant 0 : index
    %get3A_3 = arith.constant 0 : index
    %get3A_4 = vector.load %arg1[%get3A_2, %get3A_3] : memref<128x16xf32, #tpu.memory_space<vmem>>, vector<128x16xf32>
    %dot_general3A = arith.constant dense<0.000000e+00> : vector<10000x16xf32>
    %dot_general3A_5 = tpu.matmul %get3A_1, %get3A_4, %dot_general3A {dimension_numbers = #tpu.dot_dimension_numbers<[1], [0], [0], [1], [0, 0, 1, 1], [], []>, transpose_lhs_hint = false} : vector<10000x128xf32>, vector<128x16xf32>, vector<10000x16xf32> -> vector<10000x16xf32>
    %get3A_6 = arith.constant 0 : index
    %get3A_7 = arith.constant 0 : index
    %get3A_8 = vector.load %arg2[%get3A_6, %get3A_7] : memref<1x16xf32, #tpu.memory_space<vmem>>, vector<1x16xf32>
    %add3A = vector.broadcast %get3A_8 : vector<1x16xf32> to vector<10000x16xf32>
    %add3A_9 = arith.addf %dot_general3A_5, %add3A : vector<10000x16xf32>
    %swap3A = arith.constant 0 : index
    %swap3A_10 = arith.constant 0 : index
    %swap3A_11 = vector.load %arg3[%swap3A, %swap3A_10] : memref<10000x16xf32, #tpu.memory_space<vmem>>, vector<10000x16xf32>
    tpu.vector_store %arg3[%swap3A, %swap3A_10], %add3A_9 {strides = array<i32>} : memref<10000x16xf32, #tpu.memory_space<vmem>>, vector<10000x16xf32>,
    return
  }
}

module attributes {stable_mosaic.version = 14 : i64} {
  func.func @_combine1_body(%arg0: memref<2x10240x16xf32, #tpu.memory_space<vmem>>, %arg1: memref<10000x16xf32, #tpu.memory_space<vmem>>, %arg2: memref<10000x16xf32, #tpu.memory_space<vmem>>) attributes {dimension_semantics = [], scalar_prefetch = 0 : i64, scratch_operands = 0 : i64, tpu.core_type = #tpu.core_type<tc>} {
    %get3A = arith.constant 0 : index
    %get3A_0 = arith.constant 0 : index
    %get3A_1 = arith.constant 0 : index
    %get3A_2 = vector.load %arg0[%get3A, %get3A_0, %get3A_1] : memref<2x10240x16xf32, #tpu.memory_space<vmem>>, vector<2x10240x16xf32>
    %slice3A = vector.extract_strided_slice %get3A_2 {offsets = [0, 0, 0], sizes = [1, 10000, 16], strides = [1, 1, 1]} : vector<2x10240x16xf32> to vector<1x10000x16xf32>
    %squeeze3A = vector.shape_cast %slice3A : vector<1x10000x16xf32> to vector<10000x16xf32>
    %slice3A_3 = vector.extract_strided_slice %get3A_2 {offsets = [1, 0, 0], sizes = [1, 10000, 16], strides = [1, 1, 1]} : vector<2x10240x16xf32> to vector<1x10000x16xf32>
    %squeeze3A_4 = vector.shape_cast %slice3A_3 : vector<1x10000x16xf32> to vector<10000x16xf32>
    %add3A = arith.addf %squeeze3A, %squeeze3A_4 : vector<10000x16xf32>
    %get3A_5 = arith.constant 0 : index
    %get3A_6 = arith.constant 0 : index
    %get3A_7 = vector.load %arg1[%get3A_5, %get3A_6] : memref<10000x16xf32, #tpu.memory_space<vmem>>, vector<10000x16xf32>
    %add3A_8 = arith.addf %add3A, %get3A_7 : vector<10000x16xf32>
    %max3A = arith.constant 0.000000e+00 : f32
    %max3A_9 = vector.broadcast %max3A : f32 to vector<10000x16xf32>
    %max3A_10 = arith.maximumf %add3A_8, %max3A_9 : vector<10000x16xf32>
    %swap3A = arith.constant 0 : index
    %swap3A_11 = arith.constant 0 : index
    %swap3A_12 = vector.load %arg2[%swap3A, %swap3A_11] : memref<10000x16xf32, #tpu.memory_space<vmem>>, vector<10000x16xf32>
    tpu.vector_store %arg2[%swap3A, %swap3A_11], %max3A_10 {strides = array<i32>} : memref<10000x16xf32, #tpu.memory_space<vmem>>, vector<10000x16xf32>,
    return
  }
}

module attributes {stable_mosaic.version = 14 : i64} {
  func.func @_mm_bias_body(%arg0: memref<10000x16xf32, #tpu.memory_space<vmem>>, %arg1: memref<16x32xf32, #tpu.memory_space<vmem>>, %arg2: memref<1x32xf32, #tpu.memory_space<vmem>>, %arg3: memref<10000x32xf32, #tpu.memory_space<vmem>>) attributes {dimension_semantics = [], scalar_prefetch = 0 : i64, scratch_operands = 0 : i64, tpu.core_type = #tpu.core_type<tc>} {
    %get3A = arith.constant 0 : index
    %get3A_0 = arith.constant 0 : index
    %get3A_1 = vector.load %arg0[%get3A, %get3A_0] : memref<10000x16xf32, #tpu.memory_space<vmem>>, vector<10000x16xf32>
    %get3A_2 = arith.constant 0 : index
    %get3A_3 = arith.constant 0 : index
    %get3A_4 = vector.load %arg1[%get3A_2, %get3A_3] : memref<16x32xf32, #tpu.memory_space<vmem>>, vector<16x32xf32>
    %dot_general3A = arith.constant dense<0.000000e+00> : vector<10000x32xf32>
    %dot_general3A_5 = tpu.matmul %get3A_1, %get3A_4, %dot_general3A {dimension_numbers = #tpu.dot_dimension_numbers<[1], [0], [0], [1], [0, 0, 1, 1], [], []>, transpose_lhs_hint = false} : vector<10000x16xf32>, vector<16x32xf32>, vector<10000x32xf32> -> vector<10000x32xf32>
    %get3A_6 = arith.constant 0 : index
    %get3A_7 = arith.constant 0 : index
    %get3A_8 = vector.load %arg2[%get3A_6, %get3A_7] : memref<1x32xf32, #tpu.memory_space<vmem>>, vector<1x32xf32>
    %add3A = vector.broadcast %get3A_8 : vector<1x32xf32> to vector<10000x32xf32>
    %add3A_9 = arith.addf %dot_general3A_5, %add3A : vector<10000x32xf32>
    %swap3A = arith.constant 0 : index
    %swap3A_10 = arith.constant 0 : index
    %swap3A_11 = vector.load %arg3[%swap3A, %swap3A_10] : memref<10000x32xf32, #tpu.memory_space<vmem>>, vector<10000x32xf32>
    tpu.vector_store %arg3[%swap3A, %swap3A_10], %add3A_9 {strides = array<i32>} : memref<10000x32xf32, #tpu.memory_space<vmem>>, vector<10000x32xf32>,
    return
  }
}

module attributes {stable_mosaic.version = 14 : i64} {
  func.func @_combine_body(%arg0: memref<2x10240x16xf32, #tpu.memory_space<vmem>>, %arg1: memref<16x32xf32, #tpu.memory_space<vmem>>, %arg2: memref<10000x32xf32, #tpu.memory_space<vmem>>, %arg3: memref<10000x32xf32, #tpu.memory_space<vmem>>) attributes {dimension_semantics = [], scalar_prefetch = 0 : i64, scratch_operands = 0 : i64, tpu.core_type = #tpu.core_type<tc>} {
    %get3A = arith.constant 0 : index
    %get3A_0 = arith.constant 0 : index
    %get3A_1 = arith.constant 0 : index
    %get3A_2 = vector.load %arg0[%get3A, %get3A_0, %get3A_1] : memref<2x10240x16xf32, #tpu.memory_space<vmem>>, vector<2x10240x16xf32>
    %slice3A = vector.extract_strided_slice %get3A_2 {offsets = [0, 0, 0], sizes = [1, 10000, 16], strides = [1, 1, 1]} : vector<2x10240x16xf32> to vector<1x10000x16xf32>
    %squeeze3A = vector.shape_cast %slice3A : vector<1x10000x16xf32> to vector<10000x16xf32>
    %slice3A_3 = vector.extract_strided_slice %get3A_2 {offsets = [1, 0, 0], sizes = [1, 10000, 16], strides = [1, 1, 1]} : vector<2x10240x16xf32> to vector<1x10000x16xf32>
    %squeeze3A_4 = vector.shape_cast %slice3A_3 : vector<1x10000x16xf32> to vector<10000x16xf32>
    %add3A = arith.addf %squeeze3A, %squeeze3A_4 : vector<10000x16xf32>
    %get3A_5 = arith.constant 0 : index
    %get3A_6 = arith.constant 0 : index
    %get3A_7 = vector.load %arg1[%get3A_5, %get3A_6] : memref<16x32xf32, #tpu.memory_space<vmem>>, vector<16x32xf32>
    %dot_general3A = arith.constant dense<0.000000e+00> : vector<10000x32xf32>
    %dot_general3A_8 = tpu.matmul %add3A, %get3A_7, %dot_general3A {dimension_numbers = #tpu.dot_dimension_numbers<[1], [0], [0], [1], [0, 0, 1, 1], [], []>, transpose_lhs_hint = false} : vector<10000x16xf32>, vector<16x32xf32>, vector<10000x32xf32> -> vector<10000x32xf32>
    %get3A_9 = arith.constant 0 : index
    %get3A_10 = arith.constant 0 : index
    %get3A_11 = vector.load %arg2[%get3A_9, %get3A_10] : memref<10000x32xf32, #tpu.memory_space<vmem>>, vector<10000x32xf32>
    %add3A_12 = arith.addf %dot_general3A_8, %get3A_11 : vector<10000x32xf32>
    %max3A = arith.constant 0.000000e+00 : f32
    %max3A_13 = vector.broadcast %max3A : f32 to vector<10000x32xf32>
    %max3A_14 = arith.maximumf %add3A_12, %max3A_13 : vector<10000x32xf32>
    %swap3A = arith.constant 0 : index
    %swap3A_15 = arith.constant 0 : index
    %swap3A_16 = vector.load %arg3[%swap3A, %swap3A_15] : memref<10000x32xf32, #tpu.memory_space<vmem>>, vector<10000x32xf32>
    tpu.vector_store %arg3[%swap3A, %swap3A_15], %max3A_14 {strides = array<i32>} : memref<10000x32xf32, #tpu.memory_space<vmem>>, vector<10000x32xf32>,
    return
  }
}

module attributes {stable_mosaic.version = 14 : i64} {
  func.func @_mm_bias_body(%arg0: memref<10000x32xf32, #tpu.memory_space<vmem>>, %arg1: memref<32x64xf32, #tpu.memory_space<vmem>>, %arg2: memref<1x64xf32, #tpu.memory_space<vmem>>, %arg3: memref<10000x64xf32, #tpu.memory_space<vmem>>) attributes {dimension_semantics = [], scalar_prefetch = 0 : i64, scratch_operands = 0 : i64, tpu.core_type = #tpu.core_type<tc>} {
    %get3A = arith.constant 0 : index
    %get3A_0 = arith.constant 0 : index
    %get3A_1 = vector.load %arg0[%get3A, %get3A_0] : memref<10000x32xf32, #tpu.memory_space<vmem>>, vector<10000x32xf32>
    %get3A_2 = arith.constant 0 : index
    %get3A_3 = arith.constant 0 : index
    %get3A_4 = vector.load %arg1[%get3A_2, %get3A_3] : memref<32x64xf32, #tpu.memory_space<vmem>>, vector<32x64xf32>
    %dot_general3A = arith.constant dense<0.000000e+00> : vector<10000x64xf32>
    %dot_general3A_5 = tpu.matmul %get3A_1, %get3A_4, %dot_general3A {dimension_numbers = #tpu.dot_dimension_numbers<[1], [0], [0], [1], [0, 0, 1, 1], [], []>, transpose_lhs_hint = false} : vector<10000x32xf32>, vector<32x64xf32>, vector<10000x64xf32> -> vector<10000x64xf32>
    %get3A_6 = arith.constant 0 : index
    %get3A_7 = arith.constant 0 : index
    %get3A_8 = vector.load %arg2[%get3A_6, %get3A_7] : memref<1x64xf32, #tpu.memory_space<vmem>>, vector<1x64xf32>
    %add3A = vector.broadcast %get3A_8 : vector<1x64xf32> to vector<10000x64xf32>
    %add3A_9 = arith.addf %dot_general3A_5, %add3A : vector<10000x64xf32>
    %swap3A = arith.constant 0 : index
    %swap3A_10 = arith.constant 0 : index
    %swap3A_11 = vector.load %arg3[%swap3A, %swap3A_10] : memref<10000x64xf32, #tpu.memory_space<vmem>>, vector<10000x64xf32>
    tpu.vector_store %arg3[%swap3A, %swap3A_10], %add3A_9 {strides = array<i32>} : memref<10000x64xf32, #tpu.memory_space<vmem>>, vector<10000x64xf32>,
    return
  }
}

module attributes {stable_mosaic.version = 14 : i64} {
  func.func @_combine_body(%arg0: memref<2x10240x32xf32, #tpu.memory_space<vmem>>, %arg1: memref<32x64xf32, #tpu.memory_space<vmem>>, %arg2: memref<10000x64xf32, #tpu.memory_space<vmem>>, %arg3: memref<10000x64xf32, #tpu.memory_space<vmem>>) attributes {dimension_semantics = [], scalar_prefetch = 0 : i64, scratch_operands = 0 : i64, tpu.core_type = #tpu.core_type<tc>} {
    %get3A = arith.constant 0 : index
    %get3A_0 = arith.constant 0 : index
    %get3A_1 = arith.constant 0 : index
    %get3A_2 = vector.load %arg0[%get3A, %get3A_0, %get3A_1] : memref<2x10240x32xf32, #tpu.memory_space<vmem>>, vector<2x10240x32xf32>
    %slice3A = vector.extract_strided_slice %get3A_2 {offsets = [0, 0, 0], sizes = [1, 10000, 32], strides = [1, 1, 1]} : vector<2x10240x32xf32> to vector<1x10000x32xf32>
    %squeeze3A = vector.shape_cast %slice3A : vector<1x10000x32xf32> to vector<10000x32xf32>
    %slice3A_3 = vector.extract_strided_slice %get3A_2 {offsets = [1, 0, 0], sizes = [1, 10000, 32], strides = [1, 1, 1]} : vector<2x10240x32xf32> to vector<1x10000x32xf32>
    %squeeze3A_4 = vector.shape_cast %slice3A_3 : vector<1x10000x32xf32> to vector<10000x32xf32>
    %add3A = arith.addf %squeeze3A, %squeeze3A_4 : vector<10000x32xf32>
    %get3A_5 = arith.constant 0 : index
    %get3A_6 = arith.constant 0 : index
    %get3A_7 = vector.load %arg1[%get3A_5, %get3A_6] : memref<32x64xf32, #tpu.memory_space<vmem>>, vector<32x64xf32>
    %dot_general3A = arith.constant dense<0.000000e+00> : vector<10000x64xf32>
    %dot_general3A_8 = tpu.matmul %add3A, %get3A_7, %dot_general3A {dimension_numbers = #tpu.dot_dimension_numbers<[1], [0], [0], [1], [0, 0, 1, 1], [], []>, transpose_lhs_hint = false} : vector<10000x32xf32>, vector<32x64xf32>, vector<10000x64xf32> -> vector<10000x64xf32>
    %get3A_9 = arith.constant 0 : index
    %get3A_10 = arith.constant 0 : index
    %get3A_11 = vector.load %arg2[%get3A_9, %get3A_10] : memref<10000x64xf32, #tpu.memory_space<vmem>>, vector<10000x64xf32>
    %add3A_12 = arith.addf %dot_general3A_8, %get3A_11 : vector<10000x64xf32>
    %max3A = arith.constant 0.000000e+00 : f32
    %max3A_13 = vector.broadcast %max3A : f32 to vector<10000x64xf32>
    %max3A_14 = arith.maximumf %add3A_12, %max3A_13 : vector<10000x64xf32>
    %swap3A = arith.constant 0 : index
    %swap3A_15 = arith.constant 0 : index
    %swap3A_16 = vector.load %arg3[%swap3A, %swap3A_15] : memref<10000x64xf32, #tpu.memory_space<vmem>>, vector<10000x64xf32>
    tpu.vector_store %arg3[%swap3A, %swap3A_15], %max3A_14 {strides = array<i32>} : memref<10000x64xf32, #tpu.memory_space<vmem>>, vector<10000x64xf32>,
    return
  }
}

module attributes {stable_mosaic.version = 14 : i64} {
  func.func @_mm_bias_body(%arg0: memref<10000x64xf32, #tpu.memory_space<vmem>>, %arg1: memref<64x128xf32, #tpu.memory_space<vmem>>, %arg2: memref<1x128xf32, #tpu.memory_space<vmem>>, %arg3: memref<10000x128xf32, #tpu.memory_space<vmem>>) attributes {dimension_semantics = [], scalar_prefetch = 0 : i64, scratch_operands = 0 : i64, tpu.core_type = #tpu.core_type<tc>} {
    %get3A = arith.constant 0 : index
    %get3A_0 = arith.constant 0 : index
    %get3A_1 = vector.load %arg0[%get3A, %get3A_0] : memref<10000x64xf32, #tpu.memory_space<vmem>>, vector<10000x64xf32>
    %get3A_2 = arith.constant 0 : index
    %get3A_3 = arith.constant 0 : index
    %get3A_4 = vector.load %arg1[%get3A_2, %get3A_3] : memref<64x128xf32, #tpu.memory_space<vmem>>, vector<64x128xf32>
    %dot_general3A = arith.constant dense<0.000000e+00> : vector<10000x128xf32>
    %dot_general3A_5 = tpu.matmul %get3A_1, %get3A_4, %dot_general3A {dimension_numbers = #tpu.dot_dimension_numbers<[1], [0], [0], [1], [0, 0, 1, 1], [], []>, transpose_lhs_hint = false} : vector<10000x64xf32>, vector<64x128xf32>, vector<10000x128xf32> -> vector<10000x128xf32>
    %get3A_6 = arith.constant 0 : index
    %get3A_7 = arith.constant 0 : index
    %get3A_8 = vector.load %arg2[%get3A_6, %get3A_7] : memref<1x128xf32, #tpu.memory_space<vmem>>, vector<1x128xf32>
    %add3A = vector.broadcast %get3A_8 : vector<1x128xf32> to vector<10000x128xf32>
    %add3A_9 = arith.addf %dot_general3A_5, %add3A : vector<10000x128xf32>
    %swap3A = arith.constant 0 : index
    %swap3A_10 = arith.constant 0 : index
    %swap3A_11 = vector.load %arg3[%swap3A, %swap3A_10] : memref<10000x128xf32, #tpu.memory_space<vmem>>, vector<10000x128xf32>
    tpu.vector_store %arg3[%swap3A, %swap3A_10], %add3A_9 {strides = array<i32>} : memref<10000x128xf32, #tpu.memory_space<vmem>>, vector<10000x128xf32>,
    return
  }
}

module attributes {stable_mosaic.version = 14 : i64} {
  func.func @_tc_final_body(%arg0: memref<2x10240x64xf32, #tpu.memory_space<vmem>>, %arg1: memref<64x128xf32, #tpu.memory_space<vmem>>, %arg2: memref<10000x128xf32, #tpu.memory_space<vmem>>, %arg3: memref<128x64xf32, #tpu.memory_space<vmem>>, %arg4: memref<1x64xf32, #tpu.memory_space<vmem>>, %arg5: memref<1x10000xi32, #tpu.memory_space<vmem>>, %arg6: memref<64x1xf32, #tpu.memory_space<vmem>>, %arg7: memref<1x1xf32, #tpu.memory_space<vmem>>, %arg8: memref<64x1xf32, #tpu.memory_space<vmem>>) attributes {dimension_semantics = [], scalar_prefetch = 0 : i64, scratch_operands = 0 : i64, tpu.core_type = #tpu.core_type<tc>} {
    %get3A = arith.constant 0 : index
    %get3A_0 = arith.constant 0 : index
    %get3A_1 = arith.constant 0 : index
    %get3A_2 = vector.load %arg0[%get3A, %get3A_0, %get3A_1] : memref<2x10240x64xf32, #tpu.memory_space<vmem>>, vector<2x10240x64xf32>
    %slice3A = vector.extract_strided_slice %get3A_2 {offsets = [0, 0, 0], sizes = [1, 10000, 64], strides = [1, 1, 1]} : vector<2x10240x64xf32> to vector<1x10000x64xf32>
    %squeeze3A = vector.shape_cast %slice3A : vector<1x10000x64xf32> to vector<10000x64xf32>
    %slice3A_3 = vector.extract_strided_slice %get3A_2 {offsets = [1, 0, 0], sizes = [1, 10000, 64], strides = [1, 1, 1]} : vector<2x10240x64xf32> to vector<1x10000x64xf32>
    %squeeze3A_4 = vector.shape_cast %slice3A_3 : vector<1x10000x64xf32> to vector<10000x64xf32>
    %add3A = arith.addf %squeeze3A, %squeeze3A_4 : vector<10000x64xf32>
    %get3A_5 = arith.constant 0 : index
    %get3A_6 = arith.constant 0 : index
    %get3A_7 = vector.load %arg1[%get3A_5, %get3A_6] : memref<64x128xf32, #tpu.memory_space<vmem>>, vector<64x128xf32>
    %dot_general3A = arith.constant dense<0.000000e+00> : vector<10000x128xf32>
    %dot_general3A_8 = tpu.matmul %add3A, %get3A_7, %dot_general3A {dimension_numbers = #tpu.dot_dimension_numbers<[1], [0], [0], [1], [0, 0, 1, 1], [], []>, transpose_lhs_hint = false} : vector<10000x64xf32>, vector<64x128xf32>, vector<10000x128xf32> -> vector<10000x128xf32>
    %get3A_9 = arith.constant 0 : index
    %get3A_10 = arith.constant 0 : index
    %get3A_11 = vector.load %arg2[%get3A_9, %get3A_10] : memref<10000x128xf32, #tpu.memory_space<vmem>>, vector<10000x128xf32>
    %add3A_12 = arith.addf %dot_general3A_8, %get3A_11 : vector<10000x128xf32>
    %max3A = arith.constant 0.000000e+00 : f32
    %max3A_13 = vector.broadcast %max3A : f32 to vector<10000x128xf32>
    %max3A_14 = arith.maximumf %add3A_12, %max3A_13 : vector<10000x128xf32>
    %get3A_15 = arith.constant 0 : index
    %get3A_16 = arith.constant 0 : index
    %get3A_17 = vector.load %arg3[%get3A_15, %get3A_16] : memref<128x64xf32, #tpu.memory_space<vmem>>, vector<128x64xf32>
    %dot_general3A_18 = arith.constant dense<0.000000e+00> : vector<10000x64xf32>
    %dot_general3A_19 = tpu.matmul %max3A_14, %get3A_17, %dot_general3A_18 {dimension_numbers = #tpu.dot_dimension_numbers<[1], [0], [0], [1], [0, 0, 1, 1], [], []>, transpose_lhs_hint = false} : vector<10000x128xf32>, vector<128x64xf32>, vector<10000x64xf32> -> vector<10000x64xf32>
    %get3A_20 = arith.constant 0 : index
    %get3A_21 = arith.constant 0 : index
    %get3A_22 = vector.load %arg4[%get3A_20, %get3A_21] : memref<1x64xf32, #tpu.memory_space<vmem>>, vector<1x64xf32>
    %add3A_23 = vector.broadcast %get3A_22 : vector<1x64xf32> to vector<10000x64xf32>
    %add3A_24 = arith.addf %dot_general3A_19, %add3A_23 : vector<10000x64xf32>
    %iota3A = tpu.iota {dimensions = array<i32: 0>} : vector<64x10000xi32>
    %get3A_25 = arith.constant 0 : index
    %get3A_26 = arith.constant 0 : index
    %get3A_27 = vector.load %arg5[%get3A_25, %get3A_26] : memref<1x10000xi32, #tpu.memory_space<vmem>>, vector<1x10000xi32>
    %eq3A = vector.broadcast %get3A_27 : vector<1x10000xi32> to vector<64x10000xi32>
    %eq3A_28 = arith.cmpi eq, %iota3A, %eq3A : vector<64x10000xi32>
    %convert_element_type3A = arith.extui %eq3A_28 : vector<64x10000xi1> to vector<64x10000xi32>
    %convert_element_type3A_29 = arith.sitofp %convert_element_type3A : vector<64x10000xi32> to vector<64x10000xf32>
    %dot_general3A_30 = arith.constant dense<0.000000e+00> : vector<64x64xf32>
    %dot_general3A_31 = tpu.matmul %convert_element_type3A_29, %add3A_24, %dot_general3A_30 {dimension_numbers = #tpu.dot_dimension_numbers<[1], [0], [0], [1], [0, 0, 1, 1], [], []>, transpose_lhs_hint = false} : vector<64x10000xf32>, vector<10000x64xf32>, vector<64x64xf32> -> vector<64x64xf32>
    %reduce_sum3A = arith.constant dense<0.000000e+00> : vector<64xf32>
    %reduce_sum3A_32 = vector.multi_reduction <add>, %convert_element_type3A_29, %reduce_sum3A [1] : vector<64x10000xf32> to vector<64xf32>
    %broadcast_in_dim3A = vector.shape_cast %reduce_sum3A_32 : vector<64xf32> to vector<64x1xf32>
    %max3A_33 = arith.constant 1.000000e+00 : f32
    %max3A_34 = vector.broadcast %max3A_33 : f32 to vector<64x1xf32>
    %max3A_35 = arith.maximumf %broadcast_in_dim3A, %max3A_34 : vector<64x1xf32>
    %div3A = vector.broadcast %max3A_35 : vector<64x1xf32> to vector<64x64xf32>
    %div3A_36 = arith.divf %dot_general3A_31, %div3A : vector<64x64xf32>
    %get3A_37 = arith.constant 0 : index
    %get3A_38 = arith.constant 0 : index
    %get3A_39 = vector.load %arg6[%get3A_37, %get3A_38] : memref<64x1xf32, #tpu.memory_space<vmem>>, vector<64x1xf32>
    %dot_general3A_40 = arith.constant dense<0.000000e+00> : vector<64x1xf32>
    %dot_general3A_41 = tpu.matmul %div3A_36, %get3A_39, %dot_general3A_40 {dimension_numbers = #tpu.dot_dimension_numbers<[1], [0], [0], [1], [0, 0, 1, 1], [], []>, transpose_lhs_hint = false} : vector<64x64xf32>, vector<64x1xf32>, vector<64x1xf32> -> vector<64x1xf32>
    %get3A_42 = arith.constant 0 : index
    %get3A_43 = arith.constant 0 : index
    %get3A_44 = vector.load %arg7[%get3A_42, %get3A_43] : memref<1x1xf32, #tpu.memory_space<vmem>>, vector<1x1xf32>
    %add3A_45 = vector.broadcast %get3A_44 : vector<1x1xf32> to vector<64x1xf32>
    %add3A_46 = arith.addf %dot_general3A_41, %add3A_45 : vector<64x1xf32>
    %swap3A = arith.constant 0 : index
    %swap3A_47 = arith.constant 0 : index
    %swap3A_48 = vector.load %arg8[%swap3A, %swap3A_47] : memref<64x1xf32, #tpu.memory_space<vmem>>, vector<64x1xf32>
    tpu.vector_store %arg8[%swap3A, %swap3A_47], %add3A_46 {strides = array<i32>} : memref<64x1xf32, #tpu.memory_space<vmem>>, vector<64x1xf32>,
    return
  }
}

</mosaic_0001>

<sc_bundles>
// kernel: kernel.15.cloned.1.call-start
scs
__scs_entry_jumppad:
0x0: {  	(pc) =	sbr.rel $0x88, $3  }
0x1: {  	(tag) =	ssettag $0x0;
	lr =	simm.s32 $0x1  }
0x2: {  	[smem:$0x3F8E] =	sst lr;
	_ =	strace $0xD0000000  }
0x3: {  	_ = 	snop  }
0x4: {  	_ = 	snop  }
0x5: {  	_ = 	snop  }
0x6: {  	_ = 	snop  }
0x7: {  	_ = 	snop  }
__scs_overlays_trampoline_lowered:
0x8: {  	[smem:$0x3F9D] =	sst s0  }
0x9: {  	[smem:$0x3F9E] =	sst s1  }
0xa: {  	[smem:$0x3F9F] =	sst s2  }
0xb: {  	[smem:$0x3FA0] =	sst s3  }
0xc: {  	[smem:$0x3FA1] =	sst s4  }
0xd: {  	[smem:$0x3FA2] =	sst s5  }
0xe: {  	[smem:$0x3FA3] =	sst s6  }
0xf: {  	[smem:$0x3FA4] =	sst s7  }
0x10: {  	[smem:$0x3FA5] =	sst s8  }
0x11: {  	[smem:$0x3FA6] =	sst s9;
	s0 =	simm.s32 @!p0 $0x0  }
0x12: {  	s1 =	sld [smem:$0x3F8C];
	s0 =	simm.s32 @p0 $0x1  }
0x13: {  	[smem:$0x3FA7] =	sst s0;
	s0 =	simm.s32 @!p1 $0x0  }
0x14: {  	s2 =	sld [smem:$0x3F8B];
	s0 =	simm.s32 @p1 $0x1  }
0x15: {  	[smem:$0x3FA8] =	sst s0;
	s0 =	simm.s32 @!p2 $0x0  }
0x16: {  	s3 =	sld [smem:$0x3FDB];
	s0 =	simm.s32 @p2 $0x1  }
0x17: {  	s4 =	simm.s32 $0x1BF5;
	[smem:$0x3FAA] =	sst s0  }
0x18: {  	s0 =	sld [smem:$0x3F8D];
	_ =	swait.ge [sflag:s4], $0x0  }
0x19: {  	s7 =	sld [smem:$0x3F8E]  }
0x1a: {  	s8 =	sadd.s32 $0xFFFFE003, lr  }
0x1b: {  	s9 =	sadd.s32 $0xFFFFFEF7, lr;
	s5 =	simm.s32 $0xFFFFFFFF;
	p2 =	slt.u32 s8, $0xFFFFF086  }
0x1c: {  	p1 =	slt.u32 s9, $0xF7A;
	s5 =	simm.s32 @!p2 $0x0  }
0x1d: {  	s5 =	simm.s32 @p1 $0x1;
	p0 =	seq.s32 s7, s2  }
0x1e: {  	s7 =	smul.u32 @!p0 $0xF7A, s2;
	p2 =	seq.s32 @!p0 s5, $0x0  }
0x1f: {  	s9 =	smul.u32 $0xF7A, s1;
	s8 =	simm.s32 @!p0 $0x1BF5;
	p2 =	por !p2, p0  }
0x20: {  	[sflag:s8] =	ssyncset.s32 @!p0 $0xFFFFF086;
	s6 =	sadd.s32 @!p0 s3, s7;
	s7 =	simm.s32 @!p0 $0x108  }
0x21: {  	s3 =	sadd.s32 s3, s9;
	s6 =	sadd.s32 @!p0 $0x88, s6;
	s7 =	simm.s32 @p2 $0x1082  }
0x22: {  	[simem:s7], [sflag:s8] =	dma.local @!p0 [hbm:s6], $0xF7A  }
0x23: {  	s9 =	sor.u32 $0xD0000000, s2;
	s6 =	simm.s32 $0x108;
	_ =	swait.ge @!p0 [sflag:s8], $0x0  }
0x24: {  	s3 =	sadd.s32 $0x88, s3;
	s6 =	simm.s32 @!p1 $0x1082;
	[sflag:s4] =	ssyncset.s32 $0xFFFFF086  }
0x25: {  	[simem:s6], [sflag:s4] =	dma.local [hbm:s3], $0xF7A  }
0x26: {  	[smem:$0x3F8E] =	sst s1;
	(tag) =	ssettag s2;
	_ =	strace s9  }
0x27: {  	s1 =	sld [smem:$0x3F9E]  }
0x28: {  	s2 =	sld [smem:$0x3F9F]  }
0x29: {  	s4 =	sld [smem:$0x3FA1]  }
0x2a: {  	p0 =	seq.s32 s5, $0x0;
	s5 =	sld [smem:$0x3FA2]  }
0x2b: {  	s6 =	sld [smem:$0x3FA3]  }
0x2c: {  	s7 =	sld [smem:$0x3FA4]  }
0x2d: {  	s3 =	simm.s32 $0x108;
	s8 =	sld [smem:$0x3FA5]  }
0x2e: {  	s3 =	simm.s32 @!p0 $0x1082;
	s9 =	sld [smem:$0x3FA6]  }
0x2f: {  	lr =	sadd.s32 s0, s3;
	s0 =	sld [smem:$0x3F9D]  }
0x30: {  	s3 =	sld [smem:$0x3FA0]  }
0x31: {  	[smem:$0x3FA9] =	sst s10  }
0x32: {  	s10 =	sld [smem:$0x3FA7];
	_ =	sdelay $0x3  }
0x33: {  	p0 =	seq.s32 s10, $0x1;
	s10 =	sld [smem:$0x3FA9];
	_ =	sdelay $0x3  }
0x34: {  	[smem:$0x3FA9] =	sst s10  }
0x35: {  	s10 =	sld [smem:$0x3FA8];
	_ =	sdelay $0x3  }
0x36: {  	p1 =	seq.s32 s10, $0x1;
	s10 =	sld [smem:$0x3FA9];
	_ =	sdelay $0x3  }
0x37: {  	[smem:$0x3FA9] =	sst s10  }
0x38: {  	s10 =	sld [smem:$0x3FAA]  }
0x39: {  	_ = 	snop;
	(pc) =	sbr.ind lr, $3  }
0x3a: {  	_ = 	snop  }
0x3b: {  	_ = 	snop  }
0x3c: {  	p2 =	seq.s32 s10, $0x1;
	s10 =	sld [smem:$0x3FA9]  }
0x3d: {  	_ =	shalt  }
0x3e: {  	_ =	shalt  }
0x3f: {  	_ =	shalt  }
0x40: {  	_ =	shalt  }
0x41: {  	_ =	shalt  }
0x42: {  	_ =	shalt  }
0x43: {  	_ =	shalt  }
0x44: {  	_ =	shalt  }
0x45: {  	_ =	shalt  }
0x46: {  	_ =	shalt  }
0x47: {  	_ =	shalt  }
0x48: {  	_ =	shalt  }
0x49: {  	_ =	shalt  }
0x4a: {  	_ =	shalt  }
0x4b: {  	_ =	shalt  }
0x4c: {  	_ =	shalt  }
0x4d: {  	_ =	shalt  }
0x4e: {  	_ =	shalt  }
0x4f: {  	_ =	shalt  }
0x50: {  	_ =	shalt  }
0x51: {  	_ =	shalt  }
0x52: {  	_ =	shalt  }
0x53: {  	_ =	shalt  }
0x54: {  	_ =	shalt  }
0x55: {  	_ =	shalt  }
0x56: {  	_ =	shalt  }
0x57: {  	_ =	shalt  }
0x58: {  	_ =	shalt  }
0x59: {  	_ =	shalt  }
0x5a: {  	_ =	shalt  }
0x5b: {  	_ =	shalt  }
0x5c: {  	_ =	shalt  }
0x5d: {  	_ =	shalt  }
0x5e: {  	_ =	shalt  }
0x5f: {  	_ =	shalt  }
0x60: {  	_ =	shalt  }
0x61: {  	_ =	shalt  }
0x62: {  	_ =	shalt  }
0x63: {  	_ =	shalt  }
0x64: {  	_ =	shalt  }
0x65: {  	_ =	shalt  }
0x66: {  	_ =	shalt  }
0x67: {  	_ =	shalt  }
0x68: {  	_ =	shalt  }
0x69: {  	_ =	shalt  }
0x6a: {  	_ =	shalt  }
0x6b: {  	_ =	shalt  }
0x6c: {  	_ =	shalt  }
0x6d: {  	_ =	shalt  }
0x6e: {  	_ =	shalt  }
0x6f: {  	_ =	shalt  }
0x70: {  	_ =	shalt  }
0x71: {  	_ =	shalt  }
0x72: {  	_ =	shalt  }
0x73: {  	_ =	shalt  }
0x74: {  	_ =	shalt  }
0x75: {  	_ =	shalt  }
0x76: {  	_ =	shalt  }
0x77: {  	_ =	shalt  }
0x78: {  	_ =	shalt  }
0x79: {  	_ =	shalt  }
0x7a: {  	_ =	shalt  }
0x7b: {  	_ =	shalt  }
0x7c: {  	_ =	shalt  }
0x7d: {  	_ =	shalt  }
0x7e: {  	_ =	shalt  }
0x7f: {  	_ =	shalt  }
0x80: {  	_ =	shalt  }
0x81: {  	_ =	shalt  }
0x82: {  	_ =	shalt  }
0x83: {  	_ =	shalt  }
0x84: {  	_ =	shalt  }
0x85: {  	_ =	shalt  }
0x86: {  	_ =	shalt  }
0x87: {  	_ =	shalt  }
.Lfunc_end0:
.L_simem_size_0:
called_computation_lowered:
.L_overlay_start_0:
0x88: {  	s2 =	sld [smem:$0x3FD9]  }
0x89: {  	s3 =	sld [smem:$0x3FFE];
	_ =	sdelay $0x1  }
0x8a: {  	s1 =	srdreg.scid  }
0x8b: {  	s0 =	sand.u32 $0x1, s1  }
0x8c: {  	s16 =	sshll.u32 s0, $0xA;
	s2 =	sadd.s32 s3, s2  }
0x8d: {  	s2 =	sadd.s32 s2, s16  }
0x8e: {  	[smem:$0x3FB5] =	sst s2  }
0x8f: {  	_ = 	snop  }
0x90: {  	(tm) =	ssettm $0x1  }
0x91: {  	s17 =	sld [smem:$0x3FFB];
	_ =	sdelay $0x3  }
0x92: {  	_ =	strace s17  }
0x93: {  	s2 =	sld [smem:$0x3FFC];
	_ =	sdelay $0x3  }
0x94: {  	_ =	strace s2  }
0x95: {  	s2 =	sld [smem:$0x3FFD];
	_ =	sdelay $0x3  }
0x96: {  	_ =	strace s2  }
0x97: {  	_ =	strace $0x8FFFFFFF  }
0x98: {  	s18 =	sld [smem:$0x3FDB];
	_ =	sdelay $0x1  }
0x99: {  	s19 =	simm.s32 $_scs_section_size  }
0x9a: {  	s4 =	simm.s32 $_size__tile_overlayer_lowered;
	s5 =	simm.s32 $_tile_overlayer_lowered  }
0x9b: {  	s22 =	simm.s32 $0x1BFF;
	s21 =	sshll.u32 s5, $0x1;
	s2 =	sadd.s32 s19, s18  }
0x9c: {  	s6 =	simm.s32 $0x0;
	s20 =	sshll.u32 s4, $0x1;
	s4 =	sadd.s32 s21, s2  }
0x9d: {  	[timem:s6], [sflag:s22] =	dma.local [hbm:s4], s20  }
0x9e: {  	_ =	swait.ge [sflag:s22], s20  }
0x9f: {  	s3 =	ssub.s32 $0x0, s20;
	[sflag:s22] =	ssyncset.done $0x0  }
0xa0: {  	[sflag:s22] =	ssyncadd.s32 s3;
	_ =	sdelay $0x1  }
0xa1: {  	s23 =	simm.s32 $0x1B8B  }
0xa2: {  	_ =	swait.ge [sflag:s23], $0x1  }
0xa3: {  	[sflag:s23] =	ssyncset.done $0x0  }
0xa4: {  	s25 =	simm.s32 $0x1B8E;
	s24 =	sld [smem:$0x3FFE];
	[sflag:s23] =	ssyncadd.s32 $0xFFFFFFFF  }
0xa5: {  	s26 =	simm.s32 $execute0_lowered;
	[smem:$0x3FD2] =	sst s25  }
0xa6: {  	s4 =	sshll.u32 s26, $0x1;
	_ =	strace $0x80000046;
	[dreg:$0x1] =	wrdreg $0xFFFFFFFF  }
0xa7: {  	s28 =	simm.s32 $_size_execute0_lowered;
	s2 =	sadd.s32 s2, s4;
	[dreg:$0x0] =	wrdreg $0x0  }
0xa8: {  	s4 =	sshll.u32 s28, $0x1;
	[dreg:$0x2] =	wrdreg s2  }
0xa9: {  	[dreg:$0x3] =	wrdreg s4  }
0xaa: {  	[dreg:$0x4] =	wrdreg $0xC0  }
0xab: {  	_ =	task [dreg:s6], $0x5FFFF  }
0xac: {  	[dreg:$0x1] =	wrdreg $0xFFFFFFFF  }
0xad: {  	[dreg:$0x0] =	wrdreg $0x60  }
0xae: {  	[dreg:$0x2] =	wrdreg s24  }
0xaf: {  	[dreg:$0x3] =	wrdreg $0x90000  }
0xb0: {  	[dreg:$0x4] =	wrdreg $0x9  }
0xb1: {  	_ =	task.clear_ibuf [dreg:s6], $0x5FFFF;
	_ =	strace $0x90000046  }
0xb2: {  	s29 =	simm.s32 $0x9;
	_ =	strace $0x80000048  }
0xb3: {  	_ =	swait.ge [sflag:s29], $0x1  }
0xb4: {  	[sflag:s29] =	ssyncadd.s32 $0xFFFFFFFF  }
0xb5: {  	_ =	strace $0x90000048  }
0xb6: {  	_ =	sfence  }
0xb7: {  	s30 =	sld [smem:$0x0];
	_ =	sdelay $0x2  }
0xb8: {  	s31 =	sshll.u32 s1, $0xD;
	s1 =	sshrl.u32 s1, $0x2  }
0xb9: {  	s3 =	sand.u32 $0x4000, s31;
	s1 =	sadd.s32 s1, s30  }
0xba: {  	s0 =	sor.u32 s3, s0;
	s1 =	sshll.u32 s1, $0x11  }
0xbb: {  	s0 =	sor.u32 s1, s0  }
0xbc: {  	s0 =	sadd.s32 $0x8F2B, s0  }
0xbd: {  	[sflag:s0] =	ssyncadd.remote.s32 $0x1  }
0xbe: {  	_ =	sfence.sel $0xFFFF  }
0xbf: {  	[dreg:$0x0] =	wrdreg $0xFFFFFFFF;
	(pc) =	sbr.abs _section_cstart, $3  }
0xc0: {  	[dreg:$0x1] =	wrdreg $0xFFFFFFFF  }
0xc1: {  	_ =	task.clear_ibuf [dreg:s6], $0x2FFFF;
	_ =	strace $0x9FFFFFFF  }
0xc2: {  	(tm) =	ssettm $0x7FFFFFFF  }
0xc3: {  	_ =	shalt  }
tec
execute0_lowered:
.L_overlay_start_1:
0x0: {  	(tag) =	ssettag $0x1  }
0x1: {  	s0 =	rddreg [dreg:$0x0]  }
0x2: {  	s2 =	rddreg [dreg:$0x1]  }
0x3: {  	s1 =	srdreg.scid;
	s7 =	stileid.u32;
	s4 =	simm.s32 $0x0  }
0x4: {  	s14 =	simm.s32 $0x9;
	s16 =	simm.s32 $0x5000;
	s17 =	simm.s32 $0x80  }
0x5: {  	s20 =	simm.s32 $0x6000;
	s24 =	simm.s32 $0x7000;
	s29 =	simm.s32 $0x8000  }
0x6: {  	s31 =	simm.s32 $0x8800;
	s15 =	simm.s32 $0x5;
	s18 =	simm.s32 $0x7  }
0x7: {  	s19 =	simm.s32 $0x8;
	s21 =	simm.s32 $0x0;
	s1 =	sand.u32 $0x1, s1  }
0x8: {  	s5 =	smul.u32 $0x2800, s7;
	[smem:$0x7FF] =	sst s4;
	s4 =	sadd.s32 $0x16A00, s0  }
0x9: {  	s3 =	sshll.u32 s1, $0x4;
	s6 =	smul.u32 $0x28000, s1;
	_ =	strace $0x80000047  }
0xa: {  	s1 =	ssub.s32 $0x2, s1;
	s3 =	sor.u32 s7, s3;
	s7 =	smul.u32 $0xA000, s7  }
0xb: {  	s8 =	sshrl.u32 s1, $0x1;
	s3 =	smul.u32 $0x500, s3;
	s6 =	sadd.s32 s5, s6  }
0xc: {  	s1 =	ssub.s32 s1, s8;
	s6 =	sshrl.u32 s6, $0x3;
	s7 =	sshrl.u32 s7, $0x2  }
0xd: {  	s13 =	smax.u32 s1, $0x1;
	s1 =	simm.s32 $0x3;
	s3 =	sadd.s32 s3, s0  }
.Ltmp0:
0xe: {  	s0 =	sadd.s32 s6, s0;
	s28 =	sadd.s32 s7, s2;
	(pc) =	sbr.rel .LBB2_1-.Ltmp0, $4  }
0xf: {  	s7 =	sadd.s32 s5, s2;
	s26 =	sadd.s32 $0xCA00, s3;
	s3 =	sadd.s32 $0x2A00, s3  }
0x10: {  	s30 =	sadd.s32 $0x800, s28;
	s9 =	sadd.s32 $0x1000, s28;
	[dreg:$0x3] =	wrdreg s26  }
0x11: {  	s10 =	sadd.s32 $0x1800, s28;
	s11 =	sadd.s32 $0x2000, s28;
	[dreg:$0x4] =	wrdreg s3  }
0x12: {  	v0 =	vimm.f32 $0.0e+00;
	s12 =	sadd.s32 $0x1BA00, s0;
	s0 =	simm.s32 $0x1;
	[dreg:$0x5] =	wrdreg s30  }
.LBB2_6:
0x13: {  	_ =	swait.ge [sflag:s19], $0x800  }
0x14: {  	[sflag:s19] =	ssyncset.done $0x0  }
0x15: {  	[sflag:s19] =	ssyncadd.s32 $0xFFFFF800  }
0x16: {  	[spmem:s2] =	stream.indirect.scatter.add.f32 [tilespmem:s31], [sflag:$0x9], $0x10, s3, s17, $0xb8;
	[tilespmem:$0xB800] =	vst v63  }
0x17: {  	s30 =	stileid.u32;
	_ =	swait.ge [sflag:s14], $0x800  }
0x18: {  	s5 =	sshrl.u32 s7, $0x3;
	s21 =	sadd.s32 $0x1, s21;
	[sflag:s14] =	ssyncset.done $0x0  }
0x19: {  	p0 =	sne.s32 s21, s13;
	s3 =	sshll.u32 s30, $0x6;
	[sflag:s14] =	ssyncadd.s32 $0xFFFFF800  }
.Ltmp1:
0x1a: {  	s3 =	sor.u32 $0x1C09, s3;
	[bflag:$0x0] =	sbarrier.arrive $0xFFFF;
	(pc) =	sbr.rel @!p0 .LBB2_7-.Ltmp1, $4  }
0x1b: {  	[hbm:s12], [sflag:s3] =	dma.local [spmem:s5], $0x500  }
0x1c: {  	_ =	swait.ge [sflag:s14], $0x500  }
0x1d: {  	[sflag:s14] =	ssyncset.done $0x0  }
0x1e: {  	[sflag:s14] =	ssyncadd.s32 $0xFFFFFB00  }
.LBB2_1:
0x1f: {  	s3 =	simm.s32 $0x0;
	s5 =	rddreg [dreg:$0x3]  }
0x20: {  	[tilespmem:s3], [sflag:$0x9] =	stream.linear.gather [hbm4b:s5+s3], $0x2800, $0x38;
	[tilespmem:$0xB800] =	vst v63  }
0x21: {  	_ =	swait.ge [sflag:s14], $0x2800  }
0x22: {  	[sflag:s14] =	ssyncset.done $0x0  }
0x23: {  	s6 =	simm.s32 $0x2800;
	s30 =	rddreg [dreg:$0x4];
	[sflag:s14] =	ssyncadd.s32 $0xFFFFD800  }
0x24: {  	[tilespmem:s6], [sflag:$0x9] =	stream.linear.gather [hbm4b:s30+s3], $0x2800, $0x38;
	[tilespmem:$0xB800] =	vst v63  }
0x25: {  	_ =	swait.ge [sflag:s14], $0x2800  }
0x26: {  	[sflag:s14] =	ssyncset.done $0x0  }
0x27: {  	s5 =	simm.s32 $0x100;
	s3 =	simm.s32 $0x0;
	[sflag:s14] =	ssyncadd.s32 $0xFFFFD800  }
.LBB2_2:
0x28: {  	p0 =	sne.s32 s5, $0x1F00;
	[tilespmem:s3+$0x5030] =	vst v0;
	s22 =	smov.u32 s5;
	s5 =	sadd.s32 $0x100, s5  }
.Ltmp2:
0x29: {  	[tilespmem:s3+$0x5020] =	vst v0;
	(pc) =	sbr.rel @p0 .LBB2_2-.Ltmp2, $3  }
0x2a: {  	[tilespmem:s3+$0x5000] =	vst v0  }
0x2b: {  	[tilespmem:s3+$0x5010] =	vst v0;
	_ =	sdelay $0x1  }
0x2c: {  	s3 =	sshra.s32 s22, $0x2  }
0x2d: {  	[tilespmem:s3+$0x5030] =	vst v0  }
0x2e: {  	[tilespmem:s3+$0x5020] =	vst v0  }
0x2f: {  	[tilespmem:s3+$0x5000] =	vst v0  }
0x30: {  	[tilespmem:s3+$0x5010] =	vst v0  }
0x31: {  	[spmem:s7] =	stream.linear.scatter [tilespmem:s16], [sflag:$0x9], $0x800, $0x38;
	[tilespmem:$0xB800] =	vst v63  }
0x32: {  	_ =	swait.ge [sflag:s14], $0x800  }
0x33: {  	[sflag:s14] =	ssyncset.done $0x0  }
0x34: {  	s30 =	rddreg [dreg:$0x5];
	[sflag:s14] =	ssyncadd.s32 $0xFFFFF800  }
0x35: {  	[spmem:s30] =	stream.linear.scatter [tilespmem:s16], [sflag:$0x9], $0x800, $0x38;
	[tilespmem:$0xB800] =	vst v63  }
0x36: {  	_ =	swait.ge [sflag:s14], $0x800  }
0x37: {  	[sflag:s14] =	ssyncset.done $0x0  }
0x38: {  	[sflag:s14] =	ssyncadd.s32 $0xFFFFF800  }
0x39: {  	[spmem:s9] =	stream.linear.scatter [tilespmem:s16], [sflag:$0x9], $0x800, $0x38;
	[tilespmem:$0xB800] =	vst v63  }
0x3a: {  	_ =	swait.ge [sflag:s14], $0x800  }
0x3b: {  	[sflag:s14] =	ssyncset.done $0x0  }
0x3c: {  	[sflag:s14] =	ssyncadd.s32 $0xFFFFF800  }
0x3d: {  	[spmem:s10] =	stream.linear.scatter [tilespmem:s16], [sflag:$0x9], $0x800, $0x38;
	[tilespmem:$0xB800] =	vst v63  }
0x3e: {  	_ =	swait.ge [sflag:s14], $0x800  }
0x3f: {  	[sflag:s14] =	ssyncset.done $0x0  }
0x40: {  	[sflag:s14] =	ssyncadd.s32 $0xFFFFF800  }
0x41: {  	[spmem:s11] =	stream.linear.scatter [tilespmem:s16], [sflag:$0x9], $0x800, $0x38;
	[tilespmem:$0xB800] =	vst v63  }
0x42: {  	_ =	swait.ge [sflag:s14], $0x800  }
0x43: {  	[sflag:s14] =	ssyncset.done $0x0  }
0x44: {  	[sflag:s14] =	ssyncadd.s32 $0xFFFFF800  }
0x45: {  	s22 =	simm.s32 $0x0;
	[bflag:$0x0] =	sbarrier.arrive $0xFFFF  }
0x46: {  	[tilespmem:s16], [sflag:$0x1] =	stream.indirect.gather [hbm4b:s4+s17], $0x10, s22, s17, $0xb8;
	[tilespmem:$0xB800] =	vst v63  }
0x47: {  	s5 =	simm.s32 $0x5800  }
0x48: {  	[tilespmem:s5], [sflag:$0x2] =	stream.indirect.gather [hbm4b:s4+s17], $0x10, s17, s17, $0xb8;
	[tilespmem:$0xB800] =	vst v63  }
0x49: {  	s6 =	simm.s32 $0x100  }
0x4a: {  	[tilespmem:s20], [sflag:$0x3] =	stream.indirect.gather [hbm4b:s4+s17], $0x10, s6, s17, $0xb8;
	[tilespmem:$0xB800] =	vst v63  }
0x4b: {  	s8 =	simm.s32 $0x180;
	s5 =	simm.s32 $0x6800  }
0x4c: {  	[tilespmem:s5], [sflag:$0x4] =	stream.indirect.gather [hbm4b:s4+s17], $0x10, s8, s17, $0xb8;
	[tilespmem:$0xB800] =	vst v63  }
0x4d: {  	s23 =	simm.s32 $0x200  }
0x4e: {  	[tilespmem:s24], [sflag:$0x5] =	stream.indirect.gather [hbm4b:s4+s17], $0x10, s23, s17, $0xb8;
	[tilespmem:$0xB800] =	vst v63  }
0x4f: {  	s25 =	simm.s32 $0x280;
	s26 =	simm.s32 $0x7800  }
0x50: {  	[tilespmem:s26], [sflag:$0x6] =	stream.indirect.gather [hbm4b:s4+s17], $0x10, s25, s17, $0xb8;
	[tilespmem:$0xB800] =	vst v63  }
0x51: {  	s28 =	simm.s32 $0x300  }
0x52: {  	[tilespmem:s29], [sflag:$0x7] =	stream.indirect.gather [hbm4b:s4+s17], $0x10, s28, s17, $0xb8;
	[tilespmem:$0xB800] =	vst v63  }
0x53: {  	s30 =	simm.s32 $0x380  }
0x54: {  	[tilespmem:s31], [sflag:$0x8] =	stream.indirect.gather [hbm4b:s4+s17], $0x10, s30, s17, $0xb8;
	[tilespmem:$0xB800] =	vst v63  }
.LBB2_4:
0x55: {  	_ =	swait.ge [sflag:s0], $0x800  }
0x56: {  	s23 =	sshra.s32 s22, $0x2;
	[sflag:s0] =	ssyncset.done $0x0  }
0x57: {  	s3 =	sadd.s32 $0x2800, s23;
	[sflag:s0] =	ssyncadd.s32 $0xFFFFF800  }
0x58: {  	[spmem:s2] =	stream.indirect.scatter.add.f32 [tilespmem:s16], [sflag:$0x9], $0x10, s3, s17, $0xb8;
	[tilespmem:$0xB800] =	vst v63  }
0x59: {  	_ =	swait.ge [sflag:s14], $0x800  }
0x5a: {  	p0 =	seq.s32 s22, $0x9000;
	[sflag:s14] =	ssyncset.done $0x0  }
0x5b: {  	s3 =	simm.s32 @p0 $0x2;
	[sflag:s14] =	ssyncadd.s32 $0xFFFFF800  }
0x5c: {  	_ =	swait.ge @p0 [sflag:s3], $0x800  }
0x5d: {  	s28 =	sshra.s32 @p0 s22, $0x2;
	s30 =	simm.s32 @p0 $0x80;
	[sflag:s3] =	ssyncset.done @p0 $0x0  }
0x5e: {  	s5 =	simm.s32 @p0 $0x5800;
	[sflag:s3] =	ssyncadd.s32 @p0 $0xFFFFF800;
	s3 =	sadd.s32 @p0 $0x2880, s28  }
0x5f: {  	[spmem:s2] =	stream.indirect.scatter.add.f32 @p0 [tilespmem:s5], [sflag:$0x9], $0x10, s3, s30, $0xb8;
	[tilespmem:$0xB800] =	vst v63  }
0x60: {  	s3 =	simm.s32 @p0 $0x9  }
0x61: {  	_ =	swait.ge @p0 [sflag:s3], $0x800  }
0x62: {  	s25 =	sshra.s32 @!p0 s22, $0x2;
	s26 =	simm.s32 @!p0 $0x80;
	[sflag:s3] =	ssyncset.done @p0 $0x0  }
0x63: {  	s6 =	simm.s32 @!p0 $0x5000;
	s5 =	sadd.s32 @!p0 $0x400, s25;
	[sflag:s3] =	ssyncadd.s32 @p0 $0xFFFFF800  }
0x64: {  	[tilespmem:s6], [sflag:$0x1] =	stream.indirect.gather @!p0 [hbm4b:s4+s26], $0x10, s5, s26, $0xb8;
	[tilespmem:$0xB800] =	vst v63  }
0x65: {  	s5 =	simm.s32 @!p0 $0x2  }
0x66: {  	_ =	swait.ge @!p0 [sflag:s5], $0x800  }
0x67: {  	[sflag:s5] =	ssyncset.done @!p0 $0x0  }
0x68: {  	s6 =	simm.s32 @!p0 $0x5800;
	[sflag:s5] =	ssyncadd.s32 @!p0 $0xFFFFF800;
	s5 =	sadd.s32 @!p0 $0x2880, s25  }
0x69: {  	[spmem:s2] =	stream.indirect.scatter.add.f32 @!p0 [tilespmem:s6], [sflag:$0x9], $0x10, s5, s26, $0xb8;
	[tilespmem:$0xB800] =	vst v63  }
0x6a: {  	s5 =	simm.s32 @!p0 $0x9  }
0x6b: {  	_ =	swait.ge @!p0 [sflag:s5], $0x800  }
0x6c: {  	[sflag:s5] =	ssyncset.done @!p0 $0x0  }
0x6d: {  	s8 =	sadd.s32 @!p0 $0x480, s25;
	[sflag:s5] =	ssyncadd.s32 @!p0 $0xFFFFF800  }
0x6e: {  	[tilespmem:s6], [sflag:$0x2] =	stream.indirect.gather @!p0 [hbm4b:s4+s26], $0x10, s8, s26, $0xb8;
	[tilespmem:$0xB800] =	vst v63  }
0x6f: {  	_ =	swait.ge [sflag:s1], $0x800  }
0x70: {  	[sflag:s1] =	ssyncset.done $0x0  }
0x71: {  	s8 =	sadd.s32 $0x2900, s23;
	[sflag:s1] =	ssyncadd.s32 $0xFFFFF800  }
0x72: {  	[spmem:s2] =	stream.indirect.scatter.add.f32 [tilespmem:s20], [sflag:$0x9], $0x10, s8, s17, $0xb8;
	[tilespmem:$0xB800] =	vst v63  }
0x73: {  	_ =	swait.ge [sflag:s14], $0x800  }
0x74: {  	[sflag:s14] =	ssyncset.done $0x0  }
0x75: {  	s6 =	simm.s32 @p0 $0x4;
	[sflag:s14] =	ssyncadd.s32 $0xFFFFF800  }
0x76: {  	_ =	swait.ge @p0 [sflag:s6], $0x800  }
0x77: {  	[sflag:s6] =	ssyncset.done @p0 $0x0  }
0x78: {  	s8 =	simm.s32 @p0 $0x6800;
	[sflag:s6] =	ssyncadd.s32 @p0 $0xFFFFF800;
	s6 =	sadd.s32 @p0 $0x2980, s28  }
0x79: {  	[spmem:s2] =	stream.indirect.scatter.add.f32 @p0 [tilespmem:s8], [sflag:$0x9], $0x10, s6, s30, $0xb8;
	[tilespmem:$0xB800] =	vst v63  }
0x7a: {  	_ =	swait.ge @p0 [sflag:s3], $0x800  }
0x7b: {  	[sflag:s3] =	ssyncset.done @p0 $0x0  }
0x7c: {  	s6 =	sadd.s32 @!p0 $0x500, s25;
	s8 =	simm.s32 @!p0 $0x6000;
	[sflag:s3] =	ssyncadd.s32 @p0 $0xFFFFF800  }
0x7d: {  	[tilespmem:s8], [sflag:$0x3] =	stream.indirect.gather @!p0 [hbm4b:s4+s26], $0x10, s6, s26, $0xb8;
	[tilespmem:$0xB800] =	vst v63  }
0x7e: {  	s6 =	simm.s32 @!p0 $0x4  }
0x7f: {  	_ =	swait.ge @!p0 [sflag:s6], $0x800  }
0x80: {  	[sflag:s6] =	ssyncset.done @!p0 $0x0  }
0x81: {  	s8 =	simm.s32 @!p0 $0x6800;
	[sflag:s6] =	ssyncadd.s32 @!p0 $0xFFFFF800;
	s6 =	sadd.s32 @!p0 $0x2980, s25  }
0x82: {  	[spmem:s2] =	stream.indirect.scatter.add.f32 @!p0 [tilespmem:s8], [sflag:$0x9], $0x10, s6, s26, $0xb8;
	[tilespmem:$0xB800] =	vst v63  }
0x83: {  	_ =	swait.ge @!p0 [sflag:s5], $0x800  }
0x84: {  	[sflag:s5] =	ssyncset.done @!p0 $0x0  }
0x85: {  	s6 =	sadd.s32 @!p0 $0x580, s25;
	[sflag:s5] =	ssyncadd.s32 @!p0 $0xFFFFF800  }
0x86: {  	[tilespmem:s8], [sflag:$0x4] =	stream.indirect.gather @!p0 [hbm4b:s4+s26], $0x10, s6, s26, $0xb8;
	[tilespmem:$0xB800] =	vst v63  }
0x87: {  	_ =	swait.ge [sflag:s15], $0x800  }
0x88: {  	[sflag:s15] =	ssyncset.done $0x0  }
0x89: {  	s8 =	sadd.s32 $0x2A00, s23;
	[sflag:s15] =	ssyncadd.s32 $0xFFFFF800  }
0x8a: {  	[spmem:s2] =	stream.indirect.scatter.add.f32 [tilespmem:s24], [sflag:$0x9], $0x10, s8, s17, $0xb8;
	[tilespmem:$0xB800] =	vst v63  }
0x8b: {  	_ =	swait.ge [sflag:s14], $0x800  }
0x8c: {  	[sflag:s14] =	ssyncset.done $0x0  }
0x8d: {  	s6 =	simm.s32 @p0 $0x6;
	[sflag:s14] =	ssyncadd.s32 $0xFFFFF800  }
0x8e: {  	_ =	swait.ge @p0 [sflag:s6], $0x800  }
0x8f: {  	[sflag:s6] =	ssyncset.done @p0 $0x0  }
0x90: {  	s8 =	simm.s32 @p0 $0x7800;
	[sflag:s6] =	ssyncadd.s32 @p0 $0xFFFFF800;
	s6 =	sadd.s32 @p0 $0x2A80, s28  }
0x91: {  	[spmem:s2] =	stream.indirect.scatter.add.f32 @p0 [tilespmem:s8], [sflag:$0x9], $0x10, s6, s30, $0xb8;
	[tilespmem:$0xB800] =	vst v63  }
0x92: {  	_ =	swait.ge @p0 [sflag:s3], $0x800  }
0x93: {  	[sflag:s3] =	ssyncset.done @p0 $0x0  }
0x94: {  	s6 =	simm.s32 @!p0 $0x7000;
	[sflag:s3] =	ssyncadd.s32 @p0 $0xFFFFF800;
	s3 =	sadd.s32 @!p0 $0x600, s25  }
0x95: {  	[tilespmem:s6], [sflag:$0x5] =	stream.indirect.gather @!p0 [hbm4b:s4+s26], $0x10, s3, s26, $0xb8;
	[tilespmem:$0xB800] =	vst v63  }
0x96: {  	s3 =	simm.s32 @!p0 $0x6  }
0x97: {  	_ =	swait.ge @!p0 [sflag:s3], $0x800  }
0x98: {  	[sflag:s3] =	ssyncset.done @!p0 $0x0  }
0x99: {  	s6 =	simm.s32 @!p0 $0x7800;
	[sflag:s3] =	ssyncadd.s32 @!p0 $0xFFFFF800;
	s3 =	sadd.s32 @!p0 $0x2A80, s25  }
0x9a: {  	[spmem:s2] =	stream.indirect.scatter.add.f32 @!p0 [tilespmem:s6], [sflag:$0x9], $0x10, s3, s26, $0xb8;
	[tilespmem:$0xB800] =	vst v63  }
0x9b: {  	_ =	swait.ge @!p0 [sflag:s5], $0x800  }
0x9c: {  	[sflag:s5] =	ssyncset.done @!p0 $0x0  }
0x9d: {  	s3 =	sadd.s32 @!p0 $0x680, s25;
	[sflag:s5] =	ssyncadd.s32 @!p0 $0xFFFFF800  }
0x9e: {  	[tilespmem:s6], [sflag:$0x6] =	stream.indirect.gather @!p0 [hbm4b:s4+s26], $0x10, s3, s26, $0xb8;
	[tilespmem:$0xB800] =	vst v63  }
0x9f: {  	_ =	swait.ge [sflag:s18], $0x800  }
0xa0: {  	[sflag:s18] =	ssyncset.done $0x0  }
.Ltmp3:
0xa1: {  	s30 =	sadd.s32 $0x2B00, s23;
	[sflag:s18] =	ssyncadd.s32 $0xFFFFF800;
	(pc) =	sbr.rel @p0 .LBB2_6-.Ltmp3, $4  }
0xa2: {  	[spmem:s2] =	stream.indirect.scatter.add.f32 [tilespmem:s29], [sflag:$0x9], $0x10, s30, s17, $0xb8;
	[tilespmem:$0xB800] =	vst v63  }
0xa3: {  	_ =	swait.ge [sflag:s14], $0x800  }
0xa4: {  	[sflag:s14] =	ssyncset.done $0x0  }
0xa5: {  	s3 =	sadd.s32 $0x2B80, s23;
	[sflag:s14] =	ssyncadd.s32 $0xFFFFF800  }
0xa6: {  	s5 =	sadd.s32 $0x700, s23  }
0xa7: {  	[tilespmem:s29], [sflag:$0x7] =	stream.indirect.gather [hbm4b:s4+s17], $0x10, s5, s17, $0xb8;
	[tilespmem:$0xB800] =	vst v63  }
0xa8: {  	_ =	swait.ge [sflag:s19], $0x800  }
0xa9: {  	[sflag:s19] =	ssyncset.done $0x0  }
0xaa: {  	[sflag:s19] =	ssyncadd.s32 $0xFFFFF800  }
0xab: {  	[spmem:s2] =	stream.indirect.scatter.add.f32 [tilespmem:s31], [sflag:$0x9], $0x10, s3, s17, $0xb8;
	[tilespmem:$0xB800] =	vst v63  }
.Ltmp4:
0xac: {  	_ = 	snop;
	(pc) =	sbr.rel .LBB2_4-.Ltmp4, $4  }
0xad: {  	_ =	swait.ge [sflag:s14], $0x800  }
0xae: {  	[sflag:s14] =	ssyncset.done $0x0  }
0xaf: {  	s30 =	sadd.s32 $0x780, s23;
	s22 =	sadd.s32 $0x1000, s22;
	[sflag:s14] =	ssyncadd.s32 $0xFFFFF800  }
0xb0: {  	[tilespmem:s31], [sflag:$0x8] =	stream.indirect.gather [hbm4b:s4+s17], $0x10, s30, s17, $0xb8;
	[tilespmem:$0xB800] =	vst v63  }
.LBB2_7:
0xb1: {  	_ =	sfence.sel $0x180000  }
0xb2: {  	[bflag:$0x0] =	sbarrier.arrive $0xFFFF  }
0xb3: {  	_ =	strace $0x90000047  }
0xb4: {  	s0 =	stileid.u32;
	[bflag:$0x2] =	sbarrier.arrive $0xFFFF  }
0xb5: {  	p0 =	sne.s32 s0, $0x0;
	s0 =	rddreg [dreg:$0x2]  }
0xb6: {  	s0 =	sadd.s32 @!p0 $0x100000, s0  }
0xb7: {  	[sflag:s0] =	ssyncadd.tile.s32 @!p0 $0x1;
	_ =	shalt  }
.Lfunc_end2:
_tile_overlayer_lowered:
.L_overlay_start_2:
0xb8: {  	(tag) =	ssettag $0x2  }
0xb9: {  	s0 =	rddreg [dreg:$0x0];
	s2 =	stileid.u32  }
0xba: {  	s1 =	rddreg [dreg:$0x1];
	p0 =	sne.s32 s2, $0x0  }
0xbb: {  	s3 =	rddreg [dreg:$0x2];
	[bflag:$0x3] =	sbarrier.arrive $0xFFFF;
	s2 =	simm.s32 @!p0 $0x1C09  }
0xbc: {  	[timem:s3], [sflag:s2] =	dma.local @!p0 [hbm:s0], s1  }
0xbd: {  	s0 =	simm.s32 @!p0 $0x9  }
0xbe: {  	_ =	swait.ge @!p0 [sflag:s0], s1  }
0xbf: {  	s1 =	ssub.s32 @!p0 $0x0, s1;
	[sflag:s0] =	ssyncset.done @!p0 $0x0  }
0xc0: {  	[sflag:s0] =	ssyncadd.s32 @!p0 s1  }
0xc1: {  	[bflag:$0x3] =	sbarrier.arrive $0xFFFF  }
0xc2: {  	_ =	shalt  }

// kernel: kernel.18.cloned.1.call-start
scs
__scs_entry_jumppad:
0x0: {  	(pc) =	sbr.rel $0x88, $3  }
0x1: {  	(tag) =	ssettag $0x0;
	lr =	simm.s32 $0x1  }
0x2: {  	[smem:$0x3F8E] =	sst lr;
	_ =	strace $0xD0000000  }
0x3: {  	_ = 	snop  }
0x4: {  	_ = 	snop  }
0x5: {  	_ = 	snop  }
0x6: {  	_ = 	snop  }
0x7: {  	_ = 	snop  }
__scs_overlays_trampoline_lowered:
0x8: {  	[smem:$0x3F9D] =	sst s0  }
0x9: {  	[smem:$0x3F9E] =	sst s1  }
0xa: {  	[smem:$0x3F9F] =	sst s2  }
0xb: {  	[smem:$0x3FA0] =	sst s3  }
0xc: {  	[smem:$0x3FA1] =	sst s4  }
0xd: {  	[smem:$0x3FA2] =	sst s5  }
0xe: {  	[smem:$0x3FA3] =	sst s6  }
0xf: {  	[smem:$0x3FA4] =	sst s7  }
0x10: {  	[smem:$0x3FA5] =	sst s8  }
0x11: {  	[smem:$0x3FA6] =	sst s9;
	s0 =	simm.s32 @!p0 $0x0  }
0x12: {  	s1 =	sld [smem:$0x3F8C];
	s0 =	simm.s32 @p0 $0x1  }
0x13: {  	[smem:$0x3FA7] =	sst s0;
	s0 =	simm.s32 @!p1 $0x0  }
0x14: {  	s2 =	sld [smem:$0x3F8B];
	s0 =	simm.s32 @p1 $0x1  }
0x15: {  	[smem:$0x3FA8] =	sst s0;
	s0 =	simm.s32 @!p2 $0x0  }
0x16: {  	s3 =	sld [smem:$0x3FDB];
	s0 =	simm.s32 @p2 $0x1  }
0x17: {  	s4 =	simm.s32 $0x1BF5;
	[smem:$0x3FAA] =	sst s0  }
0x18: {  	s0 =	sld [smem:$0x3F8D];
	_ =	swait.ge [sflag:s4], $0x0  }
0x19: {  	s7 =	sld [smem:$0x3F8E]  }
0x1a: {  	s8 =	sadd.s32 $0xFFFFE003, lr  }
0x1b: {  	s9 =	sadd.s32 $0xFFFFFEF7, lr;
	s5 =	simm.s32 $0xFFFFFFFF;
	p2 =	slt.u32 s8, $0xFFFFF086  }
0x1c: {  	p1 =	slt.u32 s9, $0xF7A;
	s5 =	simm.s32 @!p2 $0x0  }
0x1d: {  	s5 =	simm.s32 @p1 $0x1;
	p0 =	seq.s32 s7, s2  }
0x1e: {  	s7 =	smul.u32 @!p0 $0xF7A, s2;
	p2 =	seq.s32 @!p0 s5, $0x0  }
0x1f: {  	s9 =	smul.u32 $0xF7A, s1;
	s8 =	simm.s32 @!p0 $0x1BF5;
	p2 =	por !p2, p0  }
0x20: {  	[sflag:s8] =	ssyncset.s32 @!p0 $0xFFFFF086;
	s6 =	sadd.s32 @!p0 s3, s7;
	s7 =	simm.s32 @!p0 $0x108  }
0x21: {  	s3 =	sadd.s32 s3, s9;
	s6 =	sadd.s32 @!p0 $0x88, s6;
	s7 =	simm.s32 @p2 $0x1082  }
0x22: {  	[simem:s7], [sflag:s8] =	dma.local @!p0 [hbm:s6], $0xF7A  }
0x23: {  	s9 =	sor.u32 $0xD0000000, s2;
	s6 =	simm.s32 $0x108;
	_ =	swait.ge @!p0 [sflag:s8], $0x0  }
0x24: {  	s3 =	sadd.s32 $0x88, s3;
	s6 =	simm.s32 @!p1 $0x1082;
	[sflag:s4] =	ssyncset.s32 $0xFFFFF086  }
0x25: {  	[simem:s6], [sflag:s4] =	dma.local [hbm:s3], $0xF7A  }
0x26: {  	[smem:$0x3F8E] =	sst s1;
	(tag) =	ssettag s2;
	_ =	strace s9  }
0x27: {  	s1 =	sld [smem:$0x3F9E]  }
0x28: {  	s2 =	sld [smem:$0x3F9F]  }
0x29: {  	s4 =	sld [smem:$0x3FA1]  }
0x2a: {  	p0 =	seq.s32 s5, $0x0;
	s5 =	sld [smem:$0x3FA2]  }
0x2b: {  	s6 =	sld [smem:$0x3FA3]  }
0x2c: {  	s7 =	sld [smem:$0x3FA4]  }
0x2d: {  	s3 =	simm.s32 $0x108;
	s8 =	sld [smem:$0x3FA5]  }
0x2e: {  	s3 =	simm.s32 @!p0 $0x1082;
	s9 =	sld [smem:$0x3FA6]  }
0x2f: {  	lr =	sadd.s32 s0, s3;
	s0 =	sld [smem:$0x3F9D]  }
0x30: {  	s3 =	sld [smem:$0x3FA0]  }
0x31: {  	[smem:$0x3FA9] =	sst s10  }
0x32: {  	s10 =	sld [smem:$0x3FA7];
	_ =	sdelay $0x3  }
0x33: {  	p0 =	seq.s32 s10, $0x1;
	s10 =	sld [smem:$0x3FA9];
	_ =	sdelay $0x3  }
0x34: {  	[smem:$0x3FA9] =	sst s10  }
0x35: {  	s10 =	sld [smem:$0x3FA8];
	_ =	sdelay $0x3  }
0x36: {  	p1 =	seq.s32 s10, $0x1;
	s10 =	sld [smem:$0x3FA9];
	_ =	sdelay $0x3  }
0x37: {  	[smem:$0x3FA9] =	sst s10  }
0x38: {  	s10 =	sld [smem:$0x3FAA]  }
0x39: {  	_ = 	snop;
	(pc) =	sbr.ind lr, $3  }
0x3a: {  	_ = 	snop  }
0x3b: {  	_ = 	snop  }
0x3c: {  	p2 =	seq.s32 s10, $0x1;
	s10 =	sld [smem:$0x3FA9]  }
0x3d: {  	_ =	shalt  }
0x3e: {  	_ =	shalt  }
0x3f: {  	_ =	shalt  }
0x40: {  	_ =	shalt  }
0x41: {  	_ =	shalt  }
0x42: {  	_ =	shalt  }
0x43: {  	_ =	shalt  }
0x44: {  	_ =	shalt  }
0x45: {  	_ =	shalt  }
0x46: {  	_ =	shalt  }
0x47: {  	_ =	shalt  }
0x48: {  	_ =	shalt  }
0x49: {  	_ =	shalt  }
0x4a: {  	_ =	shalt  }
0x4b: {  	_ =	shalt  }
0x4c: {  	_ =	shalt  }
0x4d: {  	_ =	shalt  }
0x4e: {  	_ =	shalt  }
0x4f: {  	_ =	shalt  }
0x50: {  	_ =	shalt  }
0x51: {  	_ =	shalt  }
0x52: {  	_ =	shalt  }
0x53: {  	_ =	shalt  }
0x54: {  	_ =	shalt  }
0x55: {  	_ =	shalt  }
0x56: {  	_ =	shalt  }
0x57: {  	_ =	shalt  }
0x58: {  	_ =	shalt  }
0x59: {  	_ =	shalt  }
0x5a: {  	_ =	shalt  }
0x5b: {  	_ =	shalt  }
0x5c: {  	_ =	shalt  }
0x5d: {  	_ =	shalt  }
0x5e: {  	_ =	shalt  }
0x5f: {  	_ =	shalt  }
0x60: {  	_ =	shalt  }
0x61: {  	_ =	shalt  }
0x62: {  	_ =	shalt  }
0x63: {  	_ =	shalt  }
0x64: {  	_ =	shalt  }
0x65: {  	_ =	shalt  }
0x66: {  	_ =	shalt  }
0x67: {  	_ =	shalt  }
0x68: {  	_ =	shalt  }
0x69: {  	_ =	shalt  }
0x6a: {  	_ =	shalt  }
0x6b: {  	_ =	shalt  }
0x6c: {  	_ =	shalt  }
0x6d: {  	_ =	shalt  }
0x6e: {  	_ =	shalt  }
0x6f: {  	_ =	shalt  }
0x70: {  	_ =	shalt  }
0x71: {  	_ =	shalt  }
0x72: {  	_ =	shalt  }
0x73: {  	_ =	shalt  }
0x74: {  	_ =	shalt  }
0x75: {  	_ =	shalt  }
0x76: {  	_ =	shalt  }
0x77: {  	_ =	shalt  }
0x78: {  	_ =	shalt  }
0x79: {  	_ =	shalt  }
0x7a: {  	_ =	shalt  }
0x7b: {  	_ =	shalt  }
0x7c: {  	_ =	shalt  }
0x7d: {  	_ =	shalt  }
0x7e: {  	_ =	shalt  }
0x7f: {  	_ =	shalt  }
0x80: {  	_ =	shalt  }
0x81: {  	_ =	shalt  }
0x82: {  	_ =	shalt  }
0x83: {  	_ =	shalt  }
0x84: {  	_ =	shalt  }
0x85: {  	_ =	shalt  }
0x86: {  	_ =	shalt  }
0x87: {  	_ =	shalt  }
.Lfunc_end0:
.L_simem_size_0:
called_computation.1_lowered:
.L_overlay_start_0:
0x88: {  	s2 =	sld [smem:$0x3FD9]  }
0x89: {  	s3 =	sld [smem:$0x3FFE];
	_ =	sdelay $0x1  }
0x8a: {  	s1 =	srdreg.scid  }
0x8b: {  	s0 =	sand.u32 $0x1, s1  }
0x8c: {  	s16 =	sshll.u32 s0, $0xA;
	s2 =	sadd.s32 s3, s2  }
0x8d: {  	s2 =	sadd.s32 s2, s16  }
0x8e: {  	[smem:$0x3FB5] =	sst s2  }
0x8f: {  	_ = 	snop  }
0x90: {  	(tm) =	ssettm $0x1  }
0x91: {  	s17 =	sld [smem:$0x3FFB];
	_ =	sdelay $0x3  }
0x92: {  	_ =	strace s17  }
0x93: {  	s2 =	sld [smem:$0x3FFC];
	_ =	sdelay $0x3  }
0x94: {  	_ =	strace s2  }
0x95: {  	s2 =	sld [smem:$0x3FFD];
	_ =	sdelay $0x3  }
0x96: {  	_ =	strace s2  }
0x97: {  	_ =	strace $0x8FFFFFFF  }
0x98: {  	s18 =	sld [smem:$0x3FDB];
	_ =	sdelay $0x1  }
0x99: {  	s19 =	simm.s32 $_scs_section_size  }
0x9a: {  	s4 =	simm.s32 $_size__tile_overlayer_lowered;
	s5 =	simm.s32 $_tile_overlayer_lowered  }
0x9b: {  	s22 =	simm.s32 $0x1BFF;
	s21 =	sshll.u32 s5, $0x1;
	s2 =	sadd.s32 s19, s18  }
0x9c: {  	s6 =	simm.s32 $0x0;
	s20 =	sshll.u32 s4, $0x1;
	s4 =	sadd.s32 s21, s2  }
0x9d: {  	[timem:s6], [sflag:s22] =	dma.local [hbm:s4], s20  }
0x9e: {  	_ =	swait.ge [sflag:s22], s20  }
0x9f: {  	s3 =	ssub.s32 $0x0, s20;
	[sflag:s22] =	ssyncset.done $0x0  }
0xa0: {  	[sflag:s22] =	ssyncadd.s32 s3;
	_ =	sdelay $0x1  }
0xa1: {  	s23 =	simm.s32 $0x1B8B  }
0xa2: {  	_ =	swait.ge [sflag:s23], $0x1  }
0xa3: {  	[sflag:s23] =	ssyncset.done $0x0  }
0xa4: {  	s25 =	simm.s32 $0x1B8E;
	s24 =	sld [smem:$0x3FFE];
	[sflag:s23] =	ssyncadd.s32 $0xFFFFFFFF  }
0xa5: {  	s26 =	simm.s32 $execute0_lowered;
	[smem:$0x3FD2] =	sst s25  }
0xa6: {  	s4 =	sshll.u32 s26, $0x1;
	_ =	strace $0x80000049;
	[dreg:$0x1] =	wrdreg $0xFFFFFFFF  }
0xa7: {  	s28 =	simm.s32 $_size_execute0_lowered;
	s2 =	sadd.s32 s2, s4;
	[dreg:$0x0] =	wrdreg $0x0  }
0xa8: {  	s4 =	sshll.u32 s28, $0x1;
	[dreg:$0x2] =	wrdreg s2  }
0xa9: {  	[dreg:$0x3] =	wrdreg s4  }
0xaa: {  	[dreg:$0x4] =	wrdreg $0xC0  }
0xab: {  	_ =	task [dreg:s6], $0x5FFFF  }
0xac: {  	[dreg:$0x1] =	wrdreg $0xFFFFFFFF  }
0xad: {  	[dreg:$0x0] =	wrdreg $0x60  }
0xae: {  	[dreg:$0x2] =	wrdreg s24  }
0xaf: {  	[dreg:$0x3] =	wrdreg $0x90000  }
0xb0: {  	[dreg:$0x4] =	wrdreg $0x9  }
0xb1: {  	_ =	task.clear_ibuf [dreg:s6], $0x5FFFF;
	_ =	strace $0x90000049  }
0xb2: {  	s29 =	simm.s32 $0x9;
	_ =	strace $0x8000004B  }
0xb3: {  	_ =	swait.ge [sflag:s29], $0x1  }
0xb4: {  	[sflag:s29] =	ssyncadd.s32 $0xFFFFFFFF  }
0xb5: {  	_ =	strace $0x9000004B  }
0xb6: {  	_ =	sfence  }
0xb7: {  	s30 =	sld [smem:$0x0];
	_ =	sdelay $0x2  }
0xb8: {  	s31 =	sshll.u32 s1, $0xD;
	s1 =	sshrl.u32 s1, $0x2  }
0xb9: {  	s3 =	sand.u32 $0x4000, s31;
	s1 =	sadd.s32 s1, s30  }
0xba: {  	s0 =	sor.u32 s3, s0;
	s1 =	sshll.u32 s1, $0x11  }
0xbb: {  	s0 =	sor.u32 s1, s0  }
0xbc: {  	s0 =	sadd.s32 $0x8F2B, s0  }
0xbd: {  	[sflag:s0] =	ssyncadd.remote.s32 $0x1  }
0xbe: {  	_ =	sfence.sel $0xFFFF  }
0xbf: {  	[dreg:$0x0] =	wrdreg $0xFFFFFFFF;
	(pc) =	sbr.abs _section_cstart, $3  }
0xc0: {  	[dreg:$0x1] =	wrdreg $0xFFFFFFFF  }
0xc1: {  	_ =	task.clear_ibuf [dreg:s6], $0x2FFFF;
	_ =	strace $0x9FFFFFFF  }
0xc2: {  	(tm) =	ssettm $0x7FFFFFFF  }
0xc3: {  	_ =	shalt  }
tec
execute0_lowered:
.L_overlay_start_1:
0x0: {  	(tag) =	ssettag $0x1  }
0x1: {  	s0 =	rddreg [dreg:$0x0]  }
0x2: {  	s2 =	rddreg [dreg:$0x1]  }
0x3: {  	s1 =	srdreg.scid;
	s7 =	stileid.u32;
	s4 =	simm.s32 $0x0  }
0x4: {  	s14 =	simm.s32 $0x9;
	s16 =	simm.s32 $0x5000;
	s17 =	simm.s32 $0x80  }
0x5: {  	s20 =	simm.s32 $0x6000;
	s24 =	simm.s32 $0x7000;
	s29 =	simm.s32 $0x8000  }
0x6: {  	s31 =	simm.s32 $0x8800;
	s15 =	simm.s32 $0x5;
	s18 =	simm.s32 $0x7  }
0x7: {  	s19 =	simm.s32 $0x8;
	s21 =	simm.s32 $0x0;
	s1 =	sand.u32 $0x1, s1  }
0x8: {  	s5 =	smul.u32 $0x2800, s7;
	[smem:$0x7FF] =	sst s4;
	s4 =	sadd.s32 $0x16A00, s0  }
0x9: {  	s3 =	sshll.u32 s1, $0x4;
	s6 =	smul.u32 $0x28000, s1;
	_ =	strace $0x8000004A  }
0xa: {  	s1 =	ssub.s32 $0x2, s1;
	s3 =	sor.u32 s7, s3;
	s7 =	smul.u32 $0xA000, s7  }
0xb: {  	s8 =	sshrl.u32 s1, $0x1;
	s3 =	smul.u32 $0x500, s3;
	s6 =	sadd.s32 s5, s6  }
0xc: {  	s1 =	ssub.s32 s1, s8;
	s6 =	sshrl.u32 s6, $0x3;
	s7 =	sshrl.u32 s7, $0x2  }
0xd: {  	s13 =	smax.u32 s1, $0x1;
	s1 =	simm.s32 $0x3;
	s3 =	sadd.s32 s3, s0  }
.Ltmp0:
0xe: {  	s0 =	sadd.s32 s6, s0;
	s28 =	sadd.s32 s7, s2;
	(pc) =	sbr.rel .LBB2_1-.Ltmp0, $4  }
0xf: {  	s7 =	sadd.s32 s5, s2;
	s26 =	sadd.s32 $0xCA00, s3;
	s3 =	sadd.s32 $0x2A00, s3  }
0x10: {  	s30 =	sadd.s32 $0x800, s28;
	s9 =	sadd.s32 $0x1000, s28;
	[dreg:$0x3] =	wrdreg s26  }
0x11: {  	s10 =	sadd.s32 $0x1800, s28;
	s11 =	sadd.s32 $0x2000, s28;
	[dreg:$0x4] =	wrdreg s3  }
0x12: {  	v0 =	vimm.f32 $0.0e+00;
	s12 =	sadd.s32 $0x1BA00, s0;
	s0 =	simm.s32 $0x1;
	[dreg:$0x5] =	wrdreg s30  }
.LBB2_6:
0x13: {  	_ =	swait.ge [sflag:s19], $0x800  }
0x14: {  	[sflag:s19] =	ssyncset.done $0x0  }
0x15: {  	[sflag:s19] =	ssyncadd.s32 $0xFFFFF800  }
0x16: {  	[spmem:s2] =	stream.indirect.scatter.add.f32 [tilespmem:s31], [sflag:$0x9], $0x10, s3, s17, $0xb8;
	[tilespmem:$0xB800] =	vst v63  }
0x17: {  	s30 =	stileid.u32;
	_ =	swait.ge [sflag:s14], $0x800  }
0x18: {  	s5 =	sshrl.u32 s7, $0x3;
	s21 =	sadd.s32 $0x1, s21;
	[sflag:s14] =	ssyncset.done $0x0  }
0x19: {  	p0 =	sne.s32 s21, s13;
	s3 =	sshll.u32 s30, $0x6;
	[sflag:s14] =	ssyncadd.s32 $0xFFFFF800  }
.Ltmp1:
0x1a: {  	s3 =	sor.u32 $0x1C09, s3;
	[bflag:$0x0] =	sbarrier.arrive $0xFFFF;
	(pc) =	sbr.rel @!p0 .LBB2_7-.Ltmp1, $4  }
0x1b: {  	[hbm:s12], [sflag:s3] =	dma.local [spmem:s5], $0x500  }
0x1c: {  	_ =	swait.ge [sflag:s14], $0x500  }
0x1d: {  	[sflag:s14] =	ssyncset.done $0x0  }
0x1e: {  	[sflag:s14] =	ssyncadd.s32 $0xFFFFFB00  }
.LBB2_1:
0x1f: {  	s3 =	simm.s32 $0x0;
	s5 =	rddreg [dreg:$0x3]  }
0x20: {  	[tilespmem:s3], [sflag:$0x9] =	stream.linear.gather [hbm4b:s5+s3], $0x2800, $0x38;
	[tilespmem:$0xB800] =	vst v63  }
0x21: {  	_ =	swait.ge [sflag:s14], $0x2800  }
0x22: {  	[sflag:s14] =	ssyncset.done $0x0  }
0x23: {  	s6 =	simm.s32 $0x2800;
	s30 =	rddreg [dreg:$0x4];
	[sflag:s14] =	ssyncadd.s32 $0xFFFFD800  }
0x24: {  	[tilespmem:s6], [sflag:$0x9] =	stream.linear.gather [hbm4b:s30+s3], $0x2800, $0x38;
	[tilespmem:$0xB800] =	vst v63  }
0x25: {  	_ =	swait.ge [sflag:s14], $0x2800  }
0x26: {  	[sflag:s14] =	ssyncset.done $0x0  }
0x27: {  	s5 =	simm.s32 $0x100;
	s3 =	simm.s32 $0x0;
	[sflag:s14] =	ssyncadd.s32 $0xFFFFD800  }
.LBB2_2:
0x28: {  	p0 =	sne.s32 s5, $0x1F00;
	[tilespmem:s3+$0x5030] =	vst v0;
	s22 =	smov.u32 s5;
	s5 =	sadd.s32 $0x100, s5  }
.Ltmp2:
0x29: {  	[tilespmem:s3+$0x5020] =	vst v0;
	(pc) =	sbr.rel @p0 .LBB2_2-.Ltmp2, $3  }
0x2a: {  	[tilespmem:s3+$0x5000] =	vst v0  }
0x2b: {  	[tilespmem:s3+$0x5010] =	vst v0;
	_ =	sdelay $0x1  }
0x2c: {  	s3 =	sshra.s32 s22, $0x2  }
0x2d: {  	[tilespmem:s3+$0x5030] =	vst v0  }
0x2e: {  	[tilespmem:s3+$0x5020] =	vst v0  }
0x2f: {  	[tilespmem:s3+$0x5000] =	vst v0  }
0x30: {  	[tilespmem:s3+$0x5010] =	vst v0  }
0x31: {  	[spmem:s7] =	stream.linear.scatter [tilespmem:s16], [sflag:$0x9], $0x800, $0x38;
	[tilespmem:$0xB800] =	vst v63  }
0x32: {  	_ =	swait.ge [sflag:s14], $0x800  }
0x33: {  	[sflag:s14] =	ssyncset.done $0x0  }
0x34: {  	s30 =	rddreg [dreg:$0x5];
	[sflag:s14] =	ssyncadd.s32 $0xFFFFF800  }
0x35: {  	[spmem:s30] =	stream.linear.scatter [tilespmem:s16], [sflag:$0x9], $0x800, $0x38;
	[tilespmem:$0xB800] =	vst v63  }
0x36: {  	_ =	swait.ge [sflag:s14], $0x800  }
0x37: {  	[sflag:s14] =	ssyncset.done $0x0  }
0x38: {  	[sflag:s14] =	ssyncadd.s32 $0xFFFFF800  }
0x39: {  	[spmem:s9] =	stream.linear.scatter [tilespmem:s16], [sflag:$0x9], $0x800, $0x38;
	[tilespmem:$0xB800] =	vst v63  }
0x3a: {  	_ =	swait.ge [sflag:s14], $0x800  }
0x3b: {  	[sflag:s14] =	ssyncset.done $0x0  }
0x3c: {  	[sflag:s14] =	ssyncadd.s32 $0xFFFFF800  }
0x3d: {  	[spmem:s10] =	stream.linear.scatter [tilespmem:s16], [sflag:$0x9], $0x800, $0x38;
	[tilespmem:$0xB800] =	vst v63  }
0x3e: {  	_ =	swait.ge [sflag:s14], $0x800  }
0x3f: {  	[sflag:s14] =	ssyncset.done $0x0  }
0x40: {  	[sflag:s14] =	ssyncadd.s32 $0xFFFFF800  }
0x41: {  	[spmem:s11] =	stream.linear.scatter [tilespmem:s16], [sflag:$0x9], $0x800, $0x38;
	[tilespmem:$0xB800] =	vst v63  }
0x42: {  	_ =	swait.ge [sflag:s14], $0x800  }
0x43: {  	[sflag:s14] =	ssyncset.done $0x0  }
0x44: {  	[sflag:s14] =	ssyncadd.s32 $0xFFFFF800  }
0x45: {  	s22 =	simm.s32 $0x0;
	[bflag:$0x0] =	sbarrier.arrive $0xFFFF  }
0x46: {  	[tilespmem:s16], [sflag:$0x1] =	stream.indirect.gather [hbm4b:s4+s17], $0x10, s22, s17, $0xb8;
	[tilespmem:$0xB800] =	vst v63  }
0x47: {  	s5 =	simm.s32 $0x5800  }
0x48: {  	[tilespmem:s5], [sflag:$0x2] =	stream.indirect.gather [hbm4b:s4+s17], $0x10, s17, s17, $0xb8;
	[tilespmem:$0xB800] =	vst v63  }
0x49: {  	s6 =	simm.s32 $0x100  }
0x4a: {  	[tilespmem:s20], [sflag:$0x3] =	stream.indirect.gather [hbm4b:s4+s17], $0x10, s6, s17, $0xb8;
	[tilespmem:$0xB800] =	vst v63  }
0x4b: {  	s8 =	simm.s32 $0x180;
	s5 =	simm.s32 $0x6800  }
0x4c: {  	[tilespmem:s5], [sflag:$0x4] =	stream.indirect.gather [hbm4b:s4+s17], $0x10, s8, s17, $0xb8;
	[tilespmem:$0xB800] =	vst v63  }
0x4d: {  	s23 =	simm.s32 $0x200  }
0x4e: {  	[tilespmem:s24], [sflag:$0x5] =	stream.indirect.gather [hbm4b:s4+s17], $0x10, s23, s17, $0xb8;
	[tilespmem:$0xB800] =	vst v63  }
0x4f: {  	s25 =	simm.s32 $0x280;
	s26 =	simm.s32 $0x7800  }
0x50: {  	[tilespmem:s26], [sflag:$0x6] =	stream.indirect.gather [hbm4b:s4+s17], $0x10, s25, s17, $0xb8;
	[tilespmem:$0xB800] =	vst v63  }
0x51: {  	s28 =	simm.s32 $0x300  }
0x52: {  	[tilespmem:s29], [sflag:$0x7] =	stream.indirect.gather [hbm4b:s4+s17], $0x10, s28, s17, $0xb8;
	[tilespmem:$0xB800] =	vst v63  }
0x53: {  	s30 =	simm.s32 $0x380  }
0x54: {  	[tilespmem:s31], [sflag:$0x8] =	stream.indirect.gather [hbm4b:s4+s17], $0x10, s30, s17, $0xb8;
	[tilespmem:$0xB800] =	vst v63  }
.LBB2_4:
0x55: {  	_ =	swait.ge [sflag:s0], $0x800  }
0x56: {  	s23 =	sshra.s32 s22, $0x2;
	[sflag:s0] =	ssyncset.done $0x0  }
0x57: {  	s3 =	sadd.s32 $0x2800, s23;
	[sflag:s0] =	ssyncadd.s32 $0xFFFFF800  }
0x58: {  	[spmem:s2] =	stream.indirect.scatter.add.f32 [tilespmem:s16], [sflag:$0x9], $0x10, s3, s17, $0xb8;
	[tilespmem:$0xB800] =	vst v63  }
0x59: {  	_ =	swait.ge [sflag:s14], $0x800  }
0x5a: {  	p0 =	seq.s32 s22, $0x9000;
	[sflag:s14] =	ssyncset.done $0x0  }
0x5b: {  	s3 =	simm.s32 @p0 $0x2;
	[sflag:s14] =	ssyncadd.s32 $0xFFFFF800  }
0x5c: {  	_ =	swait.ge @p0 [sflag:s3], $0x800  }
0x5d: {  	s28 =	sshra.s32 @p0 s22, $0x2;
	s30 =	simm.s32 @p0 $0x80;
	[sflag:s3] =	ssyncset.done @p0 $0x0  }
0x5e: {  	s5 =	simm.s32 @p0 $0x5800;
	[sflag:s3] =	ssyncadd.s32 @p0 $0xFFFFF800;
	s3 =	sadd.s32 @p0 $0x2880, s28  }
0x5f: {  	[spmem:s2] =	stream.indirect.scatter.add.f32 @p0 [tilespmem:s5], [sflag:$0x9], $0x10, s3, s30, $0xb8;
	[tilespmem:$0xB800] =	vst v63  }
0x60: {  	s3 =	simm.s32 @p0 $0x9  }
0x61: {  	_ =	swait.ge @p0 [sflag:s3], $0x800  }
0x62: {  	s25 =	sshra.s32 @!p0 s22, $0x2;
	s26 =	simm.s32 @!p0 $0x80;
	[sflag:s3] =	ssyncset.done @p0 $0x0  }
0x63: {  	s6 =	simm.s32 @!p0 $0x5000;
	s5 =	sadd.s32 @!p0 $0x400, s25;
	[sflag:s3] =	ssyncadd.s32 @p0 $0xFFFFF800  }
0x64: {  	[tilespmem:s6], [sflag:$0x1] =	stream.indirect.gather @!p0 [hbm4b:s4+s26], $0x10, s5, s26, $0xb8;
	[tilespmem:$0xB800] =	vst v63  }
0x65: {  	s5 =	simm.s32 @!p0 $0x2  }
0x66: {  	_ =	swait.ge @!p0 [sflag:s5], $0x800  }
0x67: {  	[sflag:s5] =	ssyncset.done @!p0 $0x0  }
0x68: {  	s6 =	simm.s32 @!p0 $0x5800;
	[sflag:s5] =	ssyncadd.s32 @!p0 $0xFFFFF800;
	s5 =	sadd.s32 @!p0 $0x2880, s25  }
0x69: {  	[spmem:s2] =	stream.indirect.scatter.add.f32 @!p0 [tilespmem:s6], [sflag:$0x9], $0x10, s5, s26, $0xb8;
	[tilespmem:$0xB800] =	vst v63  }
0x6a: {  	s5 =	simm.s32 @!p0 $0x9  }
0x6b: {  	_ =	swait.ge @!p0 [sflag:s5], $0x800  }
0x6c: {  	[sflag:s5] =	ssyncset.done @!p0 $0x0  }
0x6d: {  	s8 =	sadd.s32 @!p0 $0x480, s25;
	[sflag:s5] =	ssyncadd.s32 @!p0 $0xFFFFF800  }
0x6e: {  	[tilespmem:s6], [sflag:$0x2] =	stream.indirect.gather @!p0 [hbm4b:s4+s26], $0x10, s8, s26, $0xb8;
	[tilespmem:$0xB800] =	vst v63  }
0x6f: {  	_ =	swait.ge [sflag:s1], $0x800  }
0x70: {  	[sflag:s1] =	ssyncset.done $0x0  }
0x71: {  	s8 =	sadd.s32 $0x2900, s23;
	[sflag:s1] =	ssyncadd.s32 $0xFFFFF800  }
0x72: {  	[spmem:s2] =	stream.indirect.scatter.add.f32 [tilespmem:s20], [sflag:$0x9], $0x10, s8, s17, $0xb8;
	[tilespmem:$0xB800] =	vst v63  }
0x73: {  	_ =	swait.ge [sflag:s14], $0x800  }
0x74: {  	[sflag:s14] =	ssyncset.done $0x0  }
0x75: {  	s6 =	simm.s32 @p0 $0x4;
	[sflag:s14] =	ssyncadd.s32 $0xFFFFF800  }
0x76: {  	_ =	swait.ge @p0 [sflag:s6], $0x800  }
0x77: {  	[sflag:s6] =	ssyncset.done @p0 $0x0  }
0x78: {  	s8 =	simm.s32 @p0 $0x6800;
	[sflag:s6] =	ssyncadd.s32 @p0 $0xFFFFF800;
	s6 =	sadd.s32 @p0 $0x2980, s28  }
0x79: {  	[spmem:s2] =	stream.indirect.scatter.add.f32 @p0 [tilespmem:s8], [sflag:$0x9], $0x10, s6, s30, $0xb8;
	[tilespmem:$0xB800] =	vst v63  }
0x7a: {  	_ =	swait.ge @p0 [sflag:s3], $0x800  }
0x7b: {  	[sflag:s3] =	ssyncset.done @p0 $0x0  }
0x7c: {  	s6 =	sadd.s32 @!p0 $0x500, s25;
	s8 =	simm.s32 @!p0 $0x6000;
	[sflag:s3] =	ssyncadd.s32 @p0 $0xFFFFF800  }
0x7d: {  	[tilespmem:s8], [sflag:$0x3] =	stream.indirect.gather @!p0 [hbm4b:s4+s26], $0x10, s6, s26, $0xb8;
	[tilespmem:$0xB800] =	vst v63  }
0x7e: {  	s6 =	simm.s32 @!p0 $0x4  }
0x7f: {  	_ =	swait.ge @!p0 [sflag:s6], $0x800  }
0x80: {  	[sflag:s6] =	ssyncset.done @!p0 $0x0  }
0x81: {  	s8 =	simm.s32 @!p0 $0x6800;
	[sflag:s6] =	ssyncadd.s32 @!p0 $0xFFFFF800;
	s6 =	sadd.s32 @!p0 $0x2980, s25  }
0x82: {  	[spmem:s2] =	stream.indirect.scatter.add.f32 @!p0 [tilespmem:s8], [sflag:$0x9], $0x10, s6, s26, $0xb8;
	[tilespmem:$0xB800] =	vst v63  }
0x83: {  	_ =	swait.ge @!p0 [sflag:s5], $0x800  }
0x84: {  	[sflag:s5] =	ssyncset.done @!p0 $0x0  }
0x85: {  	s6 =	sadd.s32 @!p0 $0x580, s25;
	[sflag:s5] =	ssyncadd.s32 @!p0 $0xFFFFF800  }
0x86: {  	[tilespmem:s8], [sflag:$0x4] =	stream.indirect.gather @!p0 [hbm4b:s4+s26], $0x10, s6, s26, $0xb8;
	[tilespmem:$0xB800] =	vst v63  }
0x87: {  	_ =	swait.ge [sflag:s15], $0x800  }
0x88: {  	[sflag:s15] =	ssyncset.done $0x0  }
0x89: {  	s8 =	sadd.s32 $0x2A00, s23;
	[sflag:s15] =	ssyncadd.s32 $0xFFFFF800  }
0x8a: {  	[spmem:s2] =	stream.indirect.scatter.add.f32 [tilespmem:s24], [sflag:$0x9], $0x10, s8, s17, $0xb8;
	[tilespmem:$0xB800] =	vst v63  }
0x8b: {  	_ =	swait.ge [sflag:s14], $0x800  }
0x8c: {  	[sflag:s14] =	ssyncset.done $0x0  }
0x8d: {  	s6 =	simm.s32 @p0 $0x6;
	[sflag:s14] =	ssyncadd.s32 $0xFFFFF800  }
0x8e: {  	_ =	swait.ge @p0 [sflag:s6], $0x800  }
0x8f: {  	[sflag:s6] =	ssyncset.done @p0 $0x0  }
0x90: {  	s8 =	simm.s32 @p0 $0x7800;
	[sflag:s6] =	ssyncadd.s32 @p0 $0xFFFFF800;
	s6 =	sadd.s32 @p0 $0x2A80, s28  }
0x91: {  	[spmem:s2] =	stream.indirect.scatter.add.f32 @p0 [tilespmem:s8], [sflag:$0x9], $0x10, s6, s30, $0xb8;
	[tilespmem:$0xB800] =	vst v63  }
0x92: {  	_ =	swait.ge @p0 [sflag:s3], $0x800  }
0x93: {  	[sflag:s3] =	ssyncset.done @p0 $0x0  }
0x94: {  	s6 =	simm.s32 @!p0 $0x7000;
	[sflag:s3] =	ssyncadd.s32 @p0 $0xFFFFF800;
	s3 =	sadd.s32 @!p0 $0x600, s25  }
0x95: {  	[tilespmem:s6], [sflag:$0x5] =	stream.indirect.gather @!p0 [hbm4b:s4+s26], $0x10, s3, s26, $0xb8;
	[tilespmem:$0xB800] =	vst v63  }
0x96: {  	s3 =	simm.s32 @!p0 $0x6  }
0x97: {  	_ =	swait.ge @!p0 [sflag:s3], $0x800  }
0x98: {  	[sflag:s3] =	ssyncset.done @!p0 $0x0  }
0x99: {  	s6 =	simm.s32 @!p0 $0x7800;
	[sflag:s3] =	ssyncadd.s32 @!p0 $0xFFFFF800;
	s3 =	sadd.s32 @!p0 $0x2A80, s25  }
0x9a: {  	[spmem:s2] =	stream.indirect.scatter.add.f32 @!p0 [tilespmem:s6], [sflag:$0x9], $0x10, s3, s26, $0xb8;
	[tilespmem:$0xB800] =	vst v63  }
0x9b: {  	_ =	swait.ge @!p0 [sflag:s5], $0x800  }
0x9c: {  	[sflag:s5] =	ssyncset.done @!p0 $0x0  }
0x9d: {  	s3 =	sadd.s32 @!p0 $0x680, s25;
	[sflag:s5] =	ssyncadd.s32 @!p0 $0xFFFFF800  }
0x9e: {  	[tilespmem:s6], [sflag:$0x6] =	stream.indirect.gather @!p0 [hbm4b:s4+s26], $0x10, s3, s26, $0xb8;
	[tilespmem:$0xB800] =	vst v63  }
0x9f: {  	_ =	swait.ge [sflag:s18], $0x800  }
0xa0: {  	[sflag:s18] =	ssyncset.done $0x0  }
.Ltmp3:
0xa1: {  	s30 =	sadd.s32 $0x2B00, s23;
	[sflag:s18] =	ssyncadd.s32 $0xFFFFF800;
	(pc) =	sbr.rel @p0 .LBB2_6-.Ltmp3, $4  }
0xa2: {  	[spmem:s2] =	stream.indirect.scatter.add.f32 [tilespmem:s29], [sflag:$0x9], $0x10, s30, s17, $0xb8;
	[tilespmem:$0xB800] =	vst v63  }
0xa3: {  	_ =	swait.ge [sflag:s14], $0x800  }
0xa4: {  	[sflag:s14] =	ssyncset.done $0x0  }
0xa5: {  	s3 =	sadd.s32 $0x2B80, s23;
	[sflag:s14] =	ssyncadd.s32 $0xFFFFF800  }
0xa6: {  	s5 =	sadd.s32 $0x700, s23  }
0xa7: {  	[tilespmem:s29], [sflag:$0x7] =	stream.indirect.gather [hbm4b:s4+s17], $0x10, s5, s17, $0xb8;
	[tilespmem:$0xB800] =	vst v63  }
0xa8: {  	_ =	swait.ge [sflag:s19], $0x800  }
0xa9: {  	[sflag:s19] =	ssyncset.done $0x0  }
0xaa: {  	[sflag:s19] =	ssyncadd.s32 $0xFFFFF800  }
0xab: {  	[spmem:s2] =	stream.indirect.scatter.add.f32 [tilespmem:s31], [sflag:$0x9], $0x10, s3, s17, $0xb8;
	[tilespmem:$0xB800] =	vst v63  }
.Ltmp4:
0xac: {  	_ = 	snop;
	(pc) =	sbr.rel .LBB2_4-.Ltmp4, $4  }
0xad: {  	_ =	swait.ge [sflag:s14], $0x800  }
0xae: {  	[sflag:s14] =	ssyncset.done $0x0  }
0xaf: {  	s30 =	sadd.s32 $0x780, s23;
	s22 =	sadd.s32 $0x1000, s22;
	[sflag:s14] =	ssyncadd.s32 $0xFFFFF800  }
0xb0: {  	[tilespmem:s31], [sflag:$0x8] =	stream.indirect.gather [hbm4b:s4+s17], $0x10, s30, s17, $0xb8;
	[tilespmem:$0xB800] =	vst v63  }
.LBB2_7:
0xb1: {  	_ =	sfence.sel $0x180000  }
0xb2: {  	[bflag:$0x0] =	sbarrier.arrive $0xFFFF  }
0xb3: {  	_ =	strace $0x9000004A  }
0xb4: {  	s0 =	stileid.u32;
	[bflag:$0x2] =	sbarrier.arrive $0xFFFF  }
0xb5: {  	p0 =	sne.s32 s0, $0x0;
	s0 =	rddreg [dreg:$0x2]  }
0xb6: {  	s0 =	sadd.s32 @!p0 $0x100000, s0  }
0xb7: {  	[sflag:s0] =	ssyncadd.tile.s32 @!p0 $0x1;
	_ =	shalt  }
.Lfunc_end2:
_tile_overlayer_lowered:
.L_overlay_start_2:
0xb8: {  	(tag) =	ssettag $0x2  }
0xb9: {  	s0 =	rddreg [dreg:$0x0];
	s2 =	stileid.u32  }
0xba: {  	s1 =	rddreg [dreg:$0x1];
	p0 =	sne.s32 s2, $0x0  }
0xbb: {  	s3 =	rddreg [dreg:$0x2];
	[bflag:$0x3] =	sbarrier.arrive $0xFFFF;
	s2 =	simm.s32 @!p0 $0x1C09  }
0xbc: {  	[timem:s3], [sflag:s2] =	dma.local @!p0 [hbm:s0], s1  }
0xbd: {  	s0 =	simm.s32 @!p0 $0x9  }
0xbe: {  	_ =	swait.ge @!p0 [sflag:s0], s1  }
0xbf: {  	s1 =	ssub.s32 @!p0 $0x0, s1;
	[sflag:s0] =	ssyncset.done @!p0 $0x0  }
0xc0: {  	[sflag:s0] =	ssyncadd.s32 @!p0 s1  }
0xc1: {  	[bflag:$0x3] =	sbarrier.arrive $0xFFFF  }
0xc2: {  	_ =	shalt  }

// kernel: kernel.21.cloned.1.call-start
scs
__scs_entry_jumppad:
0x0: {  	(pc) =	sbr.rel $0x88, $3  }
0x1: {  	(tag) =	ssettag $0x0;
	lr =	simm.s32 $0x1  }
0x2: {  	[smem:$0x3F8E] =	sst lr;
	_ =	strace $0xD0000000  }
0x3: {  	_ = 	snop  }
0x4: {  	_ = 	snop  }
0x5: {  	_ = 	snop  }
0x6: {  	_ = 	snop  }
0x7: {  	_ = 	snop  }
__scs_overlays_trampoline_lowered:
0x8: {  	[smem:$0x3F9D] =	sst s0  }
0x9: {  	[smem:$0x3F9E] =	sst s1  }
0xa: {  	[smem:$0x3F9F] =	sst s2  }
0xb: {  	[smem:$0x3FA0] =	sst s3  }
0xc: {  	[smem:$0x3FA1] =	sst s4  }
0xd: {  	[smem:$0x3FA2] =	sst s5  }
0xe: {  	[smem:$0x3FA3] =	sst s6  }
0xf: {  	[smem:$0x3FA4] =	sst s7  }
0x10: {  	[smem:$0x3FA5] =	sst s8  }
0x11: {  	[smem:$0x3FA6] =	sst s9;
	s0 =	simm.s32 @!p0 $0x0  }
0x12: {  	s1 =	sld [smem:$0x3F8C];
	s0 =	simm.s32 @p0 $0x1  }
0x13: {  	[smem:$0x3FA7] =	sst s0;
	s0 =	simm.s32 @!p1 $0x0  }
0x14: {  	s2 =	sld [smem:$0x3F8B];
	s0 =	simm.s32 @p1 $0x1  }
0x15: {  	[smem:$0x3FA8] =	sst s0;
	s0 =	simm.s32 @!p2 $0x0  }
0x16: {  	s3 =	sld [smem:$0x3FDB];
	s0 =	simm.s32 @p2 $0x1  }
0x17: {  	s4 =	simm.s32 $0x1BF5;
	[smem:$0x3FAA] =	sst s0  }
0x18: {  	s0 =	sld [smem:$0x3F8D];
	_ =	swait.ge [sflag:s4], $0x0  }
0x19: {  	s7 =	sld [smem:$0x3F8E]  }
0x1a: {  	s8 =	sadd.s32 $0xFFFFE003, lr  }
0x1b: {  	s9 =	sadd.s32 $0xFFFFFEF7, lr;
	s5 =	simm.s32 $0xFFFFFFFF;
	p2 =	slt.u32 s8, $0xFFFFF086  }
0x1c: {  	p1 =	slt.u32 s9, $0xF7A;
	s5 =	simm.s32 @!p2 $0x0  }
0x1d: {  	s5 =	simm.s32 @p1 $0x1;
	p0 =	seq.s32 s7, s2  }
0x1e: {  	s7 =	smul.u32 @!p0 $0xF7A, s2;
	p2 =	seq.s32 @!p0 s5, $0x0  }
0x1f: {  	s9 =	smul.u32 $0xF7A, s1;
	s8 =	simm.s32 @!p0 $0x1BF5;
	p2 =	por !p2, p0  }
0x20: {  	[sflag:s8] =	ssyncset.s32 @!p0 $0xFFFFF086;
	s6 =	sadd.s32 @!p0 s3, s7;
	s7 =	simm.s32 @!p0 $0x108  }
0x21: {  	s3 =	sadd.s32 s3, s9;
	s6 =	sadd.s32 @!p0 $0x88, s6;
	s7 =	simm.s32 @p2 $0x1082  }
0x22: {  	[simem:s7], [sflag:s8] =	dma.local @!p0 [hbm:s6], $0xF7A  }
0x23: {  	s9 =	sor.u32 $0xD0000000, s2;
	s6 =	simm.s32 $0x108;
	_ =	swait.ge @!p0 [sflag:s8], $0x0  }
0x24: {  	s3 =	sadd.s32 $0x88, s3;
	s6 =	simm.s32 @!p1 $0x1082;
	[sflag:s4] =	ssyncset.s32 $0xFFFFF086  }
0x25: {  	[simem:s6], [sflag:s4] =	dma.local [hbm:s3], $0xF7A  }
0x26: {  	[smem:$0x3F8E] =	sst s1;
	(tag) =	ssettag s2;
	_ =	strace s9  }
0x27: {  	s1 =	sld [smem:$0x3F9E]  }
0x28: {  	s2 =	sld [smem:$0x3F9F]  }
0x29: {  	s4 =	sld [smem:$0x3FA1]  }
0x2a: {  	p0 =	seq.s32 s5, $0x0;
	s5 =	sld [smem:$0x3FA2]  }
0x2b: {  	s6 =	sld [smem:$0x3FA3]  }
0x2c: {  	s7 =	sld [smem:$0x3FA4]  }
0x2d: {  	s3 =	simm.s32 $0x108;
	s8 =	sld [smem:$0x3FA5]  }
0x2e: {  	s3 =	simm.s32 @!p0 $0x1082;
	s9 =	sld [smem:$0x3FA6]  }
0x2f: {  	lr =	sadd.s32 s0, s3;
	s0 =	sld [smem:$0x3F9D]  }
0x30: {  	s3 =	sld [smem:$0x3FA0]  }
0x31: {  	[smem:$0x3FA9] =	sst s10  }
0x32: {  	s10 =	sld [smem:$0x3FA7];
	_ =	sdelay $0x3  }
0x33: {  	p0 =	seq.s32 s10, $0x1;
	s10 =	sld [smem:$0x3FA9];
	_ =	sdelay $0x3  }
0x34: {  	[smem:$0x3FA9] =	sst s10  }
0x35: {  	s10 =	sld [smem:$0x3FA8];
	_ =	sdelay $0x3  }
0x36: {  	p1 =	seq.s32 s10, $0x1;
	s10 =	sld [smem:$0x3FA9];
	_ =	sdelay $0x3  }
0x37: {  	[smem:$0x3FA9] =	sst s10  }
0x38: {  	s10 =	sld [smem:$0x3FAA]  }
0x39: {  	_ = 	snop;
	(pc) =	sbr.ind lr, $3  }
0x3a: {  	_ = 	snop  }
0x3b: {  	_ = 	snop  }
0x3c: {  	p2 =	seq.s32 s10, $0x1;
	s10 =	sld [smem:$0x3FA9]  }
0x3d: {  	_ =	shalt  }
0x3e: {  	_ =	shalt  }
0x3f: {  	_ =	shalt  }
0x40: {  	_ =	shalt  }
0x41: {  	_ =	shalt  }
0x42: {  	_ =	shalt  }
0x43: {  	_ =	shalt  }
0x44: {  	_ =	shalt  }
0x45: {  	_ =	shalt  }
0x46: {  	_ =	shalt  }
0x47: {  	_ =	shalt  }
0x48: {  	_ =	shalt  }
0x49: {  	_ =	shalt  }
0x4a: {  	_ =	shalt  }
0x4b: {  	_ =	shalt  }
0x4c: {  	_ =	shalt  }
0x4d: {  	_ =	shalt  }
0x4e: {  	_ =	shalt  }
0x4f: {  	_ =	shalt  }
0x50: {  	_ =	shalt  }
0x51: {  	_ =	shalt  }
0x52: {  	_ =	shalt  }
0x53: {  	_ =	shalt  }
0x54: {  	_ =	shalt  }
0x55: {  	_ =	shalt  }
0x56: {  	_ =	shalt  }
0x57: {  	_ =	shalt  }
0x58: {  	_ =	shalt  }
0x59: {  	_ =	shalt  }
0x5a: {  	_ =	shalt  }
0x5b: {  	_ =	shalt  }
0x5c: {  	_ =	shalt  }
0x5d: {  	_ =	shalt  }
0x5e: {  	_ =	shalt  }
0x5f: {  	_ =	shalt  }
0x60: {  	_ =	shalt  }
0x61: {  	_ =	shalt  }
0x62: {  	_ =	shalt  }
0x63: {  	_ =	shalt  }
0x64: {  	_ =	shalt  }
0x65: {  	_ =	shalt  }
0x66: {  	_ =	shalt  }
0x67: {  	_ =	shalt  }
0x68: {  	_ =	shalt  }
0x69: {  	_ =	shalt  }
0x6a: {  	_ =	shalt  }
0x6b: {  	_ =	shalt  }
0x6c: {  	_ =	shalt  }
0x6d: {  	_ =	shalt  }
0x6e: {  	_ =	shalt  }
0x6f: {  	_ =	shalt  }
0x70: {  	_ =	shalt  }
0x71: {  	_ =	shalt  }
0x72: {  	_ =	shalt  }
0x73: {  	_ =	shalt  }
0x74: {  	_ =	shalt  }
0x75: {  	_ =	shalt  }
0x76: {  	_ =	shalt  }
0x77: {  	_ =	shalt  }
0x78: {  	_ =	shalt  }
0x79: {  	_ =	shalt  }
0x7a: {  	_ =	shalt  }
0x7b: {  	_ =	shalt  }
0x7c: {  	_ =	shalt  }
0x7d: {  	_ =	shalt  }
0x7e: {  	_ =	shalt  }
0x7f: {  	_ =	shalt  }
0x80: {  	_ =	shalt  }
0x81: {  	_ =	shalt  }
0x82: {  	_ =	shalt  }
0x83: {  	_ =	shalt  }
0x84: {  	_ =	shalt  }
0x85: {  	_ =	shalt  }
0x86: {  	_ =	shalt  }
0x87: {  	_ =	shalt  }
.Lfunc_end0:
.L_simem_size_0:
called_computation.2_lowered:
.L_overlay_start_0:
0x88: {  	s2 =	sld [smem:$0x3FD9]  }
0x89: {  	s3 =	sld [smem:$0x3FFE];
	_ =	sdelay $0x1  }
0x8a: {  	s1 =	srdreg.scid  }
0x8b: {  	s0 =	sand.u32 $0x1, s1  }
0x8c: {  	s16 =	sshll.u32 s0, $0xA;
	s2 =	sadd.s32 s3, s2  }
0x8d: {  	s2 =	sadd.s32 s2, s16  }
0x8e: {  	[smem:$0x3FB5] =	sst s2  }
0x8f: {  	_ = 	snop  }
0x90: {  	(tm) =	ssettm $0x1  }
0x91: {  	s17 =	sld [smem:$0x3FFB];
	_ =	sdelay $0x3  }
0x92: {  	_ =	strace s17  }
0x93: {  	s2 =	sld [smem:$0x3FFC];
	_ =	sdelay $0x3  }
0x94: {  	_ =	strace s2  }
0x95: {  	s2 =	sld [smem:$0x3FFD];
	_ =	sdelay $0x3  }
0x96: {  	_ =	strace s2  }
0x97: {  	_ =	strace $0x8FFFFFFF  }
0x98: {  	s18 =	sld [smem:$0x3FDB];
	_ =	sdelay $0x1  }
0x99: {  	s19 =	simm.s32 $_scs_section_size  }
0x9a: {  	s4 =	simm.s32 $_size__tile_overlayer_lowered;
	s5 =	simm.s32 $_tile_overlayer_lowered  }
0x9b: {  	s22 =	simm.s32 $0x1BFF;
	s21 =	sshll.u32 s5, $0x1;
	s2 =	sadd.s32 s19, s18  }
0x9c: {  	s6 =	simm.s32 $0x0;
	s20 =	sshll.u32 s4, $0x1;
	s4 =	sadd.s32 s21, s2  }
0x9d: {  	[timem:s6], [sflag:s22] =	dma.local [hbm:s4], s20  }
0x9e: {  	_ =	swait.ge [sflag:s22], s20  }
0x9f: {  	s3 =	ssub.s32 $0x0, s20;
	[sflag:s22] =	ssyncset.done $0x0  }
0xa0: {  	[sflag:s22] =	ssyncadd.s32 s3;
	_ =	sdelay $0x1  }
0xa1: {  	s23 =	simm.s32 $0x1B8B  }
0xa2: {  	_ =	swait.ge [sflag:s23], $0x1  }
0xa3: {  	[sflag:s23] =	ssyncset.done $0x0  }
0xa4: {  	s25 =	simm.s32 $0x1B8E;
	s24 =	sld [smem:$0x3FFE];
	[sflag:s23] =	ssyncadd.s32 $0xFFFFFFFF  }
0xa5: {  	s26 =	simm.s32 $execute0_lowered;
	[smem:$0x3FD2] =	sst s25  }
0xa6: {  	s4 =	sshll.u32 s26, $0x1;
	_ =	strace $0x8000004C;
	[dreg:$0x1] =	wrdreg $0xFFFFFFFF  }
0xa7: {  	s28 =	simm.s32 $_size_execute0_lowered;
	s2 =	sadd.s32 s2, s4;
	[dreg:$0x0] =	wrdreg $0x0  }
0xa8: {  	s4 =	sshll.u32 s28, $0x1;
	[dreg:$0x2] =	wrdreg s2  }
0xa9: {  	[dreg:$0x3] =	wrdreg s4  }
0xaa: {  	[dreg:$0x4] =	wrdreg $0xC0  }
0xab: {  	_ =	task [dreg:s6], $0x5FFFF  }
0xac: {  	[dreg:$0x1] =	wrdreg $0xFFFFFFFF  }
0xad: {  	[dreg:$0x0] =	wrdreg $0x60  }
0xae: {  	[dreg:$0x2] =	wrdreg s24  }
0xaf: {  	[dreg:$0x3] =	wrdreg $0xD0000  }
0xb0: {  	[dreg:$0x4] =	wrdreg $0x9  }
0xb1: {  	_ =	task.clear_ibuf [dreg:s6], $0x5FFFF;
	_ =	strace $0x9000004C  }
0xb2: {  	s29 =	simm.s32 $0x9;
	_ =	strace $0x8000004E  }
0xb3: {  	_ =	swait.ge [sflag:s29], $0x1  }
0xb4: {  	[sflag:s29] =	ssyncadd.s32 $0xFFFFFFFF  }
0xb5: {  	_ =	strace $0x9000004E  }
0xb6: {  	_ =	sfence  }
0xb7: {  	s30 =	sld [smem:$0x0];
	_ =	sdelay $0x2  }
0xb8: {  	s31 =	sshll.u32 s1, $0xD;
	s1 =	sshrl.u32 s1, $0x2  }
0xb9: {  	s3 =	sand.u32 $0x4000, s31;
	s1 =	sadd.s32 s1, s30  }
0xba: {  	s0 =	sor.u32 s3, s0;
	s1 =	sshll.u32 s1, $0x11  }
0xbb: {  	s0 =	sor.u32 s1, s0  }
0xbc: {  	s0 =	sadd.s32 $0x8F2B, s0  }
0xbd: {  	[sflag:s0] =	ssyncadd.remote.s32 $0x1  }
0xbe: {  	_ =	sfence.sel $0xFFFF  }
0xbf: {  	[dreg:$0x0] =	wrdreg $0xFFFFFFFF;
	(pc) =	sbr.abs _section_cstart, $3  }
0xc0: {  	[dreg:$0x1] =	wrdreg $0xFFFFFFFF  }
0xc1: {  	_ =	task.clear_ibuf [dreg:s6], $0x2FFFF;
	_ =	strace $0x9FFFFFFF  }
0xc2: {  	(tm) =	ssettm $0x7FFFFFFF  }
0xc3: {  	_ =	shalt  }
tec
execute0_lowered:
.L_overlay_start_1:
0x0: {  	(tag) =	ssettag $0x1  }
0x1: {  	s0 =	rddreg [dreg:$0x0]  }
0x2: {  	s2 =	rddreg [dreg:$0x1]  }
0x3: {  	s1 =	srdreg.scid;
	s7 =	stileid.u32;
	s4 =	simm.s32 $0x0  }
0x4: {  	s14 =	simm.s32 $0x9;
	s16 =	simm.s32 $0x5000;
	s17 =	simm.s32 $0x80  }
0x5: {  	s20 =	simm.s32 $0x7000;
	s24 =	simm.s32 $0x9000;
	s29 =	simm.s32 $0xB000  }
0x6: {  	s31 =	simm.s32 $0xC000;
	s15 =	simm.s32 $0x5;
	s18 =	simm.s32 $0x7  }
0x7: {  	s19 =	simm.s32 $0x8;
	s21 =	simm.s32 $0x0;
	s1 =	sand.u32 $0x1, s1  }
0x8: {  	s5 =	smul.u32 $0x5000, s7;
	[smem:$0x7FF] =	sst s4;
	s4 =	sadd.s32 $0x16A00, s0  }
0x9: {  	s3 =	sshll.u32 s1, $0x4;
	s6 =	smul.u32 $0x50000, s1;
	_ =	strace $0x8000004D  }
0xa: {  	s1 =	ssub.s32 $0x2, s1;
	s3 =	sor.u32 s7, s3;
	s7 =	smul.u32 $0x14000, s7  }
0xb: {  	s8 =	sshrl.u32 s1, $0x1;
	s3 =	smul.u32 $0x500, s3;
	s6 =	sadd.s32 s5, s6  }
0xc: {  	s1 =	ssub.s32 s1, s8;
	s6 =	sshrl.u32 s6, $0x3;
	s7 =	sshrl.u32 s7, $0x2  }
0xd: {  	s13 =	smax.u32 s1, $0x1;
	s1 =	simm.s32 $0x3;
	s3 =	sadd.s32 s3, s0  }
.Ltmp0:
0xe: {  	s0 =	sadd.s32 s6, s0;
	s28 =	sadd.s32 s7, s2;
	(pc) =	sbr.rel .LBB2_1-.Ltmp0, $4  }
0xf: {  	s7 =	sadd.s32 s5, s2;
	s26 =	sadd.s32 $0xCA00, s3;
	s3 =	sadd.s32 $0x2A00, s3  }
0x10: {  	s30 =	sadd.s32 $0x1000, s28;
	s9 =	sadd.s32 $0x2000, s28;
	[dreg:$0x3] =	wrdreg s26  }
0x11: {  	s10 =	sadd.s32 $0x3000, s28;
	s11 =	sadd.s32 $0x4000, s28;
	[dreg:$0x4] =	wrdreg s3  }
0x12: {  	v0 =	vimm.f32 $0.0e+00;
	s12 =	sadd.s32 $0x20800, s0;
	s0 =	simm.s32 $0x1;
	[dreg:$0x5] =	wrdreg s30  }
.LBB2_6:
0x13: {  	_ =	swait.ge [sflag:s19], $0x1000  }
0x14: {  	[sflag:s19] =	ssyncset.done $0x0  }
0x15: {  	[sflag:s19] =	ssyncadd.s32 $0xFFFFF000  }
0x16: {  	[spmem:s2] =	stream.indirect.scatter.add.f32 [tilespmem:s31], [sflag:$0x9], $0x20, s3, s17, $0xb8;
	[tilespmem:$0x12000] =	vst v63  }
0x17: {  	s30 =	stileid.u32;
	_ =	swait.ge [sflag:s14], $0x1000  }
0x18: {  	s5 =	sshrl.u32 s7, $0x3;
	s21 =	sadd.s32 $0x1, s21;
	[sflag:s14] =	ssyncset.done $0x0  }
0x19: {  	p0 =	sne.s32 s21, s13;
	s3 =	sshll.u32 s30, $0x6;
	[sflag:s14] =	ssyncadd.s32 $0xFFFFF000  }
.Ltmp1:
0x1a: {  	s3 =	sor.u32 $0x1C09, s3;
	[bflag:$0x0] =	sbarrier.arrive $0xFFFF;
	(pc) =	sbr.rel @!p0 .LBB2_7-.Ltmp1, $4  }
0x1b: {  	[hbm:s12], [sflag:s3] =	dma.local [spmem:s5], $0xA00  }
0x1c: {  	_ =	swait.ge [sflag:s14], $0xA00  }
0x1d: {  	[sflag:s14] =	ssyncset.done $0x0  }
0x1e: {  	[sflag:s14] =	ssyncadd.s32 $0xFFFFF600  }
.LBB2_1:
0x1f: {  	s3 =	simm.s32 $0x0;
	s5 =	rddreg [dreg:$0x3]  }
0x20: {  	[tilespmem:s3], [sflag:$0x9] =	stream.linear.gather [hbm4b:s5+s3], $0x2800, $0x38;
	[tilespmem:$0x12000] =	vst v63  }
0x21: {  	_ =	swait.ge [sflag:s14], $0x2800  }
0x22: {  	[sflag:s14] =	ssyncset.done $0x0  }
0x23: {  	s6 =	simm.s32 $0x2800;
	s30 =	rddreg [dreg:$0x4];
	[sflag:s14] =	ssyncadd.s32 $0xFFFFD800  }
0x24: {  	[tilespmem:s6], [sflag:$0x9] =	stream.linear.gather [hbm4b:s30+s3], $0x2800, $0x38;
	[tilespmem:$0x12000] =	vst v63  }
0x25: {  	_ =	swait.ge [sflag:s14], $0x2800  }
0x26: {  	[sflag:s14] =	ssyncset.done $0x0  }
0x27: {  	s5 =	simm.s32 $0x200;
	s3 =	simm.s32 $0x0;
	[sflag:s14] =	ssyncadd.s32 $0xFFFFD800  }
.LBB2_2:
0x28: {  	p0 =	sne.s32 s5, $0x3E00;
	[tilespmem:s3+$0x5070] =	vst v0  }
0x29: {  	[tilespmem:s3+$0x5000] =	vst v0  }
0x2a: {  	[tilespmem:s3+$0x5010] =	vst v0  }
.Ltmp2:
0x2b: {  	[tilespmem:s3+$0x5020] =	vst v0;
	(pc) =	sbr.rel @p0 .LBB2_2-.Ltmp2, $4  }
0x2c: {  	[tilespmem:s3+$0x5030] =	vst v0  }
0x2d: {  	[tilespmem:s3+$0x5040] =	vst v0  }
0x2e: {  	[tilespmem:s3+$0x5050] =	vst v0  }
0x2f: {  	[tilespmem:s3+$0x5060] =	vst v0;
	s3 =	sshra.s32 s5, $0x2;
	s5 =	sadd.s32 $0x200, s5  }
0x30: {  	[tilespmem:s3+$0x5070] =	vst v0  }
0x31: {  	[tilespmem:s3+$0x5000] =	vst v0  }
0x32: {  	[tilespmem:s3+$0x5010] =	vst v0  }
0x33: {  	[tilespmem:s3+$0x5020] =	vst v0  }
0x34: {  	[tilespmem:s3+$0x5030] =	vst v0  }
0x35: {  	[tilespmem:s3+$0x5040] =	vst v0  }
0x36: {  	[tilespmem:s3+$0x5050] =	vst v0  }
0x37: {  	[tilespmem:s3+$0x5060] =	vst v0  }
0x38: {  	[spmem:s7] =	stream.linear.scatter [tilespmem:s16], [sflag:$0x9], $0x1000, $0x38;
	[tilespmem:$0x12000] =	vst v63  }
0x39: {  	_ =	swait.ge [sflag:s14], $0x1000  }
0x3a: {  	[sflag:s14] =	ssyncset.done $0x0  }
0x3b: {  	s30 =	rddreg [dreg:$0x5];
	[sflag:s14] =	ssyncadd.s32 $0xFFFFF000  }
0x3c: {  	[spmem:s30] =	stream.linear.scatter [tilespmem:s16], [sflag:$0x9], $0x1000, $0x38;
	[tilespmem:$0x12000] =	vst v63  }
0x3d: {  	_ =	swait.ge [sflag:s14], $0x1000  }
0x3e: {  	[sflag:s14] =	ssyncset.done $0x0  }
0x3f: {  	[sflag:s14] =	ssyncadd.s32 $0xFFFFF000  }
0x40: {  	[spmem:s9] =	stream.linear.scatter [tilespmem:s16], [sflag:$0x9], $0x1000, $0x38;
	[tilespmem:$0x12000] =	vst v63  }
0x41: {  	_ =	swait.ge [sflag:s14], $0x1000  }
0x42: {  	[sflag:s14] =	ssyncset.done $0x0  }
0x43: {  	[sflag:s14] =	ssyncadd.s32 $0xFFFFF000  }
0x44: {  	[spmem:s10] =	stream.linear.scatter [tilespmem:s16], [sflag:$0x9], $0x1000, $0x38;
	[tilespmem:$0x12000] =	vst v63  }
0x45: {  	_ =	swait.ge [sflag:s14], $0x1000  }
0x46: {  	[sflag:s14] =	ssyncset.done $0x0  }
0x47: {  	[sflag:s14] =	ssyncadd.s32 $0xFFFFF000  }
0x48: {  	[spmem:s11] =	stream.linear.scatter [tilespmem:s16], [sflag:$0x9], $0x1000, $0x38;
	[tilespmem:$0x12000] =	vst v63  }
0x49: {  	_ =	swait.ge [sflag:s14], $0x1000  }
0x4a: {  	[sflag:s14] =	ssyncset.done $0x0  }
0x4b: {  	[sflag:s14] =	ssyncadd.s32 $0xFFFFF000  }
0x4c: {  	s22 =	simm.s32 $0x0;
	[bflag:$0x0] =	sbarrier.arrive $0xFFFF  }
0x4d: {  	[tilespmem:s16], [sflag:$0x1] =	stream.indirect.gather [hbm4b:s4+s17], $0x20, s22, s17, $0xb8;
	[tilespmem:$0x12000] =	vst v63  }
0x4e: {  	s5 =	simm.s32 $0x6000  }
0x4f: {  	[tilespmem:s5], [sflag:$0x2] =	stream.indirect.gather [hbm4b:s4+s17], $0x20, s17, s17, $0xb8;
	[tilespmem:$0x12000] =	vst v63  }
0x50: {  	s6 =	simm.s32 $0x100  }
0x51: {  	[tilespmem:s20], [sflag:$0x3] =	stream.indirect.gather [hbm4b:s4+s17], $0x20, s6, s17, $0xb8;
	[tilespmem:$0x12000] =	vst v63  }
0x52: {  	s8 =	simm.s32 $0x180;
	s5 =	simm.s32 $0x8000  }
0x53: {  	[tilespmem:s5], [sflag:$0x4] =	stream.indirect.gather [hbm4b:s4+s17], $0x20, s8, s17, $0xb8;
	[tilespmem:$0x12000] =	vst v63  }
0x54: {  	s23 =	simm.s32 $0x200  }
0x55: {  	[tilespmem:s24], [sflag:$0x5] =	stream.indirect.gather [hbm4b:s4+s17], $0x20, s23, s17, $0xb8;
	[tilespmem:$0x12000] =	vst v63  }
0x56: {  	s25 =	simm.s32 $0x280;
	s26 =	simm.s32 $0xA000  }
0x57: {  	[tilespmem:s26], [sflag:$0x6] =	stream.indirect.gather [hbm4b:s4+s17], $0x20, s25, s17, $0xb8;
	[tilespmem:$0x12000] =	vst v63  }
0x58: {  	s28 =	simm.s32 $0x300  }
0x59: {  	[tilespmem:s29], [sflag:$0x7] =	stream.indirect.gather [hbm4b:s4+s17], $0x20, s28, s17, $0xb8;
	[tilespmem:$0x12000] =	vst v63  }
0x5a: {  	s30 =	simm.s32 $0x380  }
0x5b: {  	[tilespmem:s31], [sflag:$0x8] =	stream.indirect.gather [hbm4b:s4+s17], $0x20, s30, s17, $0xb8;
	[tilespmem:$0x12000] =	vst v63  }
.LBB2_4:
0x5c: {  	_ =	swait.ge [sflag:s0], $0x1000  }
0x5d: {  	s23 =	sshra.s32 s22, $0x2;
	[sflag:s0] =	ssyncset.done $0x0  }
0x5e: {  	s3 =	sadd.s32 $0x2800, s23;
	[sflag:s0] =	ssyncadd.s32 $0xFFFFF000  }
0x5f: {  	[spmem:s2] =	stream.indirect.scatter.add.f32 [tilespmem:s16], [sflag:$0x9], $0x20, s3, s17, $0xb8;
	[tilespmem:$0x12000] =	vst v63  }
0x60: {  	_ =	swait.ge [sflag:s14], $0x1000  }
0x61: {  	p0 =	seq.s32 s22, $0x9000;
	[sflag:s14] =	ssyncset.done $0x0  }
0x62: {  	s3 =	simm.s32 @p0 $0x2;
	[sflag:s14] =	ssyncadd.s32 $0xFFFFF000  }
0x63: {  	_ =	swait.ge @p0 [sflag:s3], $0x1000  }
0x64: {  	s28 =	sshra.s32 @p0 s22, $0x2;
	s30 =	simm.s32 @p0 $0x80;
	[sflag:s3] =	ssyncset.done @p0 $0x0  }
0x65: {  	s5 =	simm.s32 @p0 $0x6000;
	[sflag:s3] =	ssyncadd.s32 @p0 $0xFFFFF000;
	s3 =	sadd.s32 @p0 $0x2880, s28  }
0x66: {  	[spmem:s2] =	stream.indirect.scatter.add.f32 @p0 [tilespmem:s5], [sflag:$0x9], $0x20, s3, s30, $0xb8;
	[tilespmem:$0x12000] =	vst v63  }
0x67: {  	s3 =	simm.s32 @p0 $0x9  }
0x68: {  	_ =	swait.ge @p0 [sflag:s3], $0x1000  }
0x69: {  	s25 =	sshra.s32 @!p0 s22, $0x2;
	s26 =	simm.s32 @!p0 $0x80;
	[sflag:s3] =	ssyncset.done @p0 $0x0  }
0x6a: {  	s6 =	simm.s32 @!p0 $0x5000;
	s5 =	sadd.s32 @!p0 $0x400, s25;
	[sflag:s3] =	ssyncadd.s32 @p0 $0xFFFFF000  }
0x6b: {  	[tilespmem:s6], [sflag:$0x1] =	stream.indirect.gather @!p0 [hbm4b:s4+s26], $0x20, s5, s26, $0xb8;
	[tilespmem:$0x12000] =	vst v63  }
0x6c: {  	s5 =	simm.s32 @!p0 $0x2  }
0x6d: {  	_ =	swait.ge @!p0 [sflag:s5], $0x1000  }
0x6e: {  	[sflag:s5] =	ssyncset.done @!p0 $0x0  }
0x6f: {  	s6 =	simm.s32 @!p0 $0x6000;
	[sflag:s5] =	ssyncadd.s32 @!p0 $0xFFFFF000;
	s5 =	sadd.s32 @!p0 $0x2880, s25  }
0x70: {  	[spmem:s2] =	stream.indirect.scatter.add.f32 @!p0 [tilespmem:s6], [sflag:$0x9], $0x20, s5, s26, $0xb8;
	[tilespmem:$0x12000] =	vst v63  }
0x71: {  	s5 =	simm.s32 @!p0 $0x9  }
0x72: {  	_ =	swait.ge @!p0 [sflag:s5], $0x1000  }
0x73: {  	[sflag:s5] =	ssyncset.done @!p0 $0x0  }
0x74: {  	s8 =	sadd.s32 @!p0 $0x480, s25;
	[sflag:s5] =	ssyncadd.s32 @!p0 $0xFFFFF000  }
0x75: {  	[tilespmem:s6], [sflag:$0x2] =	stream.indirect.gather @!p0 [hbm4b:s4+s26], $0x20, s8, s26, $0xb8;
	[tilespmem:$0x12000] =	vst v63  }
0x76: {  	_ =	swait.ge [sflag:s1], $0x1000  }
0x77: {  	[sflag:s1] =	ssyncset.done $0x0  }
0x78: {  	s8 =	sadd.s32 $0x2900, s23;
	[sflag:s1] =	ssyncadd.s32 $0xFFFFF000  }
0x79: {  	[spmem:s2] =	stream.indirect.scatter.add.f32 [tilespmem:s20], [sflag:$0x9], $0x20, s8, s17, $0xb8;
	[tilespmem:$0x12000] =	vst v63  }
0x7a: {  	_ =	swait.ge [sflag:s14], $0x1000  }
0x7b: {  	[sflag:s14] =	ssyncset.done $0x0  }
0x7c: {  	s6 =	simm.s32 @p0 $0x4;
	[sflag:s14] =	ssyncadd.s32 $0xFFFFF000  }
0x7d: {  	_ =	swait.ge @p0 [sflag:s6], $0x1000  }
0x7e: {  	[sflag:s6] =	ssyncset.done @p0 $0x0  }
0x7f: {  	s8 =	simm.s32 @p0 $0x8000;
	[sflag:s6] =	ssyncadd.s32 @p0 $0xFFFFF000;
	s6 =	sadd.s32 @p0 $0x2980, s28  }
0x80: {  	[spmem:s2] =	stream.indirect.scatter.add.f32 @p0 [tilespmem:s8], [sflag:$0x9], $0x20, s6, s30, $0xb8;
	[tilespmem:$0x12000] =	vst v63  }
0x81: {  	_ =	swait.ge @p0 [sflag:s3], $0x1000  }
0x82: {  	[sflag:s3] =	ssyncset.done @p0 $0x0  }
0x83: {  	s6 =	sadd.s32 @!p0 $0x500, s25;
	s8 =	simm.s32 @!p0 $0x7000;
	[sflag:s3] =	ssyncadd.s32 @p0 $0xFFFFF000  }
0x84: {  	[tilespmem:s8], [sflag:$0x3] =	stream.indirect.gather @!p0 [hbm4b:s4+s26], $0x20, s6, s26, $0xb8;
	[tilespmem:$0x12000] =	vst v63  }
0x85: {  	s6 =	simm.s32 @!p0 $0x4  }
0x86: {  	_ =	swait.ge @!p0 [sflag:s6], $0x1000  }
0x87: {  	[sflag:s6] =	ssyncset.done @!p0 $0x0  }
0x88: {  	s8 =	simm.s32 @!p0 $0x8000;
	[sflag:s6] =	ssyncadd.s32 @!p0 $0xFFFFF000;
	s6 =	sadd.s32 @!p0 $0x2980, s25  }
0x89: {  	[spmem:s2] =	stream.indirect.scatter.add.f32 @!p0 [tilespmem:s8], [sflag:$0x9], $0x20, s6, s26, $0xb8;
	[tilespmem:$0x12000] =	vst v63  }
0x8a: {  	_ =	swait.ge @!p0 [sflag:s5], $0x1000  }
0x8b: {  	[sflag:s5] =	ssyncset.done @!p0 $0x0  }
0x8c: {  	s6 =	sadd.s32 @!p0 $0x580, s25;
	[sflag:s5] =	ssyncadd.s32 @!p0 $0xFFFFF000  }
0x8d: {  	[tilespmem:s8], [sflag:$0x4] =	stream.indirect.gather @!p0 [hbm4b:s4+s26], $0x20, s6, s26, $0xb8;
	[tilespmem:$0x12000] =	vst v63  }
0x8e: {  	_ =	swait.ge [sflag:s15], $0x1000  }
0x8f: {  	[sflag:s15] =	ssyncset.done $0x0  }
0x90: {  	s8 =	sadd.s32 $0x2A00, s23;
	[sflag:s15] =	ssyncadd.s32 $0xFFFFF000  }
0x91: {  	[spmem:s2] =	stream.indirect.scatter.add.f32 [tilespmem:s24], [sflag:$0x9], $0x20, s8, s17, $0xb8;
	[tilespmem:$0x12000] =	vst v63  }
0x92: {  	_ =	swait.ge [sflag:s14], $0x1000  }
0x93: {  	[sflag:s14] =	ssyncset.done $0x0  }
0x94: {  	s6 =	simm.s32 @p0 $0x6;
	[sflag:s14] =	ssyncadd.s32 $0xFFFFF000  }
0x95: {  	_ =	swait.ge @p0 [sflag:s6], $0x1000  }
0x96: {  	[sflag:s6] =	ssyncset.done @p0 $0x0  }
0x97: {  	s8 =	simm.s32 @p0 $0xA000;
	[sflag:s6] =	ssyncadd.s32 @p0 $0xFFFFF000;
	s6 =	sadd.s32 @p0 $0x2A80, s28  }
0x98: {  	[spmem:s2] =	stream.indirect.scatter.add.f32 @p0 [tilespmem:s8], [sflag:$0x9], $0x20, s6, s30, $0xb8;
	[tilespmem:$0x12000] =	vst v63  }
0x99: {  	_ =	swait.ge @p0 [sflag:s3], $0x1000  }
0x9a: {  	[sflag:s3] =	ssyncset.done @p0 $0x0  }
0x9b: {  	s6 =	simm.s32 @!p0 $0x9000;
	[sflag:s3] =	ssyncadd.s32 @p0 $0xFFFFF000;
	s3 =	sadd.s32 @!p0 $0x600, s25  }
0x9c: {  	[tilespmem:s6], [sflag:$0x5] =	stream.indirect.gather @!p0 [hbm4b:s4+s26], $0x20, s3, s26, $0xb8;
	[tilespmem:$0x12000] =	vst v63  }
0x9d: {  	s3 =	simm.s32 @!p0 $0x6  }
0x9e: {  	_ =	swait.ge @!p0 [sflag:s3], $0x1000  }
0x9f: {  	[sflag:s3] =	ssyncset.done @!p0 $0x0  }
0xa0: {  	s6 =	simm.s32 @!p0 $0xA000;
	[sflag:s3] =	ssyncadd.s32 @!p0 $0xFFFFF000;
	s3 =	sadd.s32 @!p0 $0x2A80, s25  }
0xa1: {  	[spmem:s2] =	stream.indirect.scatter.add.f32 @!p0 [tilespmem:s6], [sflag:$0x9], $0x20, s3, s26, $0xb8;
	[tilespmem:$0x12000] =	vst v63  }
0xa2: {  	_ =	swait.ge @!p0 [sflag:s5], $0x1000  }
0xa3: {  	[sflag:s5] =	ssyncset.done @!p0 $0x0  }
0xa4: {  	s3 =	sadd.s32 @!p0 $0x680, s25;
	[sflag:s5] =	ssyncadd.s32 @!p0 $0xFFFFF000  }
0xa5: {  	[tilespmem:s6], [sflag:$0x6] =	stream.indirect.gather @!p0 [hbm4b:s4+s26], $0x20, s3, s26, $0xb8;
	[tilespmem:$0x12000] =	vst v63  }
0xa6: {  	_ =	swait.ge [sflag:s18], $0x1000  }
0xa7: {  	[sflag:s18] =	ssyncset.done $0x0  }
.Ltmp3:
0xa8: {  	s30 =	sadd.s32 $0x2B00, s23;
	[sflag:s18] =	ssyncadd.s32 $0xFFFFF000;
	(pc) =	sbr.rel @p0 .LBB2_6-.Ltmp3, $4  }
0xa9: {  	[spmem:s2] =	stream.indirect.scatter.add.f32 [tilespmem:s29], [sflag:$0x9], $0x20, s30, s17, $0xb8;
	[tilespmem:$0x12000] =	vst v63  }
0xaa: {  	_ =	swait.ge [sflag:s14], $0x1000  }
0xab: {  	[sflag:s14] =	ssyncset.done $0x0  }
0xac: {  	s3 =	sadd.s32 $0x2B80, s23;
	[sflag:s14] =	ssyncadd.s32 $0xFFFFF000  }
0xad: {  	s5 =	sadd.s32 $0x700, s23  }
0xae: {  	[tilespmem:s29], [sflag:$0x7] =	stream.indirect.gather [hbm4b:s4+s17], $0x20, s5, s17, $0xb8;
	[tilespmem:$0x12000] =	vst v63  }
0xaf: {  	_ =	swait.ge [sflag:s19], $0x1000  }
0xb0: {  	[sflag:s19] =	ssyncset.done $0x0  }
0xb1: {  	[sflag:s19] =	ssyncadd.s32 $0xFFFFF000  }
0xb2: {  	[spmem:s2] =	stream.indirect.scatter.add.f32 [tilespmem:s31], [sflag:$0x9], $0x20, s3, s17, $0xb8;
	[tilespmem:$0x12000] =	vst v63  }
.Ltmp4:
0xb3: {  	_ = 	snop;
	(pc) =	sbr.rel .LBB2_4-.Ltmp4, $4  }
0xb4: {  	_ =	swait.ge [sflag:s14], $0x1000  }
0xb5: {  	[sflag:s14] =	ssyncset.done $0x0  }
0xb6: {  	s30 =	sadd.s32 $0x780, s23;
	s22 =	sadd.s32 $0x1000, s22;
	[sflag:s14] =	ssyncadd.s32 $0xFFFFF000  }
0xb7: {  	[tilespmem:s31], [sflag:$0x8] =	stream.indirect.gather [hbm4b:s4+s17], $0x20, s30, s17, $0xb8;
	[tilespmem:$0x12000] =	vst v63  }
.LBB2_7:
0xb8: {  	_ =	sfence.sel $0x180000  }
0xb9: {  	[bflag:$0x0] =	sbarrier.arrive $0xFFFF  }
0xba: {  	_ =	strace $0x9000004D  }
0xbb: {  	s0 =	stileid.u32;
	[bflag:$0x2] =	sbarrier.arrive $0xFFFF  }
0xbc: {  	p0 =	sne.s32 s0, $0x0;
	s0 =	rddreg [dreg:$0x2]  }
0xbd: {  	s0 =	sadd.s32 @!p0 $0x100000, s0  }
0xbe: {  	[sflag:s0] =	ssyncadd.tile.s32 @!p0 $0x1;
	_ =	shalt  }
.Lfunc_end2:
_tile_overlayer_lowered:
.L_overlay_start_2:
0xbf: {  	(tag) =	ssettag $0x2  }
0xc0: {  	s0 =	rddreg [dreg:$0x0];
	s2 =	stileid.u32  }
0xc1: {  	s1 =	rddreg [dreg:$0x1];
	p0 =	sne.s32 s2, $0x0  }
0xc2: {  	s3 =	rddreg [dreg:$0x2];
	[bflag:$0x3] =	sbarrier.arrive $0xFFFF;
	s2 =	simm.s32 @!p0 $0x1C09  }
0xc3: {  	[timem:s3], [sflag:s2] =	dma.local @!p0 [hbm:s0], s1  }
0xc4: {  	s0 =	simm.s32 @!p0 $0x9  }
0xc5: {  	_ =	swait.ge @!p0 [sflag:s0], s1  }
0xc6: {  	s1 =	ssub.s32 @!p0 $0x0, s1;
	[sflag:s0] =	ssyncset.done @!p0 $0x0  }
0xc7: {  	[sflag:s0] =	ssyncadd.s32 @!p0 s1  }
0xc8: {  	[bflag:$0x3] =	sbarrier.arrive $0xFFFF  }
0xc9: {  	_ =	shalt  }

// kernel: kernel.24.cloned.1.call-start
scs
__scs_entry_jumppad:
0x0: {  	(pc) =	sbr.rel $0x88, $3  }
0x1: {  	(tag) =	ssettag $0x0;
	lr =	simm.s32 $0x1  }
0x2: {  	[smem:$0x3F8E] =	sst lr;
	_ =	strace $0xD0000000  }
0x3: {  	_ = 	snop  }
0x4: {  	_ = 	snop  }
0x5: {  	_ = 	snop  }
0x6: {  	_ = 	snop  }
0x7: {  	_ = 	snop  }
__scs_overlays_trampoline_lowered:
0x8: {  	[smem:$0x3F9D] =	sst s0  }
0x9: {  	[smem:$0x3F9E] =	sst s1  }
0xa: {  	[smem:$0x3F9F] =	sst s2  }
0xb: {  	[smem:$0x3FA0] =	sst s3  }
0xc: {  	[smem:$0x3FA1] =	sst s4  }
0xd: {  	[smem:$0x3FA2] =	sst s5  }
0xe: {  	[smem:$0x3FA3] =	sst s6  }
0xf: {  	[smem:$0x3FA4] =	sst s7  }
0x10: {  	[smem:$0x3FA5] =	sst s8  }
0x11: {  	[smem:$0x3FA6] =	sst s9;
	s0 =	simm.s32 @!p0 $0x0  }
0x12: {  	s1 =	sld [smem:$0x3F8C];
	s0 =	simm.s32 @p0 $0x1  }
0x13: {  	[smem:$0x3FA7] =	sst s0;
	s0 =	simm.s32 @!p1 $0x0  }
0x14: {  	s2 =	sld [smem:$0x3F8B];
	s0 =	simm.s32 @p1 $0x1  }
0x15: {  	[smem:$0x3FA8] =	sst s0;
	s0 =	simm.s32 @!p2 $0x0  }
0x16: {  	s3 =	sld [smem:$0x3FDB];
	s0 =	simm.s32 @p2 $0x1  }
0x17: {  	s4 =	simm.s32 $0x1BF5;
	[smem:$0x3FAA] =	sst s0  }
0x18: {  	s0 =	sld [smem:$0x3F8D];
	_ =	swait.ge [sflag:s4], $0x0  }
0x19: {  	s7 =	sld [smem:$0x3F8E]  }
0x1a: {  	s8 =	sadd.s32 $0xFFFFE003, lr  }
0x1b: {  	s9 =	sadd.s32 $0xFFFFFEF7, lr;
	s5 =	simm.s32 $0xFFFFFFFF;
	p2 =	slt.u32 s8, $0xFFFFF086  }
0x1c: {  	p1 =	slt.u32 s9, $0xF7A;
	s5 =	simm.s32 @!p2 $0x0  }
0x1d: {  	s5 =	simm.s32 @p1 $0x1;
	p0 =	seq.s32 s7, s2  }
0x1e: {  	s7 =	smul.u32 @!p0 $0xF7A, s2;
	p2 =	seq.s32 @!p0 s5, $0x0  }
0x1f: {  	s9 =	smul.u32 $0xF7A, s1;
	s8 =	simm.s32 @!p0 $0x1BF5;
	p2 =	por !p2, p0  }
0x20: {  	[sflag:s8] =	ssyncset.s32 @!p0 $0xFFFFF086;
	s6 =	sadd.s32 @!p0 s3, s7;
	s7 =	simm.s32 @!p0 $0x108  }
0x21: {  	s3 =	sadd.s32 s3, s9;
	s6 =	sadd.s32 @!p0 $0x88, s6;
	s7 =	simm.s32 @p2 $0x1082  }
0x22: {  	[simem:s7], [sflag:s8] =	dma.local @!p0 [hbm:s6], $0xF7A  }
0x23: {  	s9 =	sor.u32 $0xD0000000, s2;
	s6 =	simm.s32 $0x108;
	_ =	swait.ge @!p0 [sflag:s8], $0x0  }
0x24: {  	s3 =	sadd.s32 $0x88, s3;
	s6 =	simm.s32 @!p1 $0x1082;
	[sflag:s4] =	ssyncset.s32 $0xFFFFF086  }
0x25: {  	[simem:s6], [sflag:s4] =	dma.local [hbm:s3], $0xF7A  }
0x26: {  	[smem:$0x3F8E] =	sst s1;
	(tag) =	ssettag s2;
	_ =	strace s9  }
0x27: {  	s1 =	sld [smem:$0x3F9E]  }
0x28: {  	s2 =	sld [smem:$0x3F9F]  }
0x29: {  	s4 =	sld [smem:$0x3FA1]  }
0x2a: {  	p0 =	seq.s32 s5, $0x0;
	s5 =	sld [smem:$0x3FA2]  }
0x2b: {  	s6 =	sld [smem:$0x3FA3]  }
0x2c: {  	s7 =	sld [smem:$0x3FA4]  }
0x2d: {  	s3 =	simm.s32 $0x108;
	s8 =	sld [smem:$0x3FA5]  }
0x2e: {  	s3 =	simm.s32 @!p0 $0x1082;
	s9 =	sld [smem:$0x3FA6]  }
0x2f: {  	lr =	sadd.s32 s0, s3;
	s0 =	sld [smem:$0x3F9D]  }
0x30: {  	s3 =	sld [smem:$0x3FA0]  }
0x31: {  	[smem:$0x3FA9] =	sst s10  }
0x32: {  	s10 =	sld [smem:$0x3FA7];
	_ =	sdelay $0x3  }
0x33: {  	p0 =	seq.s32 s10, $0x1;
	s10 =	sld [smem:$0x3FA9];
	_ =	sdelay $0x3  }
0x34: {  	[smem:$0x3FA9] =	sst s10  }
0x35: {  	s10 =	sld [smem:$0x3FA8];
	_ =	sdelay $0x3  }
0x36: {  	p1 =	seq.s32 s10, $0x1;
	s10 =	sld [smem:$0x3FA9];
	_ =	sdelay $0x3  }
0x37: {  	[smem:$0x3FA9] =	sst s10  }
0x38: {  	s10 =	sld [smem:$0x3FAA]  }
0x39: {  	_ = 	snop;
	(pc) =	sbr.ind lr, $3  }
0x3a: {  	_ = 	snop  }
0x3b: {  	_ = 	snop  }
0x3c: {  	p2 =	seq.s32 s10, $0x1;
	s10 =	sld [smem:$0x3FA9]  }
0x3d: {  	_ =	shalt  }
0x3e: {  	_ =	shalt  }
0x3f: {  	_ =	shalt  }
0x40: {  	_ =	shalt  }
0x41: {  	_ =	shalt  }
0x42: {  	_ =	shalt  }
0x43: {  	_ =	shalt  }
0x44: {  	_ =	shalt  }
0x45: {  	_ =	shalt  }
0x46: {  	_ =	shalt  }
0x47: {  	_ =	shalt  }
0x48: {  	_ =	shalt  }
0x49: {  	_ =	shalt  }
0x4a: {  	_ =	shalt  }
0x4b: {  	_ =	shalt  }
0x4c: {  	_ =	shalt  }
0x4d: {  	_ =	shalt  }
0x4e: {  	_ =	shalt  }
0x4f: {  	_ =	shalt  }
0x50: {  	_ =	shalt  }
0x51: {  	_ =	shalt  }
0x52: {  	_ =	shalt  }
0x53: {  	_ =	shalt  }
0x54: {  	_ =	shalt  }
0x55: {  	_ =	shalt  }
0x56: {  	_ =	shalt  }
0x57: {  	_ =	shalt  }
0x58: {  	_ =	shalt  }
0x59: {  	_ =	shalt  }
0x5a: {  	_ =	shalt  }
0x5b: {  	_ =	shalt  }
0x5c: {  	_ =	shalt  }
0x5d: {  	_ =	shalt  }
0x5e: {  	_ =	shalt  }
0x5f: {  	_ =	shalt  }
0x60: {  	_ =	shalt  }
0x61: {  	_ =	shalt  }
0x62: {  	_ =	shalt  }
0x63: {  	_ =	shalt  }
0x64: {  	_ =	shalt  }
0x65: {  	_ =	shalt  }
0x66: {  	_ =	shalt  }
0x67: {  	_ =	shalt  }
0x68: {  	_ =	shalt  }
0x69: {  	_ =	shalt  }
0x6a: {  	_ =	shalt  }
0x6b: {  	_ =	shalt  }
0x6c: {  	_ =	shalt  }
0x6d: {  	_ =	shalt  }
0x6e: {  	_ =	shalt  }
0x6f: {  	_ =	shalt  }
0x70: {  	_ =	shalt  }
0x71: {  	_ =	shalt  }
0x72: {  	_ =	shalt  }
0x73: {  	_ =	shalt  }
0x74: {  	_ =	shalt  }
0x75: {  	_ =	shalt  }
0x76: {  	_ =	shalt  }
0x77: {  	_ =	shalt  }
0x78: {  	_ =	shalt  }
0x79: {  	_ =	shalt  }
0x7a: {  	_ =	shalt  }
0x7b: {  	_ =	shalt  }
0x7c: {  	_ =	shalt  }
0x7d: {  	_ =	shalt  }
0x7e: {  	_ =	shalt  }
0x7f: {  	_ =	shalt  }
0x80: {  	_ =	shalt  }
0x81: {  	_ =	shalt  }
0x82: {  	_ =	shalt  }
0x83: {  	_ =	shalt  }
0x84: {  	_ =	shalt  }
0x85: {  	_ =	shalt  }
0x86: {  	_ =	shalt  }
0x87: {  	_ =	shalt  }
.Lfunc_end0:
.L_simem_size_0:
called_computation.3_lowered:
.L_overlay_start_0:
0x88: {  	s2 =	sld [smem:$0x3FD9]  }
0x89: {  	s3 =	sld [smem:$0x3FFE];
	_ =	sdelay $0x1  }
0x8a: {  	s1 =	srdreg.scid  }
0x8b: {  	s0 =	sand.u32 $0x1, s1  }
0x8c: {  	s16 =	sshll.u32 s0, $0xA;
	s2 =	sadd.s32 s3, s2  }
0x8d: {  	s2 =	sadd.s32 s2, s16  }
0x8e: {  	[smem:$0x3FB5] =	sst s2  }
0x8f: {  	_ = 	snop  }
0x90: {  	(tm) =	ssettm $0x1  }
0x91: {  	s17 =	sld [smem:$0x3FFB];
	_ =	sdelay $0x3  }
0x92: {  	_ =	strace s17  }
0x93: {  	s2 =	sld [smem:$0x3FFC];
	_ =	sdelay $0x3  }
0x94: {  	_ =	strace s2  }
0x95: {  	s2 =	sld [smem:$0x3FFD];
	_ =	sdelay $0x3  }
0x96: {  	_ =	strace s2  }
0x97: {  	_ =	strace $0x8FFFFFFF  }
0x98: {  	s18 =	sld [smem:$0x3FDB];
	_ =	sdelay $0x1  }
0x99: {  	s19 =	simm.s32 $_scs_section_size  }
0x9a: {  	s4 =	simm.s32 $_size__tile_overlayer_lowered;
	s5 =	simm.s32 $_tile_overlayer_lowered  }
0x9b: {  	s22 =	simm.s32 $0x1BFF;
	s21 =	sshll.u32 s5, $0x1;
	s2 =	sadd.s32 s19, s18  }
0x9c: {  	s6 =	simm.s32 $0x0;
	s20 =	sshll.u32 s4, $0x1;
	s4 =	sadd.s32 s21, s2  }
0x9d: {  	[timem:s6], [sflag:s22] =	dma.local [hbm:s4], s20  }
0x9e: {  	_ =	swait.ge [sflag:s22], s20  }
0x9f: {  	s3 =	ssub.s32 $0x0, s20;
	[sflag:s22] =	ssyncset.done $0x0  }
0xa0: {  	[sflag:s22] =	ssyncadd.s32 s3;
	_ =	sdelay $0x1  }
0xa1: {  	s23 =	simm.s32 $0x1B8B  }
0xa2: {  	_ =	swait.ge [sflag:s23], $0x1  }
0xa3: {  	[sflag:s23] =	ssyncset.done $0x0  }
0xa4: {  	s25 =	simm.s32 $0x1B8E;
	s24 =	sld [smem:$0x3FFE];
	[sflag:s23] =	ssyncadd.s32 $0xFFFFFFFF  }
0xa5: {  	s26 =	simm.s32 $execute0_lowered;
	[smem:$0x3FD2] =	sst s25  }
0xa6: {  	s4 =	sshll.u32 s26, $0x1;
	_ =	strace $0x8000004F;
	[dreg:$0x1] =	wrdreg $0xFFFFFFFF  }
0xa7: {  	s28 =	simm.s32 $_size_execute0_lowered;
	s2 =	sadd.s32 s2, s4;
	[dreg:$0x0] =	wrdreg $0x0  }
0xa8: {  	s4 =	sshll.u32 s28, $0x1;
	[dreg:$0x2] =	wrdreg s2  }
0xa9: {  	[dreg:$0x3] =	wrdreg s4  }
0xaa: {  	[dreg:$0x4] =	wrdreg $0xC0  }
0xab: {  	_ =	task [dreg:s6], $0x5FFFF  }
0xac: {  	[dreg:$0x1] =	wrdreg $0xFFFFFFFF  }
0xad: {  	[dreg:$0x0] =	wrdreg $0x60  }
0xae: {  	[dreg:$0x2] =	wrdreg s24  }
0xaf: {  	[dreg:$0x3] =	wrdreg $0x150000  }
0xb0: {  	[dreg:$0x4] =	wrdreg $0x9  }
0xb1: {  	_ =	task.clear_ibuf [dreg:s6], $0x5FFFF;
	_ =	strace $0x9000004F  }
0xb2: {  	s29 =	simm.s32 $0x9;
	_ =	strace $0x80000051  }
0xb3: {  	_ =	swait.ge [sflag:s29], $0x1  }
0xb4: {  	[sflag:s29] =	ssyncadd.s32 $0xFFFFFFFF  }
0xb5: {  	_ =	strace $0x90000051  }
0xb6: {  	_ =	sfence  }
0xb7: {  	s30 =	sld [smem:$0x0];
	_ =	sdelay $0x2  }
0xb8: {  	s31 =	sshll.u32 s1, $0xD;
	s1 =	sshrl.u32 s1, $0x2  }
0xb9: {  	s3 =	sand.u32 $0x4000, s31;
	s1 =	sadd.s32 s1, s30  }
0xba: {  	s0 =	sor.u32 s3, s0;
	s1 =	sshll.u32 s1, $0x11  }
0xbb: {  	s0 =	sor.u32 s1, s0  }
0xbc: {  	s0 =	sadd.s32 $0x8F2B, s0  }
0xbd: {  	[sflag:s0] =	ssyncadd.remote.s32 $0x1  }
0xbe: {  	_ =	sfence.sel $0xFFFF  }
0xbf: {  	[dreg:$0x0] =	wrdreg $0xFFFFFFFF;
	(pc) =	sbr.abs _section_cstart, $3  }
0xc0: {  	[dreg:$0x1] =	wrdreg $0xFFFFFFFF  }
0xc1: {  	_ =	task.clear_ibuf [dreg:s6], $0x2FFFF;
	_ =	strace $0x9FFFFFFF  }
0xc2: {  	(tm) =	ssettm $0x7FFFFFFF  }
0xc3: {  	_ =	shalt  }
tec
execute0_lowered:
.L_overlay_start_1:
0x0: {  	(tag) =	ssettag $0x1  }
0x1: {  	s0 =	rddreg [dreg:$0x0]  }
0x2: {  	s2 =	rddreg [dreg:$0x1]  }
0x3: {  	s1 =	srdreg.scid;
	s7 =	stileid.u32;
	s4 =	simm.s32 $0x0  }
0x4: {  	s14 =	simm.s32 $0x9;
	s16 =	simm.s32 $0x5000;
	s17 =	simm.s32 $0x80  }
0x5: {  	s20 =	simm.s32 $0x9000;
	s24 =	simm.s32 $0xD000;
	s29 =	simm.s32 $0x11000  }
0x6: {  	s31 =	simm.s32 $0x13000;
	s15 =	simm.s32 $0x3;
	s18 =	simm.s32 $0x7  }
0x7: {  	s19 =	simm.s32 $0x8;
	s21 =	simm.s32 $0x0;
	s1 =	sand.u32 $0x1, s1  }
0x8: {  	s5 =	smul.u32 $0xA000, s7;
	[smem:$0x7FF] =	sst s4;
	s4 =	sadd.s32 $0x16A00, s0  }
0x9: {  	s3 =	sshll.u32 s1, $0x4;
	s6 =	smul.u32 $0xA0000, s1;
	_ =	strace $0x80000050  }
0xa: {  	s1 =	ssub.s32 $0x2, s1;
	s3 =	sor.u32 s7, s3;
	s7 =	smul.u32 $0x28000, s7  }
0xb: {  	s8 =	sshrl.u32 s1, $0x1;
	s3 =	smul.u32 $0x500, s3;
	s6 =	sadd.s32 s5, s6  }
0xc: {  	s1 =	ssub.s32 s1, s8;
	s6 =	sshrl.u32 s6, $0x3;
	s7 =	sshrl.u32 s7, $0x2  }
0xd: {  	s13 =	smax.u32 s1, $0x1;
	s1 =	simm.s32 $0x5;
	s3 =	sadd.s32 s3, s0  }
.Ltmp0:
0xe: {  	s0 =	sadd.s32 s6, s0;
	s28 =	sadd.s32 s7, s2;
	(pc) =	sbr.rel .LBB2_1-.Ltmp0, $4  }
0xf: {  	s7 =	sadd.s32 s5, s2;
	s26 =	sadd.s32 $0xCA00, s3;
	s3 =	sadd.s32 $0x2A00, s3  }
0x10: {  	s30 =	sadd.s32 $0x2000, s28;
	s9 =	sadd.s32 $0x4000, s28;
	[dreg:$0x3] =	wrdreg s26  }
0x11: {  	s10 =	sadd.s32 $0x6000, s28;
	s11 =	sadd.s32 $0x8000, s28;
	[dreg:$0x4] =	wrdreg s3  }
0x12: {  	v0 =	vimm.f32 $0.0e+00;
	s12 =	sadd.s32 $0x2A400, s0;
	s0 =	simm.s32 $0x1;
	[dreg:$0x5] =	wrdreg s30  }
.LBB2_6:
0x13: {  	_ =	swait.ge [sflag:s19], $0x2000  }
0x14: {  	[sflag:s19] =	ssyncset.done $0x0  }
0x15: {  	[sflag:s19] =	ssyncadd.s32 $0xFFFFE000  }
0x16: {  	[spmem:s2] =	stream.indirect.scatter.add.f32 [tilespmem:s31], [sflag:$0x9], $0x40, s3, s17, $0xb8;
	[tilespmem:$0x1F000] =	vst v63  }
0x17: {  	s30 =	stileid.u32;
	_ =	swait.ge [sflag:s14], $0x2000  }
0x18: {  	s5 =	sshrl.u32 s7, $0x3;
	s21 =	sadd.s32 $0x1, s21;
	[sflag:s14] =	ssyncset.done $0x0  }
0x19: {  	p0 =	sne.s32 s21, s13;
	s3 =	sshll.u32 s30, $0x6;
	[sflag:s14] =	ssyncadd.s32 $0xFFFFE000  }
.Ltmp1:
0x1a: {  	s3 =	sor.u32 $0x1C09, s3;
	[bflag:$0x0] =	sbarrier.arrive $0xFFFF;
	(pc) =	sbr.rel @!p0 .LBB2_7-.Ltmp1, $4  }
0x1b: {  	[hbm:s12], [sflag:s3] =	dma.local [spmem:s5], $0x1400  }
0x1c: {  	_ =	swait.ge [sflag:s14], $0x1400  }
0x1d: {  	[sflag:s14] =	ssyncset.done $0x0  }
0x1e: {  	[sflag:s14] =	ssyncadd.s32 $0xFFFFEC00  }
.LBB2_1:
0x1f: {  	s3 =	simm.s32 $0x0;
	s5 =	rddreg [dreg:$0x3]  }
0x20: {  	[tilespmem:s3], [sflag:$0x9] =	stream.linear.gather [hbm4b:s5+s3], $0x2800, $0x38;
	[tilespmem:$0x1F000] =	vst v63  }
0x21: {  	_ =	swait.ge [sflag:s14], $0x2800  }
0x22: {  	[sflag:s14] =	ssyncset.done $0x0  }
0x23: {  	s6 =	simm.s32 $0x2800;
	s30 =	rddreg [dreg:$0x4];
	[sflag:s14] =	ssyncadd.s32 $0xFFFFD800  }
0x24: {  	[tilespmem:s6], [sflag:$0x9] =	stream.linear.gather [hbm4b:s30+s3], $0x2800, $0x38;
	[tilespmem:$0x1F000] =	vst v63  }
0x25: {  	_ =	swait.ge [sflag:s14], $0x2800  }
0x26: {  	[sflag:s14] =	ssyncset.done $0x0  }
0x27: {  	s5 =	simm.s32 $0x400;
	s3 =	simm.s32 $0x0;
	[sflag:s14] =	ssyncadd.s32 $0xFFFFD800  }
.LBB2_2:
0x28: {  	p0 =	sne.s32 s5, $0x7C00;
	[tilespmem:s3+$0x50F0] =	vst v0  }
0x29: {  	[tilespmem:s3+$0x5000] =	vst v0  }
0x2a: {  	[tilespmem:s3+$0x5010] =	vst v0  }
0x2b: {  	[tilespmem:s3+$0x5020] =	vst v0  }
0x2c: {  	[tilespmem:s3+$0x5030] =	vst v0  }
0x2d: {  	[tilespmem:s3+$0x5040] =	vst v0  }
0x2e: {  	[tilespmem:s3+$0x5050] =	vst v0  }
0x2f: {  	[tilespmem:s3+$0x5060] =	vst v0  }
0x30: {  	[tilespmem:s3+$0x5070] =	vst v0  }
0x31: {  	[tilespmem:s3+$0x5080] =	vst v0  }
0x32: {  	[tilespmem:s3+$0x5090] =	vst v0  }
.Ltmp2:
0x33: {  	[tilespmem:s3+$0x50A0] =	vst v0;
	(pc) =	sbr.rel @p0 .LBB2_2-.Ltmp2, $4  }
0x34: {  	[tilespmem:s3+$0x50B0] =	vst v0  }
0x35: {  	[tilespmem:s3+$0x50C0] =	vst v0  }
0x36: {  	[tilespmem:s3+$0x50D0] =	vst v0  }
0x37: {  	[tilespmem:s3+$0x50E0] =	vst v0;
	s3 =	sshra.s32 s5, $0x2;
	s5 =	sadd.s32 $0x400, s5  }
0x38: {  	[tilespmem:s3+$0x50F0] =	vst v0  }
0x39: {  	[tilespmem:s3+$0x5000] =	vst v0  }
0x3a: {  	[tilespmem:s3+$0x5010] =	vst v0  }
0x3b: {  	[tilespmem:s3+$0x5020] =	vst v0  }
0x3c: {  	[tilespmem:s3+$0x5030] =	vst v0  }
0x3d: {  	[tilespmem:s3+$0x5040] =	vst v0  }
0x3e: {  	[tilespmem:s3+$0x5050] =	vst v0  }
0x3f: {  	[tilespmem:s3+$0x5060] =	vst v0  }
0x40: {  	[tilespmem:s3+$0x5070] =	vst v0  }
0x41: {  	[tilespmem:s3+$0x5080] =	vst v0  }
0x42: {  	[tilespmem:s3+$0x5090] =	vst v0  }
0x43: {  	[tilespmem:s3+$0x50A0] =	vst v0  }
0x44: {  	[tilespmem:s3+$0x50B0] =	vst v0  }
0x45: {  	[tilespmem:s3+$0x50C0] =	vst v0  }
0x46: {  	[tilespmem:s3+$0x50D0] =	vst v0  }
0x47: {  	[tilespmem:s3+$0x50E0] =	vst v0  }
0x48: {  	[spmem:s7] =	stream.linear.scatter [tilespmem:s16], [sflag:$0x9], $0x2000, $0x38;
	[tilespmem:$0x1F000] =	vst v63  }
0x49: {  	_ =	swait.ge [sflag:s14], $0x2000  }
0x4a: {  	[sflag:s14] =	ssyncset.done $0x0  }
0x4b: {  	s30 =	rddreg [dreg:$0x5];
	[sflag:s14] =	ssyncadd.s32 $0xFFFFE000  }
0x4c: {  	[spmem:s30] =	stream.linear.scatter [tilespmem:s16], [sflag:$0x9], $0x2000, $0x38;
	[tilespmem:$0x1F000] =	vst v63  }
0x4d: {  	_ =	swait.ge [sflag:s14], $0x2000  }
0x4e: {  	[sflag:s14] =	ssyncset.done $0x0  }
0x4f: {  	[sflag:s14] =	ssyncadd.s32 $0xFFFFE000  }
0x50: {  	[spmem:s9] =	stream.linear.scatter [tilespmem:s16], [sflag:$0x9], $0x2000, $0x38;
	[tilespmem:$0x1F000] =	vst v63  }
0x51: {  	_ =	swait.ge [sflag:s14], $0x2000  }
0x52: {  	[sflag:s14] =	ssyncset.done $0x0  }
0x53: {  	[sflag:s14] =	ssyncadd.s32 $0xFFFFE000  }
0x54: {  	[spmem:s10] =	stream.linear.scatter [tilespmem:s16], [sflag:$0x9], $0x2000, $0x38;
	[tilespmem:$0x1F000] =	vst v63  }
0x55: {  	_ =	swait.ge [sflag:s14], $0x2000  }
0x56: {  	[sflag:s14] =	ssyncset.done $0x0  }
0x57: {  	[sflag:s14] =	ssyncadd.s32 $0xFFFFE000  }
0x58: {  	[spmem:s11] =	stream.linear.scatter [tilespmem:s16], [sflag:$0x9], $0x2000, $0x38;
	[tilespmem:$0x1F000] =	vst v63  }
0x59: {  	_ =	swait.ge [sflag:s14], $0x2000  }
0x5a: {  	[sflag:s14] =	ssyncset.done $0x0  }
0x5b: {  	[sflag:s14] =	ssyncadd.s32 $0xFFFFE000  }
0x5c: {  	s22 =	simm.s32 $0x0;
	[bflag:$0x0] =	sbarrier.arrive $0xFFFF  }
0x5d: {  	[tilespmem:s16], [sflag:$0x1] =	stream.indirect.gather [hbm4b:s4+s17], $0x40, s22, s17, $0xb8;
	[tilespmem:$0x1F000] =	vst v63  }
0x5e: {  	s5 =	simm.s32 $0x7000  }
0x5f: {  	[tilespmem:s5], [sflag:$0x2] =	stream.indirect.gather [hbm4b:s4+s17], $0x40, s17, s17, $0xb8;
	[tilespmem:$0x1F000] =	vst v63  }
0x60: {  	s6 =	simm.s32 $0x100  }
0x61: {  	[tilespmem:s20], [sflag:$0x3] =	stream.indirect.gather [hbm4b:s4+s17], $0x40, s6, s17, $0xb8;
	[tilespmem:$0x1F000] =	vst v63  }
0x62: {  	s8 =	simm.s32 $0x180;
	s5 =	simm.s32 $0xB000  }
0x63: {  	[tilespmem:s5], [sflag:$0x4] =	stream.indirect.gather [hbm4b:s4+s17], $0x40, s8, s17, $0xb8;
	[tilespmem:$0x1F000] =	vst v63  }
0x64: {  	s23 =	simm.s32 $0x200  }
0x65: {  	[tilespmem:s24], [sflag:$0x5] =	stream.indirect.gather [hbm4b:s4+s17], $0x40, s23, s17, $0xb8;
	[tilespmem:$0x1F000] =	vst v63  }
0x66: {  	s25 =	simm.s32 $0x280;
	s26 =	simm.s32 $0xF000  }
0x67: {  	[tilespmem:s26], [sflag:$0x6] =	stream.indirect.gather [hbm4b:s4+s17], $0x40, s25, s17, $0xb8;
	[tilespmem:$0x1F000] =	vst v63  }
0x68: {  	s28 =	simm.s32 $0x300  }
0x69: {  	[tilespmem:s29], [sflag:$0x7] =	stream.indirect.gather [hbm4b:s4+s17], $0x40, s28, s17, $0xb8;
	[tilespmem:$0x1F000] =	vst v63  }
0x6a: {  	s30 =	simm.s32 $0x380  }
0x6b: {  	[tilespmem:s31], [sflag:$0x8] =	stream.indirect.gather [hbm4b:s4+s17], $0x40, s30, s17, $0xb8;
	[tilespmem:$0x1F000] =	vst v63  }
.LBB2_4:
0x6c: {  	_ =	swait.ge [sflag:s0], $0x2000  }
0x6d: {  	s23 =	sshra.s32 s22, $0x2;
	[sflag:s0] =	ssyncset.done $0x0  }
0x6e: {  	s3 =	sadd.s32 $0x2800, s23;
	[sflag:s0] =	ssyncadd.s32 $0xFFFFE000  }
0x6f: {  	[spmem:s2] =	stream.indirect.scatter.add.f32 [tilespmem:s16], [sflag:$0x9], $0x40, s3, s17, $0xb8;
	[tilespmem:$0x1F000] =	vst v63  }
0x70: {  	_ =	swait.ge [sflag:s14], $0x2000  }
0x71: {  	p0 =	seq.s32 s22, $0x9000;
	[sflag:s14] =	ssyncset.done $0x0  }
0x72: {  	s3 =	simm.s32 @p0 $0x2;
	[sflag:s14] =	ssyncadd.s32 $0xFFFFE000  }
0x73: {  	_ =	swait.ge @p0 [sflag:s3], $0x2000  }
0x74: {  	s28 =	sshra.s32 @p0 s22, $0x2;
	s30 =	simm.s32 @p0 $0x80;
	[sflag:s3] =	ssyncset.done @p0 $0x0  }
0x75: {  	s5 =	simm.s32 @p0 $0x7000;
	[sflag:s3] =	ssyncadd.s32 @p0 $0xFFFFE000;
	s3 =	sadd.s32 @p0 $0x2880, s28  }
0x76: {  	[spmem:s2] =	stream.indirect.scatter.add.f32 @p0 [tilespmem:s5], [sflag:$0x9], $0x40, s3, s30, $0xb8;
	[tilespmem:$0x1F000] =	vst v63  }
0x77: {  	s3 =	simm.s32 @p0 $0x9  }
0x78: {  	_ =	swait.ge @p0 [sflag:s3], $0x2000  }
0x79: {  	s25 =	sshra.s32 @!p0 s22, $0x2;
	s26 =	simm.s32 @!p0 $0x80;
	[sflag:s3] =	ssyncset.done @p0 $0x0  }
0x7a: {  	s6 =	simm.s32 @!p0 $0x5000;
	s5 =	sadd.s32 @!p0 $0x400, s25;
	[sflag:s3] =	ssyncadd.s32 @p0 $0xFFFFE000  }
0x7b: {  	[tilespmem:s6], [sflag:$0x1] =	stream.indirect.gather @!p0 [hbm4b:s4+s26], $0x40, s5, s26, $0xb8;
	[tilespmem:$0x1F000] =	vst v63  }
0x7c: {  	s5 =	simm.s32 @!p0 $0x2  }
0x7d: {  	_ =	swait.ge @!p0 [sflag:s5], $0x2000  }
0x7e: {  	[sflag:s5] =	ssyncset.done @!p0 $0x0  }
0x7f: {  	s6 =	simm.s32 @!p0 $0x7000;
	[sflag:s5] =	ssyncadd.s32 @!p0 $0xFFFFE000;
	s5 =	sadd.s32 @!p0 $0x2880, s25  }
0x80: {  	[spmem:s2] =	stream.indirect.scatter.add.f32 @!p0 [tilespmem:s6], [sflag:$0x9], $0x40, s5, s26, $0xb8;
	[tilespmem:$0x1F000] =	vst v63  }
0x81: {  	s5 =	simm.s32 @!p0 $0x9  }
0x82: {  	_ =	swait.ge @!p0 [sflag:s5], $0x2000  }
0x83: {  	[sflag:s5] =	ssyncset.done @!p0 $0x0  }
0x84: {  	s8 =	sadd.s32 @!p0 $0x480, s25;
	[sflag:s5] =	ssyncadd.s32 @!p0 $0xFFFFE000  }
0x85: {  	[tilespmem:s6], [sflag:$0x2] =	stream.indirect.gather @!p0 [hbm4b:s4+s26], $0x40, s8, s26, $0xb8;
	[tilespmem:$0x1F000] =	vst v63  }
0x86: {  	_ =	swait.ge [sflag:s15], $0x2000  }
0x87: {  	[sflag:s15] =	ssyncset.done $0x0  }
0x88: {  	s8 =	sadd.s32 $0x2900, s23;
	[sflag:s15] =	ssyncadd.s32 $0xFFFFE000  }
0x89: {  	[spmem:s2] =	stream.indirect.scatter.add.f32 [tilespmem:s20], [sflag:$0x9], $0x40, s8, s17, $0xb8;
	[tilespmem:$0x1F000] =	vst v63  }
0x8a: {  	_ =	swait.ge [sflag:s14], $0x2000  }
0x8b: {  	[sflag:s14] =	ssyncset.done $0x0  }
0x8c: {  	s6 =	simm.s32 @p0 $0x4;
	[sflag:s14] =	ssyncadd.s32 $0xFFFFE000  }
0x8d: {  	_ =	swait.ge @p0 [sflag:s6], $0x2000  }
0x8e: {  	[sflag:s6] =	ssyncset.done @p0 $0x0  }
0x8f: {  	s8 =	simm.s32 @p0 $0xB000;
	[sflag:s6] =	ssyncadd.s32 @p0 $0xFFFFE000;
	s6 =	sadd.s32 @p0 $0x2980, s28  }
0x90: {  	[spmem:s2] =	stream.indirect.scatter.add.f32 @p0 [tilespmem:s8], [sflag:$0x9], $0x40, s6, s30, $0xb8;
	[tilespmem:$0x1F000] =	vst v63  }
0x91: {  	_ =	swait.ge @p0 [sflag:s3], $0x2000  }
0x92: {  	[sflag:s3] =	ssyncset.done @p0 $0x0  }
0x93: {  	s6 =	sadd.s32 @!p0 $0x500, s25;
	s8 =	simm.s32 @!p0 $0x9000;
	[sflag:s3] =	ssyncadd.s32 @p0 $0xFFFFE000  }
0x94: {  	[tilespmem:s8], [sflag:$0x3] =	stream.indirect.gather @!p0 [hbm4b:s4+s26], $0x40, s6, s26, $0xb8;
	[tilespmem:$0x1F000] =	vst v63  }
0x95: {  	s6 =	simm.s32 @!p0 $0x4  }
0x96: {  	_ =	swait.ge @!p0 [sflag:s6], $0x2000  }
0x97: {  	[sflag:s6] =	ssyncset.done @!p0 $0x0  }
0x98: {  	s8 =	simm.s32 @!p0 $0xB000;
	[sflag:s6] =	ssyncadd.s32 @!p0 $0xFFFFE000;
	s6 =	sadd.s32 @!p0 $0x2980, s25  }
0x99: {  	[spmem:s2] =	stream.indirect.scatter.add.f32 @!p0 [tilespmem:s8], [sflag:$0x9], $0x40, s6, s26, $0xb8;
	[tilespmem:$0x1F000] =	vst v63  }
0x9a: {  	_ =	swait.ge @!p0 [sflag:s5], $0x2000  }
0x9b: {  	[sflag:s5] =	ssyncset.done @!p0 $0x0  }
0x9c: {  	s6 =	sadd.s32 @!p0 $0x580, s25;
	[sflag:s5] =	ssyncadd.s32 @!p0 $0xFFFFE000  }
0x9d: {  	[tilespmem:s8], [sflag:$0x4] =	stream.indirect.gather @!p0 [hbm4b:s4+s26], $0x40, s6, s26, $0xb8;
	[tilespmem:$0x1F000] =	vst v63  }
0x9e: {  	_ =	swait.ge [sflag:s1], $0x2000  }
0x9f: {  	[sflag:s1] =	ssyncset.done $0x0  }
0xa0: {  	s8 =	sadd.s32 $0x2A00, s23;
	[sflag:s1] =	ssyncadd.s32 $0xFFFFE000  }
0xa1: {  	[spmem:s2] =	stream.indirect.scatter.add.f32 [tilespmem:s24], [sflag:$0x9], $0x40, s8, s17, $0xb8;
	[tilespmem:$0x1F000] =	vst v63  }
0xa2: {  	_ =	swait.ge [sflag:s14], $0x2000  }
0xa3: {  	[sflag:s14] =	ssyncset.done $0x0  }
0xa4: {  	s6 =	simm.s32 @p0 $0x6;
	[sflag:s14] =	ssyncadd.s32 $0xFFFFE000  }
0xa5: {  	_ =	swait.ge @p0 [sflag:s6], $0x2000  }
0xa6: {  	[sflag:s6] =	ssyncset.done @p0 $0x0  }
0xa7: {  	s8 =	simm.s32 @p0 $0xF000;
	[sflag:s6] =	ssyncadd.s32 @p0 $0xFFFFE000;
	s6 =	sadd.s32 @p0 $0x2A80, s28  }
0xa8: {  	[spmem:s2] =	stream.indirect.scatter.add.f32 @p0 [tilespmem:s8], [sflag:$0x9], $0x40, s6, s30, $0xb8;
	[tilespmem:$0x1F000] =	vst v63  }
0xa9: {  	_ =	swait.ge @p0 [sflag:s3], $0x2000  }
0xaa: {  	[sflag:s3] =	ssyncset.done @p0 $0x0  }
0xab: {  	s6 =	simm.s32 @!p0 $0xD000;
	[sflag:s3] =	ssyncadd.s32 @p0 $0xFFFFE000;
	s3 =	sadd.s32 @!p0 $0x600, s25  }
0xac: {  	[tilespmem:s6], [sflag:$0x5] =	stream.indirect.gather @!p0 [hbm4b:s4+s26], $0x40, s3, s26, $0xb8;
	[tilespmem:$0x1F000] =	vst v63  }
0xad: {  	s3 =	simm.s32 @!p0 $0x6  }
0xae: {  	_ =	swait.ge @!p0 [sflag:s3], $0x2000  }
0xaf: {  	[sflag:s3] =	ssyncset.done @!p0 $0x0  }
0xb0: {  	s6 =	simm.s32 @!p0 $0xF000;
	[sflag:s3] =	ssyncadd.s32 @!p0 $0xFFFFE000;
	s3 =	sadd.s32 @!p0 $0x2A80, s25  }
0xb1: {  	[spmem:s2] =	stream.indirect.scatter.add.f32 @!p0 [tilespmem:s6], [sflag:$0x9], $0x40, s3, s26, $0xb8;
	[tilespmem:$0x1F000] =	vst v63  }
0xb2: {  	_ =	swait.ge @!p0 [sflag:s5], $0x2000  }
0xb3: {  	[sflag:s5] =	ssyncset.done @!p0 $0x0  }
0xb4: {  	s3 =	sadd.s32 @!p0 $0x680, s25;
	[sflag:s5] =	ssyncadd.s32 @!p0 $0xFFFFE000  }
0xb5: {  	[tilespmem:s6], [sflag:$0x6] =	stream.indirect.gather @!p0 [hbm4b:s4+s26], $0x40, s3, s26, $0xb8;
	[tilespmem:$0x1F000] =	vst v63  }
0xb6: {  	_ =	swait.ge [sflag:s18], $0x2000  }
0xb7: {  	[sflag:s18] =	ssyncset.done $0x0  }
.Ltmp3:
0xb8: {  	s30 =	sadd.s32 $0x2B00, s23;
	[sflag:s18] =	ssyncadd.s32 $0xFFFFE000;
	(pc) =	sbr.rel @p0 .LBB2_6-.Ltmp3, $4  }
0xb9: {  	[spmem:s2] =	stream.indirect.scatter.add.f32 [tilespmem:s29], [sflag:$0x9], $0x40, s30, s17, $0xb8;
	[tilespmem:$0x1F000] =	vst v63  }
0xba: {  	_ =	swait.ge [sflag:s14], $0x2000  }
0xbb: {  	[sflag:s14] =	ssyncset.done $0x0  }
0xbc: {  	s3 =	sadd.s32 $0x2B80, s23;
	[sflag:s14] =	ssyncadd.s32 $0xFFFFE000  }
0xbd: {  	s5 =	sadd.s32 $0x700, s23  }
0xbe: {  	[tilespmem:s29], [sflag:$0x7] =	stream.indirect.gather [hbm4b:s4+s17], $0x40, s5, s17, $0xb8;
	[tilespmem:$0x1F000] =	vst v63  }
0xbf: {  	_ =	swait.ge [sflag:s19], $0x2000  }
0xc0: {  	[sflag:s19] =	ssyncset.done $0x0  }
0xc1: {  	[sflag:s19] =	ssyncadd.s32 $0xFFFFE000  }
0xc2: {  	[spmem:s2] =	stream.indirect.scatter.add.f32 [tilespmem:s31], [sflag:$0x9], $0x40, s3, s17, $0xb8;
	[tilespmem:$0x1F000] =	vst v63  }
.Ltmp4:
0xc3: {  	_ = 	snop;
	(pc) =	sbr.rel .LBB2_4-.Ltmp4, $4  }
0xc4: {  	_ =	swait.ge [sflag:s14], $0x2000  }
0xc5: {  	[sflag:s14] =	ssyncset.done $0x0  }
0xc6: {  	s30 =	sadd.s32 $0x780, s23;
	s22 =	sadd.s32 $0x1000, s22;
	[sflag:s14] =	ssyncadd.s32 $0xFFFFE000  }
0xc7: {  	[tilespmem:s31], [sflag:$0x8] =	stream.indirect.gather [hbm4b:s4+s17], $0x40, s30, s17, $0xb8;
	[tilespmem:$0x1F000] =	vst v63  }
.LBB2_7:
0xc8: {  	_ =	sfence.sel $0x180000  }
0xc9: {  	[bflag:$0x0] =	sbarrier.arrive $0xFFFF  }
0xca: {  	_ =	strace $0x90000050  }
0xcb: {  	s0 =	stileid.u32;
	[bflag:$0x2] =	sbarrier.arrive $0xFFFF  }
0xcc: {  	p0 =	sne.s32 s0, $0x0;
	s0 =	rddreg [dreg:$0x2]  }
0xcd: {  	s0 =	sadd.s32 @!p0 $0x100000, s0  }
0xce: {  	[sflag:s0] =	ssyncadd.tile.s32 @!p0 $0x1;
	_ =	shalt  }
.Lfunc_end2:
_tile_overlayer_lowered:
.L_overlay_start_2:
0xcf: {  	(tag) =	ssettag $0x2  }
0xd0: {  	s0 =	rddreg [dreg:$0x0];
	s2 =	stileid.u32  }
0xd1: {  	s1 =	rddreg [dreg:$0x1];
	p0 =	sne.s32 s2, $0x0  }
0xd2: {  	s3 =	rddreg [dreg:$0x2];
	[bflag:$0x3] =	sbarrier.arrive $0xFFFF;
	s2 =	simm.s32 @!p0 $0x1C09  }
0xd3: {  	[timem:s3], [sflag:s2] =	dma.local @!p0 [hbm:s0], s1  }
0xd4: {  	s0 =	simm.s32 @!p0 $0x9  }
0xd5: {  	_ =	swait.ge @!p0 [sflag:s0], s1  }
0xd6: {  	s1 =	ssub.s32 @!p0 $0x0, s1;
	[sflag:s0] =	ssyncset.done @!p0 $0x0  }
0xd7: {  	[sflag:s0] =	ssyncadd.s32 @!p0 s1  }
0xd8: {  	[bflag:$0x3] =	sbarrier.arrive $0xFFFF  }
0xd9: {  	_ =	shalt  }

</sc_bundles>
